<compile_context>
chip_gen: v7x
topology: tpu7x:2x2x1
jax: 0.10.2.dev20260603
libtpu: 0.0.44.dev20260713+nightly
codegen_flags: <defaults>
</compile_context>

<pallas_src>
import functools

import jax
import jax.numpy as jnp
from jax import lax
from jax.experimental import pallas as pl
from jax.experimental.pallas import tpu as pltpu
from jax.experimental.pallas import tpu_sc as plsc

N = 10000
E = 320000
D_IN = 128
D_HID = 128
D_OUT = 64
ATTRACT = 32

NC = 2
NS = 16
NT = NC * NS
CH = 128
EPT = E // NT
NCHUNK = (EPT + CH - 1) // CH
EPT_PAD = NCHUNK * CH
NPAD = 10240
RPT = NPAD // NS
BLK = 640
GRID = NPAD // BLK

_mesh = plsc.VectorSubcoreMesh(core_axis_name="c", subcore_axis_name="s",
                               num_cores=NC, num_subcores=NS)
f32 = jnp.float32
i32 = jnp.int32


@functools.partial(
    pl.kernel,
    out_type=jax.ShapeDtypeStruct((NC, NPAD), f32),
    mesh=_mesh,
    scratch_types=[
        pltpu.VMEM((NCHUNK, CH), i32),
        pltpu.VMEM((CH,), f32),
        pltpu.VMEM((RPT,), f32),
        pltpu.VMEM_SHARED((NPAD,), f32),
    ],
)
def _sc_hist(dst_hbm, out_hbm, dst_v, ones_v, zb_v, acc_sh):
    cid = lax.axis_index("c")
    sid = lax.axis_index("s")
    wid = cid * NS + sid
    pltpu.sync_copy(dst_hbm.at[wid], dst_v)
    for i in range(CH // 16):
        ones_v[pl.ds(i * 16, 16)] = jnp.ones((16,), f32)
    for i in range(RPT // 16):
        zb_v[pl.ds(i * 16, 16)] = jnp.zeros((16,), f32)
    pltpu.sync_copy(zb_v, acc_sh.at[pl.ds(sid * RPT, RPT)])
    plsc.subcore_barrier()

    def body(j, c):
        pltpu.sync_copy(ones_v, acc_sh.at[dst_v.at[j]], add=True)
        return c

    lax.fori_loop(0, NCHUNK, body, 0)
    plsc.subcore_barrier()
    pltpu.sync_copy(acc_sh.at[pl.ds(sid * RPT, RPT)],
                    out_hbm.at[cid, pl.ds(sid * RPT, RPT)])


D = D_OUT


@functools.partial(
    pl.kernel,
    out_type=jax.ShapeDtypeStruct((NC, NPAD, D), f32),
    mesh=_mesh,
    compiler_params=pltpu.CompilerParams(use_tc_tiling_on_sc=False),
    scratch_types=[
        pltpu.VMEM((NCHUNK, CH), i32),
        pltpu.VMEM((NCHUNK, CH), i32),
        pltpu.VMEM((CH, D), f32),
        pltpu.VMEM((CH, D), f32),
        pltpu.VMEM_SHARED((NPAD, D), f32),
        pltpu.VMEM_SHARED((NPAD, D), f32),
        pltpu.SemaphoreType.DMA,
        pltpu.SemaphoreType.DMA,
    ],
)
def _sc_scatter64(u_hbm, src_hbm, dst_hbm, zeros_hbm, out_hbm,
                  src_v, dst_v, r0, r1, acc_sh, u_sh, sem0, sem1):
    cid = lax.axis_index("c")
    sid = lax.axis_index("s")
    wid = cid * NS + sid
    pltpu.sync_copy(src_hbm.at[wid], src_v)
    pltpu.sync_copy(dst_hbm.at[wid], dst_v)
    pltpu.sync_copy(zeros_hbm, acc_sh.at[pl.ds(sid * RPT, RPT)])
    pltpu.sync_copy(u_hbm.at[pl.ds(sid * RPT, RPT)],
                    u_sh.at[pl.ds(sid * RPT, RPT)])
    plsc.subcore_barrier()

    def fire(j, buf, sem):
        pltpu.async_copy(u_sh.at[src_v.at[j]], buf, sem)

    def drain(j, buf, sem):
        pltpu.make_async_copy(u_sh.at[src_v.at[j]], buf, sem).wait()

    def scat(j, buf):
        pltpu.sync_copy(buf, acc_sh.at[dst_v.at[j]], add=True)

    fire(0, r0, sem0)

    def pair(k, c):
        j0 = 2 * k
        j1 = j0 + 1
        drain(j0, r0, sem0)
        fire(j1, r1, sem1)
        scat(j0, r0)
        drain(j1, r1, sem1)
        fire(j0 + 2, r0, sem0)
        scat(j1, r1)
        return c

    lax.fori_loop(0, (NCHUNK - 1) // 2, pair, 0)
    drain(NCHUNK - 1, r0, sem0)
    scat(NCHUNK - 1, r0)
    plsc.subcore_barrier()
    pltpu.sync_copy(acc_sh.at[pl.ds(sid * RPT, RPT)],
                    out_hbm.at[cid, pl.ds(sid * RPT, RPT)])


@functools.partial(
    pl.kernel,
    out_type=jax.ShapeDtypeStruct((NT, NCHUNK, CH), f32),
    mesh=_mesh,
    compiler_params=pltpu.CompilerParams(use_tc_tiling_on_sc=False,
                                         needs_layout_passes=False),
    scratch_types=[
        pltpu.VMEM((NCHUNK, CH), i32),
        pltpu.VMEM((NCHUNK, CH), i32),
        pltpu.VMEM((CH, D_OUT), f32),
        pltpu.VMEM((CH, D_OUT), f32),
        pltpu.VMEM((CH, D_OUT), f32),
        pltpu.VMEM((CH, D_OUT), f32),
        pltpu.VMEM((NCHUNK, CH), f32),
        pltpu.VMEM((16, 17), f32),
        pltpu.VMEM((16, 17), f32),
        pltpu.VMEM_SHARED((NPAD, D_OUT), f32),
        pltpu.SemaphoreType.DMA,
        pltpu.SemaphoreType.DMA,
    ],
)
def _sc_score(z_hbm, s_hbm, d_hbm, out_hbm,
              s_v, d_v, a0, b0, a1, b1, sc_v, tbuf0, tbuf1, z_sh, sem0, sem1):
    cid = lax.axis_index("c")
    sid = lax.axis_index("s")
    wid = cid * NS + sid
    pltpu.sync_copy(s_hbm.at[wid], s_v)
    pltpu.sync_copy(d_hbm.at[wid], d_v)
    pltpu.sync_copy(z_hbm.at[pl.ds(sid * RPT, RPT)],
                    z_sh.at[pl.ds(sid * RPT, RPT)])
    plsc.subcore_barrier()

    def fire(j, av, bv, sem):
        pltpu.async_copy(z_sh.at[s_v.at[j]], av, sem)
        pltpu.async_copy(z_sh.at[d_v.at[j]], bv, sem)

    def drain(j, av, bv, sem):
        pltpu.make_async_copy(z_sh.at[s_v.at[j]], av, sem).wait()
        pltpu.make_async_copy(z_sh.at[d_v.at[j]], bv, sem).wait()

    lane = lax.iota(i32, 16)

    def compute(j, av, bv):
        def phase1(g, tbuf):
            for t in range(16):
                e = g * 16 + t
                ra = (av[e, pl.ds(0, 16)] * bv[e, pl.ds(0, 16)]
                      + av[e, pl.ds(16, 16)] * bv[e, pl.ds(16, 16)])
                rb = (av[e, pl.ds(32, 16)] * bv[e, pl.ds(32, 16)]
                      + av[e, pl.ds(48, 16)] * bv[e, pl.ds(48, 16)])
                tbuf[t, pl.ds(0, 16)] = ra - rb

        def phase2(g, tbuf):
            acc0 = jnp.zeros((16,), f32)
            acc1 = jnp.zeros((16,), f32)
            for c in range(0, 16, 2):
                acc0 = acc0 + plsc.load_gather(tbuf, [lane, jnp.full((16,), c, i32)])
                acc1 = acc1 + plsc.load_gather(tbuf, [lane, jnp.full((16,), c + 1, i32)])
            sc_v[j, pl.ds(pl.multiple_of(g * 16, 16), 16)] = acc0 + acc1

        def gbody(g, c2):
            phase1(g, tbuf0)
            phase2(g, tbuf0)
            return c2

        lax.fori_loop(0, CH // 16, gbody, 0)

    fire(0, a0, b0, sem0)

    def pair(k, c):
        j0 = 2 * k
        j1 = j0 + 1
        drain(j0, a0, b0, sem0)
        fire(j1, a1, b1, sem1)
        compute(j0, a0, b0)
        drain(j1, a1, b1, sem1)
        fire(j0 + 2, a0, b0, sem0)
        compute(j1, a1, b1)
        return c

    lax.fori_loop(0, (NCHUNK - 1) // 2, pair, 0)
    drain(NCHUNK - 1, a0, b0, sem0)
    compute(NCHUNK - 1, a0, b0)
    pltpu.sync_copy(sc_v, out_hbm.at[wid])


def _mm1_body(degp_ref, x_ref, w1_ref, u1a_ref, u1b_ref, dinv_ref):
    deg = degp_ref[0] + degp_ref[1] + 1.0
    dv = lax.rsqrt(deg)
    dinv_ref[...] = dv
    xw = jnp.dot(x_ref[...], w1_ref[...], preferred_element_type=f32)
    u1a_ref[...] = xw[:, :D_OUT] * dv
    u1b_ref[...] = xw[:, D_OUT:] * dv


_mm1 = pl.pallas_call(
    _mm1_body,
    grid=(GRID,),
    in_specs=[
        pl.BlockSpec((NC, BLK, 1), lambda i: (0, i, 0)),
        pl.BlockSpec((BLK, D_IN), lambda i: (i, 0)),
        pl.BlockSpec((D_IN, D_HID), lambda i: (0, 0)),
    ],
    out_specs=[
        pl.BlockSpec((BLK, D_OUT), lambda i: (i, 0)),
        pl.BlockSpec((BLK, D_OUT), lambda i: (i, 0)),
        pl.BlockSpec((BLK, 1), lambda i: (i, 0)),
    ],
    out_shape=[
        jax.ShapeDtypeStruct((NPAD, D_OUT), f32),
        jax.ShapeDtypeStruct((NPAD, D_OUT), f32),
        jax.ShapeDtypeStruct((NPAD, 1), f32),
    ],
)


def _mm2_body(sa_ref, sb_ref, u1a_ref, u1b_ref, dinv_ref, b1_ref, w2_ref,
              u2_ref):
    dv = dinv_ref[...]
    b1 = b1_ref[...]
    w2 = w2_ref[...]
    agg_a = sa_ref[0] + sa_ref[1] + u1a_ref[...]
    agg_b = sb_ref[0] + sb_ref[1] + u1b_ref[...]
    h_a = jnp.maximum(agg_a * dv + b1[:, :D_OUT], 0.0)
    h_b = jnp.maximum(agg_b * dv + b1[:, D_OUT:], 0.0)
    u2 = (jnp.dot(h_a, w2[:D_OUT], preferred_element_type=f32)
          + jnp.dot(h_b, w2[D_OUT:], preferred_element_type=f32))
    u2_ref[...] = u2 * dv


_mm2 = pl.pallas_call(
    _mm2_body,
    grid=(GRID,),
    in_specs=[
        pl.BlockSpec((NC, BLK, D_OUT), lambda i: (0, i, 0)),
        pl.BlockSpec((NC, BLK, D_OUT), lambda i: (0, i, 0)),
        pl.BlockSpec((BLK, D_OUT), lambda i: (i, 0)),
        pl.BlockSpec((BLK, D_OUT), lambda i: (i, 0)),
        pl.BlockSpec((BLK, 1), lambda i: (i, 0)),
        pl.BlockSpec((1, D_HID), lambda i: (0, 0)),
        pl.BlockSpec((D_HID, D_OUT), lambda i: (0, 0)),
    ],
    out_specs=pl.BlockSpec((BLK, D_OUT), lambda i: (i, 0)),
    out_shape=jax.ShapeDtypeStruct((NPAD, D_OUT), f32),
)


def _mm3_body(t_ref, u2_ref, dinv_ref, b2_ref, z_ref):
    z_ref[...] = ((t_ref[0] + t_ref[1] + u2_ref[...]) * dinv_ref[...]
                  + b2_ref[...])


_mm3 = pl.pallas_call(
    _mm3_body,
    grid=(GRID,),
    in_specs=[
        pl.BlockSpec((NC, BLK, D_OUT), lambda i: (0, i, 0)),
        pl.BlockSpec((BLK, D_OUT), lambda i: (i, 0)),
        pl.BlockSpec((BLK, 1), lambda i: (i, 0)),
        pl.BlockSpec((1, D_OUT), lambda i: (0, 0)),
    ],
    out_specs=pl.BlockSpec((BLK, D_OUT), lambda i: (i, 0)),
    out_shape=jax.ShapeDtypeStruct((NPAD, D_OUT), f32),
)


def _pad_edges(e):
    e = e.reshape(NT, EPT)
    pad = jnp.full((NT, EPT_PAD - EPT), N, dtype=i32)
    return jnp.concatenate([e, pad], axis=1).reshape(NT, NCHUNK, CH)


@jax.jit
def _run(x, edge_index, edge_label_index, W1, b1, W2, b2):
    src = _pad_edges(edge_index[0])
    dst = _pad_edges(edge_index[1])
    s_l = _pad_edges(edge_label_index[0])
    d_l = _pad_edges(edge_label_index[1])
    x_pad = jnp.pad(x, ((0, NPAD - N), (0, 0)))
    z64 = jnp.zeros((RPT, D_OUT), f32)

    degp = _sc_hist(dst)
    degp3 = degp.reshape(NC, NPAD, 1)
    u1a, u1b, dinv = _mm1(degp3, x_pad, W1)
    sa = _sc_scatter64(u1a, src, dst, z64)
    sb = _sc_scatter64(u1b, src, dst, z64)
    u2 = _mm2(sa, sb, u1a, u1b, dinv, b1.reshape(1, D_HID), W2)
    t_part = _sc_scatter64(u2, src, dst, z64)
    z = _mm3(t_part, u2, dinv, b2.reshape(1, D_OUT))
    sc = _sc_score(z, s_l, d_l)
    return sc.reshape(NT, EPT_PAD)[:, :EPT].reshape(E)


def kernel(x, edge_index, edge_label_index, W1, b1, W2, b2):
    return _run(x, edge_index, edge_label_index, W1, b1, W2, b2)

# --- scband reference (transcript-rebuilt; emitter-appended) ---
"""Pipeline reference for scband-attract-repel-23587960389859 (READ-ONLY COPY).

The authoritative reference and input builder live on the scoring server;
editing this copy changes nothing except your own understanding.
"""

import jax, jax.numpy as jnp
import numpy as np

N = 10000
E = 320000
D_IN = 128
D_HID = 128
D_OUT = 64
ATTRACT_DIM = 32


def _gcn_conv(h, src, dst, norm, W, b, num_nodes):
    # PyG GCNConv: linear (no bias) -> normalized scatter-add aggregation -> + bias
    h = h @ W
    msg = h[src] * norm[:, None]
    out = jax.ops.segment_sum(msg, dst, num_segments=num_nodes)
    return out + b


def _gcn_norm(edge_index, num_nodes):
    # add self loops and compute symmetric normalization coefficients
    loop = jnp.arange(num_nodes, dtype=edge_index.dtype)
    src = jnp.concatenate([edge_index[0], loop])
    dst = jnp.concatenate([edge_index[1], loop])
    ones = jnp.ones(src.shape[0], dtype=jnp.float32)
    deg = jax.ops.segment_sum(ones, dst, num_segments=num_nodes)
    deg_inv_sqrt = jnp.where(deg > 0, jax.lax.rsqrt(jnp.maximum(deg, 1.0)), 0.0)
    norm = deg_inv_sqrt[src] * deg_inv_sqrt[dst]
    return src, dst, norm


def setup_inputs(seed: int = 0) -> dict:
    key = jax.random.key(seed)
    k1, k2, k3, k4, k5, k6, k7 = jax.random.split(key, 7)
    x = jax.random.normal(k1, (N, D_IN), dtype=jnp.float32)
    edge_index = jax.random.randint(k2, (2, E), 0, N, dtype=jnp.int32)
    edge_label_index = jax.random.randint(k3, (2, E), 0, N, dtype=jnp.int32)
    W1 = jax.random.normal(k4, (D_IN, D_HID), dtype=jnp.float32) * (1.0 / np.sqrt(D_IN))
    b1 = jnp.zeros((D_HID,), dtype=jnp.float32)
    W2 = jax.random.normal(k5, (D_HID, D_OUT), dtype=jnp.float32) * (1.0 / np.sqrt(D_HID))
    b2 = jnp.zeros((D_OUT,), dtype=jnp.float32)
    return {"x": x, "edge_index": edge_index, "edge_label_index": edge_label_index,
            "W1": W1, "b1": b1, "W2": W2, "b2": b2}


def reference(x, edge_index, edge_label_index, W1, b1, W2, b2):
    src, dst, norm = _gcn_norm(edge_index, N)
    # 2-layer GCN (PyG GCN default: ReLU between layers, no final activation)
    h = _gcn_conv(x, src, dst, norm, W1, b1, N)
    h = jax.nn.relu(h)
    z = _gcn_conv(h, src, dst, norm, W2, b2, N)
    # AttractRepel split
    attract_z = z[:, :ATTRACT_DIM]
    repel_z = z[:, ATTRACT_DIM:]
    s, d = edge_label_index[0], edge_label_index[1]
    attract_score = jnp.sum(attract_z[s] * attract_z[d], axis=1)
    repel_score = jnp.sum(repel_z[s] * repel_z[d], axis=1)
    return attract_score - repel_score

if __name__ == "__main__":
    import jax
    _d = setup_inputs()
    print(jax.jit(kernel)(*tuple(_d.values())))

</pallas_src>

<mosaic_0001>
#map = affine_map<(d0, d1) -> (0, 0, 0)>
#map1 = affine_map<(d0, d1) -> (0, 0)>
module attributes {stable_mosaic.version = 14 : i64} {
  func.func @_sc_hist(%arg0: i32, %arg1: i32, %arg2: memref<32x79x128xi32, #tpu.memory_space<hbm>>, %arg3: memref<2x10240xf32, #tpu.memory_space<hbm>>, %arg4: memref<79x128xi32, #tpu.memory_space<vmem>>, %arg5: memref<128xf32, #tpu.memory_space<vmem>>, %arg6: memref<640xf32, #tpu.memory_space<vmem>>, %arg7: memref<10240xf32, #tpu.memory_space<vmem_shared>>) attributes {dimension_semantics = [#tpu.dimension_semantics<core_parallel>, #tpu.dimension_semantics<subcore_parallel>], iteration_bounds = array<i64: 2, 16>, scalar_prefetch = 0 : i64, scratch_operands = 4 : i64, tpu.core_type = #tpu.core_type<sc_vector_subcore>, window_params = [{transform_indices = #map}, {transform_indices = #map1}]} {
    %mul3A = arith.constant 16 : i32
    %mul3A_0 = arith.muli %arg0, %mul3A : i32
    %add3A = arith.addi %mul3A_0, %arg1 : i32
    "tpu.region"() ({
      %run_scoped3A = tpu.sem_alloc : memref<!tpu.dma_semaphore, #tpu.memory_space<semaphore_mem>>
      %dma_start3A = arith.constant 0 : i32
      %dma_start3A_299 = arith.constant 0 : i32
      %dma_start3A_300 = tpu.memref_slice %arg2[%add3A, %dma_start3A, %dma_start3A_299] : memref<32x79x128xi32, #tpu.memory_space<hbm>> -> memref<1x79x128xi32, #tpu.memory_space<hbm>>
      %dma_start3A_301 = tpu.memref_squeeze %dma_start3A_300 : memref<1x79x128xi32, #tpu.memory_space<hbm>> -> memref<79x128xi32, #tpu.memory_space<hbm>>
      %dma_start3A_302 = arith.constant 0 : i32
      %dma_start3A_303 = arith.constant 0 : i32
      %dma_start3A_304 = tpu.memref_slice %arg2[%add3A, %dma_start3A_302, %dma_start3A_303] : memref<32x79x128xi32, #tpu.memory_space<hbm>> -> memref<1x79x128xi32, #tpu.memory_space<hbm>>
      %dma_start3A_305 = tpu.memref_squeeze %dma_start3A_304 : memref<1x79x128xi32, #tpu.memory_space<hbm>> -> memref<79x128xi32, #tpu.memory_space<hbm>>
      tpu.enqueue_dma source(%dma_start3A_305 : memref<79x128xi32, #tpu.memory_space<hbm>>) target(%arg4 : memref<79x128xi32, #tpu.memory_space<vmem>>) target_semaphore(%run_scoped3A : memref<!tpu.dma_semaphore, #tpu.memory_space<semaphore_mem>>)
      %dma_wait3A = arith.constant 0 : i32
      %dma_wait3A_306 = arith.constant 0 : i32
      %dma_wait3A_307 = tpu.memref_slice %arg2[%add3A, %dma_wait3A, %dma_wait3A_306] : memref<32x79x128xi32, #tpu.memory_space<hbm>> -> memref<1x79x128xi32, #tpu.memory_space<hbm>>
      %dma_wait3A_308 = tpu.memref_squeeze %dma_wait3A_307 : memref<1x79x128xi32, #tpu.memory_space<hbm>> -> memref<79x128xi32, #tpu.memory_space<hbm>>
      %dma_wait3A_309 = arith.constant 0 : i32
      %dma_wait3A_310 = arith.constant 0 : i32
      %dma_wait3A_311 = tpu.memref_slice %arg2[%add3A, %dma_wait3A_309, %dma_wait3A_310] : memref<32x79x128xi32, #tpu.memory_space<hbm>> -> memref<1x79x128xi32, #tpu.memory_space<hbm>>
      %dma_wait3A_312 = tpu.memref_squeeze %dma_wait3A_311 : memref<1x79x128xi32, #tpu.memory_space<hbm>> -> memref<79x128xi32, #tpu.memory_space<hbm>>
      tpu.wait_dma2 semaphore(%run_scoped3A : memref<!tpu.dma_semaphore, #tpu.memory_space<semaphore_mem>>) src(%dma_wait3A_312 : memref<79x128xi32, #tpu.memory_space<hbm>>) dst(%arg4 : memref<79x128xi32, #tpu.memory_space<vmem>>)
      tpu.yield
    }) : () -> ()
    %broadcast_in_dim3A = arith.constant 1.000000e+00 : f32
    %broadcast_in_dim3A_1 = vector.broadcast %broadcast_in_dim3A : f32 to vector<16xf32>
    %swap3A = arith.constant 0 : index
    %swap3A_2 = tpu.vector_load %arg5[%swap3A] {strides = array<i32>} : memref<128xf32, #tpu.memory_space<vmem>>, vector<16xf32>,
    %swap3A_3 = vector.shape_cast %swap3A_2 : vector<16xf32> to vector<16xf32>
    %swap3A_4 = vector.shape_cast %broadcast_in_dim3A_1 : vector<16xf32> to vector<16xf32>
    tpu.vector_store %arg5[%swap3A], %swap3A_4 {strides = array<i32>} : memref<128xf32, #tpu.memory_space<vmem>>, vector<16xf32>,
    %broadcast_in_dim3A_5 = arith.constant 1.000000e+00 : f32
    %broadcast_in_dim3A_6 = vector.broadcast %broadcast_in_dim3A_5 : f32 to vector<16xf32>
    %swap3A_7 = arith.constant 16 : index
    %swap3A_8 = tpu.vector_load %arg5[%swap3A_7] {strides = array<i32>} : memref<128xf32, #tpu.memory_space<vmem>>, vector<16xf32>,
    %swap3A_9 = vector.shape_cast %swap3A_8 : vector<16xf32> to vector<16xf32>
    %swap3A_10 = vector.shape_cast %broadcast_in_dim3A_6 : vector<16xf32> to vector<16xf32>
    tpu.vector_store %arg5[%swap3A_7], %swap3A_10 {strides = array<i32>} : memref<128xf32, #tpu.memory_space<vmem>>, vector<16xf32>,
    %broadcast_in_dim3A_11 = arith.constant 1.000000e+00 : f32
    %broadcast_in_dim3A_12 = vector.broadcast %broadcast_in_dim3A_11 : f32 to vector<16xf32>
    %swap3A_13 = arith.constant 32 : index
    %swap3A_14 = tpu.vector_load %arg5[%swap3A_13] {strides = array<i32>} : memref<128xf32, #tpu.memory_space<vmem>>, vector<16xf32>,
    %swap3A_15 = vector.shape_cast %swap3A_14 : vector<16xf32> to vector<16xf32>
    %swap3A_16 = vector.shape_cast %broadcast_in_dim3A_12 : vector<16xf32> to vector<16xf32>
    tpu.vector_store %arg5[%swap3A_13], %swap3A_16 {strides = array<i32>} : memref<128xf32, #tpu.memory_space<vmem>>, vector<16xf32>,
    %broadcast_in_dim3A_17 = arith.constant 1.000000e+00 : f32
    %broadcast_in_dim3A_18 = vector.broadcast %broadcast_in_dim3A_17 : f32 to vector<16xf32>
    %swap3A_19 = arith.constant 48 : index
    %swap3A_20 = tpu.vector_load %arg5[%swap3A_19] {strides = array<i32>} : memref<128xf32, #tpu.memory_space<vmem>>, vector<16xf32>,
    %swap3A_21 = vector.shape_cast %swap3A_20 : vector<16xf32> to vector<16xf32>
    %swap3A_22 = vector.shape_cast %broadcast_in_dim3A_18 : vector<16xf32> to vector<16xf32>
    tpu.vector_store %arg5[%swap3A_19], %swap3A_22 {strides = array<i32>} : memref<128xf32, #tpu.memory_space<vmem>>, vector<16xf32>,
    %broadcast_in_dim3A_23 = arith.constant 1.000000e+00 : f32
    %broadcast_in_dim3A_24 = vector.broadcast %broadcast_in_dim3A_23 : f32 to vector<16xf32>
    %swap3A_25 = arith.constant 64 : index
    %swap3A_26 = tpu.vector_load %arg5[%swap3A_25] {strides = array<i32>} : memref<128xf32, #tpu.memory_space<vmem>>, vector<16xf32>,
    %swap3A_27 = vector.shape_cast %swap3A_26 : vector<16xf32> to vector<16xf32>
    %swap3A_28 = vector.shape_cast %broadcast_in_dim3A_24 : vector<16xf32> to vector<16xf32>
    tpu.vector_store %arg5[%swap3A_25], %swap3A_28 {strides = array<i32>} : memref<128xf32, #tpu.memory_space<vmem>>, vector<16xf32>,
    %broadcast_in_dim3A_29 = arith.constant 1.000000e+00 : f32
    %broadcast_in_dim3A_30 = vector.broadcast %broadcast_in_dim3A_29 : f32 to vector<16xf32>
    %swap3A_31 = arith.constant 80 : index
    %swap3A_32 = tpu.vector_load %arg5[%swap3A_31] {strides = array<i32>} : memref<128xf32, #tpu.memory_space<vmem>>, vector<16xf32>,
    %swap3A_33 = vector.shape_cast %swap3A_32 : vector<16xf32> to vector<16xf32>
    %swap3A_34 = vector.shape_cast %broadcast_in_dim3A_30 : vector<16xf32> to vector<16xf32>
    tpu.vector_store %arg5[%swap3A_31], %swap3A_34 {strides = array<i32>} : memref<128xf32, #tpu.memory_space<vmem>>, vector<16xf32>,
    %broadcast_in_dim3A_35 = arith.constant 1.000000e+00 : f32
    %broadcast_in_dim3A_36 = vector.broadcast %broadcast_in_dim3A_35 : f32 to vector<16xf32>
    %swap3A_37 = arith.constant 96 : index
    %swap3A_38 = tpu.vector_load %arg5[%swap3A_37] {strides = array<i32>} : memref<128xf32, #tpu.memory_space<vmem>>, vector<16xf32>,
    %swap3A_39 = vector.shape_cast %swap3A_38 : vector<16xf32> to vector<16xf32>
    %swap3A_40 = vector.shape_cast %broadcast_in_dim3A_36 : vector<16xf32> to vector<16xf32>
    tpu.vector_store %arg5[%swap3A_37], %swap3A_40 {strides = array<i32>} : memref<128xf32, #tpu.memory_space<vmem>>, vector<16xf32>,
    %broadcast_in_dim3A_41 = arith.constant 1.000000e+00 : f32
    %broadcast_in_dim3A_42 = vector.broadcast %broadcast_in_dim3A_41 : f32 to vector<16xf32>
    %swap3A_43 = arith.constant 112 : index
    %swap3A_44 = tpu.vector_load %arg5[%swap3A_43] {strides = array<i32>} : memref<128xf32, #tpu.memory_space<vmem>>, vector<16xf32>,
    %swap3A_45 = vector.shape_cast %swap3A_44 : vector<16xf32> to vector<16xf32>
    %swap3A_46 = vector.shape_cast %broadcast_in_dim3A_42 : vector<16xf32> to vector<16xf32>
    tpu.vector_store %arg5[%swap3A_43], %swap3A_46 {strides = array<i32>} : memref<128xf32, #tpu.memory_space<vmem>>, vector<16xf32>,
    %broadcast_in_dim3A_47 = arith.constant 0.000000e+00 : f32
    %broadcast_in_dim3A_48 = vector.broadcast %broadcast_in_dim3A_47 : f32 to vector<16xf32>
    %swap3A_49 = arith.constant 0 : index
    %swap3A_50 = tpu.vector_load %arg6[%swap3A_49] {strides = array<i32>} : memref<640xf32, #tpu.memory_space<vmem>>, vector<16xf32>,
    %swap3A_51 = vector.shape_cast %swap3A_50 : vector<16xf32> to vector<16xf32>
    %swap3A_52 = vector.shape_cast %broadcast_in_dim3A_48 : vector<16xf32> to vector<16xf32>
    tpu.vector_store %arg6[%swap3A_49], %swap3A_52 {strides = array<i32>} : memref<640xf32, #tpu.memory_space<vmem>>, vector<16xf32>,
    %broadcast_in_dim3A_53 = arith.constant 0.000000e+00 : f32
    %broadcast_in_dim3A_54 = vector.broadcast %broadcast_in_dim3A_53 : f32 to vector<16xf32>
    %swap3A_55 = arith.constant 16 : index
    %swap3A_56 = tpu.vector_load %arg6[%swap3A_55] {strides = array<i32>} : memref<640xf32, #tpu.memory_space<vmem>>, vector<16xf32>,
    %swap3A_57 = vector.shape_cast %swap3A_56 : vector<16xf32> to vector<16xf32>
    %swap3A_58 = vector.shape_cast %broadcast_in_dim3A_54 : vector<16xf32> to vector<16xf32>
    tpu.vector_store %arg6[%swap3A_55], %swap3A_58 {strides = array<i32>} : memref<640xf32, #tpu.memory_space<vmem>>, vector<16xf32>,
    %broadcast_in_dim3A_59 = arith.constant 0.000000e+00 : f32
    %broadcast_in_dim3A_60 = vector.broadcast %broadcast_in_dim3A_59 : f32 to vector<16xf32>
    %swap3A_61 = arith.constant 32 : index
    %swap3A_62 = tpu.vector_load %arg6[%swap3A_61] {strides = array<i32>} : memref<640xf32, #tpu.memory_space<vmem>>, vector<16xf32>,
    %swap3A_63 = vector.shape_cast %swap3A_62 : vector<16xf32> to vector<16xf32>
    %swap3A_64 = vector.shape_cast %broadcast_in_dim3A_60 : vector<16xf32> to vector<16xf32>
    tpu.vector_store %arg6[%swap3A_61], %swap3A_64 {strides = array<i32>} : memref<640xf32, #tpu.memory_space<vmem>>, vector<16xf32>,
    %broadcast_in_dim3A_65 = arith.constant 0.000000e+00 : f32
    %broadcast_in_dim3A_66 = vector.broadcast %broadcast_in_dim3A_65 : f32 to vector<16xf32>
    %swap3A_67 = arith.constant 48 : index
    %swap3A_68 = tpu.vector_load %arg6[%swap3A_67] {strides = array<i32>} : memref<640xf32, #tpu.memory_space<vmem>>, vector<16xf32>,
    %swap3A_69 = vector.shape_cast %swap3A_68 : vector<16xf32> to vector<16xf32>
    %swap3A_70 = vector.shape_cast %broadcast_in_dim3A_66 : vector<16xf32> to vector<16xf32>
    tpu.vector_store %arg6[%swap3A_67], %swap3A_70 {strides = array<i32>} : memref<640xf32, #tpu.memory_space<vmem>>, vector<16xf32>,
    %broadcast_in_dim3A_71 = arith.constant 0.000000e+00 : f32
    %broadcast_in_dim3A_72 = vector.broadcast %broadcast_in_dim3A_71 : f32 to vector<16xf32>
    %swap3A_73 = arith.constant 64 : index
    %swap3A_74 = tpu.vector_load %arg6[%swap3A_73] {strides = array<i32>} : memref<640xf32, #tpu.memory_space<vmem>>, vector<16xf32>,
    %swap3A_75 = vector.shape_cast %swap3A_74 : vector<16xf32> to vector<16xf32>
    %swap3A_76 = vector.shape_cast %broadcast_in_dim3A_72 : vector<16xf32> to vector<16xf32>
    tpu.vector_store %arg6[%swap3A_73], %swap3A_76 {strides = array<i32>} : memref<640xf32, #tpu.memory_space<vmem>>, vector<16xf32>,
    %broadcast_in_dim3A_77 = arith.constant 0.000000e+00 : f32
    %broadcast_in_dim3A_78 = vector.broadcast %broadcast_in_dim3A_77 : f32 to vector<16xf32>
    %swap3A_79 = arith.constant 80 : index
    %swap3A_80 = tpu.vector_load %arg6[%swap3A_79] {strides = array<i32>} : memref<640xf32, #tpu.memory_space<vmem>>, vector<16xf32>,
    %swap3A_81 = vector.shape_cast %swap3A_80 : vector<16xf32> to vector<16xf32>
    %swap3A_82 = vector.shape_cast %broadcast_in_dim3A_78 : vector<16xf32> to vector<16xf32>
    tpu.vector_store %arg6[%swap3A_79], %swap3A_82 {strides = array<i32>} : memref<640xf32, #tpu.memory_space<vmem>>, vector<16xf32>,
    %broadcast_in_dim3A_83 = arith.constant 0.000000e+00 : f32
    %broadcast_in_dim3A_84 = vector.broadcast %broadcast_in_dim3A_83 : f32 to vector<16xf32>
    %swap3A_85 = arith.constant 96 : index
    %swap3A_86 = tpu.vector_load %arg6[%swap3A_85] {strides = array<i32>} : memref<640xf32, #tpu.memory_space<vmem>>, vector<16xf32>,
    %swap3A_87 = vector.shape_cast %swap3A_86 : vector<16xf32> to vector<16xf32>
    %swap3A_88 = vector.shape_cast %broadcast_in_dim3A_84 : vector<16xf32> to vector<16xf32>
    tpu.vector_store %arg6[%swap3A_85], %swap3A_88 {strides = array<i32>} : memref<640xf32, #tpu.memory_space<vmem>>, vector<16xf32>,
    %broadcast_in_dim3A_89 = arith.constant 0.000000e+00 : f32
    %broadcast_in_dim3A_90 = vector.broadcast %broadcast_in_dim3A_89 : f32 to vector<16xf32>
    %swap3A_91 = arith.constant 112 : index
    %swap3A_92 = tpu.vector_load %arg6[%swap3A_91] {strides = array<i32>} : memref<640xf32, #tpu.memory_space<vmem>>, vector<16xf32>,
    %swap3A_93 = vector.shape_cast %swap3A_92 : vector<16xf32> to vector<16xf32>
    %swap3A_94 = vector.shape_cast %broadcast_in_dim3A_90 : vector<16xf32> to vector<16xf32>
    tpu.vector_store %arg6[%swap3A_91], %swap3A_94 {strides = array<i32>} : memref<640xf32, #tpu.memory_space<vmem>>, vector<16xf32>,
    %broadcast_in_dim3A_95 = arith.constant 0.000000e+00 : f32
    %broadcast_in_dim3A_96 = vector.broadcast %broadcast_in_dim3A_95 : f32 to vector<16xf32>
    %swap3A_97 = arith.constant 128 : index
    %swap3A_98 = tpu.vector_load %arg6[%swap3A_97] {strides = array<i32>} : memref<640xf32, #tpu.memory_space<vmem>>, vector<16xf32>,
    %swap3A_99 = vector.shape_cast %swap3A_98 : vector<16xf32> to vector<16xf32>
    %swap3A_100 = vector.shape_cast %broadcast_in_dim3A_96 : vector<16xf32> to vector<16xf32>
    tpu.vector_store %arg6[%swap3A_97], %swap3A_100 {strides = array<i32>} : memref<640xf32, #tpu.memory_space<vmem>>, vector<16xf32>,
    %broadcast_in_dim3A_101 = arith.constant 0.000000e+00 : f32
    %broadcast_in_dim3A_102 = vector.broadcast %broadcast_in_dim3A_101 : f32 to vector<16xf32>
    %swap3A_103 = arith.constant 144 : index
    %swap3A_104 = tpu.vector_load %arg6[%swap3A_103] {strides = array<i32>} : memref<640xf32, #tpu.memory_space<vmem>>, vector<16xf32>,
    %swap3A_105 = vector.shape_cast %swap3A_104 : vector<16xf32> to vector<16xf32>
    %swap3A_106 = vector.shape_cast %broadcast_in_dim3A_102 : vector<16xf32> to vector<16xf32>
    tpu.vector_store %arg6[%swap3A_103], %swap3A_106 {strides = array<i32>} : memref<640xf32, #tpu.memory_space<vmem>>, vector<16xf32>,
    %broadcast_in_dim3A_107 = arith.constant 0.000000e+00 : f32
    %broadcast_in_dim3A_108 = vector.broadcast %broadcast_in_dim3A_107 : f32 to vector<16xf32>
    %swap3A_109 = arith.constant 160 : index
    %swap3A_110 = tpu.vector_load %arg6[%swap3A_109] {strides = array<i32>} : memref<640xf32, #tpu.memory_space<vmem>>, vector<16xf32>,
    %swap3A_111 = vector.shape_cast %swap3A_110 : vector<16xf32> to vector<16xf32>
    %swap3A_112 = vector.shape_cast %broadcast_in_dim3A_108 : vector<16xf32> to vector<16xf32>
    tpu.vector_store %arg6[%swap3A_109], %swap3A_112 {strides = array<i32>} : memref<640xf32, #tpu.memory_space<vmem>>, vector<16xf32>,
    %broadcast_in_dim3A_113 = arith.constant 0.000000e+00 : f32
    %broadcast_in_dim3A_114 = vector.broadcast %broadcast_in_dim3A_113 : f32 to vector<16xf32>
    %swap3A_115 = arith.constant 176 : index
    %swap3A_116 = tpu.vector_load %arg6[%swap3A_115] {strides = array<i32>} : memref<640xf32, #tpu.memory_space<vmem>>, vector<16xf32>,
    %swap3A_117 = vector.shape_cast %swap3A_116 : vector<16xf32> to vector<16xf32>
    %swap3A_118 = vector.shape_cast %broadcast_in_dim3A_114 : vector<16xf32> to vector<16xf32>
    tpu.vector_store %arg6[%swap3A_115], %swap3A_118 {strides = array<i32>} : memref<640xf32, #tpu.memory_space<vmem>>, vector<16xf32>,
    %broadcast_in_dim3A_119 = arith.constant 0.000000e+00 : f32
    %broadcast_in_dim3A_120 = vector.broadcast %broadcast_in_dim3A_119 : f32 to vector<16xf32>
    %swap3A_121 = arith.constant 192 : index
    %swap3A_122 = tpu.vector_load %arg6[%swap3A_121] {strides = array<i32>} : memref<640xf32, #tpu.memory_space<vmem>>, vector<16xf32>,
    %swap3A_123 = vector.shape_cast %swap3A_122 : vector<16xf32> to vector<16xf32>
    %swap3A_124 = vector.shape_cast %broadcast_in_dim3A_120 : vector<16xf32> to vector<16xf32>
    tpu.vector_store %arg6[%swap3A_121], %swap3A_124 {strides = array<i32>} : memref<640xf32, #tpu.memory_space<vmem>>, vector<16xf32>,
    %broadcast_in_dim3A_125 = arith.constant 0.000000e+00 : f32
    %broadcast_in_dim3A_126 = vector.broadcast %broadcast_in_dim3A_125 : f32 to vector<16xf32>
    %swap3A_127 = arith.constant 208 : index
    %swap3A_128 = tpu.vector_load %arg6[%swap3A_127] {strides = array<i32>} : memref<640xf32, #tpu.memory_space<vmem>>, vector<16xf32>,
    %swap3A_129 = vector.shape_cast %swap3A_128 : vector<16xf32> to vector<16xf32>
    %swap3A_130 = vector.shape_cast %broadcast_in_dim3A_126 : vector<16xf32> to vector<16xf32>
    tpu.vector_store %arg6[%swap3A_127], %swap3A_130 {strides = array<i32>} : memref<640xf32, #tpu.memory_space<vmem>>, vector<16xf32>,
    %broadcast_in_dim3A_131 = arith.constant 0.000000e+00 : f32
    %broadcast_in_dim3A_132 = vector.broadcast %broadcast_in_dim3A_131 : f32 to vector<16xf32>
    %swap3A_133 = arith.constant 224 : index
    %swap3A_134 = tpu.vector_load %arg6[%swap3A_133] {strides = array<i32>} : memref<640xf32, #tpu.memory_space<vmem>>, vector<16xf32>,
    %swap3A_135 = vector.shape_cast %swap3A_134 : vector<16xf32> to vector<16xf32>
    %swap3A_136 = vector.shape_cast %broadcast_in_dim3A_132 : vector<16xf32> to vector<16xf32>
    tpu.vector_store %arg6[%swap3A_133], %swap3A_136 {strides = array<i32>} : memref<640xf32, #tpu.memory_space<vmem>>, vector<16xf32>,
    %broadcast_in_dim3A_137 = arith.constant 0.000000e+00 : f32
    %broadcast_in_dim3A_138 = vector.broadcast %broadcast_in_dim3A_137 : f32 to vector<16xf32>
    %swap3A_139 = arith.constant 240 : index
    %swap3A_140 = tpu.vector_load %arg6[%swap3A_139] {strides = array<i32>} : memref<640xf32, #tpu.memory_space<vmem>>, vector<16xf32>,
    %swap3A_141 = vector.shape_cast %swap3A_140 : vector<16xf32> to vector<16xf32>
    %swap3A_142 = vector.shape_cast %broadcast_in_dim3A_138 : vector<16xf32> to vector<16xf32>
    tpu.vector_store %arg6[%swap3A_139], %swap3A_142 {strides = array<i32>} : memref<640xf32, #tpu.memory_space<vmem>>, vector<16xf32>,
    %broadcast_in_dim3A_143 = arith.constant 0.000000e+00 : f32
    %broadcast_in_dim3A_144 = vector.broadcast %broadcast_in_dim3A_143 : f32 to vector<16xf32>
    %swap3A_145 = arith.constant 256 : index
    %swap3A_146 = tpu.vector_load %arg6[%swap3A_145] {strides = array<i32>} : memref<640xf32, #tpu.memory_space<vmem>>, vector<16xf32>,
    %swap3A_147 = vector.shape_cast %swap3A_146 : vector<16xf32> to vector<16xf32>
    %swap3A_148 = vector.shape_cast %broadcast_in_dim3A_144 : vector<16xf32> to vector<16xf32>
    tpu.vector_store %arg6[%swap3A_145], %swap3A_148 {strides = array<i32>} : memref<640xf32, #tpu.memory_space<vmem>>, vector<16xf32>,
    %broadcast_in_dim3A_149 = arith.constant 0.000000e+00 : f32
    %broadcast_in_dim3A_150 = vector.broadcast %broadcast_in_dim3A_149 : f32 to vector<16xf32>
    %swap3A_151 = arith.constant 272 : index
    %swap3A_152 = tpu.vector_load %arg6[%swap3A_151] {strides = array<i32>} : memref<640xf32, #tpu.memory_space<vmem>>, vector<16xf32>,
    %swap3A_153 = vector.shape_cast %swap3A_152 : vector<16xf32> to vector<16xf32>
    %swap3A_154 = vector.shape_cast %broadcast_in_dim3A_150 : vector<16xf32> to vector<16xf32>
    tpu.vector_store %arg6[%swap3A_151], %swap3A_154 {strides = array<i32>} : memref<640xf32, #tpu.memory_space<vmem>>, vector<16xf32>,
    %broadcast_in_dim3A_155 = arith.constant 0.000000e+00 : f32
    %broadcast_in_dim3A_156 = vector.broadcast %broadcast_in_dim3A_155 : f32 to vector<16xf32>
    %swap3A_157 = arith.constant 288 : index
    %swap3A_158 = tpu.vector_load %arg6[%swap3A_157] {strides = array<i32>} : memref<640xf32, #tpu.memory_space<vmem>>, vector<16xf32>,
    %swap3A_159 = vector.shape_cast %swap3A_158 : vector<16xf32> to vector<16xf32>
    %swap3A_160 = vector.shape_cast %broadcast_in_dim3A_156 : vector<16xf32> to vector<16xf32>
    tpu.vector_store %arg6[%swap3A_157], %swap3A_160 {strides = array<i32>} : memref<640xf32, #tpu.memory_space<vmem>>, vector<16xf32>,
    %broadcast_in_dim3A_161 = arith.constant 0.000000e+00 : f32
    %broadcast_in_dim3A_162 = vector.broadcast %broadcast_in_dim3A_161 : f32 to vector<16xf32>
    %swap3A_163 = arith.constant 304 : index
    %swap3A_164 = tpu.vector_load %arg6[%swap3A_163] {strides = array<i32>} : memref<640xf32, #tpu.memory_space<vmem>>, vector<16xf32>,
    %swap3A_165 = vector.shape_cast %swap3A_164 : vector<16xf32> to vector<16xf32>
    %swap3A_166 = vector.shape_cast %broadcast_in_dim3A_162 : vector<16xf32> to vector<16xf32>
    tpu.vector_store %arg6[%swap3A_163], %swap3A_166 {strides = array<i32>} : memref<640xf32, #tpu.memory_space<vmem>>, vector<16xf32>,
    %broadcast_in_dim3A_167 = arith.constant 0.000000e+00 : f32
    %broadcast_in_dim3A_168 = vector.broadcast %broadcast_in_dim3A_167 : f32 to vector<16xf32>
    %swap3A_169 = arith.constant 320 : index
    %swap3A_170 = tpu.vector_load %arg6[%swap3A_169] {strides = array<i32>} : memref<640xf32, #tpu.memory_space<vmem>>, vector<16xf32>,
    %swap3A_171 = vector.shape_cast %swap3A_170 : vector<16xf32> to vector<16xf32>
    %swap3A_172 = vector.shape_cast %broadcast_in_dim3A_168 : vector<16xf32> to vector<16xf32>
    tpu.vector_store %arg6[%swap3A_169], %swap3A_172 {strides = array<i32>} : memref<640xf32, #tpu.memory_space<vmem>>, vector<16xf32>,
    %broadcast_in_dim3A_173 = arith.constant 0.000000e+00 : f32
    %broadcast_in_dim3A_174 = vector.broadcast %broadcast_in_dim3A_173 : f32 to vector<16xf32>
    %swap3A_175 = arith.constant 336 : index
    %swap3A_176 = tpu.vector_load %arg6[%swap3A_175] {strides = array<i32>} : memref<640xf32, #tpu.memory_space<vmem>>, vector<16xf32>,
    %swap3A_177 = vector.shape_cast %swap3A_176 : vector<16xf32> to vector<16xf32>
    %swap3A_178 = vector.shape_cast %broadcast_in_dim3A_174 : vector<16xf32> to vector<16xf32>
    tpu.vector_store %arg6[%swap3A_175], %swap3A_178 {strides = array<i32>} : memref<640xf32, #tpu.memory_space<vmem>>, vector<16xf32>,
    %broadcast_in_dim3A_179 = arith.constant 0.000000e+00 : f32
    %broadcast_in_dim3A_180 = vector.broadcast %broadcast_in_dim3A_179 : f32 to vector<16xf32>
    %swap3A_181 = arith.constant 352 : index
    %swap3A_182 = tpu.vector_load %arg6[%swap3A_181] {strides = array<i32>} : memref<640xf32, #tpu.memory_space<vmem>>, vector<16xf32>,
    %swap3A_183 = vector.shape_cast %swap3A_182 : vector<16xf32> to vector<16xf32>
    %swap3A_184 = vector.shape_cast %broadcast_in_dim3A_180 : vector<16xf32> to vector<16xf32>
    tpu.vector_store %arg6[%swap3A_181], %swap3A_184 {strides = array<i32>} : memref<640xf32, #tpu.memory_space<vmem>>, vector<16xf32>,
    %broadcast_in_dim3A_185 = arith.constant 0.000000e+00 : f32
    %broadcast_in_dim3A_186 = vector.broadcast %broadcast_in_dim3A_185 : f32 to vector<16xf32>
    %swap3A_187 = arith.constant 368 : index
    %swap3A_188 = tpu.vector_load %arg6[%swap3A_187] {strides = array<i32>} : memref<640xf32, #tpu.memory_space<vmem>>, vector<16xf32>,
    %swap3A_189 = vector.shape_cast %swap3A_188 : vector<16xf32> to vector<16xf32>
    %swap3A_190 = vector.shape_cast %broadcast_in_dim3A_186 : vector<16xf32> to vector<16xf32>
    tpu.vector_store %arg6[%swap3A_187], %swap3A_190 {strides = array<i32>} : memref<640xf32, #tpu.memory_space<vmem>>, vector<16xf32>,
    %broadcast_in_dim3A_191 = arith.constant 0.000000e+00 : f32
    %broadcast_in_dim3A_192 = vector.broadcast %broadcast_in_dim3A_191 : f32 to vector<16xf32>
    %swap3A_193 = arith.constant 384 : index
    %swap3A_194 = tpu.vector_load %arg6[%swap3A_193] {strides = array<i32>} : memref<640xf32, #tpu.memory_space<vmem>>, vector<16xf32>,
    %swap3A_195 = vector.shape_cast %swap3A_194 : vector<16xf32> to vector<16xf32>
    %swap3A_196 = vector.shape_cast %broadcast_in_dim3A_192 : vector<16xf32> to vector<16xf32>
    tpu.vector_store %arg6[%swap3A_193], %swap3A_196 {strides = array<i32>} : memref<640xf32, #tpu.memory_space<vmem>>, vector<16xf32>,
    %broadcast_in_dim3A_197 = arith.constant 0.000000e+00 : f32
    %broadcast_in_dim3A_198 = vector.broadcast %broadcast_in_dim3A_197 : f32 to vector<16xf32>
    %swap3A_199 = arith.constant 400 : index
    %swap3A_200 = tpu.vector_load %arg6[%swap3A_199] {strides = array<i32>} : memref<640xf32, #tpu.memory_space<vmem>>, vector<16xf32>,
    %swap3A_201 = vector.shape_cast %swap3A_200 : vector<16xf32> to vector<16xf32>
    %swap3A_202 = vector.shape_cast %broadcast_in_dim3A_198 : vector<16xf32> to vector<16xf32>
    tpu.vector_store %arg6[%swap3A_199], %swap3A_202 {strides = array<i32>} : memref<640xf32, #tpu.memory_space<vmem>>, vector<16xf32>,
    %broadcast_in_dim3A_203 = arith.constant 0.000000e+00 : f32
    %broadcast_in_dim3A_204 = vector.broadcast %broadcast_in_dim3A_203 : f32 to vector<16xf32>
    %swap3A_205 = arith.constant 416 : index
    %swap3A_206 = tpu.vector_load %arg6[%swap3A_205] {strides = array<i32>} : memref<640xf32, #tpu.memory_space<vmem>>, vector<16xf32>,
    %swap3A_207 = vector.shape_cast %swap3A_206 : vector<16xf32> to vector<16xf32>
    %swap3A_208 = vector.shape_cast %broadcast_in_dim3A_204 : vector<16xf32> to vector<16xf32>
    tpu.vector_store %arg6[%swap3A_205], %swap3A_208 {strides = array<i32>} : memref<640xf32, #tpu.memory_space<vmem>>, vector<16xf32>,
    %broadcast_in_dim3A_209 = arith.constant 0.000000e+00 : f32
    %broadcast_in_dim3A_210 = vector.broadcast %broadcast_in_dim3A_209 : f32 to vector<16xf32>
    %swap3A_211 = arith.constant 432 : index
    %swap3A_212 = tpu.vector_load %arg6[%swap3A_211] {strides = array<i32>} : memref<640xf32, #tpu.memory_space<vmem>>, vector<16xf32>,
    %swap3A_213 = vector.shape_cast %swap3A_212 : vector<16xf32> to vector<16xf32>
    %swap3A_214 = vector.shape_cast %broadcast_in_dim3A_210 : vector<16xf32> to vector<16xf32>
    tpu.vector_store %arg6[%swap3A_211], %swap3A_214 {strides = array<i32>} : memref<640xf32, #tpu.memory_space<vmem>>, vector<16xf32>,
    %broadcast_in_dim3A_215 = arith.constant 0.000000e+00 : f32
    %broadcast_in_dim3A_216 = vector.broadcast %broadcast_in_dim3A_215 : f32 to vector<16xf32>
    %swap3A_217 = arith.constant 448 : index
    %swap3A_218 = tpu.vector_load %arg6[%swap3A_217] {strides = array<i32>} : memref<640xf32, #tpu.memory_space<vmem>>, vector<16xf32>,
    %swap3A_219 = vector.shape_cast %swap3A_218 : vector<16xf32> to vector<16xf32>
    %swap3A_220 = vector.shape_cast %broadcast_in_dim3A_216 : vector<16xf32> to vector<16xf32>
    tpu.vector_store %arg6[%swap3A_217], %swap3A_220 {strides = array<i32>} : memref<640xf32, #tpu.memory_space<vmem>>, vector<16xf32>,
    %broadcast_in_dim3A_221 = arith.constant 0.000000e+00 : f32
    %broadcast_in_dim3A_222 = vector.broadcast %broadcast_in_dim3A_221 : f32 to vector<16xf32>
    %swap3A_223 = arith.constant 464 : index
    %swap3A_224 = tpu.vector_load %arg6[%swap3A_223] {strides = array<i32>} : memref<640xf32, #tpu.memory_space<vmem>>, vector<16xf32>,
    %swap3A_225 = vector.shape_cast %swap3A_224 : vector<16xf32> to vector<16xf32>
    %swap3A_226 = vector.shape_cast %broadcast_in_dim3A_222 : vector<16xf32> to vector<16xf32>
    tpu.vector_store %arg6[%swap3A_223], %swap3A_226 {strides = array<i32>} : memref<640xf32, #tpu.memory_space<vmem>>, vector<16xf32>,
    %broadcast_in_dim3A_227 = arith.constant 0.000000e+00 : f32
    %broadcast_in_dim3A_228 = vector.broadcast %broadcast_in_dim3A_227 : f32 to vector<16xf32>
    %swap3A_229 = arith.constant 480 : index
    %swap3A_230 = tpu.vector_load %arg6[%swap3A_229] {strides = array<i32>} : memref<640xf32, #tpu.memory_space<vmem>>, vector<16xf32>,
    %swap3A_231 = vector.shape_cast %swap3A_230 : vector<16xf32> to vector<16xf32>
    %swap3A_232 = vector.shape_cast %broadcast_in_dim3A_228 : vector<16xf32> to vector<16xf32>
    tpu.vector_store %arg6[%swap3A_229], %swap3A_232 {strides = array<i32>} : memref<640xf32, #tpu.memory_space<vmem>>, vector<16xf32>,
    %broadcast_in_dim3A_233 = arith.constant 0.000000e+00 : f32
    %broadcast_in_dim3A_234 = vector.broadcast %broadcast_in_dim3A_233 : f32 to vector<16xf32>
    %swap3A_235 = arith.constant 496 : index
    %swap3A_236 = tpu.vector_load %arg6[%swap3A_235] {strides = array<i32>} : memref<640xf32, #tpu.memory_space<vmem>>, vector<16xf32>,
    %swap3A_237 = vector.shape_cast %swap3A_236 : vector<16xf32> to vector<16xf32>
    %swap3A_238 = vector.shape_cast %broadcast_in_dim3A_234 : vector<16xf32> to vector<16xf32>
    tpu.vector_store %arg6[%swap3A_235], %swap3A_238 {strides = array<i32>} : memref<640xf32, #tpu.memory_space<vmem>>, vector<16xf32>,
    %broadcast_in_dim3A_239 = arith.constant 0.000000e+00 : f32
    %broadcast_in_dim3A_240 = vector.broadcast %broadcast_in_dim3A_239 : f32 to vector<16xf32>
    %swap3A_241 = arith.constant 512 : index
    %swap3A_242 = tpu.vector_load %arg6[%swap3A_241] {strides = array<i32>} : memref<640xf32, #tpu.memory_space<vmem>>, vector<16xf32>,
    %swap3A_243 = vector.shape_cast %swap3A_242 : vector<16xf32> to vector<16xf32>
    %swap3A_244 = vector.shape_cast %broadcast_in_dim3A_240 : vector<16xf32> to vector<16xf32>
    tpu.vector_store %arg6[%swap3A_241], %swap3A_244 {strides = array<i32>} : memref<640xf32, #tpu.memory_space<vmem>>, vector<16xf32>,
    %broadcast_in_dim3A_245 = arith.constant 0.000000e+00 : f32
    %broadcast_in_dim3A_246 = vector.broadcast %broadcast_in_dim3A_245 : f32 to vector<16xf32>
    %swap3A_247 = arith.constant 528 : index
    %swap3A_248 = tpu.vector_load %arg6[%swap3A_247] {strides = array<i32>} : memref<640xf32, #tpu.memory_space<vmem>>, vector<16xf32>,
    %swap3A_249 = vector.shape_cast %swap3A_248 : vector<16xf32> to vector<16xf32>
    %swap3A_250 = vector.shape_cast %broadcast_in_dim3A_246 : vector<16xf32> to vector<16xf32>
    tpu.vector_store %arg6[%swap3A_247], %swap3A_250 {strides = array<i32>} : memref<640xf32, #tpu.memory_space<vmem>>, vector<16xf32>,
    %broadcast_in_dim3A_251 = arith.constant 0.000000e+00 : f32
    %broadcast_in_dim3A_252 = vector.broadcast %broadcast_in_dim3A_251 : f32 to vector<16xf32>
    %swap3A_253 = arith.constant 544 : index
    %swap3A_254 = tpu.vector_load %arg6[%swap3A_253] {strides = array<i32>} : memref<640xf32, #tpu.memory_space<vmem>>, vector<16xf32>,
    %swap3A_255 = vector.shape_cast %swap3A_254 : vector<16xf32> to vector<16xf32>
    %swap3A_256 = vector.shape_cast %broadcast_in_dim3A_252 : vector<16xf32> to vector<16xf32>
    tpu.vector_store %arg6[%swap3A_253], %swap3A_256 {strides = array<i32>} : memref<640xf32, #tpu.memory_space<vmem>>, vector<16xf32>,
    %broadcast_in_dim3A_257 = arith.constant 0.000000e+00 : f32
    %broadcast_in_dim3A_258 = vector.broadcast %broadcast_in_dim3A_257 : f32 to vector<16xf32>
    %swap3A_259 = arith.constant 560 : index
    %swap3A_260 = tpu.vector_load %arg6[%swap3A_259] {strides = array<i32>} : memref<640xf32, #tpu.memory_space<vmem>>, vector<16xf32>,
    %swap3A_261 = vector.shape_cast %swap3A_260 : vector<16xf32> to vector<16xf32>
    %swap3A_262 = vector.shape_cast %broadcast_in_dim3A_258 : vector<16xf32> to vector<16xf32>
    tpu.vector_store %arg6[%swap3A_259], %swap3A_262 {strides = array<i32>} : memref<640xf32, #tpu.memory_space<vmem>>, vector<16xf32>,
    %broadcast_in_dim3A_263 = arith.constant 0.000000e+00 : f32
    %broadcast_in_dim3A_264 = vector.broadcast %broadcast_in_dim3A_263 : f32 to vector<16xf32>
    %swap3A_265 = arith.constant 576 : index
    %swap3A_266 = tpu.vector_load %arg6[%swap3A_265] {strides = array<i32>} : memref<640xf32, #tpu.memory_space<vmem>>, vector<16xf32>,
    %swap3A_267 = vector.shape_cast %swap3A_266 : vector<16xf32> to vector<16xf32>
    %swap3A_268 = vector.shape_cast %broadcast_in_dim3A_264 : vector<16xf32> to vector<16xf32>
    tpu.vector_store %arg6[%swap3A_265], %swap3A_268 {strides = array<i32>} : memref<640xf32, #tpu.memory_space<vmem>>, vector<16xf32>,
    %broadcast_in_dim3A_269 = arith.constant 0.000000e+00 : f32
    %broadcast_in_dim3A_270 = vector.broadcast %broadcast_in_dim3A_269 : f32 to vector<16xf32>
    %swap3A_271 = arith.constant 592 : index
    %swap3A_272 = tpu.vector_load %arg6[%swap3A_271] {strides = array<i32>} : memref<640xf32, #tpu.memory_space<vmem>>, vector<16xf32>,
    %swap3A_273 = vector.shape_cast %swap3A_272 : vector<16xf32> to vector<16xf32>
    %swap3A_274 = vector.shape_cast %broadcast_in_dim3A_270 : vector<16xf32> to vector<16xf32>
    tpu.vector_store %arg6[%swap3A_271], %swap3A_274 {strides = array<i32>} : memref<640xf32, #tpu.memory_space<vmem>>, vector<16xf32>,
    %broadcast_in_dim3A_275 = arith.constant 0.000000e+00 : f32
    %broadcast_in_dim3A_276 = vector.broadcast %broadcast_in_dim3A_275 : f32 to vector<16xf32>
    %swap3A_277 = arith.constant 608 : index
    %swap3A_278 = tpu.vector_load %arg6[%swap3A_277] {strides = array<i32>} : memref<640xf32, #tpu.memory_space<vmem>>, vector<16xf32>,
    %swap3A_279 = vector.shape_cast %swap3A_278 : vector<16xf32> to vector<16xf32>
    %swap3A_280 = vector.shape_cast %broadcast_in_dim3A_276 : vector<16xf32> to vector<16xf32>
    tpu.vector_store %arg6[%swap3A_277], %swap3A_280 {strides = array<i32>} : memref<640xf32, #tpu.memory_space<vmem>>, vector<16xf32>,
    %broadcast_in_dim3A_281 = arith.constant 0.000000e+00 : f32
    %broadcast_in_dim3A_282 = vector.broadcast %broadcast_in_dim3A_281 : f32 to vector<16xf32>
    %swap3A_283 = arith.constant 624 : index
    %swap3A_284 = tpu.vector_load %arg6[%swap3A_283] {strides = array<i32>} : memref<640xf32, #tpu.memory_space<vmem>>, vector<16xf32>,
    %swap3A_285 = vector.shape_cast %swap3A_284 : vector<16xf32> to vector<16xf32>
    %swap3A_286 = vector.shape_cast %broadcast_in_dim3A_282 : vector<16xf32> to vector<16xf32>
    tpu.vector_store %arg6[%swap3A_283], %swap3A_286 {strides = array<i32>} : memref<640xf32, #tpu.memory_space<vmem>>, vector<16xf32>,
    %mul3A_287 = arith.constant 640 : i32
    %mul3A_288 = arith.muli %arg1, %mul3A_287 : i32
    "tpu.region"() ({
      %run_scoped3A = tpu.sem_alloc : memref<!tpu.dma_semaphore, #tpu.memory_space<semaphore_mem>>
      %dma_start3A = tpu.memref_slice %arg7[%mul3A_288] : memref<10240xf32, #tpu.memory_space<vmem_shared>> -> memref<640xf32, #tpu.memory_space<vmem_shared>>
      %dma_start3A_299 = tpu.memref_slice %arg7[%mul3A_288] : memref<10240xf32, #tpu.memory_space<vmem_shared>> -> memref<640xf32, #tpu.memory_space<vmem_shared>>
      tpu.enqueue_dma source(%arg6 : memref<640xf32, #tpu.memory_space<vmem>>) target(%dma_start3A_299 : memref<640xf32, #tpu.memory_space<vmem_shared>>) target_semaphore(%run_scoped3A : memref<!tpu.dma_semaphore, #tpu.memory_space<semaphore_mem>>)
      %dma_wait3A = tpu.memref_slice %arg7[%mul3A_288] : memref<10240xf32, #tpu.memory_space<vmem_shared>> -> memref<640xf32, #tpu.memory_space<vmem_shared>>
      %dma_wait3A_300 = tpu.memref_slice %arg7[%mul3A_288] : memref<10240xf32, #tpu.memory_space<vmem_shared>> -> memref<640xf32, #tpu.memory_space<vmem_shared>>
      tpu.wait_dma2 semaphore(%run_scoped3A : memref<!tpu.dma_semaphore, #tpu.memory_space<semaphore_mem>>) src(%arg6 : memref<640xf32, #tpu.memory_space<vmem>>) dst(%dma_wait3A_300 : memref<640xf32, #tpu.memory_space<vmem_shared>>)
      tpu.yield
    }) : () -> ()
    %barrier3A = arith.constant 0 : index
    tpu.barrier barrier_id(%barrier3A)
    %scan3A = arith.constant 0 : i32
    %scan3A_289 = arith.constant 0 : i32
    %scan3A_290 = arith.constant 79 : i32
    %scan3A_291 = arith.addi %scan3A_289, %scan3A_290 : i32
    %scan3A_292 = arith.constant 1 : i32
    scf.for %scan3A_299 = %scan3A_289 to %scan3A_291 step %scan3A_292  : i32 {
      "tpu.region"() ({
        %run_scoped3A = tpu.sem_alloc : memref<!tpu.dma_semaphore, #tpu.memory_space<semaphore_mem>>
        %dma_start3A = arith.constant 0 : i32
        %dma_start3A_300 = tpu.memref_slice %arg4[%scan3A_299, %dma_start3A] : memref<79x128xi32, #tpu.memory_space<vmem>> -> memref<1x128xi32, #tpu.memory_space<vmem>>
        %dma_start3A_301 = tpu.memref_squeeze %dma_start3A_300 : memref<1x128xi32, #tpu.memory_space<vmem>> -> memref<128xi32, #tpu.memory_space<vmem>>
        %dma_start3A_302 = arith.constant 0 : i32
        %dma_start3A_303 = tpu.memref_slice %arg7[%dma_start3A_302] : memref<10240xf32, #tpu.memory_space<vmem_shared>> -> memref<10240xf32, #tpu.memory_space<vmem_shared>>
        tpu.enqueue_indirect_dma source(%arg5 : memref<128xf32, #tpu.memory_space<vmem>>) target(%dma_start3A_303 : memref<10240xf32, #tpu.memory_space<vmem_shared>>) offsets(%dma_start3A_301 : memref<128xi32, #tpu.memory_space<vmem>>) semaphore(%run_scoped3A : memref<!tpu.dma_semaphore, #tpu.memory_space<semaphore_mem>>) {add = true}
        %dma_wait3A = arith.constant 0 : i32
        %dma_wait3A_304 = tpu.memref_slice %arg4[%scan3A_299, %dma_wait3A] : memref<79x128xi32, #tpu.memory_space<vmem>> -> memref<1x128xi32, #tpu.memory_space<vmem>>
        %dma_wait3A_305 = tpu.memref_squeeze %dma_wait3A_304 : memref<1x128xi32, #tpu.memory_space<vmem>> -> memref<128xi32, #tpu.memory_space<vmem>>
        %dma_wait3A_306 = arith.constant 0 : i32
        %dma_wait3A_307 = tpu.memref_slice %arg7[%dma_wait3A_306] : memref<10240xf32, #tpu.memory_space<vmem_shared>> -> memref<10240xf32, #tpu.memory_space<vmem_shared>>
        tpu.wait_indirect_dma semaphore(%run_scoped3A : memref<!tpu.dma_semaphore, #tpu.memory_space<semaphore_mem>>) src(%arg5 : memref<128xf32, #tpu.memory_space<vmem>>) dst(%dma_wait3A_307 : memref<10240xf32, #tpu.memory_space<vmem_shared>>)
        tpu.yield
      }) : () -> ()
    }
    %scan3A_293 = arith.constant 79 : i32
    %barrier3A_294 = arith.constant 0 : index
    tpu.barrier barrier_id(%barrier3A_294)
    %mul3A_295 = arith.constant 640 : i32
    %mul3A_296 = arith.muli %arg1, %mul3A_295 : i32
    %mul3A_297 = arith.constant 640 : i32
    %mul3A_298 = arith.muli %arg1, %mul3A_297 : i32
    "tpu.region"() ({
      %run_scoped3A = tpu.sem_alloc : memref<!tpu.dma_semaphore, #tpu.memory_space<semaphore_mem>>
      %dma_start3A = tpu.memref_slice %arg3[%arg0, %mul3A_298] : memref<2x10240xf32, #tpu.memory_space<hbm>> -> memref<1x640xf32, #tpu.memory_space<hbm>>
      %dma_start3A_299 = tpu.memref_squeeze %dma_start3A : memref<1x640xf32, #tpu.memory_space<hbm>> -> memref<640xf32, #tpu.memory_space<hbm>>
      %dma_start3A_300 = tpu.memref_slice %arg7[%mul3A_296] : memref<10240xf32, #tpu.memory_space<vmem_shared>> -> memref<640xf32, #tpu.memory_space<vmem_shared>>
      tpu.enqueue_dma source(%dma_start3A_300 : memref<640xf32, #tpu.memory_space<vmem_shared>>) target(%dma_start3A_299 : memref<640xf32, #tpu.memory_space<hbm>>) target_semaphore(%run_scoped3A : memref<!tpu.dma_semaphore, #tpu.memory_space<semaphore_mem>>)
      %dma_wait3A = tpu.memref_slice %arg3[%arg0, %mul3A_298] : memref<2x10240xf32, #tpu.memory_space<hbm>> -> memref<1x640xf32, #tpu.memory_space<hbm>>
      %dma_wait3A_301 = tpu.memref_squeeze %dma_wait3A : memref<1x640xf32, #tpu.memory_space<hbm>> -> memref<640xf32, #tpu.memory_space<hbm>>
      %dma_wait3A_302 = tpu.memref_slice %arg7[%mul3A_296] : memref<10240xf32, #tpu.memory_space<vmem_shared>> -> memref<640xf32, #tpu.memory_space<vmem_shared>>
      tpu.wait_dma2 semaphore(%run_scoped3A : memref<!tpu.dma_semaphore, #tpu.memory_space<semaphore_mem>>) src(%dma_wait3A_302 : memref<640xf32, #tpu.memory_space<vmem_shared>>) dst(%dma_wait3A_301 : memref<640xf32, #tpu.memory_space<hbm>>)
      tpu.yield
    }) : () -> ()
    return
  }
}

#map = affine_map<(d0, d1) -> (0, 0)>
#map1 = affine_map<(d0, d1) -> (0, 0, 0)>
module attributes {stable_mosaic.version = 14 : i64} {
  func.func @_sc_scatter64(%arg0: i32, %arg1: i32, %arg2: memref<10240x64xf32, #tpu.memory_space<hbm>>, %arg3: memref<32x79x128xi32, #tpu.memory_space<hbm>>, %arg4: memref<32x79x128xi32, #tpu.memory_space<hbm>>, %arg5: memref<640x64xf32, #tpu.memory_space<hbm>>, %arg6: memref<2x10240x64xf32, #tpu.memory_space<hbm>>, %arg7: memref<79x128xi32, #tpu.memory_space<vmem>>, %arg8: memref<79x128xi32, #tpu.memory_space<vmem>>, %arg9: memref<128x64xf32, #tpu.memory_space<vmem>>, %arg10: memref<128x64xf32, #tpu.memory_space<vmem>>, %arg11: memref<10240x64xf32, #tpu.memory_space<vmem_shared>>, %arg12: memref<10240x64xf32, #tpu.memory_space<vmem_shared>>, %arg13: memref<!tpu.dma_semaphore, #tpu.memory_space<semaphore_mem>>, %arg14: memref<!tpu.dma_semaphore, #tpu.memory_space<semaphore_mem>>) attributes {dimension_semantics = [#tpu.dimension_semantics<core_parallel>, #tpu.dimension_semantics<subcore_parallel>], iteration_bounds = array<i64: 2, 16>, scalar_prefetch = 0 : i64, scratch_operands = 8 : i64, tpu.core_type = #tpu.core_type<sc_vector_subcore>, window_params = [{transform_indices = #map}, {transform_indices = #map1}, {transform_indices = #map1}, {transform_indices = #map}, {transform_indices = #map1}]} {
    %mul3A = arith.constant 16 : i32
    %mul3A_0 = arith.muli %arg0, %mul3A : i32
    %add3A = arith.addi %mul3A_0, %arg1 : i32
    "tpu.region"() ({
      %run_scoped3A_29 = tpu.sem_alloc : memref<!tpu.dma_semaphore, #tpu.memory_space<semaphore_mem>>
      %dma_start3A_30 = arith.constant 0 : i32
      %dma_start3A_31 = arith.constant 0 : i32
      %dma_start3A_32 = tpu.memref_slice %arg3[%add3A, %dma_start3A_30, %dma_start3A_31] : memref<32x79x128xi32, #tpu.memory_space<hbm>> -> memref<1x79x128xi32, #tpu.memory_space<hbm>>
      %dma_start3A_33 = tpu.memref_squeeze %dma_start3A_32 : memref<1x79x128xi32, #tpu.memory_space<hbm>> -> memref<79x128xi32, #tpu.memory_space<hbm>>
      %dma_start3A_34 = arith.constant 0 : i32
      %dma_start3A_35 = arith.constant 0 : i32
      %dma_start3A_36 = tpu.memref_slice %arg3[%add3A, %dma_start3A_34, %dma_start3A_35] : memref<32x79x128xi32, #tpu.memory_space<hbm>> -> memref<1x79x128xi32, #tpu.memory_space<hbm>>
      %dma_start3A_37 = tpu.memref_squeeze %dma_start3A_36 : memref<1x79x128xi32, #tpu.memory_space<hbm>> -> memref<79x128xi32, #tpu.memory_space<hbm>>
      tpu.enqueue_dma source(%dma_start3A_37 : memref<79x128xi32, #tpu.memory_space<hbm>>) target(%arg7 : memref<79x128xi32, #tpu.memory_space<vmem>>) target_semaphore(%run_scoped3A_29 : memref<!tpu.dma_semaphore, #tpu.memory_space<semaphore_mem>>)
      %dma_wait3A_38 = arith.constant 0 : i32
      %dma_wait3A_39 = arith.constant 0 : i32
      %dma_wait3A_40 = tpu.memref_slice %arg3[%add3A, %dma_wait3A_38, %dma_wait3A_39] : memref<32x79x128xi32, #tpu.memory_space<hbm>> -> memref<1x79x128xi32, #tpu.memory_space<hbm>>
      %dma_wait3A_41 = tpu.memref_squeeze %dma_wait3A_40 : memref<1x79x128xi32, #tpu.memory_space<hbm>> -> memref<79x128xi32, #tpu.memory_space<hbm>>
      %dma_wait3A_42 = arith.constant 0 : i32
      %dma_wait3A_43 = arith.constant 0 : i32
      %dma_wait3A_44 = tpu.memref_slice %arg3[%add3A, %dma_wait3A_42, %dma_wait3A_43] : memref<32x79x128xi32, #tpu.memory_space<hbm>> -> memref<1x79x128xi32, #tpu.memory_space<hbm>>
      %dma_wait3A_45 = tpu.memref_squeeze %dma_wait3A_44 : memref<1x79x128xi32, #tpu.memory_space<hbm>> -> memref<79x128xi32, #tpu.memory_space<hbm>>
      tpu.wait_dma2 semaphore(%run_scoped3A_29 : memref<!tpu.dma_semaphore, #tpu.memory_space<semaphore_mem>>) src(%dma_wait3A_45 : memref<79x128xi32, #tpu.memory_space<hbm>>) dst(%arg7 : memref<79x128xi32, #tpu.memory_space<vmem>>)
      tpu.yield
    }) : () -> ()
    "tpu.region"() ({
      %run_scoped3A_29 = tpu.sem_alloc : memref<!tpu.dma_semaphore, #tpu.memory_space<semaphore_mem>>
      %dma_start3A_30 = arith.constant 0 : i32
      %dma_start3A_31 = arith.constant 0 : i32
      %dma_start3A_32 = tpu.memref_slice %arg4[%add3A, %dma_start3A_30, %dma_start3A_31] : memref<32x79x128xi32, #tpu.memory_space<hbm>> -> memref<1x79x128xi32, #tpu.memory_space<hbm>>
      %dma_start3A_33 = tpu.memref_squeeze %dma_start3A_32 : memref<1x79x128xi32, #tpu.memory_space<hbm>> -> memref<79x128xi32, #tpu.memory_space<hbm>>
      %dma_start3A_34 = arith.constant 0 : i32
      %dma_start3A_35 = arith.constant 0 : i32
      %dma_start3A_36 = tpu.memref_slice %arg4[%add3A, %dma_start3A_34, %dma_start3A_35] : memref<32x79x128xi32, #tpu.memory_space<hbm>> -> memref<1x79x128xi32, #tpu.memory_space<hbm>>
      %dma_start3A_37 = tpu.memref_squeeze %dma_start3A_36 : memref<1x79x128xi32, #tpu.memory_space<hbm>> -> memref<79x128xi32, #tpu.memory_space<hbm>>
      tpu.enqueue_dma source(%dma_start3A_37 : memref<79x128xi32, #tpu.memory_space<hbm>>) target(%arg8 : memref<79x128xi32, #tpu.memory_space<vmem>>) target_semaphore(%run_scoped3A_29 : memref<!tpu.dma_semaphore, #tpu.memory_space<semaphore_mem>>)
      %dma_wait3A_38 = arith.constant 0 : i32
      %dma_wait3A_39 = arith.constant 0 : i32
      %dma_wait3A_40 = tpu.memref_slice %arg4[%add3A, %dma_wait3A_38, %dma_wait3A_39] : memref<32x79x128xi32, #tpu.memory_space<hbm>> -> memref<1x79x128xi32, #tpu.memory_space<hbm>>
      %dma_wait3A_41 = tpu.memref_squeeze %dma_wait3A_40 : memref<1x79x128xi32, #tpu.memory_space<hbm>> -> memref<79x128xi32, #tpu.memory_space<hbm>>
      %dma_wait3A_42 = arith.constant 0 : i32
      %dma_wait3A_43 = arith.constant 0 : i32
      %dma_wait3A_44 = tpu.memref_slice %arg4[%add3A, %dma_wait3A_42, %dma_wait3A_43] : memref<32x79x128xi32, #tpu.memory_space<hbm>> -> memref<1x79x128xi32, #tpu.memory_space<hbm>>
      %dma_wait3A_45 = tpu.memref_squeeze %dma_wait3A_44 : memref<1x79x128xi32, #tpu.memory_space<hbm>> -> memref<79x128xi32, #tpu.memory_space<hbm>>
      tpu.wait_dma2 semaphore(%run_scoped3A_29 : memref<!tpu.dma_semaphore, #tpu.memory_space<semaphore_mem>>) src(%dma_wait3A_45 : memref<79x128xi32, #tpu.memory_space<hbm>>) dst(%arg8 : memref<79x128xi32, #tpu.memory_space<vmem>>)
      tpu.yield
    }) : () -> ()
    %mul3A_1 = arith.constant 640 : i32
    %mul3A_2 = arith.muli %arg1, %mul3A_1 : i32
    "tpu.region"() ({
      %run_scoped3A_29 = tpu.sem_alloc : memref<!tpu.dma_semaphore, #tpu.memory_space<semaphore_mem>>
      %dma_start3A_30 = arith.constant 0 : i32
      %dma_start3A_31 = tpu.memref_slice %arg11[%mul3A_2, %dma_start3A_30] : memref<10240x64xf32, #tpu.memory_space<vmem_shared>> -> memref<640x64xf32, #tpu.memory_space<vmem_shared>>
      tpu.enqueue_dma source(%arg5 : memref<640x64xf32, #tpu.memory_space<hbm>>) target(%dma_start3A_31 : memref<640x64xf32, #tpu.memory_space<vmem_shared>>) target_semaphore(%run_scoped3A_29 : memref<!tpu.dma_semaphore, #tpu.memory_space<semaphore_mem>>)
      %dma_wait3A_32 = arith.constant 0 : i32
      %dma_wait3A_33 = tpu.memref_slice %arg11[%mul3A_2, %dma_wait3A_32] : memref<10240x64xf32, #tpu.memory_space<vmem_shared>> -> memref<640x64xf32, #tpu.memory_space<vmem_shared>>
      tpu.wait_dma2 semaphore(%run_scoped3A_29 : memref<!tpu.dma_semaphore, #tpu.memory_space<semaphore_mem>>) src(%arg5 : memref<640x64xf32, #tpu.memory_space<hbm>>) dst(%dma_wait3A_33 : memref<640x64xf32, #tpu.memory_space<vmem_shared>>)
      tpu.yield
    }) : () -> ()
    %mul3A_3 = arith.constant 640 : i32
    %mul3A_4 = arith.muli %arg1, %mul3A_3 : i32
    %mul3A_5 = arith.constant 640 : i32
    %mul3A_6 = arith.muli %arg1, %mul3A_5 : i32
    "tpu.region"() ({
      %run_scoped3A_29 = tpu.sem_alloc : memref<!tpu.dma_semaphore, #tpu.memory_space<semaphore_mem>>
      %dma_start3A_30 = arith.constant 0 : i32
      %dma_start3A_31 = tpu.memref_slice %arg12[%mul3A_6, %dma_start3A_30] : memref<10240x64xf32, #tpu.memory_space<vmem_shared>> -> memref<640x64xf32, #tpu.memory_space<vmem_shared>>
      %dma_start3A_32 = arith.constant 0 : i32
      %dma_start3A_33 = tpu.memref_slice %arg2[%mul3A_4, %dma_start3A_32] : memref<10240x64xf32, #tpu.memory_space<hbm>> -> memref<640x64xf32, #tpu.memory_space<hbm>>
      tpu.enqueue_dma source(%dma_start3A_33 : memref<640x64xf32, #tpu.memory_space<hbm>>) target(%dma_start3A_31 : memref<640x64xf32, #tpu.memory_space<vmem_shared>>) target_semaphore(%run_scoped3A_29 : memref<!tpu.dma_semaphore, #tpu.memory_space<semaphore_mem>>)
      %dma_wait3A_34 = arith.constant 0 : i32
      %dma_wait3A_35 = tpu.memref_slice %arg12[%mul3A_6, %dma_wait3A_34] : memref<10240x64xf32, #tpu.memory_space<vmem_shared>> -> memref<640x64xf32, #tpu.memory_space<vmem_shared>>
      %dma_wait3A_36 = arith.constant 0 : i32
      %dma_wait3A_37 = tpu.memref_slice %arg2[%mul3A_4, %dma_wait3A_36] : memref<10240x64xf32, #tpu.memory_space<hbm>> -> memref<640x64xf32, #tpu.memory_space<hbm>>
      tpu.wait_dma2 semaphore(%run_scoped3A_29 : memref<!tpu.dma_semaphore, #tpu.memory_space<semaphore_mem>>) src(%dma_wait3A_37 : memref<640x64xf32, #tpu.memory_space<hbm>>) dst(%dma_wait3A_35 : memref<640x64xf32, #tpu.memory_space<vmem_shared>>)
      tpu.yield
    }) : () -> ()
    %barrier3A = arith.constant 0 : index
    tpu.barrier barrier_id(%barrier3A)
    %dma_start3A = arith.constant 0 : i32
    %dma_start3A_7 = arith.constant 0 : i32
    %dma_start3A_8 = tpu.memref_slice %arg7[%dma_start3A, %dma_start3A_7] : memref<79x128xi32, #tpu.memory_space<vmem>> -> memref<1x128xi32, #tpu.memory_space<vmem>>
    %dma_start3A_9 = tpu.memref_squeeze %dma_start3A_8 : memref<1x128xi32, #tpu.memory_space<vmem>> -> memref<128xi32, #tpu.memory_space<vmem>>
    %dma_start3A_10 = arith.constant 0 : i32
    %dma_start3A_11 = arith.constant 0 : i32
    %dma_start3A_12 = tpu.memref_slice %arg12[%dma_start3A_10, %dma_start3A_11] : memref<10240x64xf32, #tpu.memory_space<vmem_shared>> -> memref<10240x64xf32, #tpu.memory_space<vmem_shared>>
    tpu.enqueue_indirect_dma source(%dma_start3A_12 : memref<10240x64xf32, #tpu.memory_space<vmem_shared>>) target(%arg9 : memref<128x64xf32, #tpu.memory_space<vmem>>) offsets(%dma_start3A_9 : memref<128xi32, #tpu.memory_space<vmem>>) semaphore(%arg13 : memref<!tpu.dma_semaphore, #tpu.memory_space<semaphore_mem>>)
    %scan3A = arith.constant 0 : i32
    %scan3A_13 = arith.constant 0 : i32
    %scan3A_14 = arith.constant 39 : i32
    %scan3A_15 = arith.addi %scan3A_13, %scan3A_14 : i32
    %scan3A_16 = arith.constant 1 : i32
    scf.for %scan3A_29 = %scan3A_13 to %scan3A_15 step %scan3A_16  : i32 {
      %mul3A_30 = arith.constant 2 : i32
      %mul3A_31 = arith.muli %mul3A_30, %scan3A_29 : i32
      %add3A_32 = arith.constant 1 : i32
      %add3A_33 = arith.addi %mul3A_31, %add3A_32 : i32
      %dma_wait3A_34 = arith.constant 0 : i32
      %dma_wait3A_35 = tpu.memref_slice %arg7[%mul3A_31, %dma_wait3A_34] : memref<79x128xi32, #tpu.memory_space<vmem>> -> memref<1x128xi32, #tpu.memory_space<vmem>>
      %dma_wait3A_36 = tpu.memref_squeeze %dma_wait3A_35 : memref<1x128xi32, #tpu.memory_space<vmem>> -> memref<128xi32, #tpu.memory_space<vmem>>
      %dma_wait3A_37 = arith.constant 0 : i32
      %dma_wait3A_38 = arith.constant 0 : i32
      %dma_wait3A_39 = tpu.memref_slice %arg12[%dma_wait3A_37, %dma_wait3A_38] : memref<10240x64xf32, #tpu.memory_space<vmem_shared>> -> memref<10240x64xf32, #tpu.memory_space<vmem_shared>>
      tpu.wait_indirect_dma semaphore(%arg13 : memref<!tpu.dma_semaphore, #tpu.memory_space<semaphore_mem>>) src(%dma_wait3A_39 : memref<10240x64xf32, #tpu.memory_space<vmem_shared>>) dst(%arg9 : memref<128x64xf32, #tpu.memory_space<vmem>>)
      %dma_start3A_40 = arith.constant 0 : i32
      %dma_start3A_41 = tpu.memref_slice %arg7[%add3A_33, %dma_start3A_40] : memref<79x128xi32, #tpu.memory_space<vmem>> -> memref<1x128xi32, #tpu.memory_space<vmem>>
      %dma_start3A_42 = tpu.memref_squeeze %dma_start3A_41 : memref<1x128xi32, #tpu.memory_space<vmem>> -> memref<128xi32, #tpu.memory_space<vmem>>
      %dma_start3A_43 = arith.constant 0 : i32
      %dma_start3A_44 = arith.constant 0 : i32
      %dma_start3A_45 = tpu.memref_slice %arg12[%dma_start3A_43, %dma_start3A_44] : memref<10240x64xf32, #tpu.memory_space<vmem_shared>> -> memref<10240x64xf32, #tpu.memory_space<vmem_shared>>
      tpu.enqueue_indirect_dma source(%dma_start3A_45 : memref<10240x64xf32, #tpu.memory_space<vmem_shared>>) target(%arg10 : memref<128x64xf32, #tpu.memory_space<vmem>>) offsets(%dma_start3A_42 : memref<128xi32, #tpu.memory_space<vmem>>) semaphore(%arg14 : memref<!tpu.dma_semaphore, #tpu.memory_space<semaphore_mem>>)
      "tpu.region"() ({
        %run_scoped3A_60 = tpu.sem_alloc : memref<!tpu.dma_semaphore, #tpu.memory_space<semaphore_mem>>
        %dma_start3A_61 = arith.constant 0 : i32
        %dma_start3A_62 = tpu.memref_slice %arg8[%mul3A_31, %dma_start3A_61] : memref<79x128xi32, #tpu.memory_space<vmem>> -> memref<1x128xi32, #tpu.memory_space<vmem>>
        %dma_start3A_63 = tpu.memref_squeeze %dma_start3A_62 : memref<1x128xi32, #tpu.memory_space<vmem>> -> memref<128xi32, #tpu.memory_space<vmem>>
        %dma_start3A_64 = arith.constant 0 : i32
        %dma_start3A_65 = arith.constant 0 : i32
        %dma_start3A_66 = tpu.memref_slice %arg11[%dma_start3A_64, %dma_start3A_65] : memref<10240x64xf32, #tpu.memory_space<vmem_shared>> -> memref<10240x64xf32, #tpu.memory_space<vmem_shared>>
        tpu.enqueue_indirect_dma source(%arg9 : memref<128x64xf32, #tpu.memory_space<vmem>>) target(%dma_start3A_66 : memref<10240x64xf32, #tpu.memory_space<vmem_shared>>) offsets(%dma_start3A_63 : memref<128xi32, #tpu.memory_space<vmem>>) semaphore(%run_scoped3A_60 : memref<!tpu.dma_semaphore, #tpu.memory_space<semaphore_mem>>) {add = true}
        %dma_wait3A_67 = arith.constant 0 : i32
        %dma_wait3A_68 = tpu.memref_slice %arg8[%mul3A_31, %dma_wait3A_67] : memref<79x128xi32, #tpu.memory_space<vmem>> -> memref<1x128xi32, #tpu.memory_space<vmem>>
        %dma_wait3A_69 = tpu.memref_squeeze %dma_wait3A_68 : memref<1x128xi32, #tpu.memory_space<vmem>> -> memref<128xi32, #tpu.memory_space<vmem>>
        %dma_wait3A_70 = arith.constant 0 : i32
        %dma_wait3A_71 = arith.constant 0 : i32
        %dma_wait3A_72 = tpu.memref_slice %arg11[%dma_wait3A_70, %dma_wait3A_71] : memref<10240x64xf32, #tpu.memory_space<vmem_shared>> -> memref<10240x64xf32, #tpu.memory_space<vmem_shared>>
        tpu.wait_indirect_dma semaphore(%run_scoped3A_60 : memref<!tpu.dma_semaphore, #tpu.memory_space<semaphore_mem>>) src(%arg9 : memref<128x64xf32, #tpu.memory_space<vmem>>) dst(%dma_wait3A_72 : memref<10240x64xf32, #tpu.memory_space<vmem_shared>>)
        tpu.yield
      }) : () -> ()
      %dma_wait3A_46 = arith.constant 0 : i32
      %dma_wait3A_47 = tpu.memref_slice %arg7[%add3A_33, %dma_wait3A_46] : memref<79x128xi32, #tpu.memory_space<vmem>> -> memref<1x128xi32, #tpu.memory_space<vmem>>
      %dma_wait3A_48 = tpu.memref_squeeze %dma_wait3A_47 : memref<1x128xi32, #tpu.memory_space<vmem>> -> memref<128xi32, #tpu.memory_space<vmem>>
      %dma_wait3A_49 = arith.constant 0 : i32
      %dma_wait3A_50 = arith.constant 0 : i32
      %dma_wait3A_51 = tpu.memref_slice %arg12[%dma_wait3A_49, %dma_wait3A_50] : memref<10240x64xf32, #tpu.memory_space<vmem_shared>> -> memref<10240x64xf32, #tpu.memory_space<vmem_shared>>
      tpu.wait_indirect_dma semaphore(%arg14 : memref<!tpu.dma_semaphore, #tpu.memory_space<semaphore_mem>>) src(%dma_wait3A_51 : memref<10240x64xf32, #tpu.memory_space<vmem_shared>>) dst(%arg10 : memref<128x64xf32, #tpu.memory_space<vmem>>)
      %add3A_52 = arith.constant 2 : i32
      %add3A_53 = arith.addi %mul3A_31, %add3A_52 : i32
      %dma_start3A_54 = arith.constant 0 : i32
      %dma_start3A_55 = tpu.memref_slice %arg7[%add3A_53, %dma_start3A_54] : memref<79x128xi32, #tpu.memory_space<vmem>> -> memref<1x128xi32, #tpu.memory_space<vmem>>
      %dma_start3A_56 = tpu.memref_squeeze %dma_start3A_55 : memref<1x128xi32, #tpu.memory_space<vmem>> -> memref<128xi32, #tpu.memory_space<vmem>>
      %dma_start3A_57 = arith.constant 0 : i32
      %dma_start3A_58 = arith.constant 0 : i32
      %dma_start3A_59 = tpu.memref_slice %arg12[%dma_start3A_57, %dma_start3A_58] : memref<10240x64xf32, #tpu.memory_space<vmem_shared>> -> memref<10240x64xf32, #tpu.memory_space<vmem_shared>>
      tpu.enqueue_indirect_dma source(%dma_start3A_59 : memref<10240x64xf32, #tpu.memory_space<vmem_shared>>) target(%arg9 : memref<128x64xf32, #tpu.memory_space<vmem>>) offsets(%dma_start3A_56 : memref<128xi32, #tpu.memory_space<vmem>>) semaphore(%arg13 : memref<!tpu.dma_semaphore, #tpu.memory_space<semaphore_mem>>)
      "tpu.region"() ({
        %run_scoped3A_60 = tpu.sem_alloc : memref<!tpu.dma_semaphore, #tpu.memory_space<semaphore_mem>>
        %dma_start3A_61 = arith.constant 0 : i32
        %dma_start3A_62 = tpu.memref_slice %arg8[%add3A_33, %dma_start3A_61] : memref<79x128xi32, #tpu.memory_space<vmem>> -> memref<1x128xi32, #tpu.memory_space<vmem>>
        %dma_start3A_63 = tpu.memref_squeeze %dma_start3A_62 : memref<1x128xi32, #tpu.memory_space<vmem>> -> memref<128xi32, #tpu.memory_space<vmem>>
        %dma_start3A_64 = arith.constant 0 : i32
        %dma_start3A_65 = arith.constant 0 : i32
        %dma_start3A_66 = tpu.memref_slice %arg11[%dma_start3A_64, %dma_start3A_65] : memref<10240x64xf32, #tpu.memory_space<vmem_shared>> -> memref<10240x64xf32, #tpu.memory_space<vmem_shared>>
        tpu.enqueue_indirect_dma source(%arg10 : memref<128x64xf32, #tpu.memory_space<vmem>>) target(%dma_start3A_66 : memref<10240x64xf32, #tpu.memory_space<vmem_shared>>) offsets(%dma_start3A_63 : memref<128xi32, #tpu.memory_space<vmem>>) semaphore(%run_scoped3A_60 : memref<!tpu.dma_semaphore, #tpu.memory_space<semaphore_mem>>) {add = true}
        %dma_wait3A_67 = arith.constant 0 : i32
        %dma_wait3A_68 = tpu.memref_slice %arg8[%add3A_33, %dma_wait3A_67] : memref<79x128xi32, #tpu.memory_space<vmem>> -> memref<1x128xi32, #tpu.memory_space<vmem>>
        %dma_wait3A_69 = tpu.memref_squeeze %dma_wait3A_68 : memref<1x128xi32, #tpu.memory_space<vmem>> -> memref<128xi32, #tpu.memory_space<vmem>>
        %dma_wait3A_70 = arith.constant 0 : i32
        %dma_wait3A_71 = arith.constant 0 : i32
        %dma_wait3A_72 = tpu.memref_slice %arg11[%dma_wait3A_70, %dma_wait3A_71] : memref<10240x64xf32, #tpu.memory_space<vmem_shared>> -> memref<10240x64xf32, #tpu.memory_space<vmem_shared>>
        tpu.wait_indirect_dma semaphore(%run_scoped3A_60 : memref<!tpu.dma_semaphore, #tpu.memory_space<semaphore_mem>>) src(%arg10 : memref<128x64xf32, #tpu.memory_space<vmem>>) dst(%dma_wait3A_72 : memref<10240x64xf32, #tpu.memory_space<vmem_shared>>)
        tpu.yield
      }) : () -> ()
    }
    %scan3A_17 = arith.constant 39 : i32
    %dma_wait3A = arith.constant 78 : i32
    %dma_wait3A_18 = arith.constant 0 : i32
    %dma_wait3A_19 = tpu.memref_slice %arg7[%dma_wait3A, %dma_wait3A_18] : memref<79x128xi32, #tpu.memory_space<vmem>> -> memref<1x128xi32, #tpu.memory_space<vmem>>
    %dma_wait3A_20 = tpu.memref_squeeze %dma_wait3A_19 : memref<1x128xi32, #tpu.memory_space<vmem>> -> memref<128xi32, #tpu.memory_space<vmem>>
    %dma_wait3A_21 = arith.constant 0 : i32
    %dma_wait3A_22 = arith.constant 0 : i32
    %dma_wait3A_23 = tpu.memref_slice %arg12[%dma_wait3A_21, %dma_wait3A_22] : memref<10240x64xf32, #tpu.memory_space<vmem_shared>> -> memref<10240x64xf32, #tpu.memory_space<vmem_shared>>
    tpu.wait_indirect_dma semaphore(%arg13 : memref<!tpu.dma_semaphore, #tpu.memory_space<semaphore_mem>>) src(%dma_wait3A_23 : memref<10240x64xf32, #tpu.memory_space<vmem_shared>>) dst(%arg9 : memref<128x64xf32, #tpu.memory_space<vmem>>)
    %run_scoped3A = arith.constant 78 : i32
    "tpu.region"() ({
      %run_scoped3A_29 = tpu.sem_alloc : memref<!tpu.dma_semaphore, #tpu.memory_space<semaphore_mem>>
      %dma_start3A_30 = arith.constant 0 : i32
      %dma_start3A_31 = tpu.memref_slice %arg8[%run_scoped3A, %dma_start3A_30] : memref<79x128xi32, #tpu.memory_space<vmem>> -> memref<1x128xi32, #tpu.memory_space<vmem>>
      %dma_start3A_32 = tpu.memref_squeeze %dma_start3A_31 : memref<1x128xi32, #tpu.memory_space<vmem>> -> memref<128xi32, #tpu.memory_space<vmem>>
      %dma_start3A_33 = arith.constant 0 : i32
      %dma_start3A_34 = arith.constant 0 : i32
      %dma_start3A_35 = tpu.memref_slice %arg11[%dma_start3A_33, %dma_start3A_34] : memref<10240x64xf32, #tpu.memory_space<vmem_shared>> -> memref<10240x64xf32, #tpu.memory_space<vmem_shared>>
      tpu.enqueue_indirect_dma source(%arg9 : memref<128x64xf32, #tpu.memory_space<vmem>>) target(%dma_start3A_35 : memref<10240x64xf32, #tpu.memory_space<vmem_shared>>) offsets(%dma_start3A_32 : memref<128xi32, #tpu.memory_space<vmem>>) semaphore(%run_scoped3A_29 : memref<!tpu.dma_semaphore, #tpu.memory_space<semaphore_mem>>) {add = true}
      %dma_wait3A_36 = arith.constant 0 : i32
      %dma_wait3A_37 = tpu.memref_slice %arg8[%run_scoped3A, %dma_wait3A_36] : memref<79x128xi32, #tpu.memory_space<vmem>> -> memref<1x128xi32, #tpu.memory_space<vmem>>
      %dma_wait3A_38 = tpu.memref_squeeze %dma_wait3A_37 : memref<1x128xi32, #tpu.memory_space<vmem>> -> memref<128xi32, #tpu.memory_space<vmem>>
      %dma_wait3A_39 = arith.constant 0 : i32
      %dma_wait3A_40 = arith.constant 0 : i32
      %dma_wait3A_41 = tpu.memref_slice %arg11[%dma_wait3A_39, %dma_wait3A_40] : memref<10240x64xf32, #tpu.memory_space<vmem_shared>> -> memref<10240x64xf32, #tpu.memory_space<vmem_shared>>
      tpu.wait_indirect_dma semaphore(%run_scoped3A_29 : memref<!tpu.dma_semaphore, #tpu.memory_space<semaphore_mem>>) src(%arg9 : memref<128x64xf32, #tpu.memory_space<vmem>>) dst(%dma_wait3A_41 : memref<10240x64xf32, #tpu.memory_space<vmem_shared>>)
      tpu.yield
    }) : () -> ()
    %barrier3A_24 = arith.constant 0 : index
    tpu.barrier barrier_id(%barrier3A_24)
    %mul3A_25 = arith.constant 640 : i32
    %mul3A_26 = arith.muli %arg1, %mul3A_25 : i32
    %mul3A_27 = arith.constant 640 : i32
    %mul3A_28 = arith.muli %arg1, %mul3A_27 : i32
    "tpu.region"() ({
      %run_scoped3A_29 = tpu.sem_alloc : memref<!tpu.dma_semaphore, #tpu.memory_space<semaphore_mem>>
      %dma_start3A_30 = arith.constant 0 : i32
      %dma_start3A_31 = tpu.memref_slice %arg6[%arg0, %mul3A_28, %dma_start3A_30] : memref<2x10240x64xf32, #tpu.memory_space<hbm>> -> memref<1x640x64xf32, #tpu.memory_space<hbm>>
      %dma_start3A_32 = tpu.memref_squeeze %dma_start3A_31 : memref<1x640x64xf32, #tpu.memory_space<hbm>> -> memref<640x64xf32, #tpu.memory_space<hbm>>
      %dma_start3A_33 = arith.constant 0 : i32
      %dma_start3A_34 = tpu.memref_slice %arg11[%mul3A_26, %dma_start3A_33] : memref<10240x64xf32, #tpu.memory_space<vmem_shared>> -> memref<640x64xf32, #tpu.memory_space<vmem_shared>>
      tpu.enqueue_dma source(%dma_start3A_34 : memref<640x64xf32, #tpu.memory_space<vmem_shared>>) target(%dma_start3A_32 : memref<640x64xf32, #tpu.memory_space<hbm>>) target_semaphore(%run_scoped3A_29 : memref<!tpu.dma_semaphore, #tpu.memory_space<semaphore_mem>>)
      %dma_wait3A_35 = arith.constant 0 : i32
      %dma_wait3A_36 = tpu.memref_slice %arg6[%arg0, %mul3A_28, %dma_wait3A_35] : memref<2x10240x64xf32, #tpu.memory_space<hbm>> -> memref<1x640x64xf32, #tpu.memory_space<hbm>>
      %dma_wait3A_37 = tpu.memref_squeeze %dma_wait3A_36 : memref<1x640x64xf32, #tpu.memory_space<hbm>> -> memref<640x64xf32, #tpu.memory_space<hbm>>
      %dma_wait3A_38 = arith.constant 0 : i32
      %dma_wait3A_39 = tpu.memref_slice %arg11[%mul3A_26, %dma_wait3A_38] : memref<10240x64xf32, #tpu.memory_space<vmem_shared>> -> memref<640x64xf32, #tpu.memory_space<vmem_shared>>
      tpu.wait_dma2 semaphore(%run_scoped3A_29 : memref<!tpu.dma_semaphore, #tpu.memory_space<semaphore_mem>>) src(%dma_wait3A_39 : memref<640x64xf32, #tpu.memory_space<vmem_shared>>) dst(%dma_wait3A_37 : memref<640x64xf32, #tpu.memory_space<hbm>>)
      tpu.yield
    }) : () -> ()
    return
  }
}

#map = affine_map<(d0, d1) -> (0, 0)>
#map1 = affine_map<(d0, d1) -> (0, 0, 0)>
module attributes {stable_mosaic.version = 14 : i64} {
  func.func @_sc_scatter64(%arg0: i32, %arg1: i32, %arg2: memref<10240x64xf32, #tpu.memory_space<hbm>>, %arg3: memref<32x79x128xi32, #tpu.memory_space<hbm>>, %arg4: memref<32x79x128xi32, #tpu.memory_space<hbm>>, %arg5: memref<640x64xf32, #tpu.memory_space<hbm>>, %arg6: memref<2x10240x64xf32, #tpu.memory_space<hbm>>, %arg7: memref<79x128xi32, #tpu.memory_space<vmem>>, %arg8: memref<79x128xi32, #tpu.memory_space<vmem>>, %arg9: memref<128x64xf32, #tpu.memory_space<vmem>>, %arg10: memref<128x64xf32, #tpu.memory_space<vmem>>, %arg11: memref<10240x64xf32, #tpu.memory_space<vmem_shared>>, %arg12: memref<10240x64xf32, #tpu.memory_space<vmem_shared>>, %arg13: memref<!tpu.dma_semaphore, #tpu.memory_space<semaphore_mem>>, %arg14: memref<!tpu.dma_semaphore, #tpu.memory_space<semaphore_mem>>) attributes {dimension_semantics = [#tpu.dimension_semantics<core_parallel>, #tpu.dimension_semantics<subcore_parallel>], iteration_bounds = array<i64: 2, 16>, scalar_prefetch = 0 : i64, scratch_operands = 8 : i64, tpu.core_type = #tpu.core_type<sc_vector_subcore>, window_params = [{transform_indices = #map}, {transform_indices = #map1}, {transform_indices = #map1}, {transform_indices = #map}, {transform_indices = #map1}]} {
    %mul3A = arith.constant 16 : i32
    %mul3A_0 = arith.muli %arg0, %mul3A : i32
    %add3A = arith.addi %mul3A_0, %arg1 : i32
    "tpu.region"() ({
      %run_scoped3A_29 = tpu.sem_alloc : memref<!tpu.dma_semaphore, #tpu.memory_space<semaphore_mem>>
      %dma_start3A_30 = arith.constant 0 : i32
      %dma_start3A_31 = arith.constant 0 : i32
      %dma_start3A_32 = tpu.memref_slice %arg3[%add3A, %dma_start3A_30, %dma_start3A_31] : memref<32x79x128xi32, #tpu.memory_space<hbm>> -> memref<1x79x128xi32, #tpu.memory_space<hbm>>
      %dma_start3A_33 = tpu.memref_squeeze %dma_start3A_32 : memref<1x79x128xi32, #tpu.memory_space<hbm>> -> memref<79x128xi32, #tpu.memory_space<hbm>>
      %dma_start3A_34 = arith.constant 0 : i32
      %dma_start3A_35 = arith.constant 0 : i32
      %dma_start3A_36 = tpu.memref_slice %arg3[%add3A, %dma_start3A_34, %dma_start3A_35] : memref<32x79x128xi32, #tpu.memory_space<hbm>> -> memref<1x79x128xi32, #tpu.memory_space<hbm>>
      %dma_start3A_37 = tpu.memref_squeeze %dma_start3A_36 : memref<1x79x128xi32, #tpu.memory_space<hbm>> -> memref<79x128xi32, #tpu.memory_space<hbm>>
      tpu.enqueue_dma source(%dma_start3A_37 : memref<79x128xi32, #tpu.memory_space<hbm>>) target(%arg7 : memref<79x128xi32, #tpu.memory_space<vmem>>) target_semaphore(%run_scoped3A_29 : memref<!tpu.dma_semaphore, #tpu.memory_space<semaphore_mem>>)
      %dma_wait3A_38 = arith.constant 0 : i32
      %dma_wait3A_39 = arith.constant 0 : i32
      %dma_wait3A_40 = tpu.memref_slice %arg3[%add3A, %dma_wait3A_38, %dma_wait3A_39] : memref<32x79x128xi32, #tpu.memory_space<hbm>> -> memref<1x79x128xi32, #tpu.memory_space<hbm>>
      %dma_wait3A_41 = tpu.memref_squeeze %dma_wait3A_40 : memref<1x79x128xi32, #tpu.memory_space<hbm>> -> memref<79x128xi32, #tpu.memory_space<hbm>>
      %dma_wait3A_42 = arith.constant 0 : i32
      %dma_wait3A_43 = arith.constant 0 : i32
      %dma_wait3A_44 = tpu.memref_slice %arg3[%add3A, %dma_wait3A_42, %dma_wait3A_43] : memref<32x79x128xi32, #tpu.memory_space<hbm>> -> memref<1x79x128xi32, #tpu.memory_space<hbm>>
      %dma_wait3A_45 = tpu.memref_squeeze %dma_wait3A_44 : memref<1x79x128xi32, #tpu.memory_space<hbm>> -> memref<79x128xi32, #tpu.memory_space<hbm>>
      tpu.wait_dma2 semaphore(%run_scoped3A_29 : memref<!tpu.dma_semaphore, #tpu.memory_space<semaphore_mem>>) src(%dma_wait3A_45 : memref<79x128xi32, #tpu.memory_space<hbm>>) dst(%arg7 : memref<79x128xi32, #tpu.memory_space<vmem>>)
      tpu.yield
    }) : () -> ()
    "tpu.region"() ({
      %run_scoped3A_29 = tpu.sem_alloc : memref<!tpu.dma_semaphore, #tpu.memory_space<semaphore_mem>>
      %dma_start3A_30 = arith.constant 0 : i32
      %dma_start3A_31 = arith.constant 0 : i32
      %dma_start3A_32 = tpu.memref_slice %arg4[%add3A, %dma_start3A_30, %dma_start3A_31] : memref<32x79x128xi32, #tpu.memory_space<hbm>> -> memref<1x79x128xi32, #tpu.memory_space<hbm>>
      %dma_start3A_33 = tpu.memref_squeeze %dma_start3A_32 : memref<1x79x128xi32, #tpu.memory_space<hbm>> -> memref<79x128xi32, #tpu.memory_space<hbm>>
      %dma_start3A_34 = arith.constant 0 : i32
      %dma_start3A_35 = arith.constant 0 : i32
      %dma_start3A_36 = tpu.memref_slice %arg4[%add3A, %dma_start3A_34, %dma_start3A_35] : memref<32x79x128xi32, #tpu.memory_space<hbm>> -> memref<1x79x128xi32, #tpu.memory_space<hbm>>
      %dma_start3A_37 = tpu.memref_squeeze %dma_start3A_36 : memref<1x79x128xi32, #tpu.memory_space<hbm>> -> memref<79x128xi32, #tpu.memory_space<hbm>>
      tpu.enqueue_dma source(%dma_start3A_37 : memref<79x128xi32, #tpu.memory_space<hbm>>) target(%arg8 : memref<79x128xi32, #tpu.memory_space<vmem>>) target_semaphore(%run_scoped3A_29 : memref<!tpu.dma_semaphore, #tpu.memory_space<semaphore_mem>>)
      %dma_wait3A_38 = arith.constant 0 : i32
      %dma_wait3A_39 = arith.constant 0 : i32
      %dma_wait3A_40 = tpu.memref_slice %arg4[%add3A, %dma_wait3A_38, %dma_wait3A_39] : memref<32x79x128xi32, #tpu.memory_space<hbm>> -> memref<1x79x128xi32, #tpu.memory_space<hbm>>
      %dma_wait3A_41 = tpu.memref_squeeze %dma_wait3A_40 : memref<1x79x128xi32, #tpu.memory_space<hbm>> -> memref<79x128xi32, #tpu.memory_space<hbm>>
      %dma_wait3A_42 = arith.constant 0 : i32
      %dma_wait3A_43 = arith.constant 0 : i32
      %dma_wait3A_44 = tpu.memref_slice %arg4[%add3A, %dma_wait3A_42, %dma_wait3A_43] : memref<32x79x128xi32, #tpu.memory_space<hbm>> -> memref<1x79x128xi32, #tpu.memory_space<hbm>>
      %dma_wait3A_45 = tpu.memref_squeeze %dma_wait3A_44 : memref<1x79x128xi32, #tpu.memory_space<hbm>> -> memref<79x128xi32, #tpu.memory_space<hbm>>
      tpu.wait_dma2 semaphore(%run_scoped3A_29 : memref<!tpu.dma_semaphore, #tpu.memory_space<semaphore_mem>>) src(%dma_wait3A_45 : memref<79x128xi32, #tpu.memory_space<hbm>>) dst(%arg8 : memref<79x128xi32, #tpu.memory_space<vmem>>)
      tpu.yield
    }) : () -> ()
    %mul3A_1 = arith.constant 640 : i32
    %mul3A_2 = arith.muli %arg1, %mul3A_1 : i32
    "tpu.region"() ({
      %run_scoped3A_29 = tpu.sem_alloc : memref<!tpu.dma_semaphore, #tpu.memory_space<semaphore_mem>>
      %dma_start3A_30 = arith.constant 0 : i32
      %dma_start3A_31 = tpu.memref_slice %arg11[%mul3A_2, %dma_start3A_30] : memref<10240x64xf32, #tpu.memory_space<vmem_shared>> -> memref<640x64xf32, #tpu.memory_space<vmem_shared>>
      tpu.enqueue_dma source(%arg5 : memref<640x64xf32, #tpu.memory_space<hbm>>) target(%dma_start3A_31 : memref<640x64xf32, #tpu.memory_space<vmem_shared>>) target_semaphore(%run_scoped3A_29 : memref<!tpu.dma_semaphore, #tpu.memory_space<semaphore_mem>>)
      %dma_wait3A_32 = arith.constant 0 : i32
      %dma_wait3A_33 = tpu.memref_slice %arg11[%mul3A_2, %dma_wait3A_32] : memref<10240x64xf32, #tpu.memory_space<vmem_shared>> -> memref<640x64xf32, #tpu.memory_space<vmem_shared>>
      tpu.wait_dma2 semaphore(%run_scoped3A_29 : memref<!tpu.dma_semaphore, #tpu.memory_space<semaphore_mem>>) src(%arg5 : memref<640x64xf32, #tpu.memory_space<hbm>>) dst(%dma_wait3A_33 : memref<640x64xf32, #tpu.memory_space<vmem_shared>>)
      tpu.yield
    }) : () -> ()
    %mul3A_3 = arith.constant 640 : i32
    %mul3A_4 = arith.muli %arg1, %mul3A_3 : i32
    %mul3A_5 = arith.constant 640 : i32
    %mul3A_6 = arith.muli %arg1, %mul3A_5 : i32
    "tpu.region"() ({
      %run_scoped3A_29 = tpu.sem_alloc : memref<!tpu.dma_semaphore, #tpu.memory_space<semaphore_mem>>
      %dma_start3A_30 = arith.constant 0 : i32
      %dma_start3A_31 = tpu.memref_slice %arg12[%mul3A_6, %dma_start3A_30] : memref<10240x64xf32, #tpu.memory_space<vmem_shared>> -> memref<640x64xf32, #tpu.memory_space<vmem_shared>>
      %dma_start3A_32 = arith.constant 0 : i32
      %dma_start3A_33 = tpu.memref_slice %arg2[%mul3A_4, %dma_start3A_32] : memref<10240x64xf32, #tpu.memory_space<hbm>> -> memref<640x64xf32, #tpu.memory_space<hbm>>
      tpu.enqueue_dma source(%dma_start3A_33 : memref<640x64xf32, #tpu.memory_space<hbm>>) target(%dma_start3A_31 : memref<640x64xf32, #tpu.memory_space<vmem_shared>>) target_semaphore(%run_scoped3A_29 : memref<!tpu.dma_semaphore, #tpu.memory_space<semaphore_mem>>)
      %dma_wait3A_34 = arith.constant 0 : i32
      %dma_wait3A_35 = tpu.memref_slice %arg12[%mul3A_6, %dma_wait3A_34] : memref<10240x64xf32, #tpu.memory_space<vmem_shared>> -> memref<640x64xf32, #tpu.memory_space<vmem_shared>>
      %dma_wait3A_36 = arith.constant 0 : i32
      %dma_wait3A_37 = tpu.memref_slice %arg2[%mul3A_4, %dma_wait3A_36] : memref<10240x64xf32, #tpu.memory_space<hbm>> -> memref<640x64xf32, #tpu.memory_space<hbm>>
      tpu.wait_dma2 semaphore(%run_scoped3A_29 : memref<!tpu.dma_semaphore, #tpu.memory_space<semaphore_mem>>) src(%dma_wait3A_37 : memref<640x64xf32, #tpu.memory_space<hbm>>) dst(%dma_wait3A_35 : memref<640x64xf32, #tpu.memory_space<vmem_shared>>)
      tpu.yield
    }) : () -> ()
    %barrier3A = arith.constant 0 : index
    tpu.barrier barrier_id(%barrier3A)
    %dma_start3A = arith.constant 0 : i32
    %dma_start3A_7 = arith.constant 0 : i32
    %dma_start3A_8 = tpu.memref_slice %arg7[%dma_start3A, %dma_start3A_7] : memref<79x128xi32, #tpu.memory_space<vmem>> -> memref<1x128xi32, #tpu.memory_space<vmem>>
    %dma_start3A_9 = tpu.memref_squeeze %dma_start3A_8 : memref<1x128xi32, #tpu.memory_space<vmem>> -> memref<128xi32, #tpu.memory_space<vmem>>
    %dma_start3A_10 = arith.constant 0 : i32
    %dma_start3A_11 = arith.constant 0 : i32
    %dma_start3A_12 = tpu.memref_slice %arg12[%dma_start3A_10, %dma_start3A_11] : memref<10240x64xf32, #tpu.memory_space<vmem_shared>> -> memref<10240x64xf32, #tpu.memory_space<vmem_shared>>
    tpu.enqueue_indirect_dma source(%dma_start3A_12 : memref<10240x64xf32, #tpu.memory_space<vmem_shared>>) target(%arg9 : memref<128x64xf32, #tpu.memory_space<vmem>>) offsets(%dma_start3A_9 : memref<128xi32, #tpu.memory_space<vmem>>) semaphore(%arg13 : memref<!tpu.dma_semaphore, #tpu.memory_space<semaphore_mem>>)
    %scan3A = arith.constant 0 : i32
    %scan3A_13 = arith.constant 0 : i32
    %scan3A_14 = arith.constant 39 : i32
    %scan3A_15 = arith.addi %scan3A_13, %scan3A_14 : i32
    %scan3A_16 = arith.constant 1 : i32
    scf.for %scan3A_29 = %scan3A_13 to %scan3A_15 step %scan3A_16  : i32 {
      %mul3A_30 = arith.constant 2 : i32
      %mul3A_31 = arith.muli %mul3A_30, %scan3A_29 : i32
      %add3A_32 = arith.constant 1 : i32
      %add3A_33 = arith.addi %mul3A_31, %add3A_32 : i32
      %dma_wait3A_34 = arith.constant 0 : i32
      %dma_wait3A_35 = tpu.memref_slice %arg7[%mul3A_31, %dma_wait3A_34] : memref<79x128xi32, #tpu.memory_space<vmem>> -> memref<1x128xi32, #tpu.memory_space<vmem>>
      %dma_wait3A_36 = tpu.memref_squeeze %dma_wait3A_35 : memref<1x128xi32, #tpu.memory_space<vmem>> -> memref<128xi32, #tpu.memory_space<vmem>>
      %dma_wait3A_37 = arith.constant 0 : i32
      %dma_wait3A_38 = arith.constant 0 : i32
      %dma_wait3A_39 = tpu.memref_slice %arg12[%dma_wait3A_37, %dma_wait3A_38] : memref<10240x64xf32, #tpu.memory_space<vmem_shared>> -> memref<10240x64xf32, #tpu.memory_space<vmem_shared>>
      tpu.wait_indirect_dma semaphore(%arg13 : memref<!tpu.dma_semaphore, #tpu.memory_space<semaphore_mem>>) src(%dma_wait3A_39 : memref<10240x64xf32, #tpu.memory_space<vmem_shared>>) dst(%arg9 : memref<128x64xf32, #tpu.memory_space<vmem>>)
      %dma_start3A_40 = arith.constant 0 : i32
      %dma_start3A_41 = tpu.memref_slice %arg7[%add3A_33, %dma_start3A_40] : memref<79x128xi32, #tpu.memory_space<vmem>> -> memref<1x128xi32, #tpu.memory_space<vmem>>
      %dma_start3A_42 = tpu.memref_squeeze %dma_start3A_41 : memref<1x128xi32, #tpu.memory_space<vmem>> -> memref<128xi32, #tpu.memory_space<vmem>>
      %dma_start3A_43 = arith.constant 0 : i32
      %dma_start3A_44 = arith.constant 0 : i32
      %dma_start3A_45 = tpu.memref_slice %arg12[%dma_start3A_43, %dma_start3A_44] : memref<10240x64xf32, #tpu.memory_space<vmem_shared>> -> memref<10240x64xf32, #tpu.memory_space<vmem_shared>>
      tpu.enqueue_indirect_dma source(%dma_start3A_45 : memref<10240x64xf32, #tpu.memory_space<vmem_shared>>) target(%arg10 : memref<128x64xf32, #tpu.memory_space<vmem>>) offsets(%dma_start3A_42 : memref<128xi32, #tpu.memory_space<vmem>>) semaphore(%arg14 : memref<!tpu.dma_semaphore, #tpu.memory_space<semaphore_mem>>)
      "tpu.region"() ({
        %run_scoped3A_60 = tpu.sem_alloc : memref<!tpu.dma_semaphore, #tpu.memory_space<semaphore_mem>>
        %dma_start3A_61 = arith.constant 0 : i32
        %dma_start3A_62 = tpu.memref_slice %arg8[%mul3A_31, %dma_start3A_61] : memref<79x128xi32, #tpu.memory_space<vmem>> -> memref<1x128xi32, #tpu.memory_space<vmem>>
        %dma_start3A_63 = tpu.memref_squeeze %dma_start3A_62 : memref<1x128xi32, #tpu.memory_space<vmem>> -> memref<128xi32, #tpu.memory_space<vmem>>
        %dma_start3A_64 = arith.constant 0 : i32
        %dma_start3A_65 = arith.constant 0 : i32
        %dma_start3A_66 = tpu.memref_slice %arg11[%dma_start3A_64, %dma_start3A_65] : memref<10240x64xf32, #tpu.memory_space<vmem_shared>> -> memref<10240x64xf32, #tpu.memory_space<vmem_shared>>
        tpu.enqueue_indirect_dma source(%arg9 : memref<128x64xf32, #tpu.memory_space<vmem>>) target(%dma_start3A_66 : memref<10240x64xf32, #tpu.memory_space<vmem_shared>>) offsets(%dma_start3A_63 : memref<128xi32, #tpu.memory_space<vmem>>) semaphore(%run_scoped3A_60 : memref<!tpu.dma_semaphore, #tpu.memory_space<semaphore_mem>>) {add = true}
        %dma_wait3A_67 = arith.constant 0 : i32
        %dma_wait3A_68 = tpu.memref_slice %arg8[%mul3A_31, %dma_wait3A_67] : memref<79x128xi32, #tpu.memory_space<vmem>> -> memref<1x128xi32, #tpu.memory_space<vmem>>
        %dma_wait3A_69 = tpu.memref_squeeze %dma_wait3A_68 : memref<1x128xi32, #tpu.memory_space<vmem>> -> memref<128xi32, #tpu.memory_space<vmem>>
        %dma_wait3A_70 = arith.constant 0 : i32
        %dma_wait3A_71 = arith.constant 0 : i32
        %dma_wait3A_72 = tpu.memref_slice %arg11[%dma_wait3A_70, %dma_wait3A_71] : memref<10240x64xf32, #tpu.memory_space<vmem_shared>> -> memref<10240x64xf32, #tpu.memory_space<vmem_shared>>
        tpu.wait_indirect_dma semaphore(%run_scoped3A_60 : memref<!tpu.dma_semaphore, #tpu.memory_space<semaphore_mem>>) src(%arg9 : memref<128x64xf32, #tpu.memory_space<vmem>>) dst(%dma_wait3A_72 : memref<10240x64xf32, #tpu.memory_space<vmem_shared>>)
        tpu.yield
      }) : () -> ()
      %dma_wait3A_46 = arith.constant 0 : i32
      %dma_wait3A_47 = tpu.memref_slice %arg7[%add3A_33, %dma_wait3A_46] : memref<79x128xi32, #tpu.memory_space<vmem>> -> memref<1x128xi32, #tpu.memory_space<vmem>>
      %dma_wait3A_48 = tpu.memref_squeeze %dma_wait3A_47 : memref<1x128xi32, #tpu.memory_space<vmem>> -> memref<128xi32, #tpu.memory_space<vmem>>
      %dma_wait3A_49 = arith.constant 0 : i32
      %dma_wait3A_50 = arith.constant 0 : i32
      %dma_wait3A_51 = tpu.memref_slice %arg12[%dma_wait3A_49, %dma_wait3A_50] : memref<10240x64xf32, #tpu.memory_space<vmem_shared>> -> memref<10240x64xf32, #tpu.memory_space<vmem_shared>>
      tpu.wait_indirect_dma semaphore(%arg14 : memref<!tpu.dma_semaphore, #tpu.memory_space<semaphore_mem>>) src(%dma_wait3A_51 : memref<10240x64xf32, #tpu.memory_space<vmem_shared>>) dst(%arg10 : memref<128x64xf32, #tpu.memory_space<vmem>>)
      %add3A_52 = arith.constant 2 : i32
      %add3A_53 = arith.addi %mul3A_31, %add3A_52 : i32
      %dma_start3A_54 = arith.constant 0 : i32
      %dma_start3A_55 = tpu.memref_slice %arg7[%add3A_53, %dma_start3A_54] : memref<79x128xi32, #tpu.memory_space<vmem>> -> memref<1x128xi32, #tpu.memory_space<vmem>>
      %dma_start3A_56 = tpu.memref_squeeze %dma_start3A_55 : memref<1x128xi32, #tpu.memory_space<vmem>> -> memref<128xi32, #tpu.memory_space<vmem>>
      %dma_start3A_57 = arith.constant 0 : i32
      %dma_start3A_58 = arith.constant 0 : i32
      %dma_start3A_59 = tpu.memref_slice %arg12[%dma_start3A_57, %dma_start3A_58] : memref<10240x64xf32, #tpu.memory_space<vmem_shared>> -> memref<10240x64xf32, #tpu.memory_space<vmem_shared>>
      tpu.enqueue_indirect_dma source(%dma_start3A_59 : memref<10240x64xf32, #tpu.memory_space<vmem_shared>>) target(%arg9 : memref<128x64xf32, #tpu.memory_space<vmem>>) offsets(%dma_start3A_56 : memref<128xi32, #tpu.memory_space<vmem>>) semaphore(%arg13 : memref<!tpu.dma_semaphore, #tpu.memory_space<semaphore_mem>>)
      "tpu.region"() ({
        %run_scoped3A_60 = tpu.sem_alloc : memref<!tpu.dma_semaphore, #tpu.memory_space<semaphore_mem>>
        %dma_start3A_61 = arith.constant 0 : i32
        %dma_start3A_62 = tpu.memref_slice %arg8[%add3A_33, %dma_start3A_61] : memref<79x128xi32, #tpu.memory_space<vmem>> -> memref<1x128xi32, #tpu.memory_space<vmem>>
        %dma_start3A_63 = tpu.memref_squeeze %dma_start3A_62 : memref<1x128xi32, #tpu.memory_space<vmem>> -> memref<128xi32, #tpu.memory_space<vmem>>
        %dma_start3A_64 = arith.constant 0 : i32
        %dma_start3A_65 = arith.constant 0 : i32
        %dma_start3A_66 = tpu.memref_slice %arg11[%dma_start3A_64, %dma_start3A_65] : memref<10240x64xf32, #tpu.memory_space<vmem_shared>> -> memref<10240x64xf32, #tpu.memory_space<vmem_shared>>
        tpu.enqueue_indirect_dma source(%arg10 : memref<128x64xf32, #tpu.memory_space<vmem>>) target(%dma_start3A_66 : memref<10240x64xf32, #tpu.memory_space<vmem_shared>>) offsets(%dma_start3A_63 : memref<128xi32, #tpu.memory_space<vmem>>) semaphore(%run_scoped3A_60 : memref<!tpu.dma_semaphore, #tpu.memory_space<semaphore_mem>>) {add = true}
        %dma_wait3A_67 = arith.constant 0 : i32
        %dma_wait3A_68 = tpu.memref_slice %arg8[%add3A_33, %dma_wait3A_67] : memref<79x128xi32, #tpu.memory_space<vmem>> -> memref<1x128xi32, #tpu.memory_space<vmem>>
        %dma_wait3A_69 = tpu.memref_squeeze %dma_wait3A_68 : memref<1x128xi32, #tpu.memory_space<vmem>> -> memref<128xi32, #tpu.memory_space<vmem>>
        %dma_wait3A_70 = arith.constant 0 : i32
        %dma_wait3A_71 = arith.constant 0 : i32
        %dma_wait3A_72 = tpu.memref_slice %arg11[%dma_wait3A_70, %dma_wait3A_71] : memref<10240x64xf32, #tpu.memory_space<vmem_shared>> -> memref<10240x64xf32, #tpu.memory_space<vmem_shared>>
        tpu.wait_indirect_dma semaphore(%run_scoped3A_60 : memref<!tpu.dma_semaphore, #tpu.memory_space<semaphore_mem>>) src(%arg10 : memref<128x64xf32, #tpu.memory_space<vmem>>) dst(%dma_wait3A_72 : memref<10240x64xf32, #tpu.memory_space<vmem_shared>>)
        tpu.yield
      }) : () -> ()
    }
    %scan3A_17 = arith.constant 39 : i32
    %dma_wait3A = arith.constant 78 : i32
    %dma_wait3A_18 = arith.constant 0 : i32
    %dma_wait3A_19 = tpu.memref_slice %arg7[%dma_wait3A, %dma_wait3A_18] : memref<79x128xi32, #tpu.memory_space<vmem>> -> memref<1x128xi32, #tpu.memory_space<vmem>>
    %dma_wait3A_20 = tpu.memref_squeeze %dma_wait3A_19 : memref<1x128xi32, #tpu.memory_space<vmem>> -> memref<128xi32, #tpu.memory_space<vmem>>
    %dma_wait3A_21 = arith.constant 0 : i32
    %dma_wait3A_22 = arith.constant 0 : i32
    %dma_wait3A_23 = tpu.memref_slice %arg12[%dma_wait3A_21, %dma_wait3A_22] : memref<10240x64xf32, #tpu.memory_space<vmem_shared>> -> memref<10240x64xf32, #tpu.memory_space<vmem_shared>>
    tpu.wait_indirect_dma semaphore(%arg13 : memref<!tpu.dma_semaphore, #tpu.memory_space<semaphore_mem>>) src(%dma_wait3A_23 : memref<10240x64xf32, #tpu.memory_space<vmem_shared>>) dst(%arg9 : memref<128x64xf32, #tpu.memory_space<vmem>>)
    %run_scoped3A = arith.constant 78 : i32
    "tpu.region"() ({
      %run_scoped3A_29 = tpu.sem_alloc : memref<!tpu.dma_semaphore, #tpu.memory_space<semaphore_mem>>
      %dma_start3A_30 = arith.constant 0 : i32
      %dma_start3A_31 = tpu.memref_slice %arg8[%run_scoped3A, %dma_start3A_30] : memref<79x128xi32, #tpu.memory_space<vmem>> -> memref<1x128xi32, #tpu.memory_space<vmem>>
      %dma_start3A_32 = tpu.memref_squeeze %dma_start3A_31 : memref<1x128xi32, #tpu.memory_space<vmem>> -> memref<128xi32, #tpu.memory_space<vmem>>
      %dma_start3A_33 = arith.constant 0 : i32
      %dma_start3A_34 = arith.constant 0 : i32
      %dma_start3A_35 = tpu.memref_slice %arg11[%dma_start3A_33, %dma_start3A_34] : memref<10240x64xf32, #tpu.memory_space<vmem_shared>> -> memref<10240x64xf32, #tpu.memory_space<vmem_shared>>
      tpu.enqueue_indirect_dma source(%arg9 : memref<128x64xf32, #tpu.memory_space<vmem>>) target(%dma_start3A_35 : memref<10240x64xf32, #tpu.memory_space<vmem_shared>>) offsets(%dma_start3A_32 : memref<128xi32, #tpu.memory_space<vmem>>) semaphore(%run_scoped3A_29 : memref<!tpu.dma_semaphore, #tpu.memory_space<semaphore_mem>>) {add = true}
      %dma_wait3A_36 = arith.constant 0 : i32
      %dma_wait3A_37 = tpu.memref_slice %arg8[%run_scoped3A, %dma_wait3A_36] : memref<79x128xi32, #tpu.memory_space<vmem>> -> memref<1x128xi32, #tpu.memory_space<vmem>>
      %dma_wait3A_38 = tpu.memref_squeeze %dma_wait3A_37 : memref<1x128xi32, #tpu.memory_space<vmem>> -> memref<128xi32, #tpu.memory_space<vmem>>
      %dma_wait3A_39 = arith.constant 0 : i32
      %dma_wait3A_40 = arith.constant 0 : i32
      %dma_wait3A_41 = tpu.memref_slice %arg11[%dma_wait3A_39, %dma_wait3A_40] : memref<10240x64xf32, #tpu.memory_space<vmem_shared>> -> memref<10240x64xf32, #tpu.memory_space<vmem_shared>>
      tpu.wait_indirect_dma semaphore(%run_scoped3A_29 : memref<!tpu.dma_semaphore, #tpu.memory_space<semaphore_mem>>) src(%arg9 : memref<128x64xf32, #tpu.memory_space<vmem>>) dst(%dma_wait3A_41 : memref<10240x64xf32, #tpu.memory_space<vmem_shared>>)
      tpu.yield
    }) : () -> ()
    %barrier3A_24 = arith.constant 0 : index
    tpu.barrier barrier_id(%barrier3A_24)
    %mul3A_25 = arith.constant 640 : i32
    %mul3A_26 = arith.muli %arg1, %mul3A_25 : i32
    %mul3A_27 = arith.constant 640 : i32
    %mul3A_28 = arith.muli %arg1, %mul3A_27 : i32
    "tpu.region"() ({
      %run_scoped3A_29 = tpu.sem_alloc : memref<!tpu.dma_semaphore, #tpu.memory_space<semaphore_mem>>
      %dma_start3A_30 = arith.constant 0 : i32
      %dma_start3A_31 = tpu.memref_slice %arg6[%arg0, %mul3A_28, %dma_start3A_30] : memref<2x10240x64xf32, #tpu.memory_space<hbm>> -> memref<1x640x64xf32, #tpu.memory_space<hbm>>
      %dma_start3A_32 = tpu.memref_squeeze %dma_start3A_31 : memref<1x640x64xf32, #tpu.memory_space<hbm>> -> memref<640x64xf32, #tpu.memory_space<hbm>>
      %dma_start3A_33 = arith.constant 0 : i32
      %dma_start3A_34 = tpu.memref_slice %arg11[%mul3A_26, %dma_start3A_33] : memref<10240x64xf32, #tpu.memory_space<vmem_shared>> -> memref<640x64xf32, #tpu.memory_space<vmem_shared>>
      tpu.enqueue_dma source(%dma_start3A_34 : memref<640x64xf32, #tpu.memory_space<vmem_shared>>) target(%dma_start3A_32 : memref<640x64xf32, #tpu.memory_space<hbm>>) target_semaphore(%run_scoped3A_29 : memref<!tpu.dma_semaphore, #tpu.memory_space<semaphore_mem>>)
      %dma_wait3A_35 = arith.constant 0 : i32
      %dma_wait3A_36 = tpu.memref_slice %arg6[%arg0, %mul3A_28, %dma_wait3A_35] : memref<2x10240x64xf32, #tpu.memory_space<hbm>> -> memref<1x640x64xf32, #tpu.memory_space<hbm>>
      %dma_wait3A_37 = tpu.memref_squeeze %dma_wait3A_36 : memref<1x640x64xf32, #tpu.memory_space<hbm>> -> memref<640x64xf32, #tpu.memory_space<hbm>>
      %dma_wait3A_38 = arith.constant 0 : i32
      %dma_wait3A_39 = tpu.memref_slice %arg11[%mul3A_26, %dma_wait3A_38] : memref<10240x64xf32, #tpu.memory_space<vmem_shared>> -> memref<640x64xf32, #tpu.memory_space<vmem_shared>>
      tpu.wait_dma2 semaphore(%run_scoped3A_29 : memref<!tpu.dma_semaphore, #tpu.memory_space<semaphore_mem>>) src(%dma_wait3A_39 : memref<640x64xf32, #tpu.memory_space<vmem_shared>>) dst(%dma_wait3A_37 : memref<640x64xf32, #tpu.memory_space<hbm>>)
      tpu.yield
    }) : () -> ()
    return
  }
}

#map = affine_map<(d0, d1) -> (0, 0)>
#map1 = affine_map<(d0, d1) -> (0, 0, 0)>
module attributes {stable_mosaic.version = 14 : i64} {
  func.func @_sc_scatter64(%arg0: i32, %arg1: i32, %arg2: memref<10240x64xf32, #tpu.memory_space<hbm>>, %arg3: memref<32x79x128xi32, #tpu.memory_space<hbm>>, %arg4: memref<32x79x128xi32, #tpu.memory_space<hbm>>, %arg5: memref<640x64xf32, #tpu.memory_space<hbm>>, %arg6: memref<2x10240x64xf32, #tpu.memory_space<hbm>>, %arg7: memref<79x128xi32, #tpu.memory_space<vmem>>, %arg8: memref<79x128xi32, #tpu.memory_space<vmem>>, %arg9: memref<128x64xf32, #tpu.memory_space<vmem>>, %arg10: memref<128x64xf32, #tpu.memory_space<vmem>>, %arg11: memref<10240x64xf32, #tpu.memory_space<vmem_shared>>, %arg12: memref<10240x64xf32, #tpu.memory_space<vmem_shared>>, %arg13: memref<!tpu.dma_semaphore, #tpu.memory_space<semaphore_mem>>, %arg14: memref<!tpu.dma_semaphore, #tpu.memory_space<semaphore_mem>>) attributes {dimension_semantics = [#tpu.dimension_semantics<core_parallel>, #tpu.dimension_semantics<subcore_parallel>], iteration_bounds = array<i64: 2, 16>, scalar_prefetch = 0 : i64, scratch_operands = 8 : i64, tpu.core_type = #tpu.core_type<sc_vector_subcore>, window_params = [{transform_indices = #map}, {transform_indices = #map1}, {transform_indices = #map1}, {transform_indices = #map}, {transform_indices = #map1}]} {
    %mul3A = arith.constant 16 : i32
    %mul3A_0 = arith.muli %arg0, %mul3A : i32
    %add3A = arith.addi %mul3A_0, %arg1 : i32
    "tpu.region"() ({
      %run_scoped3A_29 = tpu.sem_alloc : memref<!tpu.dma_semaphore, #tpu.memory_space<semaphore_mem>>
      %dma_start3A_30 = arith.constant 0 : i32
      %dma_start3A_31 = arith.constant 0 : i32
      %dma_start3A_32 = tpu.memref_slice %arg3[%add3A, %dma_start3A_30, %dma_start3A_31] : memref<32x79x128xi32, #tpu.memory_space<hbm>> -> memref<1x79x128xi32, #tpu.memory_space<hbm>>
      %dma_start3A_33 = tpu.memref_squeeze %dma_start3A_32 : memref<1x79x128xi32, #tpu.memory_space<hbm>> -> memref<79x128xi32, #tpu.memory_space<hbm>>
      %dma_start3A_34 = arith.constant 0 : i32
      %dma_start3A_35 = arith.constant 0 : i32
      %dma_start3A_36 = tpu.memref_slice %arg3[%add3A, %dma_start3A_34, %dma_start3A_35] : memref<32x79x128xi32, #tpu.memory_space<hbm>> -> memref<1x79x128xi32, #tpu.memory_space<hbm>>
      %dma_start3A_37 = tpu.memref_squeeze %dma_start3A_36 : memref<1x79x128xi32, #tpu.memory_space<hbm>> -> memref<79x128xi32, #tpu.memory_space<hbm>>
      tpu.enqueue_dma source(%dma_start3A_37 : memref<79x128xi32, #tpu.memory_space<hbm>>) target(%arg7 : memref<79x128xi32, #tpu.memory_space<vmem>>) target_semaphore(%run_scoped3A_29 : memref<!tpu.dma_semaphore, #tpu.memory_space<semaphore_mem>>)
      %dma_wait3A_38 = arith.constant 0 : i32
      %dma_wait3A_39 = arith.constant 0 : i32
      %dma_wait3A_40 = tpu.memref_slice %arg3[%add3A, %dma_wait3A_38, %dma_wait3A_39] : memref<32x79x128xi32, #tpu.memory_space<hbm>> -> memref<1x79x128xi32, #tpu.memory_space<hbm>>
      %dma_wait3A_41 = tpu.memref_squeeze %dma_wait3A_40 : memref<1x79x128xi32, #tpu.memory_space<hbm>> -> memref<79x128xi32, #tpu.memory_space<hbm>>
      %dma_wait3A_42 = arith.constant 0 : i32
      %dma_wait3A_43 = arith.constant 0 : i32
      %dma_wait3A_44 = tpu.memref_slice %arg3[%add3A, %dma_wait3A_42, %dma_wait3A_43] : memref<32x79x128xi32, #tpu.memory_space<hbm>> -> memref<1x79x128xi32, #tpu.memory_space<hbm>>
      %dma_wait3A_45 = tpu.memref_squeeze %dma_wait3A_44 : memref<1x79x128xi32, #tpu.memory_space<hbm>> -> memref<79x128xi32, #tpu.memory_space<hbm>>
      tpu.wait_dma2 semaphore(%run_scoped3A_29 : memref<!tpu.dma_semaphore, #tpu.memory_space<semaphore_mem>>) src(%dma_wait3A_45 : memref<79x128xi32, #tpu.memory_space<hbm>>) dst(%arg7 : memref<79x128xi32, #tpu.memory_space<vmem>>)
      tpu.yield
    }) : () -> ()
    "tpu.region"() ({
      %run_scoped3A_29 = tpu.sem_alloc : memref<!tpu.dma_semaphore, #tpu.memory_space<semaphore_mem>>
      %dma_start3A_30 = arith.constant 0 : i32
      %dma_start3A_31 = arith.constant 0 : i32
      %dma_start3A_32 = tpu.memref_slice %arg4[%add3A, %dma_start3A_30, %dma_start3A_31] : memref<32x79x128xi32, #tpu.memory_space<hbm>> -> memref<1x79x128xi32, #tpu.memory_space<hbm>>
      %dma_start3A_33 = tpu.memref_squeeze %dma_start3A_32 : memref<1x79x128xi32, #tpu.memory_space<hbm>> -> memref<79x128xi32, #tpu.memory_space<hbm>>
      %dma_start3A_34 = arith.constant 0 : i32
      %dma_start3A_35 = arith.constant 0 : i32
      %dma_start3A_36 = tpu.memref_slice %arg4[%add3A, %dma_start3A_34, %dma_start3A_35] : memref<32x79x128xi32, #tpu.memory_space<hbm>> -> memref<1x79x128xi32, #tpu.memory_space<hbm>>
      %dma_start3A_37 = tpu.memref_squeeze %dma_start3A_36 : memref<1x79x128xi32, #tpu.memory_space<hbm>> -> memref<79x128xi32, #tpu.memory_space<hbm>>
      tpu.enqueue_dma source(%dma_start3A_37 : memref<79x128xi32, #tpu.memory_space<hbm>>) target(%arg8 : memref<79x128xi32, #tpu.memory_space<vmem>>) target_semaphore(%run_scoped3A_29 : memref<!tpu.dma_semaphore, #tpu.memory_space<semaphore_mem>>)
      %dma_wait3A_38 = arith.constant 0 : i32
      %dma_wait3A_39 = arith.constant 0 : i32
      %dma_wait3A_40 = tpu.memref_slice %arg4[%add3A, %dma_wait3A_38, %dma_wait3A_39] : memref<32x79x128xi32, #tpu.memory_space<hbm>> -> memref<1x79x128xi32, #tpu.memory_space<hbm>>
      %dma_wait3A_41 = tpu.memref_squeeze %dma_wait3A_40 : memref<1x79x128xi32, #tpu.memory_space<hbm>> -> memref<79x128xi32, #tpu.memory_space<hbm>>
      %dma_wait3A_42 = arith.constant 0 : i32
      %dma_wait3A_43 = arith.constant 0 : i32
      %dma_wait3A_44 = tpu.memref_slice %arg4[%add3A, %dma_wait3A_42, %dma_wait3A_43] : memref<32x79x128xi32, #tpu.memory_space<hbm>> -> memref<1x79x128xi32, #tpu.memory_space<hbm>>
      %dma_wait3A_45 = tpu.memref_squeeze %dma_wait3A_44 : memref<1x79x128xi32, #tpu.memory_space<hbm>> -> memref<79x128xi32, #tpu.memory_space<hbm>>
      tpu.wait_dma2 semaphore(%run_scoped3A_29 : memref<!tpu.dma_semaphore, #tpu.memory_space<semaphore_mem>>) src(%dma_wait3A_45 : memref<79x128xi32, #tpu.memory_space<hbm>>) dst(%arg8 : memref<79x128xi32, #tpu.memory_space<vmem>>)
      tpu.yield
    }) : () -> ()
    %mul3A_1 = arith.constant 640 : i32
    %mul3A_2 = arith.muli %arg1, %mul3A_1 : i32
    "tpu.region"() ({
      %run_scoped3A_29 = tpu.sem_alloc : memref<!tpu.dma_semaphore, #tpu.memory_space<semaphore_mem>>
      %dma_start3A_30 = arith.constant 0 : i32
      %dma_start3A_31 = tpu.memref_slice %arg11[%mul3A_2, %dma_start3A_30] : memref<10240x64xf32, #tpu.memory_space<vmem_shared>> -> memref<640x64xf32, #tpu.memory_space<vmem_shared>>
      tpu.enqueue_dma source(%arg5 : memref<640x64xf32, #tpu.memory_space<hbm>>) target(%dma_start3A_31 : memref<640x64xf32, #tpu.memory_space<vmem_shared>>) target_semaphore(%run_scoped3A_29 : memref<!tpu.dma_semaphore, #tpu.memory_space<semaphore_mem>>)
      %dma_wait3A_32 = arith.constant 0 : i32
      %dma_wait3A_33 = tpu.memref_slice %arg11[%mul3A_2, %dma_wait3A_32] : memref<10240x64xf32, #tpu.memory_space<vmem_shared>> -> memref<640x64xf32, #tpu.memory_space<vmem_shared>>
      tpu.wait_dma2 semaphore(%run_scoped3A_29 : memref<!tpu.dma_semaphore, #tpu.memory_space<semaphore_mem>>) src(%arg5 : memref<640x64xf32, #tpu.memory_space<hbm>>) dst(%dma_wait3A_33 : memref<640x64xf32, #tpu.memory_space<vmem_shared>>)
      tpu.yield
    }) : () -> ()
    %mul3A_3 = arith.constant 640 : i32
    %mul3A_4 = arith.muli %arg1, %mul3A_3 : i32
    %mul3A_5 = arith.constant 640 : i32
    %mul3A_6 = arith.muli %arg1, %mul3A_5 : i32
    "tpu.region"() ({
      %run_scoped3A_29 = tpu.sem_alloc : memref<!tpu.dma_semaphore, #tpu.memory_space<semaphore_mem>>
      %dma_start3A_30 = arith.constant 0 : i32
      %dma_start3A_31 = tpu.memref_slice %arg12[%mul3A_6, %dma_start3A_30] : memref<10240x64xf32, #tpu.memory_space<vmem_shared>> -> memref<640x64xf32, #tpu.memory_space<vmem_shared>>
      %dma_start3A_32 = arith.constant 0 : i32
      %dma_start3A_33 = tpu.memref_slice %arg2[%mul3A_4, %dma_start3A_32] : memref<10240x64xf32, #tpu.memory_space<hbm>> -> memref<640x64xf32, #tpu.memory_space<hbm>>
      tpu.enqueue_dma source(%dma_start3A_33 : memref<640x64xf32, #tpu.memory_space<hbm>>) target(%dma_start3A_31 : memref<640x64xf32, #tpu.memory_space<vmem_shared>>) target_semaphore(%run_scoped3A_29 : memref<!tpu.dma_semaphore, #tpu.memory_space<semaphore_mem>>)
      %dma_wait3A_34 = arith.constant 0 : i32
      %dma_wait3A_35 = tpu.memref_slice %arg12[%mul3A_6, %dma_wait3A_34] : memref<10240x64xf32, #tpu.memory_space<vmem_shared>> -> memref<640x64xf32, #tpu.memory_space<vmem_shared>>
      %dma_wait3A_36 = arith.constant 0 : i32
      %dma_wait3A_37 = tpu.memref_slice %arg2[%mul3A_4, %dma_wait3A_36] : memref<10240x64xf32, #tpu.memory_space<hbm>> -> memref<640x64xf32, #tpu.memory_space<hbm>>
      tpu.wait_dma2 semaphore(%run_scoped3A_29 : memref<!tpu.dma_semaphore, #tpu.memory_space<semaphore_mem>>) src(%dma_wait3A_37 : memref<640x64xf32, #tpu.memory_space<hbm>>) dst(%dma_wait3A_35 : memref<640x64xf32, #tpu.memory_space<vmem_shared>>)
      tpu.yield
    }) : () -> ()
    %barrier3A = arith.constant 0 : index
    tpu.barrier barrier_id(%barrier3A)
    %dma_start3A = arith.constant 0 : i32
    %dma_start3A_7 = arith.constant 0 : i32
    %dma_start3A_8 = tpu.memref_slice %arg7[%dma_start3A, %dma_start3A_7] : memref<79x128xi32, #tpu.memory_space<vmem>> -> memref<1x128xi32, #tpu.memory_space<vmem>>
    %dma_start3A_9 = tpu.memref_squeeze %dma_start3A_8 : memref<1x128xi32, #tpu.memory_space<vmem>> -> memref<128xi32, #tpu.memory_space<vmem>>
    %dma_start3A_10 = arith.constant 0 : i32
    %dma_start3A_11 = arith.constant 0 : i32
    %dma_start3A_12 = tpu.memref_slice %arg12[%dma_start3A_10, %dma_start3A_11] : memref<10240x64xf32, #tpu.memory_space<vmem_shared>> -> memref<10240x64xf32, #tpu.memory_space<vmem_shared>>
    tpu.enqueue_indirect_dma source(%dma_start3A_12 : memref<10240x64xf32, #tpu.memory_space<vmem_shared>>) target(%arg9 : memref<128x64xf32, #tpu.memory_space<vmem>>) offsets(%dma_start3A_9 : memref<128xi32, #tpu.memory_space<vmem>>) semaphore(%arg13 : memref<!tpu.dma_semaphore, #tpu.memory_space<semaphore_mem>>)
    %scan3A = arith.constant 0 : i32
    %scan3A_13 = arith.constant 0 : i32
    %scan3A_14 = arith.constant 39 : i32
    %scan3A_15 = arith.addi %scan3A_13, %scan3A_14 : i32
    %scan3A_16 = arith.constant 1 : i32
    scf.for %scan3A_29 = %scan3A_13 to %scan3A_15 step %scan3A_16  : i32 {
      %mul3A_30 = arith.constant 2 : i32
      %mul3A_31 = arith.muli %mul3A_30, %scan3A_29 : i32
      %add3A_32 = arith.constant 1 : i32
      %add3A_33 = arith.addi %mul3A_31, %add3A_32 : i32
      %dma_wait3A_34 = arith.constant 0 : i32
      %dma_wait3A_35 = tpu.memref_slice %arg7[%mul3A_31, %dma_wait3A_34] : memref<79x128xi32, #tpu.memory_space<vmem>> -> memref<1x128xi32, #tpu.memory_space<vmem>>
      %dma_wait3A_36 = tpu.memref_squeeze %dma_wait3A_35 : memref<1x128xi32, #tpu.memory_space<vmem>> -> memref<128xi32, #tpu.memory_space<vmem>>
      %dma_wait3A_37 = arith.constant 0 : i32
      %dma_wait3A_38 = arith.constant 0 : i32
      %dma_wait3A_39 = tpu.memref_slice %arg12[%dma_wait3A_37, %dma_wait3A_38] : memref<10240x64xf32, #tpu.memory_space<vmem_shared>> -> memref<10240x64xf32, #tpu.memory_space<vmem_shared>>
      tpu.wait_indirect_dma semaphore(%arg13 : memref<!tpu.dma_semaphore, #tpu.memory_space<semaphore_mem>>) src(%dma_wait3A_39 : memref<10240x64xf32, #tpu.memory_space<vmem_shared>>) dst(%arg9 : memref<128x64xf32, #tpu.memory_space<vmem>>)
      %dma_start3A_40 = arith.constant 0 : i32
      %dma_start3A_41 = tpu.memref_slice %arg7[%add3A_33, %dma_start3A_40] : memref<79x128xi32, #tpu.memory_space<vmem>> -> memref<1x128xi32, #tpu.memory_space<vmem>>
      %dma_start3A_42 = tpu.memref_squeeze %dma_start3A_41 : memref<1x128xi32, #tpu.memory_space<vmem>> -> memref<128xi32, #tpu.memory_space<vmem>>
      %dma_start3A_43 = arith.constant 0 : i32
      %dma_start3A_44 = arith.constant 0 : i32
      %dma_start3A_45 = tpu.memref_slice %arg12[%dma_start3A_43, %dma_start3A_44] : memref<10240x64xf32, #tpu.memory_space<vmem_shared>> -> memref<10240x64xf32, #tpu.memory_space<vmem_shared>>
      tpu.enqueue_indirect_dma source(%dma_start3A_45 : memref<10240x64xf32, #tpu.memory_space<vmem_shared>>) target(%arg10 : memref<128x64xf32, #tpu.memory_space<vmem>>) offsets(%dma_start3A_42 : memref<128xi32, #tpu.memory_space<vmem>>) semaphore(%arg14 : memref<!tpu.dma_semaphore, #tpu.memory_space<semaphore_mem>>)
      "tpu.region"() ({
        %run_scoped3A_60 = tpu.sem_alloc : memref<!tpu.dma_semaphore, #tpu.memory_space<semaphore_mem>>
        %dma_start3A_61 = arith.constant 0 : i32
        %dma_start3A_62 = tpu.memref_slice %arg8[%mul3A_31, %dma_start3A_61] : memref<79x128xi32, #tpu.memory_space<vmem>> -> memref<1x128xi32, #tpu.memory_space<vmem>>
        %dma_start3A_63 = tpu.memref_squeeze %dma_start3A_62 : memref<1x128xi32, #tpu.memory_space<vmem>> -> memref<128xi32, #tpu.memory_space<vmem>>
        %dma_start3A_64 = arith.constant 0 : i32
        %dma_start3A_65 = arith.constant 0 : i32
        %dma_start3A_66 = tpu.memref_slice %arg11[%dma_start3A_64, %dma_start3A_65] : memref<10240x64xf32, #tpu.memory_space<vmem_shared>> -> memref<10240x64xf32, #tpu.memory_space<vmem_shared>>
        tpu.enqueue_indirect_dma source(%arg9 : memref<128x64xf32, #tpu.memory_space<vmem>>) target(%dma_start3A_66 : memref<10240x64xf32, #tpu.memory_space<vmem_shared>>) offsets(%dma_start3A_63 : memref<128xi32, #tpu.memory_space<vmem>>) semaphore(%run_scoped3A_60 : memref<!tpu.dma_semaphore, #tpu.memory_space<semaphore_mem>>) {add = true}
        %dma_wait3A_67 = arith.constant 0 : i32
        %dma_wait3A_68 = tpu.memref_slice %arg8[%mul3A_31, %dma_wait3A_67] : memref<79x128xi32, #tpu.memory_space<vmem>> -> memref<1x128xi32, #tpu.memory_space<vmem>>
        %dma_wait3A_69 = tpu.memref_squeeze %dma_wait3A_68 : memref<1x128xi32, #tpu.memory_space<vmem>> -> memref<128xi32, #tpu.memory_space<vmem>>
        %dma_wait3A_70 = arith.constant 0 : i32
        %dma_wait3A_71 = arith.constant 0 : i32
        %dma_wait3A_72 = tpu.memref_slice %arg11[%dma_wait3A_70, %dma_wait3A_71] : memref<10240x64xf32, #tpu.memory_space<vmem_shared>> -> memref<10240x64xf32, #tpu.memory_space<vmem_shared>>
        tpu.wait_indirect_dma semaphore(%run_scoped3A_60 : memref<!tpu.dma_semaphore, #tpu.memory_space<semaphore_mem>>) src(%arg9 : memref<128x64xf32, #tpu.memory_space<vmem>>) dst(%dma_wait3A_72 : memref<10240x64xf32, #tpu.memory_space<vmem_shared>>)
        tpu.yield
      }) : () -> ()
      %dma_wait3A_46 = arith.constant 0 : i32
      %dma_wait3A_47 = tpu.memref_slice %arg7[%add3A_33, %dma_wait3A_46] : memref<79x128xi32, #tpu.memory_space<vmem>> -> memref<1x128xi32, #tpu.memory_space<vmem>>
      %dma_wait3A_48 = tpu.memref_squeeze %dma_wait3A_47 : memref<1x128xi32, #tpu.memory_space<vmem>> -> memref<128xi32, #tpu.memory_space<vmem>>
      %dma_wait3A_49 = arith.constant 0 : i32
      %dma_wait3A_50 = arith.constant 0 : i32
      %dma_wait3A_51 = tpu.memref_slice %arg12[%dma_wait3A_49, %dma_wait3A_50] : memref<10240x64xf32, #tpu.memory_space<vmem_shared>> -> memref<10240x64xf32, #tpu.memory_space<vmem_shared>>
      tpu.wait_indirect_dma semaphore(%arg14 : memref<!tpu.dma_semaphore, #tpu.memory_space<semaphore_mem>>) src(%dma_wait3A_51 : memref<10240x64xf32, #tpu.memory_space<vmem_shared>>) dst(%arg10 : memref<128x64xf32, #tpu.memory_space<vmem>>)
      %add3A_52 = arith.constant 2 : i32
      %add3A_53 = arith.addi %mul3A_31, %add3A_52 : i32
      %dma_start3A_54 = arith.constant 0 : i32
      %dma_start3A_55 = tpu.memref_slice %arg7[%add3A_53, %dma_start3A_54] : memref<79x128xi32, #tpu.memory_space<vmem>> -> memref<1x128xi32, #tpu.memory_space<vmem>>
      %dma_start3A_56 = tpu.memref_squeeze %dma_start3A_55 : memref<1x128xi32, #tpu.memory_space<vmem>> -> memref<128xi32, #tpu.memory_space<vmem>>
      %dma_start3A_57 = arith.constant 0 : i32
      %dma_start3A_58 = arith.constant 0 : i32
      %dma_start3A_59 = tpu.memref_slice %arg12[%dma_start3A_57, %dma_start3A_58] : memref<10240x64xf32, #tpu.memory_space<vmem_shared>> -> memref<10240x64xf32, #tpu.memory_space<vmem_shared>>
      tpu.enqueue_indirect_dma source(%dma_start3A_59 : memref<10240x64xf32, #tpu.memory_space<vmem_shared>>) target(%arg9 : memref<128x64xf32, #tpu.memory_space<vmem>>) offsets(%dma_start3A_56 : memref<128xi32, #tpu.memory_space<vmem>>) semaphore(%arg13 : memref<!tpu.dma_semaphore, #tpu.memory_space<semaphore_mem>>)
      "tpu.region"() ({
        %run_scoped3A_60 = tpu.sem_alloc : memref<!tpu.dma_semaphore, #tpu.memory_space<semaphore_mem>>
        %dma_start3A_61 = arith.constant 0 : i32
        %dma_start3A_62 = tpu.memref_slice %arg8[%add3A_33, %dma_start3A_61] : memref<79x128xi32, #tpu.memory_space<vmem>> -> memref<1x128xi32, #tpu.memory_space<vmem>>
        %dma_start3A_63 = tpu.memref_squeeze %dma_start3A_62 : memref<1x128xi32, #tpu.memory_space<vmem>> -> memref<128xi32, #tpu.memory_space<vmem>>
        %dma_start3A_64 = arith.constant 0 : i32
        %dma_start3A_65 = arith.constant 0 : i32
        %dma_start3A_66 = tpu.memref_slice %arg11[%dma_start3A_64, %dma_start3A_65] : memref<10240x64xf32, #tpu.memory_space<vmem_shared>> -> memref<10240x64xf32, #tpu.memory_space<vmem_shared>>
        tpu.enqueue_indirect_dma source(%arg10 : memref<128x64xf32, #tpu.memory_space<vmem>>) target(%dma_start3A_66 : memref<10240x64xf32, #tpu.memory_space<vmem_shared>>) offsets(%dma_start3A_63 : memref<128xi32, #tpu.memory_space<vmem>>) semaphore(%run_scoped3A_60 : memref<!tpu.dma_semaphore, #tpu.memory_space<semaphore_mem>>) {add = true}
        %dma_wait3A_67 = arith.constant 0 : i32
        %dma_wait3A_68 = tpu.memref_slice %arg8[%add3A_33, %dma_wait3A_67] : memref<79x128xi32, #tpu.memory_space<vmem>> -> memref<1x128xi32, #tpu.memory_space<vmem>>
        %dma_wait3A_69 = tpu.memref_squeeze %dma_wait3A_68 : memref<1x128xi32, #tpu.memory_space<vmem>> -> memref<128xi32, #tpu.memory_space<vmem>>
        %dma_wait3A_70 = arith.constant 0 : i32
        %dma_wait3A_71 = arith.constant 0 : i32
        %dma_wait3A_72 = tpu.memref_slice %arg11[%dma_wait3A_70, %dma_wait3A_71] : memref<10240x64xf32, #tpu.memory_space<vmem_shared>> -> memref<10240x64xf32, #tpu.memory_space<vmem_shared>>
        tpu.wait_indirect_dma semaphore(%run_scoped3A_60 : memref<!tpu.dma_semaphore, #tpu.memory_space<semaphore_mem>>) src(%arg10 : memref<128x64xf32, #tpu.memory_space<vmem>>) dst(%dma_wait3A_72 : memref<10240x64xf32, #tpu.memory_space<vmem_shared>>)
        tpu.yield
      }) : () -> ()
    }
    %scan3A_17 = arith.constant 39 : i32
    %dma_wait3A = arith.constant 78 : i32
    %dma_wait3A_18 = arith.constant 0 : i32
    %dma_wait3A_19 = tpu.memref_slice %arg7[%dma_wait3A, %dma_wait3A_18] : memref<79x128xi32, #tpu.memory_space<vmem>> -> memref<1x128xi32, #tpu.memory_space<vmem>>
    %dma_wait3A_20 = tpu.memref_squeeze %dma_wait3A_19 : memref<1x128xi32, #tpu.memory_space<vmem>> -> memref<128xi32, #tpu.memory_space<vmem>>
    %dma_wait3A_21 = arith.constant 0 : i32
    %dma_wait3A_22 = arith.constant 0 : i32
    %dma_wait3A_23 = tpu.memref_slice %arg12[%dma_wait3A_21, %dma_wait3A_22] : memref<10240x64xf32, #tpu.memory_space<vmem_shared>> -> memref<10240x64xf32, #tpu.memory_space<vmem_shared>>
    tpu.wait_indirect_dma semaphore(%arg13 : memref<!tpu.dma_semaphore, #tpu.memory_space<semaphore_mem>>) src(%dma_wait3A_23 : memref<10240x64xf32, #tpu.memory_space<vmem_shared>>) dst(%arg9 : memref<128x64xf32, #tpu.memory_space<vmem>>)
    %run_scoped3A = arith.constant 78 : i32
    "tpu.region"() ({
      %run_scoped3A_29 = tpu.sem_alloc : memref<!tpu.dma_semaphore, #tpu.memory_space<semaphore_mem>>
      %dma_start3A_30 = arith.constant 0 : i32
      %dma_start3A_31 = tpu.memref_slice %arg8[%run_scoped3A, %dma_start3A_30] : memref<79x128xi32, #tpu.memory_space<vmem>> -> memref<1x128xi32, #tpu.memory_space<vmem>>
      %dma_start3A_32 = tpu.memref_squeeze %dma_start3A_31 : memref<1x128xi32, #tpu.memory_space<vmem>> -> memref<128xi32, #tpu.memory_space<vmem>>
      %dma_start3A_33 = arith.constant 0 : i32
      %dma_start3A_34 = arith.constant 0 : i32
      %dma_start3A_35 = tpu.memref_slice %arg11[%dma_start3A_33, %dma_start3A_34] : memref<10240x64xf32, #tpu.memory_space<vmem_shared>> -> memref<10240x64xf32, #tpu.memory_space<vmem_shared>>
      tpu.enqueue_indirect_dma source(%arg9 : memref<128x64xf32, #tpu.memory_space<vmem>>) target(%dma_start3A_35 : memref<10240x64xf32, #tpu.memory_space<vmem_shared>>) offsets(%dma_start3A_32 : memref<128xi32, #tpu.memory_space<vmem>>) semaphore(%run_scoped3A_29 : memref<!tpu.dma_semaphore, #tpu.memory_space<semaphore_mem>>) {add = true}
      %dma_wait3A_36 = arith.constant 0 : i32
      %dma_wait3A_37 = tpu.memref_slice %arg8[%run_scoped3A, %dma_wait3A_36] : memref<79x128xi32, #tpu.memory_space<vmem>> -> memref<1x128xi32, #tpu.memory_space<vmem>>
      %dma_wait3A_38 = tpu.memref_squeeze %dma_wait3A_37 : memref<1x128xi32, #tpu.memory_space<vmem>> -> memref<128xi32, #tpu.memory_space<vmem>>
      %dma_wait3A_39 = arith.constant 0 : i32
      %dma_wait3A_40 = arith.constant 0 : i32
      %dma_wait3A_41 = tpu.memref_slice %arg11[%dma_wait3A_39, %dma_wait3A_40] : memref<10240x64xf32, #tpu.memory_space<vmem_shared>> -> memref<10240x64xf32, #tpu.memory_space<vmem_shared>>
      tpu.wait_indirect_dma semaphore(%run_scoped3A_29 : memref<!tpu.dma_semaphore, #tpu.memory_space<semaphore_mem>>) src(%arg9 : memref<128x64xf32, #tpu.memory_space<vmem>>) dst(%dma_wait3A_41 : memref<10240x64xf32, #tpu.memory_space<vmem_shared>>)
      tpu.yield
    }) : () -> ()
    %barrier3A_24 = arith.constant 0 : index
    tpu.barrier barrier_id(%barrier3A_24)
    %mul3A_25 = arith.constant 640 : i32
    %mul3A_26 = arith.muli %arg1, %mul3A_25 : i32
    %mul3A_27 = arith.constant 640 : i32
    %mul3A_28 = arith.muli %arg1, %mul3A_27 : i32
    "tpu.region"() ({
      %run_scoped3A_29 = tpu.sem_alloc : memref<!tpu.dma_semaphore, #tpu.memory_space<semaphore_mem>>
      %dma_start3A_30 = arith.constant 0 : i32
      %dma_start3A_31 = tpu.memref_slice %arg6[%arg0, %mul3A_28, %dma_start3A_30] : memref<2x10240x64xf32, #tpu.memory_space<hbm>> -> memref<1x640x64xf32, #tpu.memory_space<hbm>>
      %dma_start3A_32 = tpu.memref_squeeze %dma_start3A_31 : memref<1x640x64xf32, #tpu.memory_space<hbm>> -> memref<640x64xf32, #tpu.memory_space<hbm>>
      %dma_start3A_33 = arith.constant 0 : i32
      %dma_start3A_34 = tpu.memref_slice %arg11[%mul3A_26, %dma_start3A_33] : memref<10240x64xf32, #tpu.memory_space<vmem_shared>> -> memref<640x64xf32, #tpu.memory_space<vmem_shared>>
      tpu.enqueue_dma source(%dma_start3A_34 : memref<640x64xf32, #tpu.memory_space<vmem_shared>>) target(%dma_start3A_32 : memref<640x64xf32, #tpu.memory_space<hbm>>) target_semaphore(%run_scoped3A_29 : memref<!tpu.dma_semaphore, #tpu.memory_space<semaphore_mem>>)
      %dma_wait3A_35 = arith.constant 0 : i32
      %dma_wait3A_36 = tpu.memref_slice %arg6[%arg0, %mul3A_28, %dma_wait3A_35] : memref<2x10240x64xf32, #tpu.memory_space<hbm>> -> memref<1x640x64xf32, #tpu.memory_space<hbm>>
      %dma_wait3A_37 = tpu.memref_squeeze %dma_wait3A_36 : memref<1x640x64xf32, #tpu.memory_space<hbm>> -> memref<640x64xf32, #tpu.memory_space<hbm>>
      %dma_wait3A_38 = arith.constant 0 : i32
      %dma_wait3A_39 = tpu.memref_slice %arg11[%mul3A_26, %dma_wait3A_38] : memref<10240x64xf32, #tpu.memory_space<vmem_shared>> -> memref<640x64xf32, #tpu.memory_space<vmem_shared>>
      tpu.wait_dma2 semaphore(%run_scoped3A_29 : memref<!tpu.dma_semaphore, #tpu.memory_space<semaphore_mem>>) src(%dma_wait3A_39 : memref<640x64xf32, #tpu.memory_space<vmem_shared>>) dst(%dma_wait3A_37 : memref<640x64xf32, #tpu.memory_space<hbm>>)
      tpu.yield
    }) : () -> ()
    return
  }
}

#map = affine_map<(d0, d1) -> (0, 0)>
#map1 = affine_map<(d0, d1) -> (0, 0, 0)>
module attributes {stable_mosaic.version = 14 : i64} {
  func.func @_sc_score(%arg0: i32, %arg1: i32, %arg2: memref<10240x64xf32, #tpu.memory_space<hbm>>, %arg3: memref<32x79x128xi32, #tpu.memory_space<hbm>>, %arg4: memref<32x79x128xi32, #tpu.memory_space<hbm>>, %arg5: memref<32x79x128xf32, #tpu.memory_space<hbm>>, %arg6: memref<79x128xi32, #tpu.memory_space<vmem>>, %arg7: memref<79x128xi32, #tpu.memory_space<vmem>>, %arg8: memref<128x64xf32, #tpu.memory_space<vmem>>, %arg9: memref<128x64xf32, #tpu.memory_space<vmem>>, %arg10: memref<128x64xf32, #tpu.memory_space<vmem>>, %arg11: memref<128x64xf32, #tpu.memory_space<vmem>>, %arg12: memref<79x128xf32, #tpu.memory_space<vmem>>, %arg13: memref<16x17xf32, #tpu.memory_space<vmem>>, %arg14: memref<16x17xf32, #tpu.memory_space<vmem>>, %arg15: memref<10240x64xf32, #tpu.memory_space<vmem_shared>>, %arg16: memref<!tpu.dma_semaphore, #tpu.memory_space<semaphore_mem>>, %arg17: memref<!tpu.dma_semaphore, #tpu.memory_space<semaphore_mem>>) attributes {dimension_semantics = [#tpu.dimension_semantics<core_parallel>, #tpu.dimension_semantics<subcore_parallel>], iteration_bounds = array<i64: 2, 16>, scalar_prefetch = 0 : i64, scratch_operands = 12 : i64, tpu.core_type = #tpu.core_type<sc_vector_subcore>, window_params = [{transform_indices = #map}, {transform_indices = #map1}, {transform_indices = #map1}, {transform_indices = #map1}]} {
    %mul3A = arith.constant 16 : i32
    %mul3A_0 = arith.muli %arg0, %mul3A : i32
    %add3A = arith.addi %mul3A_0, %arg1 : i32
    "tpu.region"() ({
      %run_scoped3A = tpu.sem_alloc : memref<!tpu.dma_semaphore, #tpu.memory_space<semaphore_mem>>
      %dma_start3A_42 = arith.constant 0 : i32
      %dma_start3A_43 = arith.constant 0 : i32
      %dma_start3A_44 = tpu.memref_slice %arg3[%add3A, %dma_start3A_42, %dma_start3A_43] : memref<32x79x128xi32, #tpu.memory_space<hbm>> -> memref<1x79x128xi32, #tpu.memory_space<hbm>>
      %dma_start3A_45 = tpu.memref_squeeze %dma_start3A_44 : memref<1x79x128xi32, #tpu.memory_space<hbm>> -> memref<79x128xi32, #tpu.memory_space<hbm>>
      %dma_start3A_46 = arith.constant 0 : i32
      %dma_start3A_47 = arith.constant 0 : i32
      %dma_start3A_48 = tpu.memref_slice %arg3[%add3A, %dma_start3A_46, %dma_start3A_47] : memref<32x79x128xi32, #tpu.memory_space<hbm>> -> memref<1x79x128xi32, #tpu.memory_space<hbm>>
      %dma_start3A_49 = tpu.memref_squeeze %dma_start3A_48 : memref<1x79x128xi32, #tpu.memory_space<hbm>> -> memref<79x128xi32, #tpu.memory_space<hbm>>
      tpu.enqueue_dma source(%dma_start3A_49 : memref<79x128xi32, #tpu.memory_space<hbm>>) target(%arg6 : memref<79x128xi32, #tpu.memory_space<vmem>>) target_semaphore(%run_scoped3A : memref<!tpu.dma_semaphore, #tpu.memory_space<semaphore_mem>>)
      %dma_wait3A_50 = arith.constant 0 : i32
      %dma_wait3A_51 = arith.constant 0 : i32
      %dma_wait3A_52 = tpu.memref_slice %arg3[%add3A, %dma_wait3A_50, %dma_wait3A_51] : memref<32x79x128xi32, #tpu.memory_space<hbm>> -> memref<1x79x128xi32, #tpu.memory_space<hbm>>
      %dma_wait3A_53 = tpu.memref_squeeze %dma_wait3A_52 : memref<1x79x128xi32, #tpu.memory_space<hbm>> -> memref<79x128xi32, #tpu.memory_space<hbm>>
      %dma_wait3A_54 = arith.constant 0 : i32
      %dma_wait3A_55 = arith.constant 0 : i32
      %dma_wait3A_56 = tpu.memref_slice %arg3[%add3A, %dma_wait3A_54, %dma_wait3A_55] : memref<32x79x128xi32, #tpu.memory_space<hbm>> -> memref<1x79x128xi32, #tpu.memory_space<hbm>>
      %dma_wait3A_57 = tpu.memref_squeeze %dma_wait3A_56 : memref<1x79x128xi32, #tpu.memory_space<hbm>> -> memref<79x128xi32, #tpu.memory_space<hbm>>
      tpu.wait_dma2 semaphore(%run_scoped3A : memref<!tpu.dma_semaphore, #tpu.memory_space<semaphore_mem>>) src(%dma_wait3A_57 : memref<79x128xi32, #tpu.memory_space<hbm>>) dst(%arg6 : memref<79x128xi32, #tpu.memory_space<vmem>>)
      tpu.yield
    }) : () -> ()
    "tpu.region"() ({
      %run_scoped3A = tpu.sem_alloc : memref<!tpu.dma_semaphore, #tpu.memory_space<semaphore_mem>>
      %dma_start3A_42 = arith.constant 0 : i32
      %dma_start3A_43 = arith.constant 0 : i32
      %dma_start3A_44 = tpu.memref_slice %arg4[%add3A, %dma_start3A_42, %dma_start3A_43] : memref<32x79x128xi32, #tpu.memory_space<hbm>> -> memref<1x79x128xi32, #tpu.memory_space<hbm>>
      %dma_start3A_45 = tpu.memref_squeeze %dma_start3A_44 : memref<1x79x128xi32, #tpu.memory_space<hbm>> -> memref<79x128xi32, #tpu.memory_space<hbm>>
      %dma_start3A_46 = arith.constant 0 : i32
      %dma_start3A_47 = arith.constant 0 : i32
      %dma_start3A_48 = tpu.memref_slice %arg4[%add3A, %dma_start3A_46, %dma_start3A_47] : memref<32x79x128xi32, #tpu.memory_space<hbm>> -> memref<1x79x128xi32, #tpu.memory_space<hbm>>
      %dma_start3A_49 = tpu.memref_squeeze %dma_start3A_48 : memref<1x79x128xi32, #tpu.memory_space<hbm>> -> memref<79x128xi32, #tpu.memory_space<hbm>>
      tpu.enqueue_dma source(%dma_start3A_49 : memref<79x128xi32, #tpu.memory_space<hbm>>) target(%arg7 : memref<79x128xi32, #tpu.memory_space<vmem>>) target_semaphore(%run_scoped3A : memref<!tpu.dma_semaphore, #tpu.memory_space<semaphore_mem>>)
      %dma_wait3A_50 = arith.constant 0 : i32
      %dma_wait3A_51 = arith.constant 0 : i32
      %dma_wait3A_52 = tpu.memref_slice %arg4[%add3A, %dma_wait3A_50, %dma_wait3A_51] : memref<32x79x128xi32, #tpu.memory_space<hbm>> -> memref<1x79x128xi32, #tpu.memory_space<hbm>>
      %dma_wait3A_53 = tpu.memref_squeeze %dma_wait3A_52 : memref<1x79x128xi32, #tpu.memory_space<hbm>> -> memref<79x128xi32, #tpu.memory_space<hbm>>
      %dma_wait3A_54 = arith.constant 0 : i32
      %dma_wait3A_55 = arith.constant 0 : i32
      %dma_wait3A_56 = tpu.memref_slice %arg4[%add3A, %dma_wait3A_54, %dma_wait3A_55] : memref<32x79x128xi32, #tpu.memory_space<hbm>> -> memref<1x79x128xi32, #tpu.memory_space<hbm>>
      %dma_wait3A_57 = tpu.memref_squeeze %dma_wait3A_56 : memref<1x79x128xi32, #tpu.memory_space<hbm>> -> memref<79x128xi32, #tpu.memory_space<hbm>>
      tpu.wait_dma2 semaphore(%run_scoped3A : memref<!tpu.dma_semaphore, #tpu.memory_space<semaphore_mem>>) src(%dma_wait3A_57 : memref<79x128xi32, #tpu.memory_space<hbm>>) dst(%arg7 : memref<79x128xi32, #tpu.memory_space<vmem>>)
      tpu.yield
    }) : () -> ()
    %mul3A_1 = arith.constant 640 : i32
    %mul3A_2 = arith.muli %arg1, %mul3A_1 : i32
    %mul3A_3 = arith.constant 640 : i32
    %mul3A_4 = arith.muli %arg1, %mul3A_3 : i32
    "tpu.region"() ({
      %run_scoped3A = tpu.sem_alloc : memref<!tpu.dma_semaphore, #tpu.memory_space<semaphore_mem>>
      %dma_start3A_42 = arith.constant 0 : i32
      %dma_start3A_43 = tpu.memref_slice %arg15[%mul3A_4, %dma_start3A_42] : memref<10240x64xf32, #tpu.memory_space<vmem_shared>> -> memref<640x64xf32, #tpu.memory_space<vmem_shared>>
      %dma_start3A_44 = arith.constant 0 : i32
      %dma_start3A_45 = tpu.memref_slice %arg2[%mul3A_2, %dma_start3A_44] : memref<10240x64xf32, #tpu.memory_space<hbm>> -> memref<640x64xf32, #tpu.memory_space<hbm>>
      tpu.enqueue_dma source(%dma_start3A_45 : memref<640x64xf32, #tpu.memory_space<hbm>>) target(%dma_start3A_43 : memref<640x64xf32, #tpu.memory_space<vmem_shared>>) target_semaphore(%run_scoped3A : memref<!tpu.dma_semaphore, #tpu.memory_space<semaphore_mem>>)
      %dma_wait3A_46 = arith.constant 0 : i32
      %dma_wait3A_47 = tpu.memref_slice %arg15[%mul3A_4, %dma_wait3A_46] : memref<10240x64xf32, #tpu.memory_space<vmem_shared>> -> memref<640x64xf32, #tpu.memory_space<vmem_shared>>
      %dma_wait3A_48 = arith.constant 0 : i32
      %dma_wait3A_49 = tpu.memref_slice %arg2[%mul3A_2, %dma_wait3A_48] : memref<10240x64xf32, #tpu.memory_space<hbm>> -> memref<640x64xf32, #tpu.memory_space<hbm>>
      tpu.wait_dma2 semaphore(%run_scoped3A : memref<!tpu.dma_semaphore, #tpu.memory_space<semaphore_mem>>) src(%dma_wait3A_49 : memref<640x64xf32, #tpu.memory_space<hbm>>) dst(%dma_wait3A_47 : memref<640x64xf32, #tpu.memory_space<vmem_shared>>)
      tpu.yield
    }) : () -> ()
    %barrier3A = arith.constant 0 : index
    tpu.barrier barrier_id(%barrier3A)
    %iota3A = tpu.iota {dimensions = array<i32: 0>} : vector<16xi32>
    %dma_start3A = arith.constant 0 : i32
    %dma_start3A_5 = arith.constant 0 : i32
    %dma_start3A_6 = tpu.memref_slice %arg6[%dma_start3A, %dma_start3A_5] : memref<79x128xi32, #tpu.memory_space<vmem>> -> memref<1x128xi32, #tpu.memory_space<vmem>>
    %dma_start3A_7 = tpu.memref_squeeze %dma_start3A_6 : memref<1x128xi32, #tpu.memory_space<vmem>> -> memref<128xi32, #tpu.memory_space<vmem>>
    %dma_start3A_8 = arith.constant 0 : i32
    %dma_start3A_9 = arith.constant 0 : i32
    %dma_start3A_10 = tpu.memref_slice %arg15[%dma_start3A_8, %dma_start3A_9] : memref<10240x64xf32, #tpu.memory_space<vmem_shared>> -> memref<10240x64xf32, #tpu.memory_space<vmem_shared>>
    tpu.enqueue_indirect_dma source(%dma_start3A_10 : memref<10240x64xf32, #tpu.memory_space<vmem_shared>>) target(%arg8 : memref<128x64xf32, #tpu.memory_space<vmem>>) offsets(%dma_start3A_7 : memref<128xi32, #tpu.memory_space<vmem>>) semaphore(%arg16 : memref<!tpu.dma_semaphore, #tpu.memory_space<semaphore_mem>>)
    %dma_start3A_11 = arith.constant 0 : i32
    %dma_start3A_12 = arith.constant 0 : i32
    %dma_start3A_13 = tpu.memref_slice %arg7[%dma_start3A_11, %dma_start3A_12] : memref<79x128xi32, #tpu.memory_space<vmem>> -> memref<1x128xi32, #tpu.memory_space<vmem>>
    %dma_start3A_14 = tpu.memref_squeeze %dma_start3A_13 : memref<1x128xi32, #tpu.memory_space<vmem>> -> memref<128xi32, #tpu.memory_space<vmem>>
    %dma_start3A_15 = arith.constant 0 : i32
    %dma_start3A_16 = arith.constant 0 : i32
    %dma_start3A_17 = tpu.memref_slice %arg15[%dma_start3A_15, %dma_start3A_16] : memref<10240x64xf32, #tpu.memory_space<vmem_shared>> -> memref<10240x64xf32, #tpu.memory_space<vmem_shared>>
    tpu.enqueue_indirect_dma source(%dma_start3A_17 : memref<10240x64xf32, #tpu.memory_space<vmem_shared>>) target(%arg9 : memref<128x64xf32, #tpu.memory_space<vmem>>) offsets(%dma_start3A_14 : memref<128xi32, #tpu.memory_space<vmem>>) semaphore(%arg16 : memref<!tpu.dma_semaphore, #tpu.memory_space<semaphore_mem>>)
    %scan3A = arith.constant 0 : i32
    %scan3A_18 = arith.constant 0 : i32
    %scan3A_19 = arith.constant 39 : i32
    %scan3A_20 = arith.addi %scan3A_18, %scan3A_19 : i32
    %scan3A_21 = arith.constant 1 : i32
    scf.for %scan3A_42 = %scan3A_18 to %scan3A_20 step %scan3A_21  : i32 {
      %mul3A_43 = arith.constant 2 : i32
      %mul3A_44 = arith.muli %mul3A_43, %scan3A_42 : i32
      %add3A_45 = arith.constant 1 : i32
      %add3A_46 = arith.addi %mul3A_44, %add3A_45 : i32
      %dma_wait3A_47 = arith.constant 0 : i32
      %dma_wait3A_48 = tpu.memref_slice %arg6[%mul3A_44, %dma_wait3A_47] : memref<79x128xi32, #tpu.memory_space<vmem>> -> memref<1x128xi32, #tpu.memory_space<vmem>>
      %dma_wait3A_49 = tpu.memref_squeeze %dma_wait3A_48 : memref<1x128xi32, #tpu.memory_space<vmem>> -> memref<128xi32, #tpu.memory_space<vmem>>
      %dma_wait3A_50 = arith.constant 0 : i32
      %dma_wait3A_51 = arith.constant 0 : i32
      %dma_wait3A_52 = tpu.memref_slice %arg15[%dma_wait3A_50, %dma_wait3A_51] : memref<10240x64xf32, #tpu.memory_space<vmem_shared>> -> memref<10240x64xf32, #tpu.memory_space<vmem_shared>>
      tpu.wait_indirect_dma semaphore(%arg16 : memref<!tpu.dma_semaphore, #tpu.memory_space<semaphore_mem>>) src(%dma_wait3A_52 : memref<10240x64xf32, #tpu.memory_space<vmem_shared>>) dst(%arg8 : memref<128x64xf32, #tpu.memory_space<vmem>>)
      %dma_wait3A_53 = arith.constant 0 : i32
      %dma_wait3A_54 = tpu.memref_slice %arg7[%mul3A_44, %dma_wait3A_53] : memref<79x128xi32, #tpu.memory_space<vmem>> -> memref<1x128xi32, #tpu.memory_space<vmem>>
      %dma_wait3A_55 = tpu.memref_squeeze %dma_wait3A_54 : memref<1x128xi32, #tpu.memory_space<vmem>> -> memref<128xi32, #tpu.memory_space<vmem>>
      %dma_wait3A_56 = arith.constant 0 : i32
      %dma_wait3A_57 = arith.constant 0 : i32
      %dma_wait3A_58 = tpu.memref_slice %arg15[%dma_wait3A_56, %dma_wait3A_57] : memref<10240x64xf32, #tpu.memory_space<vmem_shared>> -> memref<10240x64xf32, #tpu.memory_space<vmem_shared>>
      tpu.wait_indirect_dma semaphore(%arg16 : memref<!tpu.dma_semaphore, #tpu.memory_space<semaphore_mem>>) src(%dma_wait3A_58 : memref<10240x64xf32, #tpu.memory_space<vmem_shared>>) dst(%arg9 : memref<128x64xf32, #tpu.memory_space<vmem>>)
      %dma_start3A_59 = arith.constant 0 : i32
      %dma_start3A_60 = tpu.memref_slice %arg6[%add3A_46, %dma_start3A_59] : memref<79x128xi32, #tpu.memory_space<vmem>> -> memref<1x128xi32, #tpu.memory_space<vmem>>
      %dma_start3A_61 = tpu.memref_squeeze %dma_start3A_60 : memref<1x128xi32, #tpu.memory_space<vmem>> -> memref<128xi32, #tpu.memory_space<vmem>>
      %dma_start3A_62 = arith.constant 0 : i32
      %dma_start3A_63 = arith.constant 0 : i32
      %dma_start3A_64 = tpu.memref_slice %arg15[%dma_start3A_62, %dma_start3A_63] : memref<10240x64xf32, #tpu.memory_space<vmem_shared>> -> memref<10240x64xf32, #tpu.memory_space<vmem_shared>>
      tpu.enqueue_indirect_dma source(%dma_start3A_64 : memref<10240x64xf32, #tpu.memory_space<vmem_shared>>) target(%arg10 : memref<128x64xf32, #tpu.memory_space<vmem>>) offsets(%dma_start3A_61 : memref<128xi32, #tpu.memory_space<vmem>>) semaphore(%arg17 : memref<!tpu.dma_semaphore, #tpu.memory_space<semaphore_mem>>)
      %dma_start3A_65 = arith.constant 0 : i32
      %dma_start3A_66 = tpu.memref_slice %arg7[%add3A_46, %dma_start3A_65] : memref<79x128xi32, #tpu.memory_space<vmem>> -> memref<1x128xi32, #tpu.memory_space<vmem>>
      %dma_start3A_67 = tpu.memref_squeeze %dma_start3A_66 : memref<1x128xi32, #tpu.memory_space<vmem>> -> memref<128xi32, #tpu.memory_space<vmem>>
      %dma_start3A_68 = arith.constant 0 : i32
      %dma_start3A_69 = arith.constant 0 : i32
      %dma_start3A_70 = tpu.memref_slice %arg15[%dma_start3A_68, %dma_start3A_69] : memref<10240x64xf32, #tpu.memory_space<vmem_shared>> -> memref<10240x64xf32, #tpu.memory_space<vmem_shared>>
      tpu.enqueue_indirect_dma source(%dma_start3A_70 : memref<10240x64xf32, #tpu.memory_space<vmem_shared>>) target(%arg11 : memref<128x64xf32, #tpu.memory_space<vmem>>) offsets(%dma_start3A_67 : memref<128xi32, #tpu.memory_space<vmem>>) semaphore(%arg17 : memref<!tpu.dma_semaphore, #tpu.memory_space<semaphore_mem>>)
      %scan3A_71 = arith.constant 0 : i32
      %scan3A_72 = arith.constant 0 : i32
      %scan3A_73 = arith.constant 8 : i32
      %scan3A_74 = arith.addi %scan3A_72, %scan3A_73 : i32
      %scan3A_75 = arith.constant 1 : i32
      scf.for %scan3A_109 = %scan3A_72 to %scan3A_74 step %scan3A_75  : i32 {
        %mul3A_110 = arith.constant 16 : i32
        %mul3A_111 = arith.muli %scan3A_109, %mul3A_110 : i32
        %add3A_112 = arith.constant 0 : i32
        %add3A_113 = arith.addi %mul3A_111, %add3A_112 : i32
        %get3A = arith.index_cast %add3A_113 : i32 to index
        %get3A_114 = arith.constant 0 : index
        %get3A_115 = tpu.vector_load %arg8[%get3A, %get3A_114] {strides = array<i32>} : memref<128x64xf32, #tpu.memory_space<vmem>>, vector<16xf32>,
        %get3A_116 = arith.index_cast %add3A_113 : i32 to index
        %get3A_117 = arith.constant 0 : index
        %get3A_118 = tpu.vector_load %arg9[%get3A_116, %get3A_117] {strides = array<i32>} : memref<128x64xf32, #tpu.memory_space<vmem>>, vector<16xf32>,
        %mul3A_119 = arith.mulf %get3A_115, %get3A_118 : vector<16xf32>
        %get3A_120 = arith.index_cast %add3A_113 : i32 to index
        %get3A_121 = arith.constant 16 : index
        %get3A_122 = tpu.vector_load %arg8[%get3A_120, %get3A_121] {strides = array<i32>} : memref<128x64xf32, #tpu.memory_space<vmem>>, vector<16xf32>,
        %get3A_123 = arith.index_cast %add3A_113 : i32 to index
        %get3A_124 = arith.constant 16 : index
        %get3A_125 = tpu.vector_load %arg9[%get3A_123, %get3A_124] {strides = array<i32>} : memref<128x64xf32, #tpu.memory_space<vmem>>, vector<16xf32>,
        %mul3A_126 = arith.mulf %get3A_122, %get3A_125 : vector<16xf32>
        %add3A_127 = arith.addf %mul3A_119, %mul3A_126 : vector<16xf32>
        %get3A_128 = arith.index_cast %add3A_113 : i32 to index
        %get3A_129 = arith.constant 32 : index
        %get3A_130 = tpu.vector_load %arg8[%get3A_128, %get3A_129] {strides = array<i32>} : memref<128x64xf32, #tpu.memory_space<vmem>>, vector<16xf32>,
        %get3A_131 = arith.index_cast %add3A_113 : i32 to index
        %get3A_132 = arith.constant 32 : index
        %get3A_133 = tpu.vector_load %arg9[%get3A_131, %get3A_132] {strides = array<i32>} : memref<128x64xf32, #tpu.memory_space<vmem>>, vector<16xf32>,
        %mul3A_134 = arith.mulf %get3A_130, %get3A_133 : vector<16xf32>
        %get3A_135 = arith.index_cast %add3A_113 : i32 to index
        %get3A_136 = arith.constant 48 : index
        %get3A_137 = tpu.vector_load %arg8[%get3A_135, %get3A_136] {strides = array<i32>} : memref<128x64xf32, #tpu.memory_space<vmem>>, vector<16xf32>,
        %get3A_138 = arith.index_cast %add3A_113 : i32 to index
        %get3A_139 = arith.constant 48 : index
        %get3A_140 = tpu.vector_load %arg9[%get3A_138, %get3A_139] {strides = array<i32>} : memref<128x64xf32, #tpu.memory_space<vmem>>, vector<16xf32>,
        %mul3A_141 = arith.mulf %get3A_137, %get3A_140 : vector<16xf32>
        %add3A_142 = arith.addf %mul3A_134, %mul3A_141 : vector<16xf32>
        %sub3A = arith.subf %add3A_127, %add3A_142 : vector<16xf32>
        %swap3A = arith.constant 0 : i32
        %swap3A_143 = arith.index_cast %swap3A : i32 to index
        %swap3A_144 = arith.constant 0 : index
        %swap3A_145 = tpu.vector_load %arg13[%swap3A_143, %swap3A_144] {strides = array<i32>} : memref<16x17xf32, #tpu.memory_space<vmem>>, vector<16xf32>,
        tpu.vector_store %arg13[%swap3A_143, %swap3A_144], %sub3A {strides = array<i32>} : memref<16x17xf32, #tpu.memory_space<vmem>>, vector<16xf32>,
        %mul3A_146 = arith.constant 16 : i32
        %mul3A_147 = arith.muli %scan3A_109, %mul3A_146 : i32
        %add3A_148 = arith.constant 1 : i32
        %add3A_149 = arith.addi %mul3A_147, %add3A_148 : i32
        %get3A_150 = arith.index_cast %add3A_149 : i32 to index
        %get3A_151 = arith.constant 0 : index
        %get3A_152 = tpu.vector_load %arg8[%get3A_150, %get3A_151] {strides = array<i32>} : memref<128x64xf32, #tpu.memory_space<vmem>>, vector<16xf32>,
        %get3A_153 = arith.index_cast %add3A_149 : i32 to index
        %get3A_154 = arith.constant 0 : index
        %get3A_155 = tpu.vector_load %arg9[%get3A_153, %get3A_154] {strides = array<i32>} : memref<128x64xf32, #tpu.memory_space<vmem>>, vector<16xf32>,
        %mul3A_156 = arith.mulf %get3A_152, %get3A_155 : vector<16xf32>
        %get3A_157 = arith.index_cast %add3A_149 : i32 to index
        %get3A_158 = arith.constant 16 : index
        %get3A_159 = tpu.vector_load %arg8[%get3A_157, %get3A_158] {strides = array<i32>} : memref<128x64xf32, #tpu.memory_space<vmem>>, vector<16xf32>,
        %get3A_160 = arith.index_cast %add3A_149 : i32 to index
        %get3A_161 = arith.constant 16 : index
        %get3A_162 = tpu.vector_load %arg9[%get3A_160, %get3A_161] {strides = array<i32>} : memref<128x64xf32, #tpu.memory_space<vmem>>, vector<16xf32>,
        %mul3A_163 = arith.mulf %get3A_159, %get3A_162 : vector<16xf32>
        %add3A_164 = arith.addf %mul3A_156, %mul3A_163 : vector<16xf32>
        %get3A_165 = arith.index_cast %add3A_149 : i32 to index
        %get3A_166 = arith.constant 32 : index
        %get3A_167 = tpu.vector_load %arg8[%get3A_165, %get3A_166] {strides = array<i32>} : memref<128x64xf32, #tpu.memory_space<vmem>>, vector<16xf32>,
        %get3A_168 = arith.index_cast %add3A_149 : i32 to index
        %get3A_169 = arith.constant 32 : index
        %get3A_170 = tpu.vector_load %arg9[%get3A_168, %get3A_169] {strides = array<i32>} : memref<128x64xf32, #tpu.memory_space<vmem>>, vector<16xf32>,
        %mul3A_171 = arith.mulf %get3A_167, %get3A_170 : vector<16xf32>
        %get3A_172 = arith.index_cast %add3A_149 : i32 to index
        %get3A_173 = arith.constant 48 : index
        %get3A_174 = tpu.vector_load %arg8[%get3A_172, %get3A_173] {strides = array<i32>} : memref<128x64xf32, #tpu.memory_space<vmem>>, vector<16xf32>,
        %get3A_175 = arith.index_cast %add3A_149 : i32 to index
        %get3A_176 = arith.constant 48 : index
        %get3A_177 = tpu.vector_load %arg9[%get3A_175, %get3A_176] {strides = array<i32>} : memref<128x64xf32, #tpu.memory_space<vmem>>, vector<16xf32>,
        %mul3A_178 = arith.mulf %get3A_174, %get3A_177 : vector<16xf32>
        %add3A_179 = arith.addf %mul3A_171, %mul3A_178 : vector<16xf32>
        %sub3A_180 = arith.subf %add3A_164, %add3A_179 : vector<16xf32>
        %swap3A_181 = arith.constant 1 : i32
        %swap3A_182 = arith.index_cast %swap3A_181 : i32 to index
        %swap3A_183 = arith.constant 0 : index
        %swap3A_184 = tpu.vector_load %arg13[%swap3A_182, %swap3A_183] {strides = array<i32>} : memref<16x17xf32, #tpu.memory_space<vmem>>, vector<16xf32>,
        tpu.vector_store %arg13[%swap3A_182, %swap3A_183], %sub3A_180 {strides = array<i32>} : memref<16x17xf32, #tpu.memory_space<vmem>>, vector<16xf32>,
        %mul3A_185 = arith.constant 16 : i32
        %mul3A_186 = arith.muli %scan3A_109, %mul3A_185 : i32
        %add3A_187 = arith.constant 2 : i32
        %add3A_188 = arith.addi %mul3A_186, %add3A_187 : i32
        %get3A_189 = arith.index_cast %add3A_188 : i32 to index
        %get3A_190 = arith.constant 0 : index
        %get3A_191 = tpu.vector_load %arg8[%get3A_189, %get3A_190] {strides = array<i32>} : memref<128x64xf32, #tpu.memory_space<vmem>>, vector<16xf32>,
        %get3A_192 = arith.index_cast %add3A_188 : i32 to index
        %get3A_193 = arith.constant 0 : index
        %get3A_194 = tpu.vector_load %arg9[%get3A_192, %get3A_193] {strides = array<i32>} : memref<128x64xf32, #tpu.memory_space<vmem>>, vector<16xf32>,
        %mul3A_195 = arith.mulf %get3A_191, %get3A_194 : vector<16xf32>
        %get3A_196 = arith.index_cast %add3A_188 : i32 to index
        %get3A_197 = arith.constant 16 : index
        %get3A_198 = tpu.vector_load %arg8[%get3A_196, %get3A_197] {strides = array<i32>} : memref<128x64xf32, #tpu.memory_space<vmem>>, vector<16xf32>,
        %get3A_199 = arith.index_cast %add3A_188 : i32 to index
        %get3A_200 = arith.constant 16 : index
        %get3A_201 = tpu.vector_load %arg9[%get3A_199, %get3A_200] {strides = array<i32>} : memref<128x64xf32, #tpu.memory_space<vmem>>, vector<16xf32>,
        %mul3A_202 = arith.mulf %get3A_198, %get3A_201 : vector<16xf32>
        %add3A_203 = arith.addf %mul3A_195, %mul3A_202 : vector<16xf32>
        %get3A_204 = arith.index_cast %add3A_188 : i32 to index
        %get3A_205 = arith.constant 32 : index
        %get3A_206 = tpu.vector_load %arg8[%get3A_204, %get3A_205] {strides = array<i32>} : memref<128x64xf32, #tpu.memory_space<vmem>>, vector<16xf32>,
        %get3A_207 = arith.index_cast %add3A_188 : i32 to index
        %get3A_208 = arith.constant 32 : index
        %get3A_209 = tpu.vector_load %arg9[%get3A_207, %get3A_208] {strides = array<i32>} : memref<128x64xf32, #tpu.memory_space<vmem>>, vector<16xf32>,
        %mul3A_210 = arith.mulf %get3A_206, %get3A_209 : vector<16xf32>
        %get3A_211 = arith.index_cast %add3A_188 : i32 to index
        %get3A_212 = arith.constant 48 : index
        %get3A_213 = tpu.vector_load %arg8[%get3A_211, %get3A_212] {strides = array<i32>} : memref<128x64xf32, #tpu.memory_space<vmem>>, vector<16xf32>,
        %get3A_214 = arith.index_cast %add3A_188 : i32 to index
        %get3A_215 = arith.constant 48 : index
        %get3A_216 = tpu.vector_load %arg9[%get3A_214, %get3A_215] {strides = array<i32>} : memref<128x64xf32, #tpu.memory_space<vmem>>, vector<16xf32>,
        %mul3A_217 = arith.mulf %get3A_213, %get3A_216 : vector<16xf32>
        %add3A_218 = arith.addf %mul3A_210, %mul3A_217 : vector<16xf32>
        %sub3A_219 = arith.subf %add3A_203, %add3A_218 : vector<16xf32>
        %swap3A_220 = arith.constant 2 : i32
        %swap3A_221 = arith.index_cast %swap3A_220 : i32 to index
        %swap3A_222 = arith.constant 0 : index
        %swap3A_223 = tpu.vector_load %arg13[%swap3A_221, %swap3A_222] {strides = array<i32>} : memref<16x17xf32, #tpu.memory_space<vmem>>, vector<16xf32>,
        tpu.vector_store %arg13[%swap3A_221, %swap3A_222], %sub3A_219 {strides = array<i32>} : memref<16x17xf32, #tpu.memory_space<vmem>>, vector<16xf32>,
        %mul3A_224 = arith.constant 16 : i32
        %mul3A_225 = arith.muli %scan3A_109, %mul3A_224 : i32
        %add3A_226 = arith.constant 3 : i32
        %add3A_227 = arith.addi %mul3A_225, %add3A_226 : i32
        %get3A_228 = arith.index_cast %add3A_227 : i32 to index
        %get3A_229 = arith.constant 0 : index
        %get3A_230 = tpu.vector_load %arg8[%get3A_228, %get3A_229] {strides = array<i32>} : memref<128x64xf32, #tpu.memory_space<vmem>>, vector<16xf32>,
        %get3A_231 = arith.index_cast %add3A_227 : i32 to index
        %get3A_232 = arith.constant 0 : index
        %get3A_233 = tpu.vector_load %arg9[%get3A_231, %get3A_232] {strides = array<i32>} : memref<128x64xf32, #tpu.memory_space<vmem>>, vector<16xf32>,
        %mul3A_234 = arith.mulf %get3A_230, %get3A_233 : vector<16xf32>
        %get3A_235 = arith.index_cast %add3A_227 : i32 to index
        %get3A_236 = arith.constant 16 : index
        %get3A_237 = tpu.vector_load %arg8[%get3A_235, %get3A_236] {strides = array<i32>} : memref<128x64xf32, #tpu.memory_space<vmem>>, vector<16xf32>,
        %get3A_238 = arith.index_cast %add3A_227 : i32 to index
        %get3A_239 = arith.constant 16 : index
        %get3A_240 = tpu.vector_load %arg9[%get3A_238, %get3A_239] {strides = array<i32>} : memref<128x64xf32, #tpu.memory_space<vmem>>, vector<16xf32>,
        %mul3A_241 = arith.mulf %get3A_237, %get3A_240 : vector<16xf32>
        %add3A_242 = arith.addf %mul3A_234, %mul3A_241 : vector<16xf32>
        %get3A_243 = arith.index_cast %add3A_227 : i32 to index
        %get3A_244 = arith.constant 32 : index
        %get3A_245 = tpu.vector_load %arg8[%get3A_243, %get3A_244] {strides = array<i32>} : memref<128x64xf32, #tpu.memory_space<vmem>>, vector<16xf32>,
        %get3A_246 = arith.index_cast %add3A_227 : i32 to index
        %get3A_247 = arith.constant 32 : index
        %get3A_248 = tpu.vector_load %arg9[%get3A_246, %get3A_247] {strides = array<i32>} : memref<128x64xf32, #tpu.memory_space<vmem>>, vector<16xf32>,
        %mul3A_249 = arith.mulf %get3A_245, %get3A_248 : vector<16xf32>
        %get3A_250 = arith.index_cast %add3A_227 : i32 to index
        %get3A_251 = arith.constant 48 : index
        %get3A_252 = tpu.vector_load %arg8[%get3A_250, %get3A_251] {strides = array<i32>} : memref<128x64xf32, #tpu.memory_space<vmem>>, vector<16xf32>,
        %get3A_253 = arith.index_cast %add3A_227 : i32 to index
        %get3A_254 = arith.constant 48 : index
        %get3A_255 = tpu.vector_load %arg9[%get3A_253, %get3A_254] {strides = array<i32>} : memref<128x64xf32, #tpu.memory_space<vmem>>, vector<16xf32>,
        %mul3A_256 = arith.mulf %get3A_252, %get3A_255 : vector<16xf32>
        %add3A_257 = arith.addf %mul3A_249, %mul3A_256 : vector<16xf32>
        %sub3A_258 = arith.subf %add3A_242, %add3A_257 : vector<16xf32>
        %swap3A_259 = arith.constant 3 : i32
        %swap3A_260 = arith.index_cast %swap3A_259 : i32 to index
        %swap3A_261 = arith.constant 0 : index
        %swap3A_262 = tpu.vector_load %arg13[%swap3A_260, %swap3A_261] {strides = array<i32>} : memref<16x17xf32, #tpu.memory_space<vmem>>, vector<16xf32>,
        tpu.vector_store %arg13[%swap3A_260, %swap3A_261], %sub3A_258 {strides = array<i32>} : memref<16x17xf32, #tpu.memory_space<vmem>>, vector<16xf32>,
        %mul3A_263 = arith.constant 16 : i32
        %mul3A_264 = arith.muli %scan3A_109, %mul3A_263 : i32
        %add3A_265 = arith.constant 4 : i32
        %add3A_266 = arith.addi %mul3A_264, %add3A_265 : i32
        %get3A_267 = arith.index_cast %add3A_266 : i32 to index
        %get3A_268 = arith.constant 0 : index
        %get3A_269 = tpu.vector_load %arg8[%get3A_267, %get3A_268] {strides = array<i32>} : memref<128x64xf32, #tpu.memory_space<vmem>>, vector<16xf32>,
        %get3A_270 = arith.index_cast %add3A_266 : i32 to index
        %get3A_271 = arith.constant 0 : index
        %get3A_272 = tpu.vector_load %arg9[%get3A_270, %get3A_271] {strides = array<i32>} : memref<128x64xf32, #tpu.memory_space<vmem>>, vector<16xf32>,
        %mul3A_273 = arith.mulf %get3A_269, %get3A_272 : vector<16xf32>
        %get3A_274 = arith.index_cast %add3A_266 : i32 to index
        %get3A_275 = arith.constant 16 : index
        %get3A_276 = tpu.vector_load %arg8[%get3A_274, %get3A_275] {strides = array<i32>} : memref<128x64xf32, #tpu.memory_space<vmem>>, vector<16xf32>,
        %get3A_277 = arith.index_cast %add3A_266 : i32 to index
        %get3A_278 = arith.constant 16 : index
        %get3A_279 = tpu.vector_load %arg9[%get3A_277, %get3A_278] {strides = array<i32>} : memref<128x64xf32, #tpu.memory_space<vmem>>, vector<16xf32>,
        %mul3A_280 = arith.mulf %get3A_276, %get3A_279 : vector<16xf32>
        %add3A_281 = arith.addf %mul3A_273, %mul3A_280 : vector<16xf32>
        %get3A_282 = arith.index_cast %add3A_266 : i32 to index
        %get3A_283 = arith.constant 32 : index
        %get3A_284 = tpu.vector_load %arg8[%get3A_282, %get3A_283] {strides = array<i32>} : memref<128x64xf32, #tpu.memory_space<vmem>>, vector<16xf32>,
        %get3A_285 = arith.index_cast %add3A_266 : i32 to index
        %get3A_286 = arith.constant 32 : index
        %get3A_287 = tpu.vector_load %arg9[%get3A_285, %get3A_286] {strides = array<i32>} : memref<128x64xf32, #tpu.memory_space<vmem>>, vector<16xf32>,
        %mul3A_288 = arith.mulf %get3A_284, %get3A_287 : vector<16xf32>
        %get3A_289 = arith.index_cast %add3A_266 : i32 to index
        %get3A_290 = arith.constant 48 : index
        %get3A_291 = tpu.vector_load %arg8[%get3A_289, %get3A_290] {strides = array<i32>} : memref<128x64xf32, #tpu.memory_space<vmem>>, vector<16xf32>,
        %get3A_292 = arith.index_cast %add3A_266 : i32 to index
        %get3A_293 = arith.constant 48 : index
        %get3A_294 = tpu.vector_load %arg9[%get3A_292, %get3A_293] {strides = array<i32>} : memref<128x64xf32, #tpu.memory_space<vmem>>, vector<16xf32>,
        %mul3A_295 = arith.mulf %get3A_291, %get3A_294 : vector<16xf32>
        %add3A_296 = arith.addf %mul3A_288, %mul3A_295 : vector<16xf32>
        %sub3A_297 = arith.subf %add3A_281, %add3A_296 : vector<16xf32>
        %swap3A_298 = arith.constant 4 : i32
        %swap3A_299 = arith.index_cast %swap3A_298 : i32 to index
        %swap3A_300 = arith.constant 0 : index
        %swap3A_301 = tpu.vector_load %arg13[%swap3A_299, %swap3A_300] {strides = array<i32>} : memref<16x17xf32, #tpu.memory_space<vmem>>, vector<16xf32>,
        tpu.vector_store %arg13[%swap3A_299, %swap3A_300], %sub3A_297 {strides = array<i32>} : memref<16x17xf32, #tpu.memory_space<vmem>>, vector<16xf32>,
        %mul3A_302 = arith.constant 16 : i32
        %mul3A_303 = arith.muli %scan3A_109, %mul3A_302 : i32
        %add3A_304 = arith.constant 5 : i32
        %add3A_305 = arith.addi %mul3A_303, %add3A_304 : i32
        %get3A_306 = arith.index_cast %add3A_305 : i32 to index
        %get3A_307 = arith.constant 0 : index
        %get3A_308 = tpu.vector_load %arg8[%get3A_306, %get3A_307] {strides = array<i32>} : memref<128x64xf32, #tpu.memory_space<vmem>>, vector<16xf32>,
        %get3A_309 = arith.index_cast %add3A_305 : i32 to index
        %get3A_310 = arith.constant 0 : index
        %get3A_311 = tpu.vector_load %arg9[%get3A_309, %get3A_310] {strides = array<i32>} : memref<128x64xf32, #tpu.memory_space<vmem>>, vector<16xf32>,
        %mul3A_312 = arith.mulf %get3A_308, %get3A_311 : vector<16xf32>
        %get3A_313 = arith.index_cast %add3A_305 : i32 to index
        %get3A_314 = arith.constant 16 : index
        %get3A_315 = tpu.vector_load %arg8[%get3A_313, %get3A_314] {strides = array<i32>} : memref<128x64xf32, #tpu.memory_space<vmem>>, vector<16xf32>,
        %get3A_316 = arith.index_cast %add3A_305 : i32 to index
        %get3A_317 = arith.constant 16 : index
        %get3A_318 = tpu.vector_load %arg9[%get3A_316, %get3A_317] {strides = array<i32>} : memref<128x64xf32, #tpu.memory_space<vmem>>, vector<16xf32>,
        %mul3A_319 = arith.mulf %get3A_315, %get3A_318 : vector<16xf32>
        %add3A_320 = arith.addf %mul3A_312, %mul3A_319 : vector<16xf32>
        %get3A_321 = arith.index_cast %add3A_305 : i32 to index
        %get3A_322 = arith.constant 32 : index
        %get3A_323 = tpu.vector_load %arg8[%get3A_321, %get3A_322] {strides = array<i32>} : memref<128x64xf32, #tpu.memory_space<vmem>>, vector<16xf32>,
        %get3A_324 = arith.index_cast %add3A_305 : i32 to index
        %get3A_325 = arith.constant 32 : index
        %get3A_326 = tpu.vector_load %arg9[%get3A_324, %get3A_325] {strides = array<i32>} : memref<128x64xf32, #tpu.memory_space<vmem>>, vector<16xf32>,
        %mul3A_327 = arith.mulf %get3A_323, %get3A_326 : vector<16xf32>
        %get3A_328 = arith.index_cast %add3A_305 : i32 to index
        %get3A_329 = arith.constant 48 : index
        %get3A_330 = tpu.vector_load %arg8[%get3A_328, %get3A_329] {strides = array<i32>} : memref<128x64xf32, #tpu.memory_space<vmem>>, vector<16xf32>,
        %get3A_331 = arith.index_cast %add3A_305 : i32 to index
        %get3A_332 = arith.constant 48 : index
        %get3A_333 = tpu.vector_load %arg9[%get3A_331, %get3A_332] {strides = array<i32>} : memref<128x64xf32, #tpu.memory_space<vmem>>, vector<16xf32>,
        %mul3A_334 = arith.mulf %get3A_330, %get3A_333 : vector<16xf32>
        %add3A_335 = arith.addf %mul3A_327, %mul3A_334 : vector<16xf32>
        %sub3A_336 = arith.subf %add3A_320, %add3A_335 : vector<16xf32>
        %swap3A_337 = arith.constant 5 : i32
        %swap3A_338 = arith.index_cast %swap3A_337 : i32 to index
        %swap3A_339 = arith.constant 0 : index
        %swap3A_340 = tpu.vector_load %arg13[%swap3A_338, %swap3A_339] {strides = array<i32>} : memref<16x17xf32, #tpu.memory_space<vmem>>, vector<16xf32>,
        tpu.vector_store %arg13[%swap3A_338, %swap3A_339], %sub3A_336 {strides = array<i32>} : memref<16x17xf32, #tpu.memory_space<vmem>>, vector<16xf32>,
        %mul3A_341 = arith.constant 16 : i32
        %mul3A_342 = arith.muli %scan3A_109, %mul3A_341 : i32
        %add3A_343 = arith.constant 6 : i32
        %add3A_344 = arith.addi %mul3A_342, %add3A_343 : i32
        %get3A_345 = arith.index_cast %add3A_344 : i32 to index
        %get3A_346 = arith.constant 0 : index
        %get3A_347 = tpu.vector_load %arg8[%get3A_345, %get3A_346] {strides = array<i32>} : memref<128x64xf32, #tpu.memory_space<vmem>>, vector<16xf32>,
        %get3A_348 = arith.index_cast %add3A_344 : i32 to index
        %get3A_349 = arith.constant 0 : index
        %get3A_350 = tpu.vector_load %arg9[%get3A_348, %get3A_349] {strides = array<i32>} : memref<128x64xf32, #tpu.memory_space<vmem>>, vector<16xf32>,
        %mul3A_351 = arith.mulf %get3A_347, %get3A_350 : vector<16xf32>
        %get3A_352 = arith.index_cast %add3A_344 : i32 to index
        %get3A_353 = arith.constant 16 : index
        %get3A_354 = tpu.vector_load %arg8[%get3A_352, %get3A_353] {strides = array<i32>} : memref<128x64xf32, #tpu.memory_space<vmem>>, vector<16xf32>,
        %get3A_355 = arith.index_cast %add3A_344 : i32 to index
        %get3A_356 = arith.constant 16 : index
        %get3A_357 = tpu.vector_load %arg9[%get3A_355, %get3A_356] {strides = array<i32>} : memref<128x64xf32, #tpu.memory_space<vmem>>, vector<16xf32>,
        %mul3A_358 = arith.mulf %get3A_354, %get3A_357 : vector<16xf32>
        %add3A_359 = arith.addf %mul3A_351, %mul3A_358 : vector<16xf32>
        %get3A_360 = arith.index_cast %add3A_344 : i32 to index
        %get3A_361 = arith.constant 32 : index
        %get3A_362 = tpu.vector_load %arg8[%get3A_360, %get3A_361] {strides = array<i32>} : memref<128x64xf32, #tpu.memory_space<vmem>>, vector<16xf32>,
        %get3A_363 = arith.index_cast %add3A_344 : i32 to index
        %get3A_364 = arith.constant 32 : index
        %get3A_365 = tpu.vector_load %arg9[%get3A_363, %get3A_364] {strides = array<i32>} : memref<128x64xf32, #tpu.memory_space<vmem>>, vector<16xf32>,
        %mul3A_366 = arith.mulf %get3A_362, %get3A_365 : vector<16xf32>
        %get3A_367 = arith.index_cast %add3A_344 : i32 to index
        %get3A_368 = arith.constant 48 : index
        %get3A_369 = tpu.vector_load %arg8[%get3A_367, %get3A_368] {strides = array<i32>} : memref<128x64xf32, #tpu.memory_space<vmem>>, vector<16xf32>,
        %get3A_370 = arith.index_cast %add3A_344 : i32 to index
        %get3A_371 = arith.constant 48 : index
        %get3A_372 = tpu.vector_load %arg9[%get3A_370, %get3A_371] {strides = array<i32>} : memref<128x64xf32, #tpu.memory_space<vmem>>, vector<16xf32>,
        %mul3A_373 = arith.mulf %get3A_369, %get3A_372 : vector<16xf32>
        %add3A_374 = arith.addf %mul3A_366, %mul3A_373 : vector<16xf32>
        %sub3A_375 = arith.subf %add3A_359, %add3A_374 : vector<16xf32>
        %swap3A_376 = arith.constant 6 : i32
        %swap3A_377 = arith.index_cast %swap3A_376 : i32 to index
        %swap3A_378 = arith.constant 0 : index
        %swap3A_379 = tpu.vector_load %arg13[%swap3A_377, %swap3A_378] {strides = array<i32>} : memref<16x17xf32, #tpu.memory_space<vmem>>, vector<16xf32>,
        tpu.vector_store %arg13[%swap3A_377, %swap3A_378], %sub3A_375 {strides = array<i32>} : memref<16x17xf32, #tpu.memory_space<vmem>>, vector<16xf32>,
        %mul3A_380 = arith.constant 16 : i32
        %mul3A_381 = arith.muli %scan3A_109, %mul3A_380 : i32
        %add3A_382 = arith.constant 7 : i32
        %add3A_383 = arith.addi %mul3A_381, %add3A_382 : i32
        %get3A_384 = arith.index_cast %add3A_383 : i32 to index
        %get3A_385 = arith.constant 0 : index
        %get3A_386 = tpu.vector_load %arg8[%get3A_384, %get3A_385] {strides = array<i32>} : memref<128x64xf32, #tpu.memory_space<vmem>>, vector<16xf32>,
        %get3A_387 = arith.index_cast %add3A_383 : i32 to index
        %get3A_388 = arith.constant 0 : index
        %get3A_389 = tpu.vector_load %arg9[%get3A_387, %get3A_388] {strides = array<i32>} : memref<128x64xf32, #tpu.memory_space<vmem>>, vector<16xf32>,
        %mul3A_390 = arith.mulf %get3A_386, %get3A_389 : vector<16xf32>
        %get3A_391 = arith.index_cast %add3A_383 : i32 to index
        %get3A_392 = arith.constant 16 : index
        %get3A_393 = tpu.vector_load %arg8[%get3A_391, %get3A_392] {strides = array<i32>} : memref<128x64xf32, #tpu.memory_space<vmem>>, vector<16xf32>,
        %get3A_394 = arith.index_cast %add3A_383 : i32 to index
        %get3A_395 = arith.constant 16 : index
        %get3A_396 = tpu.vector_load %arg9[%get3A_394, %get3A_395] {strides = array<i32>} : memref<128x64xf32, #tpu.memory_space<vmem>>, vector<16xf32>,
        %mul3A_397 = arith.mulf %get3A_393, %get3A_396 : vector<16xf32>
        %add3A_398 = arith.addf %mul3A_390, %mul3A_397 : vector<16xf32>
        %get3A_399 = arith.index_cast %add3A_383 : i32 to index
        %get3A_400 = arith.constant 32 : index
        %get3A_401 = tpu.vector_load %arg8[%get3A_399, %get3A_400] {strides = array<i32>} : memref<128x64xf32, #tpu.memory_space<vmem>>, vector<16xf32>,
        %get3A_402 = arith.index_cast %add3A_383 : i32 to index
        %get3A_403 = arith.constant 32 : index
        %get3A_404 = tpu.vector_load %arg9[%get3A_402, %get3A_403] {strides = array<i32>} : memref<128x64xf32, #tpu.memory_space<vmem>>, vector<16xf32>,
        %mul3A_405 = arith.mulf %get3A_401, %get3A_404 : vector<16xf32>
        %get3A_406 = arith.index_cast %add3A_383 : i32 to index
        %get3A_407 = arith.constant 48 : index
        %get3A_408 = tpu.vector_load %arg8[%get3A_406, %get3A_407] {strides = array<i32>} : memref<128x64xf32, #tpu.memory_space<vmem>>, vector<16xf32>,
        %get3A_409 = arith.index_cast %add3A_383 : i32 to index
        %get3A_410 = arith.constant 48 : index
        %get3A_411 = tpu.vector_load %arg9[%get3A_409, %get3A_410] {strides = array<i32>} : memref<128x64xf32, #tpu.memory_space<vmem>>, vector<16xf32>,
        %mul3A_412 = arith.mulf %get3A_408, %get3A_411 : vector<16xf32>
        %add3A_413 = arith.addf %mul3A_405, %mul3A_412 : vector<16xf32>
        %sub3A_414 = arith.subf %add3A_398, %add3A_413 : vector<16xf32>
        %swap3A_415 = arith.constant 7 : i32
        %swap3A_416 = arith.index_cast %swap3A_415 : i32 to index
        %swap3A_417 = arith.constant 0 : index
        %swap3A_418 = tpu.vector_load %arg13[%swap3A_416, %swap3A_417] {strides = array<i32>} : memref<16x17xf32, #tpu.memory_space<vmem>>, vector<16xf32>,
        tpu.vector_store %arg13[%swap3A_416, %swap3A_417], %sub3A_414 {strides = array<i32>} : memref<16x17xf32, #tpu.memory_space<vmem>>, vector<16xf32>,
        %mul3A_419 = arith.constant 16 : i32
        %mul3A_420 = arith.muli %scan3A_109, %mul3A_419 : i32
        %add3A_421 = arith.constant 8 : i32
        %add3A_422 = arith.addi %mul3A_420, %add3A_421 : i32
        %get3A_423 = arith.index_cast %add3A_422 : i32 to index
        %get3A_424 = arith.constant 0 : index
        %get3A_425 = tpu.vector_load %arg8[%get3A_423, %get3A_424] {strides = array<i32>} : memref<128x64xf32, #tpu.memory_space<vmem>>, vector<16xf32>,
        %get3A_426 = arith.index_cast %add3A_422 : i32 to index
        %get3A_427 = arith.constant 0 : index
        %get3A_428 = tpu.vector_load %arg9[%get3A_426, %get3A_427] {strides = array<i32>} : memref<128x64xf32, #tpu.memory_space<vmem>>, vector<16xf32>,
        %mul3A_429 = arith.mulf %get3A_425, %get3A_428 : vector<16xf32>
        %get3A_430 = arith.index_cast %add3A_422 : i32 to index
        %get3A_431 = arith.constant 16 : index
        %get3A_432 = tpu.vector_load %arg8[%get3A_430, %get3A_431] {strides = array<i32>} : memref<128x64xf32, #tpu.memory_space<vmem>>, vector<16xf32>,
        %get3A_433 = arith.index_cast %add3A_422 : i32 to index
        %get3A_434 = arith.constant 16 : index
        %get3A_435 = tpu.vector_load %arg9[%get3A_433, %get3A_434] {strides = array<i32>} : memref<128x64xf32, #tpu.memory_space<vmem>>, vector<16xf32>,
        %mul3A_436 = arith.mulf %get3A_432, %get3A_435 : vector<16xf32>
        %add3A_437 = arith.addf %mul3A_429, %mul3A_436 : vector<16xf32>
        %get3A_438 = arith.index_cast %add3A_422 : i32 to index
        %get3A_439 = arith.constant 32 : index
        %get3A_440 = tpu.vector_load %arg8[%get3A_438, %get3A_439] {strides = array<i32>} : memref<128x64xf32, #tpu.memory_space<vmem>>, vector<16xf32>,
        %get3A_441 = arith.index_cast %add3A_422 : i32 to index
        %get3A_442 = arith.constant 32 : index
        %get3A_443 = tpu.vector_load %arg9[%get3A_441, %get3A_442] {strides = array<i32>} : memref<128x64xf32, #tpu.memory_space<vmem>>, vector<16xf32>,
        %mul3A_444 = arith.mulf %get3A_440, %get3A_443 : vector<16xf32>
        %get3A_445 = arith.index_cast %add3A_422 : i32 to index
        %get3A_446 = arith.constant 48 : index
        %get3A_447 = tpu.vector_load %arg8[%get3A_445, %get3A_446] {strides = array<i32>} : memref<128x64xf32, #tpu.memory_space<vmem>>, vector<16xf32>,
        %get3A_448 = arith.index_cast %add3A_422 : i32 to index
        %get3A_449 = arith.constant 48 : index
        %get3A_450 = tpu.vector_load %arg9[%get3A_448, %get3A_449] {strides = array<i32>} : memref<128x64xf32, #tpu.memory_space<vmem>>, vector<16xf32>,
        %mul3A_451 = arith.mulf %get3A_447, %get3A_450 : vector<16xf32>
        %add3A_452 = arith.addf %mul3A_444, %mul3A_451 : vector<16xf32>
        %sub3A_453 = arith.subf %add3A_437, %add3A_452 : vector<16xf32>
        %swap3A_454 = arith.constant 8 : i32
        %swap3A_455 = arith.index_cast %swap3A_454 : i32 to index
        %swap3A_456 = arith.constant 0 : index
        %swap3A_457 = tpu.vector_load %arg13[%swap3A_455, %swap3A_456] {strides = array<i32>} : memref<16x17xf32, #tpu.memory_space<vmem>>, vector<16xf32>,
        tpu.vector_store %arg13[%swap3A_455, %swap3A_456], %sub3A_453 {strides = array<i32>} : memref<16x17xf32, #tpu.memory_space<vmem>>, vector<16xf32>,
        %mul3A_458 = arith.constant 16 : i32
        %mul3A_459 = arith.muli %scan3A_109, %mul3A_458 : i32
        %add3A_460 = arith.constant 9 : i32
        %add3A_461 = arith.addi %mul3A_459, %add3A_460 : i32
        %get3A_462 = arith.index_cast %add3A_461 : i32 to index
        %get3A_463 = arith.constant 0 : index
        %get3A_464 = tpu.vector_load %arg8[%get3A_462, %get3A_463] {strides = array<i32>} : memref<128x64xf32, #tpu.memory_space<vmem>>, vector<16xf32>,
        %get3A_465 = arith.index_cast %add3A_461 : i32 to index
        %get3A_466 = arith.constant 0 : index
        %get3A_467 = tpu.vector_load %arg9[%get3A_465, %get3A_466] {strides = array<i32>} : memref<128x64xf32, #tpu.memory_space<vmem>>, vector<16xf32>,
        %mul3A_468 = arith.mulf %get3A_464, %get3A_467 : vector<16xf32>
        %get3A_469 = arith.index_cast %add3A_461 : i32 to index
        %get3A_470 = arith.constant 16 : index
        %get3A_471 = tpu.vector_load %arg8[%get3A_469, %get3A_470] {strides = array<i32>} : memref<128x64xf32, #tpu.memory_space<vmem>>, vector<16xf32>,
        %get3A_472 = arith.index_cast %add3A_461 : i32 to index
        %get3A_473 = arith.constant 16 : index
        %get3A_474 = tpu.vector_load %arg9[%get3A_472, %get3A_473] {strides = array<i32>} : memref<128x64xf32, #tpu.memory_space<vmem>>, vector<16xf32>,
        %mul3A_475 = arith.mulf %get3A_471, %get3A_474 : vector<16xf32>
        %add3A_476 = arith.addf %mul3A_468, %mul3A_475 : vector<16xf32>
        %get3A_477 = arith.index_cast %add3A_461 : i32 to index
        %get3A_478 = arith.constant 32 : index
        %get3A_479 = tpu.vector_load %arg8[%get3A_477, %get3A_478] {strides = array<i32>} : memref<128x64xf32, #tpu.memory_space<vmem>>, vector<16xf32>,
        %get3A_480 = arith.index_cast %add3A_461 : i32 to index
        %get3A_481 = arith.constant 32 : index
        %get3A_482 = tpu.vector_load %arg9[%get3A_480, %get3A_481] {strides = array<i32>} : memref<128x64xf32, #tpu.memory_space<vmem>>, vector<16xf32>,
        %mul3A_483 = arith.mulf %get3A_479, %get3A_482 : vector<16xf32>
        %get3A_484 = arith.index_cast %add3A_461 : i32 to index
        %get3A_485 = arith.constant 48 : index
        %get3A_486 = tpu.vector_load %arg8[%get3A_484, %get3A_485] {strides = array<i32>} : memref<128x64xf32, #tpu.memory_space<vmem>>, vector<16xf32>,
        %get3A_487 = arith.index_cast %add3A_461 : i32 to index
        %get3A_488 = arith.constant 48 : index
        %get3A_489 = tpu.vector_load %arg9[%get3A_487, %get3A_488] {strides = array<i32>} : memref<128x64xf32, #tpu.memory_space<vmem>>, vector<16xf32>,
        %mul3A_490 = arith.mulf %get3A_486, %get3A_489 : vector<16xf32>
        %add3A_491 = arith.addf %mul3A_483, %mul3A_490 : vector<16xf32>
        %sub3A_492 = arith.subf %add3A_476, %add3A_491 : vector<16xf32>
        %swap3A_493 = arith.constant 9 : i32
        %swap3A_494 = arith.index_cast %swap3A_493 : i32 to index
        %swap3A_495 = arith.constant 0 : index
        %swap3A_496 = tpu.vector_load %arg13[%swap3A_494, %swap3A_495] {strides = array<i32>} : memref<16x17xf32, #tpu.memory_space<vmem>>, vector<16xf32>,
        tpu.vector_store %arg13[%swap3A_494, %swap3A_495], %sub3A_492 {strides = array<i32>} : memref<16x17xf32, #tpu.memory_space<vmem>>, vector<16xf32>,
        %mul3A_497 = arith.constant 16 : i32
        %mul3A_498 = arith.muli %scan3A_109, %mul3A_497 : i32
        %add3A_499 = arith.constant 10 : i32
        %add3A_500 = arith.addi %mul3A_498, %add3A_499 : i32
        %get3A_501 = arith.index_cast %add3A_500 : i32 to index
        %get3A_502 = arith.constant 0 : index
        %get3A_503 = tpu.vector_load %arg8[%get3A_501, %get3A_502] {strides = array<i32>} : memref<128x64xf32, #tpu.memory_space<vmem>>, vector<16xf32>,
        %get3A_504 = arith.index_cast %add3A_500 : i32 to index
        %get3A_505 = arith.constant 0 : index
        %get3A_506 = tpu.vector_load %arg9[%get3A_504, %get3A_505] {strides = array<i32>} : memref<128x64xf32, #tpu.memory_space<vmem>>, vector<16xf32>,
        %mul3A_507 = arith.mulf %get3A_503, %get3A_506 : vector<16xf32>
        %get3A_508 = arith.index_cast %add3A_500 : i32 to index
        %get3A_509 = arith.constant 16 : index
        %get3A_510 = tpu.vector_load %arg8[%get3A_508, %get3A_509] {strides = array<i32>} : memref<128x64xf32, #tpu.memory_space<vmem>>, vector<16xf32>,
        %get3A_511 = arith.index_cast %add3A_500 : i32 to index
        %get3A_512 = arith.constant 16 : index
        %get3A_513 = tpu.vector_load %arg9[%get3A_511, %get3A_512] {strides = array<i32>} : memref<128x64xf32, #tpu.memory_space<vmem>>, vector<16xf32>,
        %mul3A_514 = arith.mulf %get3A_510, %get3A_513 : vector<16xf32>
        %add3A_515 = arith.addf %mul3A_507, %mul3A_514 : vector<16xf32>
        %get3A_516 = arith.index_cast %add3A_500 : i32 to index
        %get3A_517 = arith.constant 32 : index
        %get3A_518 = tpu.vector_load %arg8[%get3A_516, %get3A_517] {strides = array<i32>} : memref<128x64xf32, #tpu.memory_space<vmem>>, vector<16xf32>,
        %get3A_519 = arith.index_cast %add3A_500 : i32 to index
        %get3A_520 = arith.constant 32 : index
        %get3A_521 = tpu.vector_load %arg9[%get3A_519, %get3A_520] {strides = array<i32>} : memref<128x64xf32, #tpu.memory_space<vmem>>, vector<16xf32>,
        %mul3A_522 = arith.mulf %get3A_518, %get3A_521 : vector<16xf32>
        %get3A_523 = arith.index_cast %add3A_500 : i32 to index
        %get3A_524 = arith.constant 48 : index
        %get3A_525 = tpu.vector_load %arg8[%get3A_523, %get3A_524] {strides = array<i32>} : memref<128x64xf32, #tpu.memory_space<vmem>>, vector<16xf32>,
        %get3A_526 = arith.index_cast %add3A_500 : i32 to index
        %get3A_527 = arith.constant 48 : index
        %get3A_528 = tpu.vector_load %arg9[%get3A_526, %get3A_527] {strides = array<i32>} : memref<128x64xf32, #tpu.memory_space<vmem>>, vector<16xf32>,
        %mul3A_529 = arith.mulf %get3A_525, %get3A_528 : vector<16xf32>
        %add3A_530 = arith.addf %mul3A_522, %mul3A_529 : vector<16xf32>
        %sub3A_531 = arith.subf %add3A_515, %add3A_530 : vector<16xf32>
        %swap3A_532 = arith.constant 10 : i32
        %swap3A_533 = arith.index_cast %swap3A_532 : i32 to index
        %swap3A_534 = arith.constant 0 : index
        %swap3A_535 = tpu.vector_load %arg13[%swap3A_533, %swap3A_534] {strides = array<i32>} : memref<16x17xf32, #tpu.memory_space<vmem>>, vector<16xf32>,
        tpu.vector_store %arg13[%swap3A_533, %swap3A_534], %sub3A_531 {strides = array<i32>} : memref<16x17xf32, #tpu.memory_space<vmem>>, vector<16xf32>,
        %mul3A_536 = arith.constant 16 : i32
        %mul3A_537 = arith.muli %scan3A_109, %mul3A_536 : i32
        %add3A_538 = arith.constant 11 : i32
        %add3A_539 = arith.addi %mul3A_537, %add3A_538 : i32
        %get3A_540 = arith.index_cast %add3A_539 : i32 to index
        %get3A_541 = arith.constant 0 : index
        %get3A_542 = tpu.vector_load %arg8[%get3A_540, %get3A_541] {strides = array<i32>} : memref<128x64xf32, #tpu.memory_space<vmem>>, vector<16xf32>,
        %get3A_543 = arith.index_cast %add3A_539 : i32 to index
        %get3A_544 = arith.constant 0 : index
        %get3A_545 = tpu.vector_load %arg9[%get3A_543, %get3A_544] {strides = array<i32>} : memref<128x64xf32, #tpu.memory_space<vmem>>, vector<16xf32>,
        %mul3A_546 = arith.mulf %get3A_542, %get3A_545 : vector<16xf32>
        %get3A_547 = arith.index_cast %add3A_539 : i32 to index
        %get3A_548 = arith.constant 16 : index
        %get3A_549 = tpu.vector_load %arg8[%get3A_547, %get3A_548] {strides = array<i32>} : memref<128x64xf32, #tpu.memory_space<vmem>>, vector<16xf32>,
        %get3A_550 = arith.index_cast %add3A_539 : i32 to index
        %get3A_551 = arith.constant 16 : index
        %get3A_552 = tpu.vector_load %arg9[%get3A_550, %get3A_551] {strides = array<i32>} : memref<128x64xf32, #tpu.memory_space<vmem>>, vector<16xf32>,
        %mul3A_553 = arith.mulf %get3A_549, %get3A_552 : vector<16xf32>
        %add3A_554 = arith.addf %mul3A_546, %mul3A_553 : vector<16xf32>
        %get3A_555 = arith.index_cast %add3A_539 : i32 to index
        %get3A_556 = arith.constant 32 : index
        %get3A_557 = tpu.vector_load %arg8[%get3A_555, %get3A_556] {strides = array<i32>} : memref<128x64xf32, #tpu.memory_space<vmem>>, vector<16xf32>,
        %get3A_558 = arith.index_cast %add3A_539 : i32 to index
        %get3A_559 = arith.constant 32 : index
        %get3A_560 = tpu.vector_load %arg9[%get3A_558, %get3A_559] {strides = array<i32>} : memref<128x64xf32, #tpu.memory_space<vmem>>, vector<16xf32>,
        %mul3A_561 = arith.mulf %get3A_557, %get3A_560 : vector<16xf32>
        %get3A_562 = arith.index_cast %add3A_539 : i32 to index
        %get3A_563 = arith.constant 48 : index
        %get3A_564 = tpu.vector_load %arg8[%get3A_562, %get3A_563] {strides = array<i32>} : memref<128x64xf32, #tpu.memory_space<vmem>>, vector<16xf32>,
        %get3A_565 = arith.index_cast %add3A_539 : i32 to index
        %get3A_566 = arith.constant 48 : index
        %get3A_567 = tpu.vector_load %arg9[%get3A_565, %get3A_566] {strides = array<i32>} : memref<128x64xf32, #tpu.memory_space<vmem>>, vector<16xf32>,
        %mul3A_568 = arith.mulf %get3A_564, %get3A_567 : vector<16xf32>
        %add3A_569 = arith.addf %mul3A_561, %mul3A_568 : vector<16xf32>
        %sub3A_570 = arith.subf %add3A_554, %add3A_569 : vector<16xf32>
        %swap3A_571 = arith.constant 11 : i32
        %swap3A_572 = arith.index_cast %swap3A_571 : i32 to index
        %swap3A_573 = arith.constant 0 : index
        %swap3A_574 = tpu.vector_load %arg13[%swap3A_572, %swap3A_573] {strides = array<i32>} : memref<16x17xf32, #tpu.memory_space<vmem>>, vector<16xf32>,
        tpu.vector_store %arg13[%swap3A_572, %swap3A_573], %sub3A_570 {strides = array<i32>} : memref<16x17xf32, #tpu.memory_space<vmem>>, vector<16xf32>,
        %mul3A_575 = arith.constant 16 : i32
        %mul3A_576 = arith.muli %scan3A_109, %mul3A_575 : i32
        %add3A_577 = arith.constant 12 : i32
        %add3A_578 = arith.addi %mul3A_576, %add3A_577 : i32
        %get3A_579 = arith.index_cast %add3A_578 : i32 to index
        %get3A_580 = arith.constant 0 : index
        %get3A_581 = tpu.vector_load %arg8[%get3A_579, %get3A_580] {strides = array<i32>} : memref<128x64xf32, #tpu.memory_space<vmem>>, vector<16xf32>,
        %get3A_582 = arith.index_cast %add3A_578 : i32 to index
        %get3A_583 = arith.constant 0 : index
        %get3A_584 = tpu.vector_load %arg9[%get3A_582, %get3A_583] {strides = array<i32>} : memref<128x64xf32, #tpu.memory_space<vmem>>, vector<16xf32>,
        %mul3A_585 = arith.mulf %get3A_581, %get3A_584 : vector<16xf32>
        %get3A_586 = arith.index_cast %add3A_578 : i32 to index
        %get3A_587 = arith.constant 16 : index
        %get3A_588 = tpu.vector_load %arg8[%get3A_586, %get3A_587] {strides = array<i32>} : memref<128x64xf32, #tpu.memory_space<vmem>>, vector<16xf32>,
        %get3A_589 = arith.index_cast %add3A_578 : i32 to index
        %get3A_590 = arith.constant 16 : index
        %get3A_591 = tpu.vector_load %arg9[%get3A_589, %get3A_590] {strides = array<i32>} : memref<128x64xf32, #tpu.memory_space<vmem>>, vector<16xf32>,
        %mul3A_592 = arith.mulf %get3A_588, %get3A_591 : vector<16xf32>
        %add3A_593 = arith.addf %mul3A_585, %mul3A_592 : vector<16xf32>
        %get3A_594 = arith.index_cast %add3A_578 : i32 to index
        %get3A_595 = arith.constant 32 : index
        %get3A_596 = tpu.vector_load %arg8[%get3A_594, %get3A_595] {strides = array<i32>} : memref<128x64xf32, #tpu.memory_space<vmem>>, vector<16xf32>,
        %get3A_597 = arith.index_cast %add3A_578 : i32 to index
        %get3A_598 = arith.constant 32 : index
        %get3A_599 = tpu.vector_load %arg9[%get3A_597, %get3A_598] {strides = array<i32>} : memref<128x64xf32, #tpu.memory_space<vmem>>, vector<16xf32>,
        %mul3A_600 = arith.mulf %get3A_596, %get3A_599 : vector<16xf32>
        %get3A_601 = arith.index_cast %add3A_578 : i32 to index
        %get3A_602 = arith.constant 48 : index
        %get3A_603 = tpu.vector_load %arg8[%get3A_601, %get3A_602] {strides = array<i32>} : memref<128x64xf32, #tpu.memory_space<vmem>>, vector<16xf32>,
        %get3A_604 = arith.index_cast %add3A_578 : i32 to index
        %get3A_605 = arith.constant 48 : index
        %get3A_606 = tpu.vector_load %arg9[%get3A_604, %get3A_605] {strides = array<i32>} : memref<128x64xf32, #tpu.memory_space<vmem>>, vector<16xf32>,
        %mul3A_607 = arith.mulf %get3A_603, %get3A_606 : vector<16xf32>
        %add3A_608 = arith.addf %mul3A_600, %mul3A_607 : vector<16xf32>
        %sub3A_609 = arith.subf %add3A_593, %add3A_608 : vector<16xf32>
        %swap3A_610 = arith.constant 12 : i32
        %swap3A_611 = arith.index_cast %swap3A_610 : i32 to index
        %swap3A_612 = arith.constant 0 : index
        %swap3A_613 = tpu.vector_load %arg13[%swap3A_611, %swap3A_612] {strides = array<i32>} : memref<16x17xf32, #tpu.memory_space<vmem>>, vector<16xf32>,
        tpu.vector_store %arg13[%swap3A_611, %swap3A_612], %sub3A_609 {strides = array<i32>} : memref<16x17xf32, #tpu.memory_space<vmem>>, vector<16xf32>,
        %mul3A_614 = arith.constant 16 : i32
        %mul3A_615 = arith.muli %scan3A_109, %mul3A_614 : i32
        %add3A_616 = arith.constant 13 : i32
        %add3A_617 = arith.addi %mul3A_615, %add3A_616 : i32
        %get3A_618 = arith.index_cast %add3A_617 : i32 to index
        %get3A_619 = arith.constant 0 : index
        %get3A_620 = tpu.vector_load %arg8[%get3A_618, %get3A_619] {strides = array<i32>} : memref<128x64xf32, #tpu.memory_space<vmem>>, vector<16xf32>,
        %get3A_621 = arith.index_cast %add3A_617 : i32 to index
        %get3A_622 = arith.constant 0 : index
        %get3A_623 = tpu.vector_load %arg9[%get3A_621, %get3A_622] {strides = array<i32>} : memref<128x64xf32, #tpu.memory_space<vmem>>, vector<16xf32>,
        %mul3A_624 = arith.mulf %get3A_620, %get3A_623 : vector<16xf32>
        %get3A_625 = arith.index_cast %add3A_617 : i32 to index
        %get3A_626 = arith.constant 16 : index
        %get3A_627 = tpu.vector_load %arg8[%get3A_625, %get3A_626] {strides = array<i32>} : memref<128x64xf32, #tpu.memory_space<vmem>>, vector<16xf32>,
        %get3A_628 = arith.index_cast %add3A_617 : i32 to index
        %get3A_629 = arith.constant 16 : index
        %get3A_630 = tpu.vector_load %arg9[%get3A_628, %get3A_629] {strides = array<i32>} : memref<128x64xf32, #tpu.memory_space<vmem>>, vector<16xf32>,
        %mul3A_631 = arith.mulf %get3A_627, %get3A_630 : vector<16xf32>
        %add3A_632 = arith.addf %mul3A_624, %mul3A_631 : vector<16xf32>
        %get3A_633 = arith.index_cast %add3A_617 : i32 to index
        %get3A_634 = arith.constant 32 : index
        %get3A_635 = tpu.vector_load %arg8[%get3A_633, %get3A_634] {strides = array<i32>} : memref<128x64xf32, #tpu.memory_space<vmem>>, vector<16xf32>,
        %get3A_636 = arith.index_cast %add3A_617 : i32 to index
        %get3A_637 = arith.constant 32 : index
        %get3A_638 = tpu.vector_load %arg9[%get3A_636, %get3A_637] {strides = array<i32>} : memref<128x64xf32, #tpu.memory_space<vmem>>, vector<16xf32>,
        %mul3A_639 = arith.mulf %get3A_635, %get3A_638 : vector<16xf32>
        %get3A_640 = arith.index_cast %add3A_617 : i32 to index
        %get3A_641 = arith.constant 48 : index
        %get3A_642 = tpu.vector_load %arg8[%get3A_640, %get3A_641] {strides = array<i32>} : memref<128x64xf32, #tpu.memory_space<vmem>>, vector<16xf32>,
        %get3A_643 = arith.index_cast %add3A_617 : i32 to index
        %get3A_644 = arith.constant 48 : index
        %get3A_645 = tpu.vector_load %arg9[%get3A_643, %get3A_644] {strides = array<i32>} : memref<128x64xf32, #tpu.memory_space<vmem>>, vector<16xf32>,
        %mul3A_646 = arith.mulf %get3A_642, %get3A_645 : vector<16xf32>
        %add3A_647 = arith.addf %mul3A_639, %mul3A_646 : vector<16xf32>
        %sub3A_648 = arith.subf %add3A_632, %add3A_647 : vector<16xf32>
        %swap3A_649 = arith.constant 13 : i32
        %swap3A_650 = arith.index_cast %swap3A_649 : i32 to index
        %swap3A_651 = arith.constant 0 : index
        %swap3A_652 = tpu.vector_load %arg13[%swap3A_650, %swap3A_651] {strides = array<i32>} : memref<16x17xf32, #tpu.memory_space<vmem>>, vector<16xf32>,
        tpu.vector_store %arg13[%swap3A_650, %swap3A_651], %sub3A_648 {strides = array<i32>} : memref<16x17xf32, #tpu.memory_space<vmem>>, vector<16xf32>,
        %mul3A_653 = arith.constant 16 : i32
        %mul3A_654 = arith.muli %scan3A_109, %mul3A_653 : i32
        %add3A_655 = arith.constant 14 : i32
        %add3A_656 = arith.addi %mul3A_654, %add3A_655 : i32
        %get3A_657 = arith.index_cast %add3A_656 : i32 to index
        %get3A_658 = arith.constant 0 : index
        %get3A_659 = tpu.vector_load %arg8[%get3A_657, %get3A_658] {strides = array<i32>} : memref<128x64xf32, #tpu.memory_space<vmem>>, vector<16xf32>,
        %get3A_660 = arith.index_cast %add3A_656 : i32 to index
        %get3A_661 = arith.constant 0 : index
        %get3A_662 = tpu.vector_load %arg9[%get3A_660, %get3A_661] {strides = array<i32>} : memref<128x64xf32, #tpu.memory_space<vmem>>, vector<16xf32>,
        %mul3A_663 = arith.mulf %get3A_659, %get3A_662 : vector<16xf32>
        %get3A_664 = arith.index_cast %add3A_656 : i32 to index
        %get3A_665 = arith.constant 16 : index
        %get3A_666 = tpu.vector_load %arg8[%get3A_664, %get3A_665] {strides = array<i32>} : memref<128x64xf32, #tpu.memory_space<vmem>>, vector<16xf32>,
        %get3A_667 = arith.index_cast %add3A_656 : i32 to index
        %get3A_668 = arith.constant 16 : index
        %get3A_669 = tpu.vector_load %arg9[%get3A_667, %get3A_668] {strides = array<i32>} : memref<128x64xf32, #tpu.memory_space<vmem>>, vector<16xf32>,
        %mul3A_670 = arith.mulf %get3A_666, %get3A_669 : vector<16xf32>
        %add3A_671 = arith.addf %mul3A_663, %mul3A_670 : vector<16xf32>
        %get3A_672 = arith.index_cast %add3A_656 : i32 to index
        %get3A_673 = arith.constant 32 : index
        %get3A_674 = tpu.vector_load %arg8[%get3A_672, %get3A_673] {strides = array<i32>} : memref<128x64xf32, #tpu.memory_space<vmem>>, vector<16xf32>,
        %get3A_675 = arith.index_cast %add3A_656 : i32 to index
        %get3A_676 = arith.constant 32 : index
        %get3A_677 = tpu.vector_load %arg9[%get3A_675, %get3A_676] {strides = array<i32>} : memref<128x64xf32, #tpu.memory_space<vmem>>, vector<16xf32>,
        %mul3A_678 = arith.mulf %get3A_674, %get3A_677 : vector<16xf32>
        %get3A_679 = arith.index_cast %add3A_656 : i32 to index
        %get3A_680 = arith.constant 48 : index
        %get3A_681 = tpu.vector_load %arg8[%get3A_679, %get3A_680] {strides = array<i32>} : memref<128x64xf32, #tpu.memory_space<vmem>>, vector<16xf32>,
        %get3A_682 = arith.index_cast %add3A_656 : i32 to index
        %get3A_683 = arith.constant 48 : index
        %get3A_684 = tpu.vector_load %arg9[%get3A_682, %get3A_683] {strides = array<i32>} : memref<128x64xf32, #tpu.memory_space<vmem>>, vector<16xf32>,
        %mul3A_685 = arith.mulf %get3A_681, %get3A_684 : vector<16xf32>
        %add3A_686 = arith.addf %mul3A_678, %mul3A_685 : vector<16xf32>
        %sub3A_687 = arith.subf %add3A_671, %add3A_686 : vector<16xf32>
        %swap3A_688 = arith.constant 14 : i32
        %swap3A_689 = arith.index_cast %swap3A_688 : i32 to index
        %swap3A_690 = arith.constant 0 : index
        %swap3A_691 = tpu.vector_load %arg13[%swap3A_689, %swap3A_690] {strides = array<i32>} : memref<16x17xf32, #tpu.memory_space<vmem>>, vector<16xf32>,
        tpu.vector_store %arg13[%swap3A_689, %swap3A_690], %sub3A_687 {strides = array<i32>} : memref<16x17xf32, #tpu.memory_space<vmem>>, vector<16xf32>,
        %mul3A_692 = arith.constant 16 : i32
        %mul3A_693 = arith.muli %scan3A_109, %mul3A_692 : i32
        %add3A_694 = arith.constant 15 : i32
        %add3A_695 = arith.addi %mul3A_693, %add3A_694 : i32
        %get3A_696 = arith.index_cast %add3A_695 : i32 to index
        %get3A_697 = arith.constant 0 : index
        %get3A_698 = tpu.vector_load %arg8[%get3A_696, %get3A_697] {strides = array<i32>} : memref<128x64xf32, #tpu.memory_space<vmem>>, vector<16xf32>,
        %get3A_699 = arith.index_cast %add3A_695 : i32 to index
        %get3A_700 = arith.constant 0 : index
        %get3A_701 = tpu.vector_load %arg9[%get3A_699, %get3A_700] {strides = array<i32>} : memref<128x64xf32, #tpu.memory_space<vmem>>, vector<16xf32>,
        %mul3A_702 = arith.mulf %get3A_698, %get3A_701 : vector<16xf32>
        %get3A_703 = arith.index_cast %add3A_695 : i32 to index
        %get3A_704 = arith.constant 16 : index
        %get3A_705 = tpu.vector_load %arg8[%get3A_703, %get3A_704] {strides = array<i32>} : memref<128x64xf32, #tpu.memory_space<vmem>>, vector<16xf32>,
        %get3A_706 = arith.index_cast %add3A_695 : i32 to index
        %get3A_707 = arith.constant 16 : index
        %get3A_708 = tpu.vector_load %arg9[%get3A_706, %get3A_707] {strides = array<i32>} : memref<128x64xf32, #tpu.memory_space<vmem>>, vector<16xf32>,
        %mul3A_709 = arith.mulf %get3A_705, %get3A_708 : vector<16xf32>
        %add3A_710 = arith.addf %mul3A_702, %mul3A_709 : vector<16xf32>
        %get3A_711 = arith.index_cast %add3A_695 : i32 to index
        %get3A_712 = arith.constant 32 : index
        %get3A_713 = tpu.vector_load %arg8[%get3A_711, %get3A_712] {strides = array<i32>} : memref<128x64xf32, #tpu.memory_space<vmem>>, vector<16xf32>,
        %get3A_714 = arith.index_cast %add3A_695 : i32 to index
        %get3A_715 = arith.constant 32 : index
        %get3A_716 = tpu.vector_load %arg9[%get3A_714, %get3A_715] {strides = array<i32>} : memref<128x64xf32, #tpu.memory_space<vmem>>, vector<16xf32>,
        %mul3A_717 = arith.mulf %get3A_713, %get3A_716 : vector<16xf32>
        %get3A_718 = arith.index_cast %add3A_695 : i32 to index
        %get3A_719 = arith.constant 48 : index
        %get3A_720 = tpu.vector_load %arg8[%get3A_718, %get3A_719] {strides = array<i32>} : memref<128x64xf32, #tpu.memory_space<vmem>>, vector<16xf32>,
        %get3A_721 = arith.index_cast %add3A_695 : i32 to index
        %get3A_722 = arith.constant 48 : index
        %get3A_723 = tpu.vector_load %arg9[%get3A_721, %get3A_722] {strides = array<i32>} : memref<128x64xf32, #tpu.memory_space<vmem>>, vector<16xf32>,
        %mul3A_724 = arith.mulf %get3A_720, %get3A_723 : vector<16xf32>
        %add3A_725 = arith.addf %mul3A_717, %mul3A_724 : vector<16xf32>
        %sub3A_726 = arith.subf %add3A_710, %add3A_725 : vector<16xf32>
        %swap3A_727 = arith.constant 15 : i32
        %swap3A_728 = arith.index_cast %swap3A_727 : i32 to index
        %swap3A_729 = arith.constant 0 : index
        %swap3A_730 = tpu.vector_load %arg13[%swap3A_728, %swap3A_729] {strides = array<i32>} : memref<16x17xf32, #tpu.memory_space<vmem>>, vector<16xf32>,
        tpu.vector_store %arg13[%swap3A_728, %swap3A_729], %sub3A_726 {strides = array<i32>} : memref<16x17xf32, #tpu.memory_space<vmem>>, vector<16xf32>,
        %broadcast_in_dim3A = arith.constant 0.000000e+00 : f32
        %broadcast_in_dim3A_731 = vector.broadcast %broadcast_in_dim3A : f32 to vector<16xf32>
        %broadcast_in_dim3A_732 = arith.constant 0.000000e+00 : f32
        %broadcast_in_dim3A_733 = vector.broadcast %broadcast_in_dim3A_732 : f32 to vector<16xf32>
        %broadcast_in_dim3A_734 = arith.constant 0 : i32
        %broadcast_in_dim3A_735 = vector.broadcast %broadcast_in_dim3A_734 : i32 to vector<16xi32>
        %gather3A = tpu.vector_load_idx %arg13[%iota3A, %broadcast_in_dim3A_735] : memref<16x17xf32, #tpu.memory_space<vmem>>[vector<16xi32>, vector<16xi32>], vector<16xf32>,
        %add3A_736 = arith.addf %broadcast_in_dim3A_731, %gather3A : vector<16xf32>
        %broadcast_in_dim3A_737 = arith.constant 1 : i32
        %broadcast_in_dim3A_738 = vector.broadcast %broadcast_in_dim3A_737 : i32 to vector<16xi32>
        %gather3A_739 = tpu.vector_load_idx %arg13[%iota3A, %broadcast_in_dim3A_738] : memref<16x17xf32, #tpu.memory_space<vmem>>[vector<16xi32>, vector<16xi32>], vector<16xf32>,
        %add3A_740 = arith.addf %broadcast_in_dim3A_733, %gather3A_739 : vector<16xf32>
        %broadcast_in_dim3A_741 = arith.constant 2 : i32
        %broadcast_in_dim3A_742 = vector.broadcast %broadcast_in_dim3A_741 : i32 to vector<16xi32>
        %gather3A_743 = tpu.vector_load_idx %arg13[%iota3A, %broadcast_in_dim3A_742] : memref<16x17xf32, #tpu.memory_space<vmem>>[vector<16xi32>, vector<16xi32>], vector<16xf32>,
        %add3A_744 = arith.addf %add3A_736, %gather3A_743 : vector<16xf32>
        %broadcast_in_dim3A_745 = arith.constant 3 : i32
        %broadcast_in_dim3A_746 = vector.broadcast %broadcast_in_dim3A_745 : i32 to vector<16xi32>
        %gather3A_747 = tpu.vector_load_idx %arg13[%iota3A, %broadcast_in_dim3A_746] : memref<16x17xf32, #tpu.memory_space<vmem>>[vector<16xi32>, vector<16xi32>], vector<16xf32>,
        %add3A_748 = arith.addf %add3A_740, %gather3A_747 : vector<16xf32>
        %broadcast_in_dim3A_749 = arith.constant 4 : i32
        %broadcast_in_dim3A_750 = vector.broadcast %broadcast_in_dim3A_749 : i32 to vector<16xi32>
        %gather3A_751 = tpu.vector_load_idx %arg13[%iota3A, %broadcast_in_dim3A_750] : memref<16x17xf32, #tpu.memory_space<vmem>>[vector<16xi32>, vector<16xi32>], vector<16xf32>,
        %add3A_752 = arith.addf %add3A_744, %gather3A_751 : vector<16xf32>
        %broadcast_in_dim3A_753 = arith.constant 5 : i32
        %broadcast_in_dim3A_754 = vector.broadcast %broadcast_in_dim3A_753 : i32 to vector<16xi32>
        %gather3A_755 = tpu.vector_load_idx %arg13[%iota3A, %broadcast_in_dim3A_754] : memref<16x17xf32, #tpu.memory_space<vmem>>[vector<16xi32>, vector<16xi32>], vector<16xf32>,
        %add3A_756 = arith.addf %add3A_748, %gather3A_755 : vector<16xf32>
        %broadcast_in_dim3A_757 = arith.constant 6 : i32
        %broadcast_in_dim3A_758 = vector.broadcast %broadcast_in_dim3A_757 : i32 to vector<16xi32>
        %gather3A_759 = tpu.vector_load_idx %arg13[%iota3A, %broadcast_in_dim3A_758] : memref<16x17xf32, #tpu.memory_space<vmem>>[vector<16xi32>, vector<16xi32>], vector<16xf32>,
        %add3A_760 = arith.addf %add3A_752, %gather3A_759 : vector<16xf32>
        %broadcast_in_dim3A_761 = arith.constant 7 : i32
        %broadcast_in_dim3A_762 = vector.broadcast %broadcast_in_dim3A_761 : i32 to vector<16xi32>
        %gather3A_763 = tpu.vector_load_idx %arg13[%iota3A, %broadcast_in_dim3A_762] : memref<16x17xf32, #tpu.memory_space<vmem>>[vector<16xi32>, vector<16xi32>], vector<16xf32>,
        %add3A_764 = arith.addf %add3A_756, %gather3A_763 : vector<16xf32>
        %broadcast_in_dim3A_765 = arith.constant 8 : i32
        %broadcast_in_dim3A_766 = vector.broadcast %broadcast_in_dim3A_765 : i32 to vector<16xi32>
        %gather3A_767 = tpu.vector_load_idx %arg13[%iota3A, %broadcast_in_dim3A_766] : memref<16x17xf32, #tpu.memory_space<vmem>>[vector<16xi32>, vector<16xi32>], vector<16xf32>,
        %add3A_768 = arith.addf %add3A_760, %gather3A_767 : vector<16xf32>
        %broadcast_in_dim3A_769 = arith.constant 9 : i32
        %broadcast_in_dim3A_770 = vector.broadcast %broadcast_in_dim3A_769 : i32 to vector<16xi32>
        %gather3A_771 = tpu.vector_load_idx %arg13[%iota3A, %broadcast_in_dim3A_770] : memref<16x17xf32, #tpu.memory_space<vmem>>[vector<16xi32>, vector<16xi32>], vector<16xf32>,
        %add3A_772 = arith.addf %add3A_764, %gather3A_771 : vector<16xf32>
        %broadcast_in_dim3A_773 = arith.constant 10 : i32
        %broadcast_in_dim3A_774 = vector.broadcast %broadcast_in_dim3A_773 : i32 to vector<16xi32>
        %gather3A_775 = tpu.vector_load_idx %arg13[%iota3A, %broadcast_in_dim3A_774] : memref<16x17xf32, #tpu.memory_space<vmem>>[vector<16xi32>, vector<16xi32>], vector<16xf32>,
        %add3A_776 = arith.addf %add3A_768, %gather3A_775 : vector<16xf32>
        %broadcast_in_dim3A_777 = arith.constant 11 : i32
        %broadcast_in_dim3A_778 = vector.broadcast %broadcast_in_dim3A_777 : i32 to vector<16xi32>
        %gather3A_779 = tpu.vector_load_idx %arg13[%iota3A, %broadcast_in_dim3A_778] : memref<16x17xf32, #tpu.memory_space<vmem>>[vector<16xi32>, vector<16xi32>], vector<16xf32>,
        %add3A_780 = arith.addf %add3A_772, %gather3A_779 : vector<16xf32>
        %broadcast_in_dim3A_781 = arith.constant 12 : i32
        %broadcast_in_dim3A_782 = vector.broadcast %broadcast_in_dim3A_781 : i32 to vector<16xi32>
        %gather3A_783 = tpu.vector_load_idx %arg13[%iota3A, %broadcast_in_dim3A_782] : memref<16x17xf32, #tpu.memory_space<vmem>>[vector<16xi32>, vector<16xi32>], vector<16xf32>,
        %add3A_784 = arith.addf %add3A_776, %gather3A_783 : vector<16xf32>
        %broadcast_in_dim3A_785 = arith.constant 13 : i32
        %broadcast_in_dim3A_786 = vector.broadcast %broadcast_in_dim3A_785 : i32 to vector<16xi32>
        %gather3A_787 = tpu.vector_load_idx %arg13[%iota3A, %broadcast_in_dim3A_786] : memref<16x17xf32, #tpu.memory_space<vmem>>[vector<16xi32>, vector<16xi32>], vector<16xf32>,
        %add3A_788 = arith.addf %add3A_780, %gather3A_787 : vector<16xf32>
        %broadcast_in_dim3A_789 = arith.constant 14 : i32
        %broadcast_in_dim3A_790 = vector.broadcast %broadcast_in_dim3A_789 : i32 to vector<16xi32>
        %gather3A_791 = tpu.vector_load_idx %arg13[%iota3A, %broadcast_in_dim3A_790] : memref<16x17xf32, #tpu.memory_space<vmem>>[vector<16xi32>, vector<16xi32>], vector<16xf32>,
        %add3A_792 = arith.addf %add3A_784, %gather3A_791 : vector<16xf32>
        %broadcast_in_dim3A_793 = arith.constant 15 : i32
        %broadcast_in_dim3A_794 = vector.broadcast %broadcast_in_dim3A_793 : i32 to vector<16xi32>
        %gather3A_795 = tpu.vector_load_idx %arg13[%iota3A, %broadcast_in_dim3A_794] : memref<16x17xf32, #tpu.memory_space<vmem>>[vector<16xi32>, vector<16xi32>], vector<16xf32>,
        %add3A_796 = arith.addf %add3A_788, %gather3A_795 : vector<16xf32>
        %add3A_797 = arith.addf %add3A_792, %add3A_796 : vector<16xf32>
        %mul3A_798 = arith.constant 16 : i32
        %mul3A_799 = arith.muli %scan3A_109, %mul3A_798 : i32
        %multiple_of3A = tpu.assume_multiple %mul3A_799, 16 : i32
        %swap3A_800 = arith.index_cast %mul3A_44 : i32 to index
        %swap3A_801 = arith.index_cast %multiple_of3A : i32 to index
        %swap3A_802 = tpu.vector_load %arg12[%swap3A_800, %swap3A_801] {strides = array<i32>} : memref<79x128xf32, #tpu.memory_space<vmem>>, vector<16xf32>,
        tpu.vector_store %arg12[%swap3A_800, %swap3A_801], %add3A_797 {strides = array<i32>} : memref<79x128xf32, #tpu.memory_space<vmem>>, vector<16xf32>,
      }
      %scan3A_76 = arith.constant 8 : i32
      %dma_wait3A_77 = arith.constant 0 : i32
      %dma_wait3A_78 = tpu.memref_slice %arg6[%add3A_46, %dma_wait3A_77] : memref<79x128xi32, #tpu.memory_space<vmem>> -> memref<1x128xi32, #tpu.memory_space<vmem>>
      %dma_wait3A_79 = tpu.memref_squeeze %dma_wait3A_78 : memref<1x128xi32, #tpu.memory_space<vmem>> -> memref<128xi32, #tpu.memory_space<vmem>>
      %dma_wait3A_80 = arith.constant 0 : i32
      %dma_wait3A_81 = arith.constant 0 : i32
      %dma_wait3A_82 = tpu.memref_slice %arg15[%dma_wait3A_80, %dma_wait3A_81] : memref<10240x64xf32, #tpu.memory_space<vmem_shared>> -> memref<10240x64xf32, #tpu.memory_space<vmem_shared>>
      tpu.wait_indirect_dma semaphore(%arg17 : memref<!tpu.dma_semaphore, #tpu.memory_space<semaphore_mem>>) src(%dma_wait3A_82 : memref<10240x64xf32, #tpu.memory_space<vmem_shared>>) dst(%arg10 : memref<128x64xf32, #tpu.memory_space<vmem>>)
      %dma_wait3A_83 = arith.constant 0 : i32
      %dma_wait3A_84 = tpu.memref_slice %arg7[%add3A_46, %dma_wait3A_83] : memref<79x128xi32, #tpu.memory_space<vmem>> -> memref<1x128xi32, #tpu.memory_space<vmem>>
      %dma_wait3A_85 = tpu.memref_squeeze %dma_wait3A_84 : memref<1x128xi32, #tpu.memory_space<vmem>> -> memref<128xi32, #tpu.memory_space<vmem>>
      %dma_wait3A_86 = arith.constant 0 : i32
      %dma_wait3A_87 = arith.constant 0 : i32
      %dma_wait3A_88 = tpu.memref_slice %arg15[%dma_wait3A_86, %dma_wait3A_87] : memref<10240x64xf32, #tpu.memory_space<vmem_shared>> -> memref<10240x64xf32, #tpu.memory_space<vmem_shared>>
      tpu.wait_indirect_dma semaphore(%arg17 : memref<!tpu.dma_semaphore, #tpu.memory_space<semaphore_mem>>) src(%dma_wait3A_88 : memref<10240x64xf32, #tpu.memory_space<vmem_shared>>) dst(%arg11 : memref<128x64xf32, #tpu.memory_space<vmem>>)
      %add3A_89 = arith.constant 2 : i32
      %add3A_90 = arith.addi %mul3A_44, %add3A_89 : i32
      %dma_start3A_91 = arith.constant 0 : i32
      %dma_start3A_92 = tpu.memref_slice %arg6[%add3A_90, %dma_start3A_91] : memref<79x128xi32, #tpu.memory_space<vmem>> -> memref<1x128xi32, #tpu.memory_space<vmem>>
      %dma_start3A_93 = tpu.memref_squeeze %dma_start3A_92 : memref<1x128xi32, #tpu.memory_space<vmem>> -> memref<128xi32, #tpu.memory_space<vmem>>
      %dma_start3A_94 = arith.constant 0 : i32
      %dma_start3A_95 = arith.constant 0 : i32
      %dma_start3A_96 = tpu.memref_slice %arg15[%dma_start3A_94, %dma_start3A_95] : memref<10240x64xf32, #tpu.memory_space<vmem_shared>> -> memref<10240x64xf32, #tpu.memory_space<vmem_shared>>
      tpu.enqueue_indirect_dma source(%dma_start3A_96 : memref<10240x64xf32, #tpu.memory_space<vmem_shared>>) target(%arg8 : memref<128x64xf32, #tpu.memory_space<vmem>>) offsets(%dma_start3A_93 : memref<128xi32, #tpu.memory_space<vmem>>) semaphore(%arg16 : memref<!tpu.dma_semaphore, #tpu.memory_space<semaphore_mem>>)
      %dma_start3A_97 = arith.constant 0 : i32
      %dma_start3A_98 = tpu.memref_slice %arg7[%add3A_90, %dma_start3A_97] : memref<79x128xi32, #tpu.memory_space<vmem>> -> memref<1x128xi32, #tpu.memory_space<vmem>>
      %dma_start3A_99 = tpu.memref_squeeze %dma_start3A_98 : memref<1x128xi32, #tpu.memory_space<vmem>> -> memref<128xi32, #tpu.memory_space<vmem>>
      %dma_start3A_100 = arith.constant 0 : i32
      %dma_start3A_101 = arith.constant 0 : i32
      %dma_start3A_102 = tpu.memref_slice %arg15[%dma_start3A_100, %dma_start3A_101] : memref<10240x64xf32, #tpu.memory_space<vmem_shared>> -> memref<10240x64xf32, #tpu.memory_space<vmem_shared>>
      tpu.enqueue_indirect_dma source(%dma_start3A_102 : memref<10240x64xf32, #tpu.memory_space<vmem_shared>>) target(%arg9 : memref<128x64xf32, #tpu.memory_space<vmem>>) offsets(%dma_start3A_99 : memref<128xi32, #tpu.memory_space<vmem>>) semaphore(%arg16 : memref<!tpu.dma_semaphore, #tpu.memory_space<semaphore_mem>>)
      %scan3A_103 = arith.constant 0 : i32
      %scan3A_104 = arith.constant 0 : i32
      %scan3A_105 = arith.constant 8 : i32
      %scan3A_106 = arith.addi %scan3A_104, %scan3A_105 : i32
      %scan3A_107 = arith.constant 1 : i32
      scf.for %scan3A_109 = %scan3A_104 to %scan3A_106 step %scan3A_107  : i32 {
        %mul3A_110 = arith.constant 16 : i32
        %mul3A_111 = arith.muli %scan3A_109, %mul3A_110 : i32
        %add3A_112 = arith.constant 0 : i32
        %add3A_113 = arith.addi %mul3A_111, %add3A_112 : i32
        %get3A = arith.index_cast %add3A_113 : i32 to index
        %get3A_114 = arith.constant 0 : index
        %get3A_115 = tpu.vector_load %arg10[%get3A, %get3A_114] {strides = array<i32>} : memref<128x64xf32, #tpu.memory_space<vmem>>, vector<16xf32>,
        %get3A_116 = arith.index_cast %add3A_113 : i32 to index
        %get3A_117 = arith.constant 0 : index
        %get3A_118 = tpu.vector_load %arg11[%get3A_116, %get3A_117] {strides = array<i32>} : memref<128x64xf32, #tpu.memory_space<vmem>>, vector<16xf32>,
        %mul3A_119 = arith.mulf %get3A_115, %get3A_118 : vector<16xf32>
        %get3A_120 = arith.index_cast %add3A_113 : i32 to index
        %get3A_121 = arith.constant 16 : index
        %get3A_122 = tpu.vector_load %arg10[%get3A_120, %get3A_121] {strides = array<i32>} : memref<128x64xf32, #tpu.memory_space<vmem>>, vector<16xf32>,
        %get3A_123 = arith.index_cast %add3A_113 : i32 to index
        %get3A_124 = arith.constant 16 : index
        %get3A_125 = tpu.vector_load %arg11[%get3A_123, %get3A_124] {strides = array<i32>} : memref<128x64xf32, #tpu.memory_space<vmem>>, vector<16xf32>,
        %mul3A_126 = arith.mulf %get3A_122, %get3A_125 : vector<16xf32>
        %add3A_127 = arith.addf %mul3A_119, %mul3A_126 : vector<16xf32>
        %get3A_128 = arith.index_cast %add3A_113 : i32 to index
        %get3A_129 = arith.constant 32 : index
        %get3A_130 = tpu.vector_load %arg10[%get3A_128, %get3A_129] {strides = array<i32>} : memref<128x64xf32, #tpu.memory_space<vmem>>, vector<16xf32>,
        %get3A_131 = arith.index_cast %add3A_113 : i32 to index
        %get3A_132 = arith.constant 32 : index
        %get3A_133 = tpu.vector_load %arg11[%get3A_131, %get3A_132] {strides = array<i32>} : memref<128x64xf32, #tpu.memory_space<vmem>>, vector<16xf32>,
        %mul3A_134 = arith.mulf %get3A_130, %get3A_133 : vector<16xf32>
        %get3A_135 = arith.index_cast %add3A_113 : i32 to index
        %get3A_136 = arith.constant 48 : index
        %get3A_137 = tpu.vector_load %arg10[%get3A_135, %get3A_136] {strides = array<i32>} : memref<128x64xf32, #tpu.memory_space<vmem>>, vector<16xf32>,
        %get3A_138 = arith.index_cast %add3A_113 : i32 to index
        %get3A_139 = arith.constant 48 : index
        %get3A_140 = tpu.vector_load %arg11[%get3A_138, %get3A_139] {strides = array<i32>} : memref<128x64xf32, #tpu.memory_space<vmem>>, vector<16xf32>,
        %mul3A_141 = arith.mulf %get3A_137, %get3A_140 : vector<16xf32>
        %add3A_142 = arith.addf %mul3A_134, %mul3A_141 : vector<16xf32>
        %sub3A = arith.subf %add3A_127, %add3A_142 : vector<16xf32>
        %swap3A = arith.constant 0 : i32
        %swap3A_143 = arith.index_cast %swap3A : i32 to index
        %swap3A_144 = arith.constant 0 : index
        %swap3A_145 = tpu.vector_load %arg13[%swap3A_143, %swap3A_144] {strides = array<i32>} : memref<16x17xf32, #tpu.memory_space<vmem>>, vector<16xf32>,
        tpu.vector_store %arg13[%swap3A_143, %swap3A_144], %sub3A {strides = array<i32>} : memref<16x17xf32, #tpu.memory_space<vmem>>, vector<16xf32>,
        %mul3A_146 = arith.constant 16 : i32
        %mul3A_147 = arith.muli %scan3A_109, %mul3A_146 : i32
        %add3A_148 = arith.constant 1 : i32
        %add3A_149 = arith.addi %mul3A_147, %add3A_148 : i32
        %get3A_150 = arith.index_cast %add3A_149 : i32 to index
        %get3A_151 = arith.constant 0 : index
        %get3A_152 = tpu.vector_load %arg10[%get3A_150, %get3A_151] {strides = array<i32>} : memref<128x64xf32, #tpu.memory_space<vmem>>, vector<16xf32>,
        %get3A_153 = arith.index_cast %add3A_149 : i32 to index
        %get3A_154 = arith.constant 0 : index
        %get3A_155 = tpu.vector_load %arg11[%get3A_153, %get3A_154] {strides = array<i32>} : memref<128x64xf32, #tpu.memory_space<vmem>>, vector<16xf32>,
        %mul3A_156 = arith.mulf %get3A_152, %get3A_155 : vector<16xf32>
        %get3A_157 = arith.index_cast %add3A_149 : i32 to index
        %get3A_158 = arith.constant 16 : index
        %get3A_159 = tpu.vector_load %arg10[%get3A_157, %get3A_158] {strides = array<i32>} : memref<128x64xf32, #tpu.memory_space<vmem>>, vector<16xf32>,
        %get3A_160 = arith.index_cast %add3A_149 : i32 to index
        %get3A_161 = arith.constant 16 : index
        %get3A_162 = tpu.vector_load %arg11[%get3A_160, %get3A_161] {strides = array<i32>} : memref<128x64xf32, #tpu.memory_space<vmem>>, vector<16xf32>,
        %mul3A_163 = arith.mulf %get3A_159, %get3A_162 : vector<16xf32>
        %add3A_164 = arith.addf %mul3A_156, %mul3A_163 : vector<16xf32>
        %get3A_165 = arith.index_cast %add3A_149 : i32 to index
        %get3A_166 = arith.constant 32 : index
        %get3A_167 = tpu.vector_load %arg10[%get3A_165, %get3A_166] {strides = array<i32>} : memref<128x64xf32, #tpu.memory_space<vmem>>, vector<16xf32>,
        %get3A_168 = arith.index_cast %add3A_149 : i32 to index
        %get3A_169 = arith.constant 32 : index
        %get3A_170 = tpu.vector_load %arg11[%get3A_168, %get3A_169] {strides = array<i32>} : memref<128x64xf32, #tpu.memory_space<vmem>>, vector<16xf32>,
        %mul3A_171 = arith.mulf %get3A_167, %get3A_170 : vector<16xf32>
        %get3A_172 = arith.index_cast %add3A_149 : i32 to index
        %get3A_173 = arith.constant 48 : index
        %get3A_174 = tpu.vector_load %arg10[%get3A_172, %get3A_173] {strides = array<i32>} : memref<128x64xf32, #tpu.memory_space<vmem>>, vector<16xf32>,
        %get3A_175 = arith.index_cast %add3A_149 : i32 to index
        %get3A_176 = arith.constant 48 : index
        %get3A_177 = tpu.vector_load %arg11[%get3A_175, %get3A_176] {strides = array<i32>} : memref<128x64xf32, #tpu.memory_space<vmem>>, vector<16xf32>,
        %mul3A_178 = arith.mulf %get3A_174, %get3A_177 : vector<16xf32>
        %add3A_179 = arith.addf %mul3A_171, %mul3A_178 : vector<16xf32>
        %sub3A_180 = arith.subf %add3A_164, %add3A_179 : vector<16xf32>
        %swap3A_181 = arith.constant 1 : i32
        %swap3A_182 = arith.index_cast %swap3A_181 : i32 to index
        %swap3A_183 = arith.constant 0 : index
        %swap3A_184 = tpu.vector_load %arg13[%swap3A_182, %swap3A_183] {strides = array<i32>} : memref<16x17xf32, #tpu.memory_space<vmem>>, vector<16xf32>,
        tpu.vector_store %arg13[%swap3A_182, %swap3A_183], %sub3A_180 {strides = array<i32>} : memref<16x17xf32, #tpu.memory_space<vmem>>, vector<16xf32>,
        %mul3A_185 = arith.constant 16 : i32
        %mul3A_186 = arith.muli %scan3A_109, %mul3A_185 : i32
        %add3A_187 = arith.constant 2 : i32
        %add3A_188 = arith.addi %mul3A_186, %add3A_187 : i32
        %get3A_189 = arith.index_cast %add3A_188 : i32 to index
        %get3A_190 = arith.constant 0 : index
        %get3A_191 = tpu.vector_load %arg10[%get3A_189, %get3A_190] {strides = array<i32>} : memref<128x64xf32, #tpu.memory_space<vmem>>, vector<16xf32>,
        %get3A_192 = arith.index_cast %add3A_188 : i32 to index
        %get3A_193 = arith.constant 0 : index
        %get3A_194 = tpu.vector_load %arg11[%get3A_192, %get3A_193] {strides = array<i32>} : memref<128x64xf32, #tpu.memory_space<vmem>>, vector<16xf32>,
        %mul3A_195 = arith.mulf %get3A_191, %get3A_194 : vector<16xf32>
        %get3A_196 = arith.index_cast %add3A_188 : i32 to index
        %get3A_197 = arith.constant 16 : index
        %get3A_198 = tpu.vector_load %arg10[%get3A_196, %get3A_197] {strides = array<i32>} : memref<128x64xf32, #tpu.memory_space<vmem>>, vector<16xf32>,
        %get3A_199 = arith.index_cast %add3A_188 : i32 to index
        %get3A_200 = arith.constant 16 : index
        %get3A_201 = tpu.vector_load %arg11[%get3A_199, %get3A_200] {strides = array<i32>} : memref<128x64xf32, #tpu.memory_space<vmem>>, vector<16xf32>,
        %mul3A_202 = arith.mulf %get3A_198, %get3A_201 : vector<16xf32>
        %add3A_203 = arith.addf %mul3A_195, %mul3A_202 : vector<16xf32>
        %get3A_204 = arith.index_cast %add3A_188 : i32 to index
        %get3A_205 = arith.constant 32 : index
        %get3A_206 = tpu.vector_load %arg10[%get3A_204, %get3A_205] {strides = array<i32>} : memref<128x64xf32, #tpu.memory_space<vmem>>, vector<16xf32>,
        %get3A_207 = arith.index_cast %add3A_188 : i32 to index
        %get3A_208 = arith.constant 32 : index
        %get3A_209 = tpu.vector_load %arg11[%get3A_207, %get3A_208] {strides = array<i32>} : memref<128x64xf32, #tpu.memory_space<vmem>>, vector<16xf32>,
        %mul3A_210 = arith.mulf %get3A_206, %get3A_209 : vector<16xf32>
        %get3A_211 = arith.index_cast %add3A_188 : i32 to index
        %get3A_212 = arith.constant 48 : index
        %get3A_213 = tpu.vector_load %arg10[%get3A_211, %get3A_212] {strides = array<i32>} : memref<128x64xf32, #tpu.memory_space<vmem>>, vector<16xf32>,
        %get3A_214 = arith.index_cast %add3A_188 : i32 to index
        %get3A_215 = arith.constant 48 : index
        %get3A_216 = tpu.vector_load %arg11[%get3A_214, %get3A_215] {strides = array<i32>} : memref<128x64xf32, #tpu.memory_space<vmem>>, vector<16xf32>,
        %mul3A_217 = arith.mulf %get3A_213, %get3A_216 : vector<16xf32>
        %add3A_218 = arith.addf %mul3A_210, %mul3A_217 : vector<16xf32>
        %sub3A_219 = arith.subf %add3A_203, %add3A_218 : vector<16xf32>
        %swap3A_220 = arith.constant 2 : i32
        %swap3A_221 = arith.index_cast %swap3A_220 : i32 to index
        %swap3A_222 = arith.constant 0 : index
        %swap3A_223 = tpu.vector_load %arg13[%swap3A_221, %swap3A_222] {strides = array<i32>} : memref<16x17xf32, #tpu.memory_space<vmem>>, vector<16xf32>,
        tpu.vector_store %arg13[%swap3A_221, %swap3A_222], %sub3A_219 {strides = array<i32>} : memref<16x17xf32, #tpu.memory_space<vmem>>, vector<16xf32>,
        %mul3A_224 = arith.constant 16 : i32
        %mul3A_225 = arith.muli %scan3A_109, %mul3A_224 : i32
        %add3A_226 = arith.constant 3 : i32
        %add3A_227 = arith.addi %mul3A_225, %add3A_226 : i32
        %get3A_228 = arith.index_cast %add3A_227 : i32 to index
        %get3A_229 = arith.constant 0 : index
        %get3A_230 = tpu.vector_load %arg10[%get3A_228, %get3A_229] {strides = array<i32>} : memref<128x64xf32, #tpu.memory_space<vmem>>, vector<16xf32>,
        %get3A_231 = arith.index_cast %add3A_227 : i32 to index
        %get3A_232 = arith.constant 0 : index
        %get3A_233 = tpu.vector_load %arg11[%get3A_231, %get3A_232] {strides = array<i32>} : memref<128x64xf32, #tpu.memory_space<vmem>>, vector<16xf32>,
        %mul3A_234 = arith.mulf %get3A_230, %get3A_233 : vector<16xf32>
        %get3A_235 = arith.index_cast %add3A_227 : i32 to index
        %get3A_236 = arith.constant 16 : index
        %get3A_237 = tpu.vector_load %arg10[%get3A_235, %get3A_236] {strides = array<i32>} : memref<128x64xf32, #tpu.memory_space<vmem>>, vector<16xf32>,
        %get3A_238 = arith.index_cast %add3A_227 : i32 to index
        %get3A_239 = arith.constant 16 : index
        %get3A_240 = tpu.vector_load %arg11[%get3A_238, %get3A_239] {strides = array<i32>} : memref<128x64xf32, #tpu.memory_space<vmem>>, vector<16xf32>,
        %mul3A_241 = arith.mulf %get3A_237, %get3A_240 : vector<16xf32>
        %add3A_242 = arith.addf %mul3A_234, %mul3A_241 : vector<16xf32>
        %get3A_243 = arith.index_cast %add3A_227 : i32 to index
        %get3A_244 = arith.constant 32 : index
        %get3A_245 = tpu.vector_load %arg10[%get3A_243, %get3A_244] {strides = array<i32>} : memref<128x64xf32, #tpu.memory_space<vmem>>, vector<16xf32>,
        %get3A_246 = arith.index_cast %add3A_227 : i32 to index
        %get3A_247 = arith.constant 32 : index
        %get3A_248 = tpu.vector_load %arg11[%get3A_246, %get3A_247] {strides = array<i32>} : memref<128x64xf32, #tpu.memory_space<vmem>>, vector<16xf32>,
        %mul3A_249 = arith.mulf %get3A_245, %get3A_248 : vector<16xf32>
        %get3A_250 = arith.index_cast %add3A_227 : i32 to index
        %get3A_251 = arith.constant 48 : index
        %get3A_252 = tpu.vector_load %arg10[%get3A_250, %get3A_251] {strides = array<i32>} : memref<128x64xf32, #tpu.memory_space<vmem>>, vector<16xf32>,
        %get3A_253 = arith.index_cast %add3A_227 : i32 to index
        %get3A_254 = arith.constant 48 : index
        %get3A_255 = tpu.vector_load %arg11[%get3A_253, %get3A_254] {strides = array<i32>} : memref<128x64xf32, #tpu.memory_space<vmem>>, vector<16xf32>,
        %mul3A_256 = arith.mulf %get3A_252, %get3A_255 : vector<16xf32>
        %add3A_257 = arith.addf %mul3A_249, %mul3A_256 : vector<16xf32>
        %sub3A_258 = arith.subf %add3A_242, %add3A_257 : vector<16xf32>
        %swap3A_259 = arith.constant 3 : i32
        %swap3A_260 = arith.index_cast %swap3A_259 : i32 to index
        %swap3A_261 = arith.constant 0 : index
        %swap3A_262 = tpu.vector_load %arg13[%swap3A_260, %swap3A_261] {strides = array<i32>} : memref<16x17xf32, #tpu.memory_space<vmem>>, vector<16xf32>,
        tpu.vector_store %arg13[%swap3A_260, %swap3A_261], %sub3A_258 {strides = array<i32>} : memref<16x17xf32, #tpu.memory_space<vmem>>, vector<16xf32>,
        %mul3A_263 = arith.constant 16 : i32
        %mul3A_264 = arith.muli %scan3A_109, %mul3A_263 : i32
        %add3A_265 = arith.constant 4 : i32
        %add3A_266 = arith.addi %mul3A_264, %add3A_265 : i32
        %get3A_267 = arith.index_cast %add3A_266 : i32 to index
        %get3A_268 = arith.constant 0 : index
        %get3A_269 = tpu.vector_load %arg10[%get3A_267, %get3A_268] {strides = array<i32>} : memref<128x64xf32, #tpu.memory_space<vmem>>, vector<16xf32>,
        %get3A_270 = arith.index_cast %add3A_266 : i32 to index
        %get3A_271 = arith.constant 0 : index
        %get3A_272 = tpu.vector_load %arg11[%get3A_270, %get3A_271] {strides = array<i32>} : memref<128x64xf32, #tpu.memory_space<vmem>>, vector<16xf32>,
        %mul3A_273 = arith.mulf %get3A_269, %get3A_272 : vector<16xf32>
        %get3A_274 = arith.index_cast %add3A_266 : i32 to index
        %get3A_275 = arith.constant 16 : index
        %get3A_276 = tpu.vector_load %arg10[%get3A_274, %get3A_275] {strides = array<i32>} : memref<128x64xf32, #tpu.memory_space<vmem>>, vector<16xf32>,
        %get3A_277 = arith.index_cast %add3A_266 : i32 to index
        %get3A_278 = arith.constant 16 : index
        %get3A_279 = tpu.vector_load %arg11[%get3A_277, %get3A_278] {strides = array<i32>} : memref<128x64xf32, #tpu.memory_space<vmem>>, vector<16xf32>,
        %mul3A_280 = arith.mulf %get3A_276, %get3A_279 : vector<16xf32>
        %add3A_281 = arith.addf %mul3A_273, %mul3A_280 : vector<16xf32>
        %get3A_282 = arith.index_cast %add3A_266 : i32 to index
        %get3A_283 = arith.constant 32 : index
        %get3A_284 = tpu.vector_load %arg10[%get3A_282, %get3A_283] {strides = array<i32>} : memref<128x64xf32, #tpu.memory_space<vmem>>, vector<16xf32>,
        %get3A_285 = arith.index_cast %add3A_266 : i32 to index
        %get3A_286 = arith.constant 32 : index
        %get3A_287 = tpu.vector_load %arg11[%get3A_285, %get3A_286] {strides = array<i32>} : memref<128x64xf32, #tpu.memory_space<vmem>>, vector<16xf32>,
        %mul3A_288 = arith.mulf %get3A_284, %get3A_287 : vector<16xf32>
        %get3A_289 = arith.index_cast %add3A_266 : i32 to index
        %get3A_290 = arith.constant 48 : index
        %get3A_291 = tpu.vector_load %arg10[%get3A_289, %get3A_290] {strides = array<i32>} : memref<128x64xf32, #tpu.memory_space<vmem>>, vector<16xf32>,
        %get3A_292 = arith.index_cast %add3A_266 : i32 to index
        %get3A_293 = arith.constant 48 : index
        %get3A_294 = tpu.vector_load %arg11[%get3A_292, %get3A_293] {strides = array<i32>} : memref<128x64xf32, #tpu.memory_space<vmem>>, vector<16xf32>,
        %mul3A_295 = arith.mulf %get3A_291, %get3A_294 : vector<16xf32>
        %add3A_296 = arith.addf %mul3A_288, %mul3A_295 : vector<16xf32>
        %sub3A_297 = arith.subf %add3A_281, %add3A_296 : vector<16xf32>
        %swap3A_298 = arith.constant 4 : i32
        %swap3A_299 = arith.index_cast %swap3A_298 : i32 to index
        %swap3A_300 = arith.constant 0 : index
        %swap3A_301 = tpu.vector_load %arg13[%swap3A_299, %swap3A_300] {strides = array<i32>} : memref<16x17xf32, #tpu.memory_space<vmem>>, vector<16xf32>,
        tpu.vector_store %arg13[%swap3A_299, %swap3A_300], %sub3A_297 {strides = array<i32>} : memref<16x17xf32, #tpu.memory_space<vmem>>, vector<16xf32>,
        %mul3A_302 = arith.constant 16 : i32
        %mul3A_303 = arith.muli %scan3A_109, %mul3A_302 : i32
        %add3A_304 = arith.constant 5 : i32
        %add3A_305 = arith.addi %mul3A_303, %add3A_304 : i32
        %get3A_306 = arith.index_cast %add3A_305 : i32 to index
        %get3A_307 = arith.constant 0 : index
        %get3A_308 = tpu.vector_load %arg10[%get3A_306, %get3A_307] {strides = array<i32>} : memref<128x64xf32, #tpu.memory_space<vmem>>, vector<16xf32>,
        %get3A_309 = arith.index_cast %add3A_305 : i32 to index
        %get3A_310 = arith.constant 0 : index
        %get3A_311 = tpu.vector_load %arg11[%get3A_309, %get3A_310] {strides = array<i32>} : memref<128x64xf32, #tpu.memory_space<vmem>>, vector<16xf32>,
        %mul3A_312 = arith.mulf %get3A_308, %get3A_311 : vector<16xf32>
        %get3A_313 = arith.index_cast %add3A_305 : i32 to index
        %get3A_314 = arith.constant 16 : index
        %get3A_315 = tpu.vector_load %arg10[%get3A_313, %get3A_314] {strides = array<i32>} : memref<128x64xf32, #tpu.memory_space<vmem>>, vector<16xf32>,
        %get3A_316 = arith.index_cast %add3A_305 : i32 to index
        %get3A_317 = arith.constant 16 : index
        %get3A_318 = tpu.vector_load %arg11[%get3A_316, %get3A_317] {strides = array<i32>} : memref<128x64xf32, #tpu.memory_space<vmem>>, vector<16xf32>,
        %mul3A_319 = arith.mulf %get3A_315, %get3A_318 : vector<16xf32>
        %add3A_320 = arith.addf %mul3A_312, %mul3A_319 : vector<16xf32>
        %get3A_321 = arith.index_cast %add3A_305 : i32 to index
        %get3A_322 = arith.constant 32 : index
        %get3A_323 = tpu.vector_load %arg10[%get3A_321, %get3A_322] {strides = array<i32>} : memref<128x64xf32, #tpu.memory_space<vmem>>, vector<16xf32>,
        %get3A_324 = arith.index_cast %add3A_305 : i32 to index
        %get3A_325 = arith.constant 32 : index
        %get3A_326 = tpu.vector_load %arg11[%get3A_324, %get3A_325] {strides = array<i32>} : memref<128x64xf32, #tpu.memory_space<vmem>>, vector<16xf32>,
        %mul3A_327 = arith.mulf %get3A_323, %get3A_326 : vector<16xf32>
        %get3A_328 = arith.index_cast %add3A_305 : i32 to index
        %get3A_329 = arith.constant 48 : index
        %get3A_330 = tpu.vector_load %arg10[%get3A_328, %get3A_329] {strides = array<i32>} : memref<128x64xf32, #tpu.memory_space<vmem>>, vector<16xf32>,
        %get3A_331 = arith.index_cast %add3A_305 : i32 to index
        %get3A_332 = arith.constant 48 : index
        %get3A_333 = tpu.vector_load %arg11[%get3A_331, %get3A_332] {strides = array<i32>} : memref<128x64xf32, #tpu.memory_space<vmem>>, vector<16xf32>,
        %mul3A_334 = arith.mulf %get3A_330, %get3A_333 : vector<16xf32>
        %add3A_335 = arith.addf %mul3A_327, %mul3A_334 : vector<16xf32>
        %sub3A_336 = arith.subf %add3A_320, %add3A_335 : vector<16xf32>
        %swap3A_337 = arith.constant 5 : i32
        %swap3A_338 = arith.index_cast %swap3A_337 : i32 to index
        %swap3A_339 = arith.constant 0 : index
        %swap3A_340 = tpu.vector_load %arg13[%swap3A_338, %swap3A_339] {strides = array<i32>} : memref<16x17xf32, #tpu.memory_space<vmem>>, vector<16xf32>,
        tpu.vector_store %arg13[%swap3A_338, %swap3A_339], %sub3A_336 {strides = array<i32>} : memref<16x17xf32, #tpu.memory_space<vmem>>, vector<16xf32>,
        %mul3A_341 = arith.constant 16 : i32
        %mul3A_342 = arith.muli %scan3A_109, %mul3A_341 : i32
        %add3A_343 = arith.constant 6 : i32
        %add3A_344 = arith.addi %mul3A_342, %add3A_343 : i32
        %get3A_345 = arith.index_cast %add3A_344 : i32 to index
        %get3A_346 = arith.constant 0 : index
        %get3A_347 = tpu.vector_load %arg10[%get3A_345, %get3A_346] {strides = array<i32>} : memref<128x64xf32, #tpu.memory_space<vmem>>, vector<16xf32>,
        %get3A_348 = arith.index_cast %add3A_344 : i32 to index
        %get3A_349 = arith.constant 0 : index
        %get3A_350 = tpu.vector_load %arg11[%get3A_348, %get3A_349] {strides = array<i32>} : memref<128x64xf32, #tpu.memory_space<vmem>>, vector<16xf32>,
        %mul3A_351 = arith.mulf %get3A_347, %get3A_350 : vector<16xf32>
        %get3A_352 = arith.index_cast %add3A_344 : i32 to index
        %get3A_353 = arith.constant 16 : index
        %get3A_354 = tpu.vector_load %arg10[%get3A_352, %get3A_353] {strides = array<i32>} : memref<128x64xf32, #tpu.memory_space<vmem>>, vector<16xf32>,
        %get3A_355 = arith.index_cast %add3A_344 : i32 to index
        %get3A_356 = arith.constant 16 : index
        %get3A_357 = tpu.vector_load %arg11[%get3A_355, %get3A_356] {strides = array<i32>} : memref<128x64xf32, #tpu.memory_space<vmem>>, vector<16xf32>,
        %mul3A_358 = arith.mulf %get3A_354, %get3A_357 : vector<16xf32>
        %add3A_359 = arith.addf %mul3A_351, %mul3A_358 : vector<16xf32>
        %get3A_360 = arith.index_cast %add3A_344 : i32 to index
        %get3A_361 = arith.constant 32 : index
        %get3A_362 = tpu.vector_load %arg10[%get3A_360, %get3A_361] {strides = array<i32>} : memref<128x64xf32, #tpu.memory_space<vmem>>, vector<16xf32>,
        %get3A_363 = arith.index_cast %add3A_344 : i32 to index
        %get3A_364 = arith.constant 32 : index
        %get3A_365 = tpu.vector_load %arg11[%get3A_363, %get3A_364] {strides = array<i32>} : memref<128x64xf32, #tpu.memory_space<vmem>>, vector<16xf32>,
        %mul3A_366 = arith.mulf %get3A_362, %get3A_365 : vector<16xf32>
        %get3A_367 = arith.index_cast %add3A_344 : i32 to index
        %get3A_368 = arith.constant 48 : index
        %get3A_369 = tpu.vector_load %arg10[%get3A_367, %get3A_368] {strides = array<i32>} : memref<128x64xf32, #tpu.memory_space<vmem>>, vector<16xf32>,
        %get3A_370 = arith.index_cast %add3A_344 : i32 to index
        %get3A_371 = arith.constant 48 : index
        %get3A_372 = tpu.vector_load %arg11[%get3A_370, %get3A_371] {strides = array<i32>} : memref<128x64xf32, #tpu.memory_space<vmem>>, vector<16xf32>,
        %mul3A_373 = arith.mulf %get3A_369, %get3A_372 : vector<16xf32>
        %add3A_374 = arith.addf %mul3A_366, %mul3A_373 : vector<16xf32>
        %sub3A_375 = arith.subf %add3A_359, %add3A_374 : vector<16xf32>
        %swap3A_376 = arith.constant 6 : i32
        %swap3A_377 = arith.index_cast %swap3A_376 : i32 to index
        %swap3A_378 = arith.constant 0 : index
        %swap3A_379 = tpu.vector_load %arg13[%swap3A_377, %swap3A_378] {strides = array<i32>} : memref<16x17xf32, #tpu.memory_space<vmem>>, vector<16xf32>,
        tpu.vector_store %arg13[%swap3A_377, %swap3A_378], %sub3A_375 {strides = array<i32>} : memref<16x17xf32, #tpu.memory_space<vmem>>, vector<16xf32>,
        %mul3A_380 = arith.constant 16 : i32
        %mul3A_381 = arith.muli %scan3A_109, %mul3A_380 : i32
        %add3A_382 = arith.constant 7 : i32
        %add3A_383 = arith.addi %mul3A_381, %add3A_382 : i32
        %get3A_384 = arith.index_cast %add3A_383 : i32 to index
        %get3A_385 = arith.constant 0 : index
        %get3A_386 = tpu.vector_load %arg10[%get3A_384, %get3A_385] {strides = array<i32>} : memref<128x64xf32, #tpu.memory_space<vmem>>, vector<16xf32>,
        %get3A_387 = arith.index_cast %add3A_383 : i32 to index
        %get3A_388 = arith.constant 0 : index
        %get3A_389 = tpu.vector_load %arg11[%get3A_387, %get3A_388] {strides = array<i32>} : memref<128x64xf32, #tpu.memory_space<vmem>>, vector<16xf32>,
        %mul3A_390 = arith.mulf %get3A_386, %get3A_389 : vector<16xf32>
        %get3A_391 = arith.index_cast %add3A_383 : i32 to index
        %get3A_392 = arith.constant 16 : index
        %get3A_393 = tpu.vector_load %arg10[%get3A_391, %get3A_392] {strides = array<i32>} : memref<128x64xf32, #tpu.memory_space<vmem>>, vector<16xf32>,
        %get3A_394 = arith.index_cast %add3A_383 : i32 to index
        %get3A_395 = arith.constant 16 : index
        %get3A_396 = tpu.vector_load %arg11[%get3A_394, %get3A_395] {strides = array<i32>} : memref<128x64xf32, #tpu.memory_space<vmem>>, vector<16xf32>,
        %mul3A_397 = arith.mulf %get3A_393, %get3A_396 : vector<16xf32>
        %add3A_398 = arith.addf %mul3A_390, %mul3A_397 : vector<16xf32>
        %get3A_399 = arith.index_cast %add3A_383 : i32 to index
        %get3A_400 = arith.constant 32 : index
        %get3A_401 = tpu.vector_load %arg10[%get3A_399, %get3A_400] {strides = array<i32>} : memref<128x64xf32, #tpu.memory_space<vmem>>, vector<16xf32>,
        %get3A_402 = arith.index_cast %add3A_383 : i32 to index
        %get3A_403 = arith.constant 32 : index
        %get3A_404 = tpu.vector_load %arg11[%get3A_402, %get3A_403] {strides = array<i32>} : memref<128x64xf32, #tpu.memory_space<vmem>>, vector<16xf32>,
        %mul3A_405 = arith.mulf %get3A_401, %get3A_404 : vector<16xf32>
        %get3A_406 = arith.index_cast %add3A_383 : i32 to index
        %get3A_407 = arith.constant 48 : index
        %get3A_408 = tpu.vector_load %arg10[%get3A_406, %get3A_407] {strides = array<i32>} : memref<128x64xf32, #tpu.memory_space<vmem>>, vector<16xf32>,
        %get3A_409 = arith.index_cast %add3A_383 : i32 to index
        %get3A_410 = arith.constant 48 : index
        %get3A_411 = tpu.vector_load %arg11[%get3A_409, %get3A_410] {strides = array<i32>} : memref<128x64xf32, #tpu.memory_space<vmem>>, vector<16xf32>,
        %mul3A_412 = arith.mulf %get3A_408, %get3A_411 : vector<16xf32>
        %add3A_413 = arith.addf %mul3A_405, %mul3A_412 : vector<16xf32>
        %sub3A_414 = arith.subf %add3A_398, %add3A_413 : vector<16xf32>
        %swap3A_415 = arith.constant 7 : i32
        %swap3A_416 = arith.index_cast %swap3A_415 : i32 to index
        %swap3A_417 = arith.constant 0 : index
        %swap3A_418 = tpu.vector_load %arg13[%swap3A_416, %swap3A_417] {strides = array<i32>} : memref<16x17xf32, #tpu.memory_space<vmem>>, vector<16xf32>,
        tpu.vector_store %arg13[%swap3A_416, %swap3A_417], %sub3A_414 {strides = array<i32>} : memref<16x17xf32, #tpu.memory_space<vmem>>, vector<16xf32>,
        %mul3A_419 = arith.constant 16 : i32
        %mul3A_420 = arith.muli %scan3A_109, %mul3A_419 : i32
        %add3A_421 = arith.constant 8 : i32
        %add3A_422 = arith.addi %mul3A_420, %add3A_421 : i32
        %get3A_423 = arith.index_cast %add3A_422 : i32 to index
        %get3A_424 = arith.constant 0 : index
        %get3A_425 = tpu.vector_load %arg10[%get3A_423, %get3A_424] {strides = array<i32>} : memref<128x64xf32, #tpu.memory_space<vmem>>, vector<16xf32>,
        %get3A_426 = arith.index_cast %add3A_422 : i32 to index
        %get3A_427 = arith.constant 0 : index
        %get3A_428 = tpu.vector_load %arg11[%get3A_426, %get3A_427] {strides = array<i32>} : memref<128x64xf32, #tpu.memory_space<vmem>>, vector<16xf32>,
        %mul3A_429 = arith.mulf %get3A_425, %get3A_428 : vector<16xf32>
        %get3A_430 = arith.index_cast %add3A_422 : i32 to index
        %get3A_431 = arith.constant 16 : index
        %get3A_432 = tpu.vector_load %arg10[%get3A_430, %get3A_431] {strides = array<i32>} : memref<128x64xf32, #tpu.memory_space<vmem>>, vector<16xf32>,
        %get3A_433 = arith.index_cast %add3A_422 : i32 to index
        %get3A_434 = arith.constant 16 : index
        %get3A_435 = tpu.vector_load %arg11[%get3A_433, %get3A_434] {strides = array<i32>} : memref<128x64xf32, #tpu.memory_space<vmem>>, vector<16xf32>,
        %mul3A_436 = arith.mulf %get3A_432, %get3A_435 : vector<16xf32>
        %add3A_437 = arith.addf %mul3A_429, %mul3A_436 : vector<16xf32>
        %get3A_438 = arith.index_cast %add3A_422 : i32 to index
        %get3A_439 = arith.constant 32 : index
        %get3A_440 = tpu.vector_load %arg10[%get3A_438, %get3A_439] {strides = array<i32>} : memref<128x64xf32, #tpu.memory_space<vmem>>, vector<16xf32>,
        %get3A_441 = arith.index_cast %add3A_422 : i32 to index
        %get3A_442 = arith.constant 32 : index
        %get3A_443 = tpu.vector_load %arg11[%get3A_441, %get3A_442] {strides = array<i32>} : memref<128x64xf32, #tpu.memory_space<vmem>>, vector<16xf32>,
        %mul3A_444 = arith.mulf %get3A_440, %get3A_443 : vector<16xf32>
        %get3A_445 = arith.index_cast %add3A_422 : i32 to index
        %get3A_446 = arith.constant 48 : index
        %get3A_447 = tpu.vector_load %arg10[%get3A_445, %get3A_446] {strides = array<i32>} : memref<128x64xf32, #tpu.memory_space<vmem>>, vector<16xf32>,
        %get3A_448 = arith.index_cast %add3A_422 : i32 to index
        %get3A_449 = arith.constant 48 : index
        %get3A_450 = tpu.vector_load %arg11[%get3A_448, %get3A_449] {strides = array<i32>} : memref<128x64xf32, #tpu.memory_space<vmem>>, vector<16xf32>,
        %mul3A_451 = arith.mulf %get3A_447, %get3A_450 : vector<16xf32>
        %add3A_452 = arith.addf %mul3A_444, %mul3A_451 : vector<16xf32>
        %sub3A_453 = arith.subf %add3A_437, %add3A_452 : vector<16xf32>
        %swap3A_454 = arith.constant 8 : i32
        %swap3A_455 = arith.index_cast %swap3A_454 : i32 to index
        %swap3A_456 = arith.constant 0 : index
        %swap3A_457 = tpu.vector_load %arg13[%swap3A_455, %swap3A_456] {strides = array<i32>} : memref<16x17xf32, #tpu.memory_space<vmem>>, vector<16xf32>,
        tpu.vector_store %arg13[%swap3A_455, %swap3A_456], %sub3A_453 {strides = array<i32>} : memref<16x17xf32, #tpu.memory_space<vmem>>, vector<16xf32>,
        %mul3A_458 = arith.constant 16 : i32
        %mul3A_459 = arith.muli %scan3A_109, %mul3A_458 : i32
        %add3A_460 = arith.constant 9 : i32
        %add3A_461 = arith.addi %mul3A_459, %add3A_460 : i32
        %get3A_462 = arith.index_cast %add3A_461 : i32 to index
        %get3A_463 = arith.constant 0 : index
        %get3A_464 = tpu.vector_load %arg10[%get3A_462, %get3A_463] {strides = array<i32>} : memref<128x64xf32, #tpu.memory_space<vmem>>, vector<16xf32>,
        %get3A_465 = arith.index_cast %add3A_461 : i32 to index
        %get3A_466 = arith.constant 0 : index
        %get3A_467 = tpu.vector_load %arg11[%get3A_465, %get3A_466] {strides = array<i32>} : memref<128x64xf32, #tpu.memory_space<vmem>>, vector<16xf32>,
        %mul3A_468 = arith.mulf %get3A_464, %get3A_467 : vector<16xf32>
        %get3A_469 = arith.index_cast %add3A_461 : i32 to index
        %get3A_470 = arith.constant 16 : index
        %get3A_471 = tpu.vector_load %arg10[%get3A_469, %get3A_470] {strides = array<i32>} : memref<128x64xf32, #tpu.memory_space<vmem>>, vector<16xf32>,
        %get3A_472 = arith.index_cast %add3A_461 : i32 to index
        %get3A_473 = arith.constant 16 : index
        %get3A_474 = tpu.vector_load %arg11[%get3A_472, %get3A_473] {strides = array<i32>} : memref<128x64xf32, #tpu.memory_space<vmem>>, vector<16xf32>,
        %mul3A_475 = arith.mulf %get3A_471, %get3A_474 : vector<16xf32>
        %add3A_476 = arith.addf %mul3A_468, %mul3A_475 : vector<16xf32>
        %get3A_477 = arith.index_cast %add3A_461 : i32 to index
        %get3A_478 = arith.constant 32 : index
        %get3A_479 = tpu.vector_load %arg10[%get3A_477, %get3A_478] {strides = array<i32>} : memref<128x64xf32, #tpu.memory_space<vmem>>, vector<16xf32>,
        %get3A_480 = arith.index_cast %add3A_461 : i32 to index
        %get3A_481 = arith.constant 32 : index
        %get3A_482 = tpu.vector_load %arg11[%get3A_480, %get3A_481] {strides = array<i32>} : memref<128x64xf32, #tpu.memory_space<vmem>>, vector<16xf32>,
        %mul3A_483 = arith.mulf %get3A_479, %get3A_482 : vector<16xf32>
        %get3A_484 = arith.index_cast %add3A_461 : i32 to index
        %get3A_485 = arith.constant 48 : index
        %get3A_486 = tpu.vector_load %arg10[%get3A_484, %get3A_485] {strides = array<i32>} : memref<128x64xf32, #tpu.memory_space<vmem>>, vector<16xf32>,
        %get3A_487 = arith.index_cast %add3A_461 : i32 to index
        %get3A_488 = arith.constant 48 : index
        %get3A_489 = tpu.vector_load %arg11[%get3A_487, %get3A_488] {strides = array<i32>} : memref<128x64xf32, #tpu.memory_space<vmem>>, vector<16xf32>,
        %mul3A_490 = arith.mulf %get3A_486, %get3A_489 : vector<16xf32>
        %add3A_491 = arith.addf %mul3A_483, %mul3A_490 : vector<16xf32>
        %sub3A_492 = arith.subf %add3A_476, %add3A_491 : vector<16xf32>
        %swap3A_493 = arith.constant 9 : i32
        %swap3A_494 = arith.index_cast %swap3A_493 : i32 to index
        %swap3A_495 = arith.constant 0 : index
        %swap3A_496 = tpu.vector_load %arg13[%swap3A_494, %swap3A_495] {strides = array<i32>} : memref<16x17xf32, #tpu.memory_space<vmem>>, vector<16xf32>,
        tpu.vector_store %arg13[%swap3A_494, %swap3A_495], %sub3A_492 {strides = array<i32>} : memref<16x17xf32, #tpu.memory_space<vmem>>, vector<16xf32>,
        %mul3A_497 = arith.constant 16 : i32
        %mul3A_498 = arith.muli %scan3A_109, %mul3A_497 : i32
        %add3A_499 = arith.constant 10 : i32
        %add3A_500 = arith.addi %mul3A_498, %add3A_499 : i32
        %get3A_501 = arith.index_cast %add3A_500 : i32 to index
        %get3A_502 = arith.constant 0 : index
        %get3A_503 = tpu.vector_load %arg10[%get3A_501, %get3A_502] {strides = array<i32>} : memref<128x64xf32, #tpu.memory_space<vmem>>, vector<16xf32>,
        %get3A_504 = arith.index_cast %add3A_500 : i32 to index
        %get3A_505 = arith.constant 0 : index
        %get3A_506 = tpu.vector_load %arg11[%get3A_504, %get3A_505] {strides = array<i32>} : memref<128x64xf32, #tpu.memory_space<vmem>>, vector<16xf32>,
        %mul3A_507 = arith.mulf %get3A_503, %get3A_506 : vector<16xf32>
        %get3A_508 = arith.index_cast %add3A_500 : i32 to index
        %get3A_509 = arith.constant 16 : index
        %get3A_510 = tpu.vector_load %arg10[%get3A_508, %get3A_509] {strides = array<i32>} : memref<128x64xf32, #tpu.memory_space<vmem>>, vector<16xf32>,
        %get3A_511 = arith.index_cast %add3A_500 : i32 to index
        %get3A_512 = arith.constant 16 : index
        %get3A_513 = tpu.vector_load %arg11[%get3A_511, %get3A_512] {strides = array<i32>} : memref<128x64xf32, #tpu.memory_space<vmem>>, vector<16xf32>,
        %mul3A_514 = arith.mulf %get3A_510, %get3A_513 : vector<16xf32>
        %add3A_515 = arith.addf %mul3A_507, %mul3A_514 : vector<16xf32>
        %get3A_516 = arith.index_cast %add3A_500 : i32 to index
        %get3A_517 = arith.constant 32 : index
        %get3A_518 = tpu.vector_load %arg10[%get3A_516, %get3A_517] {strides = array<i32>} : memref<128x64xf32, #tpu.memory_space<vmem>>, vector<16xf32>,
        %get3A_519 = arith.index_cast %add3A_500 : i32 to index
        %get3A_520 = arith.constant 32 : index
        %get3A_521 = tpu.vector_load %arg11[%get3A_519, %get3A_520] {strides = array<i32>} : memref<128x64xf32, #tpu.memory_space<vmem>>, vector<16xf32>,
        %mul3A_522 = arith.mulf %get3A_518, %get3A_521 : vector<16xf32>
        %get3A_523 = arith.index_cast %add3A_500 : i32 to index
        %get3A_524 = arith.constant 48 : index
        %get3A_525 = tpu.vector_load %arg10[%get3A_523, %get3A_524] {strides = array<i32>} : memref<128x64xf32, #tpu.memory_space<vmem>>, vector<16xf32>,
        %get3A_526 = arith.index_cast %add3A_500 : i32 to index
        %get3A_527 = arith.constant 48 : index
        %get3A_528 = tpu.vector_load %arg11[%get3A_526, %get3A_527] {strides = array<i32>} : memref<128x64xf32, #tpu.memory_space<vmem>>, vector<16xf32>,
        %mul3A_529 = arith.mulf %get3A_525, %get3A_528 : vector<16xf32>
        %add3A_530 = arith.addf %mul3A_522, %mul3A_529 : vector<16xf32>
        %sub3A_531 = arith.subf %add3A_515, %add3A_530 : vector<16xf32>
        %swap3A_532 = arith.constant 10 : i32
        %swap3A_533 = arith.index_cast %swap3A_532 : i32 to index
        %swap3A_534 = arith.constant 0 : index
        %swap3A_535 = tpu.vector_load %arg13[%swap3A_533, %swap3A_534] {strides = array<i32>} : memref<16x17xf32, #tpu.memory_space<vmem>>, vector<16xf32>,
        tpu.vector_store %arg13[%swap3A_533, %swap3A_534], %sub3A_531 {strides = array<i32>} : memref<16x17xf32, #tpu.memory_space<vmem>>, vector<16xf32>,
        %mul3A_536 = arith.constant 16 : i32
        %mul3A_537 = arith.muli %scan3A_109, %mul3A_536 : i32
        %add3A_538 = arith.constant 11 : i32
        %add3A_539 = arith.addi %mul3A_537, %add3A_538 : i32
        %get3A_540 = arith.index_cast %add3A_539 : i32 to index
        %get3A_541 = arith.constant 0 : index
        %get3A_542 = tpu.vector_load %arg10[%get3A_540, %get3A_541] {strides = array<i32>} : memref<128x64xf32, #tpu.memory_space<vmem>>, vector<16xf32>,
        %get3A_543 = arith.index_cast %add3A_539 : i32 to index
        %get3A_544 = arith.constant 0 : index
        %get3A_545 = tpu.vector_load %arg11[%get3A_543, %get3A_544] {strides = array<i32>} : memref<128x64xf32, #tpu.memory_space<vmem>>, vector<16xf32>,
        %mul3A_546 = arith.mulf %get3A_542, %get3A_545 : vector<16xf32>
        %get3A_547 = arith.index_cast %add3A_539 : i32 to index
        %get3A_548 = arith.constant 16 : index
        %get3A_549 = tpu.vector_load %arg10[%get3A_547, %get3A_548] {strides = array<i32>} : memref<128x64xf32, #tpu.memory_space<vmem>>, vector<16xf32>,
        %get3A_550 = arith.index_cast %add3A_539 : i32 to index
        %get3A_551 = arith.constant 16 : index
        %get3A_552 = tpu.vector_load %arg11[%get3A_550, %get3A_551] {strides = array<i32>} : memref<128x64xf32, #tpu.memory_space<vmem>>, vector<16xf32>,
        %mul3A_553 = arith.mulf %get3A_549, %get3A_552 : vector<16xf32>
        %add3A_554 = arith.addf %mul3A_546, %mul3A_553 : vector<16xf32>
        %get3A_555 = arith.index_cast %add3A_539 : i32 to index
        %get3A_556 = arith.constant 32 : index
        %get3A_557 = tpu.vector_load %arg10[%get3A_555, %get3A_556] {strides = array<i32>} : memref<128x64xf32, #tpu.memory_space<vmem>>, vector<16xf32>,
        %get3A_558 = arith.index_cast %add3A_539 : i32 to index
        %get3A_559 = arith.constant 32 : index
        %get3A_560 = tpu.vector_load %arg11[%get3A_558, %get3A_559] {strides = array<i32>} : memref<128x64xf32, #tpu.memory_space<vmem>>, vector<16xf32>,
        %mul3A_561 = arith.mulf %get3A_557, %get3A_560 : vector<16xf32>
        %get3A_562 = arith.index_cast %add3A_539 : i32 to index
        %get3A_563 = arith.constant 48 : index
        %get3A_564 = tpu.vector_load %arg10[%get3A_562, %get3A_563] {strides = array<i32>} : memref<128x64xf32, #tpu.memory_space<vmem>>, vector<16xf32>,
        %get3A_565 = arith.index_cast %add3A_539 : i32 to index
        %get3A_566 = arith.constant 48 : index
        %get3A_567 = tpu.vector_load %arg11[%get3A_565, %get3A_566] {strides = array<i32>} : memref<128x64xf32, #tpu.memory_space<vmem>>, vector<16xf32>,
        %mul3A_568 = arith.mulf %get3A_564, %get3A_567 : vector<16xf32>
        %add3A_569 = arith.addf %mul3A_561, %mul3A_568 : vector<16xf32>
        %sub3A_570 = arith.subf %add3A_554, %add3A_569 : vector<16xf32>
        %swap3A_571 = arith.constant 11 : i32
        %swap3A_572 = arith.index_cast %swap3A_571 : i32 to index
        %swap3A_573 = arith.constant 0 : index
        %swap3A_574 = tpu.vector_load %arg13[%swap3A_572, %swap3A_573] {strides = array<i32>} : memref<16x17xf32, #tpu.memory_space<vmem>>, vector<16xf32>,
        tpu.vector_store %arg13[%swap3A_572, %swap3A_573], %sub3A_570 {strides = array<i32>} : memref<16x17xf32, #tpu.memory_space<vmem>>, vector<16xf32>,
        %mul3A_575 = arith.constant 16 : i32
        %mul3A_576 = arith.muli %scan3A_109, %mul3A_575 : i32
        %add3A_577 = arith.constant 12 : i32
        %add3A_578 = arith.addi %mul3A_576, %add3A_577 : i32
        %get3A_579 = arith.index_cast %add3A_578 : i32 to index
        %get3A_580 = arith.constant 0 : index
        %get3A_581 = tpu.vector_load %arg10[%get3A_579, %get3A_580] {strides = array<i32>} : memref<128x64xf32, #tpu.memory_space<vmem>>, vector<16xf32>,
        %get3A_582 = arith.index_cast %add3A_578 : i32 to index
        %get3A_583 = arith.constant 0 : index
        %get3A_584 = tpu.vector_load %arg11[%get3A_582, %get3A_583] {strides = array<i32>} : memref<128x64xf32, #tpu.memory_space<vmem>>, vector<16xf32>,
        %mul3A_585 = arith.mulf %get3A_581, %get3A_584 : vector<16xf32>
        %get3A_586 = arith.index_cast %add3A_578 : i32 to index
        %get3A_587 = arith.constant 16 : index
        %get3A_588 = tpu.vector_load %arg10[%get3A_586, %get3A_587] {strides = array<i32>} : memref<128x64xf32, #tpu.memory_space<vmem>>, vector<16xf32>,
        %get3A_589 = arith.index_cast %add3A_578 : i32 to index
        %get3A_590 = arith.constant 16 : index
        %get3A_591 = tpu.vector_load %arg11[%get3A_589, %get3A_590] {strides = array<i32>} : memref<128x64xf32, #tpu.memory_space<vmem>>, vector<16xf32>,
        %mul3A_592 = arith.mulf %get3A_588, %get3A_591 : vector<16xf32>
        %add3A_593 = arith.addf %mul3A_585, %mul3A_592 : vector<16xf32>
        %get3A_594 = arith.index_cast %add3A_578 : i32 to index
        %get3A_595 = arith.constant 32 : index
        %get3A_596 = tpu.vector_load %arg10[%get3A_594, %get3A_595] {strides = array<i32>} : memref<128x64xf32, #tpu.memory_space<vmem>>, vector<16xf32>,
        %get3A_597 = arith.index_cast %add3A_578 : i32 to index
        %get3A_598 = arith.constant 32 : index
        %get3A_599 = tpu.vector_load %arg11[%get3A_597, %get3A_598] {strides = array<i32>} : memref<128x64xf32, #tpu.memory_space<vmem>>, vector<16xf32>,
        %mul3A_600 = arith.mulf %get3A_596, %get3A_599 : vector<16xf32>
        %get3A_601 = arith.index_cast %add3A_578 : i32 to index
        %get3A_602 = arith.constant 48 : index
        %get3A_603 = tpu.vector_load %arg10[%get3A_601, %get3A_602] {strides = array<i32>} : memref<128x64xf32, #tpu.memory_space<vmem>>, vector<16xf32>,
        %get3A_604 = arith.index_cast %add3A_578 : i32 to index
        %get3A_605 = arith.constant 48 : index
        %get3A_606 = tpu.vector_load %arg11[%get3A_604, %get3A_605] {strides = array<i32>} : memref<128x64xf32, #tpu.memory_space<vmem>>, vector<16xf32>,
        %mul3A_607 = arith.mulf %get3A_603, %get3A_606 : vector<16xf32>
        %add3A_608 = arith.addf %mul3A_600, %mul3A_607 : vector<16xf32>
        %sub3A_609 = arith.subf %add3A_593, %add3A_608 : vector<16xf32>
        %swap3A_610 = arith.constant 12 : i32
        %swap3A_611 = arith.index_cast %swap3A_610 : i32 to index
        %swap3A_612 = arith.constant 0 : index
        %swap3A_613 = tpu.vector_load %arg13[%swap3A_611, %swap3A_612] {strides = array<i32>} : memref<16x17xf32, #tpu.memory_space<vmem>>, vector<16xf32>,
        tpu.vector_store %arg13[%swap3A_611, %swap3A_612], %sub3A_609 {strides = array<i32>} : memref<16x17xf32, #tpu.memory_space<vmem>>, vector<16xf32>,
        %mul3A_614 = arith.constant 16 : i32
        %mul3A_615 = arith.muli %scan3A_109, %mul3A_614 : i32
        %add3A_616 = arith.constant 13 : i32
        %add3A_617 = arith.addi %mul3A_615, %add3A_616 : i32
        %get3A_618 = arith.index_cast %add3A_617 : i32 to index
        %get3A_619 = arith.constant 0 : index
        %get3A_620 = tpu.vector_load %arg10[%get3A_618, %get3A_619] {strides = array<i32>} : memref<128x64xf32, #tpu.memory_space<vmem>>, vector<16xf32>,
        %get3A_621 = arith.index_cast %add3A_617 : i32 to index
        %get3A_622 = arith.constant 0 : index
        %get3A_623 = tpu.vector_load %arg11[%get3A_621, %get3A_622] {strides = array<i32>} : memref<128x64xf32, #tpu.memory_space<vmem>>, vector<16xf32>,
        %mul3A_624 = arith.mulf %get3A_620, %get3A_623 : vector<16xf32>
        %get3A_625 = arith.index_cast %add3A_617 : i32 to index
        %get3A_626 = arith.constant 16 : index
        %get3A_627 = tpu.vector_load %arg10[%get3A_625, %get3A_626] {strides = array<i32>} : memref<128x64xf32, #tpu.memory_space<vmem>>, vector<16xf32>,
        %get3A_628 = arith.index_cast %add3A_617 : i32 to index
        %get3A_629 = arith.constant 16 : index
        %get3A_630 = tpu.vector_load %arg11[%get3A_628, %get3A_629] {strides = array<i32>} : memref<128x64xf32, #tpu.memory_space<vmem>>, vector<16xf32>,
        %mul3A_631 = arith.mulf %get3A_627, %get3A_630 : vector<16xf32>
        %add3A_632 = arith.addf %mul3A_624, %mul3A_631 : vector<16xf32>
        %get3A_633 = arith.index_cast %add3A_617 : i32 to index
        %get3A_634 = arith.constant 32 : index
        %get3A_635 = tpu.vector_load %arg10[%get3A_633, %get3A_634] {strides = array<i32>} : memref<128x64xf32, #tpu.memory_space<vmem>>, vector<16xf32>,
        %get3A_636 = arith.index_cast %add3A_617 : i32 to index
        %get3A_637 = arith.constant 32 : index
        %get3A_638 = tpu.vector_load %arg11[%get3A_636, %get3A_637] {strides = array<i32>} : memref<128x64xf32, #tpu.memory_space<vmem>>, vector<16xf32>,
        %mul3A_639 = arith.mulf %get3A_635, %get3A_638 : vector<16xf32>
        %get3A_640 = arith.index_cast %add3A_617 : i32 to index
        %get3A_641 = arith.constant 48 : index
        %get3A_642 = tpu.vector_load %arg10[%get3A_640, %get3A_641] {strides = array<i32>} : memref<128x64xf32, #tpu.memory_space<vmem>>, vector<16xf32>,
        %get3A_643 = arith.index_cast %add3A_617 : i32 to index
        %get3A_644 = arith.constant 48 : index
        %get3A_645 = tpu.vector_load %arg11[%get3A_643, %get3A_644] {strides = array<i32>} : memref<128x64xf32, #tpu.memory_space<vmem>>, vector<16xf32>,
        %mul3A_646 = arith.mulf %get3A_642, %get3A_645 : vector<16xf32>
        %add3A_647 = arith.addf %mul3A_639, %mul3A_646 : vector<16xf32>
        %sub3A_648 = arith.subf %add3A_632, %add3A_647 : vector<16xf32>
        %swap3A_649 = arith.constant 13 : i32
        %swap3A_650 = arith.index_cast %swap3A_649 : i32 to index
        %swap3A_651 = arith.constant 0 : index
        %swap3A_652 = tpu.vector_load %arg13[%swap3A_650, %swap3A_651] {strides = array<i32>} : memref<16x17xf32, #tpu.memory_space<vmem>>, vector<16xf32>,
        tpu.vector_store %arg13[%swap3A_650, %swap3A_651], %sub3A_648 {strides = array<i32>} : memref<16x17xf32, #tpu.memory_space<vmem>>, vector<16xf32>,
        %mul3A_653 = arith.constant 16 : i32
        %mul3A_654 = arith.muli %scan3A_109, %mul3A_653 : i32
        %add3A_655 = arith.constant 14 : i32
        %add3A_656 = arith.addi %mul3A_654, %add3A_655 : i32
        %get3A_657 = arith.index_cast %add3A_656 : i32 to index
        %get3A_658 = arith.constant 0 : index
        %get3A_659 = tpu.vector_load %arg10[%get3A_657, %get3A_658] {strides = array<i32>} : memref<128x64xf32, #tpu.memory_space<vmem>>, vector<16xf32>,
        %get3A_660 = arith.index_cast %add3A_656 : i32 to index
        %get3A_661 = arith.constant 0 : index
        %get3A_662 = tpu.vector_load %arg11[%get3A_660, %get3A_661] {strides = array<i32>} : memref<128x64xf32, #tpu.memory_space<vmem>>, vector<16xf32>,
        %mul3A_663 = arith.mulf %get3A_659, %get3A_662 : vector<16xf32>
        %get3A_664 = arith.index_cast %add3A_656 : i32 to index
        %get3A_665 = arith.constant 16 : index
        %get3A_666 = tpu.vector_load %arg10[%get3A_664, %get3A_665] {strides = array<i32>} : memref<128x64xf32, #tpu.memory_space<vmem>>, vector<16xf32>,
        %get3A_667 = arith.index_cast %add3A_656 : i32 to index
        %get3A_668 = arith.constant 16 : index
        %get3A_669 = tpu.vector_load %arg11[%get3A_667, %get3A_668] {strides = array<i32>} : memref<128x64xf32, #tpu.memory_space<vmem>>, vector<16xf32>,
        %mul3A_670 = arith.mulf %get3A_666, %get3A_669 : vector<16xf32>
        %add3A_671 = arith.addf %mul3A_663, %mul3A_670 : vector<16xf32>
        %get3A_672 = arith.index_cast %add3A_656 : i32 to index
        %get3A_673 = arith.constant 32 : index
        %get3A_674 = tpu.vector_load %arg10[%get3A_672, %get3A_673] {strides = array<i32>} : memref<128x64xf32, #tpu.memory_space<vmem>>, vector<16xf32>,
        %get3A_675 = arith.index_cast %add3A_656 : i32 to index
        %get3A_676 = arith.constant 32 : index
        %get3A_677 = tpu.vector_load %arg11[%get3A_675, %get3A_676] {strides = array<i32>} : memref<128x64xf32, #tpu.memory_space<vmem>>, vector<16xf32>,
        %mul3A_678 = arith.mulf %get3A_674, %get3A_677 : vector<16xf32>
        %get3A_679 = arith.index_cast %add3A_656 : i32 to index
        %get3A_680 = arith.constant 48 : index
        %get3A_681 = tpu.vector_load %arg10[%get3A_679, %get3A_680] {strides = array<i32>} : memref<128x64xf32, #tpu.memory_space<vmem>>, vector<16xf32>,
        %get3A_682 = arith.index_cast %add3A_656 : i32 to index
        %get3A_683 = arith.constant 48 : index
        %get3A_684 = tpu.vector_load %arg11[%get3A_682, %get3A_683] {strides = array<i32>} : memref<128x64xf32, #tpu.memory_space<vmem>>, vector<16xf32>,
        %mul3A_685 = arith.mulf %get3A_681, %get3A_684 : vector<16xf32>
        %add3A_686 = arith.addf %mul3A_678, %mul3A_685 : vector<16xf32>
        %sub3A_687 = arith.subf %add3A_671, %add3A_686 : vector<16xf32>
        %swap3A_688 = arith.constant 14 : i32
        %swap3A_689 = arith.index_cast %swap3A_688 : i32 to index
        %swap3A_690 = arith.constant 0 : index
        %swap3A_691 = tpu.vector_load %arg13[%swap3A_689, %swap3A_690] {strides = array<i32>} : memref<16x17xf32, #tpu.memory_space<vmem>>, vector<16xf32>,
        tpu.vector_store %arg13[%swap3A_689, %swap3A_690], %sub3A_687 {strides = array<i32>} : memref<16x17xf32, #tpu.memory_space<vmem>>, vector<16xf32>,
        %mul3A_692 = arith.constant 16 : i32
        %mul3A_693 = arith.muli %scan3A_109, %mul3A_692 : i32
        %add3A_694 = arith.constant 15 : i32
        %add3A_695 = arith.addi %mul3A_693, %add3A_694 : i32
        %get3A_696 = arith.index_cast %add3A_695 : i32 to index
        %get3A_697 = arith.constant 0 : index
        %get3A_698 = tpu.vector_load %arg10[%get3A_696, %get3A_697] {strides = array<i32>} : memref<128x64xf32, #tpu.memory_space<vmem>>, vector<16xf32>,
        %get3A_699 = arith.index_cast %add3A_695 : i32 to index
        %get3A_700 = arith.constant 0 : index
        %get3A_701 = tpu.vector_load %arg11[%get3A_699, %get3A_700] {strides = array<i32>} : memref<128x64xf32, #tpu.memory_space<vmem>>, vector<16xf32>,
        %mul3A_702 = arith.mulf %get3A_698, %get3A_701 : vector<16xf32>
        %get3A_703 = arith.index_cast %add3A_695 : i32 to index
        %get3A_704 = arith.constant 16 : index
        %get3A_705 = tpu.vector_load %arg10[%get3A_703, %get3A_704] {strides = array<i32>} : memref<128x64xf32, #tpu.memory_space<vmem>>, vector<16xf32>,
        %get3A_706 = arith.index_cast %add3A_695 : i32 to index
        %get3A_707 = arith.constant 16 : index
        %get3A_708 = tpu.vector_load %arg11[%get3A_706, %get3A_707] {strides = array<i32>} : memref<128x64xf32, #tpu.memory_space<vmem>>, vector<16xf32>,
        %mul3A_709 = arith.mulf %get3A_705, %get3A_708 : vector<16xf32>
        %add3A_710 = arith.addf %mul3A_702, %mul3A_709 : vector<16xf32>
        %get3A_711 = arith.index_cast %add3A_695 : i32 to index
        %get3A_712 = arith.constant 32 : index
        %get3A_713 = tpu.vector_load %arg10[%get3A_711, %get3A_712] {strides = array<i32>} : memref<128x64xf32, #tpu.memory_space<vmem>>, vector<16xf32>,
        %get3A_714 = arith.index_cast %add3A_695 : i32 to index
        %get3A_715 = arith.constant 32 : index
        %get3A_716 = tpu.vector_load %arg11[%get3A_714, %get3A_715] {strides = array<i32>} : memref<128x64xf32, #tpu.memory_space<vmem>>, vector<16xf32>,
        %mul3A_717 = arith.mulf %get3A_713, %get3A_716 : vector<16xf32>
        %get3A_718 = arith.index_cast %add3A_695 : i32 to index
        %get3A_719 = arith.constant 48 : index
        %get3A_720 = tpu.vector_load %arg10[%get3A_718, %get3A_719] {strides = array<i32>} : memref<128x64xf32, #tpu.memory_space<vmem>>, vector<16xf32>,
        %get3A_721 = arith.index_cast %add3A_695 : i32 to index
        %get3A_722 = arith.constant 48 : index
        %get3A_723 = tpu.vector_load %arg11[%get3A_721, %get3A_722] {strides = array<i32>} : memref<128x64xf32, #tpu.memory_space<vmem>>, vector<16xf32>,
        %mul3A_724 = arith.mulf %get3A_720, %get3A_723 : vector<16xf32>
        %add3A_725 = arith.addf %mul3A_717, %mul3A_724 : vector<16xf32>
        %sub3A_726 = arith.subf %add3A_710, %add3A_725 : vector<16xf32>
        %swap3A_727 = arith.constant 15 : i32
        %swap3A_728 = arith.index_cast %swap3A_727 : i32 to index
        %swap3A_729 = arith.constant 0 : index
        %swap3A_730 = tpu.vector_load %arg13[%swap3A_728, %swap3A_729] {strides = array<i32>} : memref<16x17xf32, #tpu.memory_space<vmem>>, vector<16xf32>,
        tpu.vector_store %arg13[%swap3A_728, %swap3A_729], %sub3A_726 {strides = array<i32>} : memref<16x17xf32, #tpu.memory_space<vmem>>, vector<16xf32>,
        %broadcast_in_dim3A = arith.constant 0.000000e+00 : f32
        %broadcast_in_dim3A_731 = vector.broadcast %broadcast_in_dim3A : f32 to vector<16xf32>
        %broadcast_in_dim3A_732 = arith.constant 0.000000e+00 : f32
        %broadcast_in_dim3A_733 = vector.broadcast %broadcast_in_dim3A_732 : f32 to vector<16xf32>
        %broadcast_in_dim3A_734 = arith.constant 0 : i32
        %broadcast_in_dim3A_735 = vector.broadcast %broadcast_in_dim3A_734 : i32 to vector<16xi32>
        %gather3A = tpu.vector_load_idx %arg13[%iota3A, %broadcast_in_dim3A_735] : memref<16x17xf32, #tpu.memory_space<vmem>>[vector<16xi32>, vector<16xi32>], vector<16xf32>,
        %add3A_736 = arith.addf %broadcast_in_dim3A_731, %gather3A : vector<16xf32>
        %broadcast_in_dim3A_737 = arith.constant 1 : i32
        %broadcast_in_dim3A_738 = vector.broadcast %broadcast_in_dim3A_737 : i32 to vector<16xi32>
        %gather3A_739 = tpu.vector_load_idx %arg13[%iota3A, %broadcast_in_dim3A_738] : memref<16x17xf32, #tpu.memory_space<vmem>>[vector<16xi32>, vector<16xi32>], vector<16xf32>,
        %add3A_740 = arith.addf %broadcast_in_dim3A_733, %gather3A_739 : vector<16xf32>
        %broadcast_in_dim3A_741 = arith.constant 2 : i32
        %broadcast_in_dim3A_742 = vector.broadcast %broadcast_in_dim3A_741 : i32 to vector<16xi32>
        %gather3A_743 = tpu.vector_load_idx %arg13[%iota3A, %broadcast_in_dim3A_742] : memref<16x17xf32, #tpu.memory_space<vmem>>[vector<16xi32>, vector<16xi32>], vector<16xf32>,
        %add3A_744 = arith.addf %add3A_736, %gather3A_743 : vector<16xf32>
        %broadcast_in_dim3A_745 = arith.constant 3 : i32
        %broadcast_in_dim3A_746 = vector.broadcast %broadcast_in_dim3A_745 : i32 to vector<16xi32>
        %gather3A_747 = tpu.vector_load_idx %arg13[%iota3A, %broadcast_in_dim3A_746] : memref<16x17xf32, #tpu.memory_space<vmem>>[vector<16xi32>, vector<16xi32>], vector<16xf32>,
        %add3A_748 = arith.addf %add3A_740, %gather3A_747 : vector<16xf32>
        %broadcast_in_dim3A_749 = arith.constant 4 : i32
        %broadcast_in_dim3A_750 = vector.broadcast %broadcast_in_dim3A_749 : i32 to vector<16xi32>
        %gather3A_751 = tpu.vector_load_idx %arg13[%iota3A, %broadcast_in_dim3A_750] : memref<16x17xf32, #tpu.memory_space<vmem>>[vector<16xi32>, vector<16xi32>], vector<16xf32>,
        %add3A_752 = arith.addf %add3A_744, %gather3A_751 : vector<16xf32>
        %broadcast_in_dim3A_753 = arith.constant 5 : i32
        %broadcast_in_dim3A_754 = vector.broadcast %broadcast_in_dim3A_753 : i32 to vector<16xi32>
        %gather3A_755 = tpu.vector_load_idx %arg13[%iota3A, %broadcast_in_dim3A_754] : memref<16x17xf32, #tpu.memory_space<vmem>>[vector<16xi32>, vector<16xi32>], vector<16xf32>,
        %add3A_756 = arith.addf %add3A_748, %gather3A_755 : vector<16xf32>
        %broadcast_in_dim3A_757 = arith.constant 6 : i32
        %broadcast_in_dim3A_758 = vector.broadcast %broadcast_in_dim3A_757 : i32 to vector<16xi32>
        %gather3A_759 = tpu.vector_load_idx %arg13[%iota3A, %broadcast_in_dim3A_758] : memref<16x17xf32, #tpu.memory_space<vmem>>[vector<16xi32>, vector<16xi32>], vector<16xf32>,
        %add3A_760 = arith.addf %add3A_752, %gather3A_759 : vector<16xf32>
        %broadcast_in_dim3A_761 = arith.constant 7 : i32
        %broadcast_in_dim3A_762 = vector.broadcast %broadcast_in_dim3A_761 : i32 to vector<16xi32>
        %gather3A_763 = tpu.vector_load_idx %arg13[%iota3A, %broadcast_in_dim3A_762] : memref<16x17xf32, #tpu.memory_space<vmem>>[vector<16xi32>, vector<16xi32>], vector<16xf32>,
        %add3A_764 = arith.addf %add3A_756, %gather3A_763 : vector<16xf32>
        %broadcast_in_dim3A_765 = arith.constant 8 : i32
        %broadcast_in_dim3A_766 = vector.broadcast %broadcast_in_dim3A_765 : i32 to vector<16xi32>
        %gather3A_767 = tpu.vector_load_idx %arg13[%iota3A, %broadcast_in_dim3A_766] : memref<16x17xf32, #tpu.memory_space<vmem>>[vector<16xi32>, vector<16xi32>], vector<16xf32>,
        %add3A_768 = arith.addf %add3A_760, %gather3A_767 : vector<16xf32>
        %broadcast_in_dim3A_769 = arith.constant 9 : i32
        %broadcast_in_dim3A_770 = vector.broadcast %broadcast_in_dim3A_769 : i32 to vector<16xi32>
        %gather3A_771 = tpu.vector_load_idx %arg13[%iota3A, %broadcast_in_dim3A_770] : memref<16x17xf32, #tpu.memory_space<vmem>>[vector<16xi32>, vector<16xi32>], vector<16xf32>,
        %add3A_772 = arith.addf %add3A_764, %gather3A_771 : vector<16xf32>
        %broadcast_in_dim3A_773 = arith.constant 10 : i32
        %broadcast_in_dim3A_774 = vector.broadcast %broadcast_in_dim3A_773 : i32 to vector<16xi32>
        %gather3A_775 = tpu.vector_load_idx %arg13[%iota3A, %broadcast_in_dim3A_774] : memref<16x17xf32, #tpu.memory_space<vmem>>[vector<16xi32>, vector<16xi32>], vector<16xf32>,
        %add3A_776 = arith.addf %add3A_768, %gather3A_775 : vector<16xf32>
        %broadcast_in_dim3A_777 = arith.constant 11 : i32
        %broadcast_in_dim3A_778 = vector.broadcast %broadcast_in_dim3A_777 : i32 to vector<16xi32>
        %gather3A_779 = tpu.vector_load_idx %arg13[%iota3A, %broadcast_in_dim3A_778] : memref<16x17xf32, #tpu.memory_space<vmem>>[vector<16xi32>, vector<16xi32>], vector<16xf32>,
        %add3A_780 = arith.addf %add3A_772, %gather3A_779 : vector<16xf32>
        %broadcast_in_dim3A_781 = arith.constant 12 : i32
        %broadcast_in_dim3A_782 = vector.broadcast %broadcast_in_dim3A_781 : i32 to vector<16xi32>
        %gather3A_783 = tpu.vector_load_idx %arg13[%iota3A, %broadcast_in_dim3A_782] : memref<16x17xf32, #tpu.memory_space<vmem>>[vector<16xi32>, vector<16xi32>], vector<16xf32>,
        %add3A_784 = arith.addf %add3A_776, %gather3A_783 : vector<16xf32>
        %broadcast_in_dim3A_785 = arith.constant 13 : i32
        %broadcast_in_dim3A_786 = vector.broadcast %broadcast_in_dim3A_785 : i32 to vector<16xi32>
        %gather3A_787 = tpu.vector_load_idx %arg13[%iota3A, %broadcast_in_dim3A_786] : memref<16x17xf32, #tpu.memory_space<vmem>>[vector<16xi32>, vector<16xi32>], vector<16xf32>,
        %add3A_788 = arith.addf %add3A_780, %gather3A_787 : vector<16xf32>
        %broadcast_in_dim3A_789 = arith.constant 14 : i32
        %broadcast_in_dim3A_790 = vector.broadcast %broadcast_in_dim3A_789 : i32 to vector<16xi32>
        %gather3A_791 = tpu.vector_load_idx %arg13[%iota3A, %broadcast_in_dim3A_790] : memref<16x17xf32, #tpu.memory_space<vmem>>[vector<16xi32>, vector<16xi32>], vector<16xf32>,
        %add3A_792 = arith.addf %add3A_784, %gather3A_791 : vector<16xf32>
        %broadcast_in_dim3A_793 = arith.constant 15 : i32
        %broadcast_in_dim3A_794 = vector.broadcast %broadcast_in_dim3A_793 : i32 to vector<16xi32>
        %gather3A_795 = tpu.vector_load_idx %arg13[%iota3A, %broadcast_in_dim3A_794] : memref<16x17xf32, #tpu.memory_space<vmem>>[vector<16xi32>, vector<16xi32>], vector<16xf32>,
        %add3A_796 = arith.addf %add3A_788, %gather3A_795 : vector<16xf32>
        %add3A_797 = arith.addf %add3A_792, %add3A_796 : vector<16xf32>
        %mul3A_798 = arith.constant 16 : i32
        %mul3A_799 = arith.muli %scan3A_109, %mul3A_798 : i32
        %multiple_of3A = tpu.assume_multiple %mul3A_799, 16 : i32
        %swap3A_800 = arith.index_cast %add3A_46 : i32 to index
        %swap3A_801 = arith.index_cast %multiple_of3A : i32 to index
        %swap3A_802 = tpu.vector_load %arg12[%swap3A_800, %swap3A_801] {strides = array<i32>} : memref<79x128xf32, #tpu.memory_space<vmem>>, vector<16xf32>,
        tpu.vector_store %arg12[%swap3A_800, %swap3A_801], %add3A_797 {strides = array<i32>} : memref<79x128xf32, #tpu.memory_space<vmem>>, vector<16xf32>,
      }
      %scan3A_108 = arith.constant 8 : i32
    }
    %scan3A_22 = arith.constant 39 : i32
    %dma_wait3A = arith.constant 78 : i32
    %dma_wait3A_23 = arith.constant 0 : i32
    %dma_wait3A_24 = tpu.memref_slice %arg6[%dma_wait3A, %dma_wait3A_23] : memref<79x128xi32, #tpu.memory_space<vmem>> -> memref<1x128xi32, #tpu.memory_space<vmem>>
    %dma_wait3A_25 = tpu.memref_squeeze %dma_wait3A_24 : memref<1x128xi32, #tpu.memory_space<vmem>> -> memref<128xi32, #tpu.memory_space<vmem>>
    %dma_wait3A_26 = arith.constant 0 : i32
    %dma_wait3A_27 = arith.constant 0 : i32
    %dma_wait3A_28 = tpu.memref_slice %arg15[%dma_wait3A_26, %dma_wait3A_27] : memref<10240x64xf32, #tpu.memory_space<vmem_shared>> -> memref<10240x64xf32, #tpu.memory_space<vmem_shared>>
    tpu.wait_indirect_dma semaphore(%arg16 : memref<!tpu.dma_semaphore, #tpu.memory_space<semaphore_mem>>) src(%dma_wait3A_28 : memref<10240x64xf32, #tpu.memory_space<vmem_shared>>) dst(%arg8 : memref<128x64xf32, #tpu.memory_space<vmem>>)
    %dma_wait3A_29 = arith.constant 78 : i32
    %dma_wait3A_30 = arith.constant 0 : i32
    %dma_wait3A_31 = tpu.memref_slice %arg7[%dma_wait3A_29, %dma_wait3A_30] : memref<79x128xi32, #tpu.memory_space<vmem>> -> memref<1x128xi32, #tpu.memory_space<vmem>>
    %dma_wait3A_32 = tpu.memref_squeeze %dma_wait3A_31 : memref<1x128xi32, #tpu.memory_space<vmem>> -> memref<128xi32, #tpu.memory_space<vmem>>
    %dma_wait3A_33 = arith.constant 0 : i32
    %dma_wait3A_34 = arith.constant 0 : i32
    %dma_wait3A_35 = tpu.memref_slice %arg15[%dma_wait3A_33, %dma_wait3A_34] : memref<10240x64xf32, #tpu.memory_space<vmem_shared>> -> memref<10240x64xf32, #tpu.memory_space<vmem_shared>>
    tpu.wait_indirect_dma semaphore(%arg16 : memref<!tpu.dma_semaphore, #tpu.memory_space<semaphore_mem>>) src(%dma_wait3A_35 : memref<10240x64xf32, #tpu.memory_space<vmem_shared>>) dst(%arg9 : memref<128x64xf32, #tpu.memory_space<vmem>>)
    %scan3A_36 = arith.constant 0 : i32
    %scan3A_37 = arith.constant 0 : i32
    %scan3A_38 = arith.constant 8 : i32
    %scan3A_39 = arith.addi %scan3A_37, %scan3A_38 : i32
    %scan3A_40 = arith.constant 1 : i32
    scf.for %scan3A_42 = %scan3A_37 to %scan3A_39 step %scan3A_40  : i32 {
      %mul3A_43 = arith.constant 16 : i32
      %mul3A_44 = arith.muli %scan3A_42, %mul3A_43 : i32
      %add3A_45 = arith.constant 0 : i32
      %add3A_46 = arith.addi %mul3A_44, %add3A_45 : i32
      %get3A = arith.index_cast %add3A_46 : i32 to index
      %get3A_47 = arith.constant 0 : index
      %get3A_48 = tpu.vector_load %arg8[%get3A, %get3A_47] {strides = array<i32>} : memref<128x64xf32, #tpu.memory_space<vmem>>, vector<16xf32>,
      %get3A_49 = arith.index_cast %add3A_46 : i32 to index
      %get3A_50 = arith.constant 0 : index
      %get3A_51 = tpu.vector_load %arg9[%get3A_49, %get3A_50] {strides = array<i32>} : memref<128x64xf32, #tpu.memory_space<vmem>>, vector<16xf32>,
      %mul3A_52 = arith.mulf %get3A_48, %get3A_51 : vector<16xf32>
      %get3A_53 = arith.index_cast %add3A_46 : i32 to index
      %get3A_54 = arith.constant 16 : index
      %get3A_55 = tpu.vector_load %arg8[%get3A_53, %get3A_54] {strides = array<i32>} : memref<128x64xf32, #tpu.memory_space<vmem>>, vector<16xf32>,
      %get3A_56 = arith.index_cast %add3A_46 : i32 to index
      %get3A_57 = arith.constant 16 : index
      %get3A_58 = tpu.vector_load %arg9[%get3A_56, %get3A_57] {strides = array<i32>} : memref<128x64xf32, #tpu.memory_space<vmem>>, vector<16xf32>,
      %mul3A_59 = arith.mulf %get3A_55, %get3A_58 : vector<16xf32>
      %add3A_60 = arith.addf %mul3A_52, %mul3A_59 : vector<16xf32>
      %get3A_61 = arith.index_cast %add3A_46 : i32 to index
      %get3A_62 = arith.constant 32 : index
      %get3A_63 = tpu.vector_load %arg8[%get3A_61, %get3A_62] {strides = array<i32>} : memref<128x64xf32, #tpu.memory_space<vmem>>, vector<16xf32>,
      %get3A_64 = arith.index_cast %add3A_46 : i32 to index
      %get3A_65 = arith.constant 32 : index
      %get3A_66 = tpu.vector_load %arg9[%get3A_64, %get3A_65] {strides = array<i32>} : memref<128x64xf32, #tpu.memory_space<vmem>>, vector<16xf32>,
      %mul3A_67 = arith.mulf %get3A_63, %get3A_66 : vector<16xf32>
      %get3A_68 = arith.index_cast %add3A_46 : i32 to index
      %get3A_69 = arith.constant 48 : index
      %get3A_70 = tpu.vector_load %arg8[%get3A_68, %get3A_69] {strides = array<i32>} : memref<128x64xf32, #tpu.memory_space<vmem>>, vector<16xf32>,
      %get3A_71 = arith.index_cast %add3A_46 : i32 to index
      %get3A_72 = arith.constant 48 : index
      %get3A_73 = tpu.vector_load %arg9[%get3A_71, %get3A_72] {strides = array<i32>} : memref<128x64xf32, #tpu.memory_space<vmem>>, vector<16xf32>,
      %mul3A_74 = arith.mulf %get3A_70, %get3A_73 : vector<16xf32>
      %add3A_75 = arith.addf %mul3A_67, %mul3A_74 : vector<16xf32>
      %sub3A = arith.subf %add3A_60, %add3A_75 : vector<16xf32>
      %swap3A = arith.constant 0 : i32
      %swap3A_76 = arith.index_cast %swap3A : i32 to index
      %swap3A_77 = arith.constant 0 : index
      %swap3A_78 = tpu.vector_load %arg13[%swap3A_76, %swap3A_77] {strides = array<i32>} : memref<16x17xf32, #tpu.memory_space<vmem>>, vector<16xf32>,
      tpu.vector_store %arg13[%swap3A_76, %swap3A_77], %sub3A {strides = array<i32>} : memref<16x17xf32, #tpu.memory_space<vmem>>, vector<16xf32>,
      %mul3A_79 = arith.constant 16 : i32
      %mul3A_80 = arith.muli %scan3A_42, %mul3A_79 : i32
      %add3A_81 = arith.constant 1 : i32
      %add3A_82 = arith.addi %mul3A_80, %add3A_81 : i32
      %get3A_83 = arith.index_cast %add3A_82 : i32 to index
      %get3A_84 = arith.constant 0 : index
      %get3A_85 = tpu.vector_load %arg8[%get3A_83, %get3A_84] {strides = array<i32>} : memref<128x64xf32, #tpu.memory_space<vmem>>, vector<16xf32>,
      %get3A_86 = arith.index_cast %add3A_82 : i32 to index
      %get3A_87 = arith.constant 0 : index
      %get3A_88 = tpu.vector_load %arg9[%get3A_86, %get3A_87] {strides = array<i32>} : memref<128x64xf32, #tpu.memory_space<vmem>>, vector<16xf32>,
      %mul3A_89 = arith.mulf %get3A_85, %get3A_88 : vector<16xf32>
      %get3A_90 = arith.index_cast %add3A_82 : i32 to index
      %get3A_91 = arith.constant 16 : index
      %get3A_92 = tpu.vector_load %arg8[%get3A_90, %get3A_91] {strides = array<i32>} : memref<128x64xf32, #tpu.memory_space<vmem>>, vector<16xf32>,
      %get3A_93 = arith.index_cast %add3A_82 : i32 to index
      %get3A_94 = arith.constant 16 : index
      %get3A_95 = tpu.vector_load %arg9[%get3A_93, %get3A_94] {strides = array<i32>} : memref<128x64xf32, #tpu.memory_space<vmem>>, vector<16xf32>,
      %mul3A_96 = arith.mulf %get3A_92, %get3A_95 : vector<16xf32>
      %add3A_97 = arith.addf %mul3A_89, %mul3A_96 : vector<16xf32>
      %get3A_98 = arith.index_cast %add3A_82 : i32 to index
      %get3A_99 = arith.constant 32 : index
      %get3A_100 = tpu.vector_load %arg8[%get3A_98, %get3A_99] {strides = array<i32>} : memref<128x64xf32, #tpu.memory_space<vmem>>, vector<16xf32>,
      %get3A_101 = arith.index_cast %add3A_82 : i32 to index
      %get3A_102 = arith.constant 32 : index
      %get3A_103 = tpu.vector_load %arg9[%get3A_101, %get3A_102] {strides = array<i32>} : memref<128x64xf32, #tpu.memory_space<vmem>>, vector<16xf32>,
      %mul3A_104 = arith.mulf %get3A_100, %get3A_103 : vector<16xf32>
      %get3A_105 = arith.index_cast %add3A_82 : i32 to index
      %get3A_106 = arith.constant 48 : index
      %get3A_107 = tpu.vector_load %arg8[%get3A_105, %get3A_106] {strides = array<i32>} : memref<128x64xf32, #tpu.memory_space<vmem>>, vector<16xf32>,
      %get3A_108 = arith.index_cast %add3A_82 : i32 to index
      %get3A_109 = arith.constant 48 : index
      %get3A_110 = tpu.vector_load %arg9[%get3A_108, %get3A_109] {strides = array<i32>} : memref<128x64xf32, #tpu.memory_space<vmem>>, vector<16xf32>,
      %mul3A_111 = arith.mulf %get3A_107, %get3A_110 : vector<16xf32>
      %add3A_112 = arith.addf %mul3A_104, %mul3A_111 : vector<16xf32>
      %sub3A_113 = arith.subf %add3A_97, %add3A_112 : vector<16xf32>
      %swap3A_114 = arith.constant 1 : i32
      %swap3A_115 = arith.index_cast %swap3A_114 : i32 to index
      %swap3A_116 = arith.constant 0 : index
      %swap3A_117 = tpu.vector_load %arg13[%swap3A_115, %swap3A_116] {strides = array<i32>} : memref<16x17xf32, #tpu.memory_space<vmem>>, vector<16xf32>,
      tpu.vector_store %arg13[%swap3A_115, %swap3A_116], %sub3A_113 {strides = array<i32>} : memref<16x17xf32, #tpu.memory_space<vmem>>, vector<16xf32>,
      %mul3A_118 = arith.constant 16 : i32
      %mul3A_119 = arith.muli %scan3A_42, %mul3A_118 : i32
      %add3A_120 = arith.constant 2 : i32
      %add3A_121 = arith.addi %mul3A_119, %add3A_120 : i32
      %get3A_122 = arith.index_cast %add3A_121 : i32 to index
      %get3A_123 = arith.constant 0 : index
      %get3A_124 = tpu.vector_load %arg8[%get3A_122, %get3A_123] {strides = array<i32>} : memref<128x64xf32, #tpu.memory_space<vmem>>, vector<16xf32>,
      %get3A_125 = arith.index_cast %add3A_121 : i32 to index
      %get3A_126 = arith.constant 0 : index
      %get3A_127 = tpu.vector_load %arg9[%get3A_125, %get3A_126] {strides = array<i32>} : memref<128x64xf32, #tpu.memory_space<vmem>>, vector<16xf32>,
      %mul3A_128 = arith.mulf %get3A_124, %get3A_127 : vector<16xf32>
      %get3A_129 = arith.index_cast %add3A_121 : i32 to index
      %get3A_130 = arith.constant 16 : index
      %get3A_131 = tpu.vector_load %arg8[%get3A_129, %get3A_130] {strides = array<i32>} : memref<128x64xf32, #tpu.memory_space<vmem>>, vector<16xf32>,
      %get3A_132 = arith.index_cast %add3A_121 : i32 to index
      %get3A_133 = arith.constant 16 : index
      %get3A_134 = tpu.vector_load %arg9[%get3A_132, %get3A_133] {strides = array<i32>} : memref<128x64xf32, #tpu.memory_space<vmem>>, vector<16xf32>,
      %mul3A_135 = arith.mulf %get3A_131, %get3A_134 : vector<16xf32>
      %add3A_136 = arith.addf %mul3A_128, %mul3A_135 : vector<16xf32>
      %get3A_137 = arith.index_cast %add3A_121 : i32 to index
      %get3A_138 = arith.constant 32 : index
      %get3A_139 = tpu.vector_load %arg8[%get3A_137, %get3A_138] {strides = array<i32>} : memref<128x64xf32, #tpu.memory_space<vmem>>, vector<16xf32>,
      %get3A_140 = arith.index_cast %add3A_121 : i32 to index
      %get3A_141 = arith.constant 32 : index
      %get3A_142 = tpu.vector_load %arg9[%get3A_140, %get3A_141] {strides = array<i32>} : memref<128x64xf32, #tpu.memory_space<vmem>>, vector<16xf32>,
      %mul3A_143 = arith.mulf %get3A_139, %get3A_142 : vector<16xf32>
      %get3A_144 = arith.index_cast %add3A_121 : i32 to index
      %get3A_145 = arith.constant 48 : index
      %get3A_146 = tpu.vector_load %arg8[%get3A_144, %get3A_145] {strides = array<i32>} : memref<128x64xf32, #tpu.memory_space<vmem>>, vector<16xf32>,
      %get3A_147 = arith.index_cast %add3A_121 : i32 to index
      %get3A_148 = arith.constant 48 : index
      %get3A_149 = tpu.vector_load %arg9[%get3A_147, %get3A_148] {strides = array<i32>} : memref<128x64xf32, #tpu.memory_space<vmem>>, vector<16xf32>,
      %mul3A_150 = arith.mulf %get3A_146, %get3A_149 : vector<16xf32>
      %add3A_151 = arith.addf %mul3A_143, %mul3A_150 : vector<16xf32>
      %sub3A_152 = arith.subf %add3A_136, %add3A_151 : vector<16xf32>
      %swap3A_153 = arith.constant 2 : i32
      %swap3A_154 = arith.index_cast %swap3A_153 : i32 to index
      %swap3A_155 = arith.constant 0 : index
      %swap3A_156 = tpu.vector_load %arg13[%swap3A_154, %swap3A_155] {strides = array<i32>} : memref<16x17xf32, #tpu.memory_space<vmem>>, vector<16xf32>,
      tpu.vector_store %arg13[%swap3A_154, %swap3A_155], %sub3A_152 {strides = array<i32>} : memref<16x17xf32, #tpu.memory_space<vmem>>, vector<16xf32>,
      %mul3A_157 = arith.constant 16 : i32
      %mul3A_158 = arith.muli %scan3A_42, %mul3A_157 : i32
      %add3A_159 = arith.constant 3 : i32
      %add3A_160 = arith.addi %mul3A_158, %add3A_159 : i32
      %get3A_161 = arith.index_cast %add3A_160 : i32 to index
      %get3A_162 = arith.constant 0 : index
      %get3A_163 = tpu.vector_load %arg8[%get3A_161, %get3A_162] {strides = array<i32>} : memref<128x64xf32, #tpu.memory_space<vmem>>, vector<16xf32>,
      %get3A_164 = arith.index_cast %add3A_160 : i32 to index
      %get3A_165 = arith.constant 0 : index
      %get3A_166 = tpu.vector_load %arg9[%get3A_164, %get3A_165] {strides = array<i32>} : memref<128x64xf32, #tpu.memory_space<vmem>>, vector<16xf32>,
      %mul3A_167 = arith.mulf %get3A_163, %get3A_166 : vector<16xf32>
      %get3A_168 = arith.index_cast %add3A_160 : i32 to index
      %get3A_169 = arith.constant 16 : index
      %get3A_170 = tpu.vector_load %arg8[%get3A_168, %get3A_169] {strides = array<i32>} : memref<128x64xf32, #tpu.memory_space<vmem>>, vector<16xf32>,
      %get3A_171 = arith.index_cast %add3A_160 : i32 to index
      %get3A_172 = arith.constant 16 : index
      %get3A_173 = tpu.vector_load %arg9[%get3A_171, %get3A_172] {strides = array<i32>} : memref<128x64xf32, #tpu.memory_space<vmem>>, vector<16xf32>,
      %mul3A_174 = arith.mulf %get3A_170, %get3A_173 : vector<16xf32>
      %add3A_175 = arith.addf %mul3A_167, %mul3A_174 : vector<16xf32>
      %get3A_176 = arith.index_cast %add3A_160 : i32 to index
      %get3A_177 = arith.constant 32 : index
      %get3A_178 = tpu.vector_load %arg8[%get3A_176, %get3A_177] {strides = array<i32>} : memref<128x64xf32, #tpu.memory_space<vmem>>, vector<16xf32>,
      %get3A_179 = arith.index_cast %add3A_160 : i32 to index
      %get3A_180 = arith.constant 32 : index
      %get3A_181 = tpu.vector_load %arg9[%get3A_179, %get3A_180] {strides = array<i32>} : memref<128x64xf32, #tpu.memory_space<vmem>>, vector<16xf32>,
      %mul3A_182 = arith.mulf %get3A_178, %get3A_181 : vector<16xf32>
      %get3A_183 = arith.index_cast %add3A_160 : i32 to index
      %get3A_184 = arith.constant 48 : index
      %get3A_185 = tpu.vector_load %arg8[%get3A_183, %get3A_184] {strides = array<i32>} : memref<128x64xf32, #tpu.memory_space<vmem>>, vector<16xf32>,
      %get3A_186 = arith.index_cast %add3A_160 : i32 to index
      %get3A_187 = arith.constant 48 : index
      %get3A_188 = tpu.vector_load %arg9[%get3A_186, %get3A_187] {strides = array<i32>} : memref<128x64xf32, #tpu.memory_space<vmem>>, vector<16xf32>,
      %mul3A_189 = arith.mulf %get3A_185, %get3A_188 : vector<16xf32>
      %add3A_190 = arith.addf %mul3A_182, %mul3A_189 : vector<16xf32>
      %sub3A_191 = arith.subf %add3A_175, %add3A_190 : vector<16xf32>
      %swap3A_192 = arith.constant 3 : i32
      %swap3A_193 = arith.index_cast %swap3A_192 : i32 to index
      %swap3A_194 = arith.constant 0 : index
      %swap3A_195 = tpu.vector_load %arg13[%swap3A_193, %swap3A_194] {strides = array<i32>} : memref<16x17xf32, #tpu.memory_space<vmem>>, vector<16xf32>,
      tpu.vector_store %arg13[%swap3A_193, %swap3A_194], %sub3A_191 {strides = array<i32>} : memref<16x17xf32, #tpu.memory_space<vmem>>, vector<16xf32>,
      %mul3A_196 = arith.constant 16 : i32
      %mul3A_197 = arith.muli %scan3A_42, %mul3A_196 : i32
      %add3A_198 = arith.constant 4 : i32
      %add3A_199 = arith.addi %mul3A_197, %add3A_198 : i32
      %get3A_200 = arith.index_cast %add3A_199 : i32 to index
      %get3A_201 = arith.constant 0 : index
      %get3A_202 = tpu.vector_load %arg8[%get3A_200, %get3A_201] {strides = array<i32>} : memref<128x64xf32, #tpu.memory_space<vmem>>, vector<16xf32>,
      %get3A_203 = arith.index_cast %add3A_199 : i32 to index
      %get3A_204 = arith.constant 0 : index
      %get3A_205 = tpu.vector_load %arg9[%get3A_203, %get3A_204] {strides = array<i32>} : memref<128x64xf32, #tpu.memory_space<vmem>>, vector<16xf32>,
      %mul3A_206 = arith.mulf %get3A_202, %get3A_205 : vector<16xf32>
      %get3A_207 = arith.index_cast %add3A_199 : i32 to index
      %get3A_208 = arith.constant 16 : index
      %get3A_209 = tpu.vector_load %arg8[%get3A_207, %get3A_208] {strides = array<i32>} : memref<128x64xf32, #tpu.memory_space<vmem>>, vector<16xf32>,
      %get3A_210 = arith.index_cast %add3A_199 : i32 to index
      %get3A_211 = arith.constant 16 : index
      %get3A_212 = tpu.vector_load %arg9[%get3A_210, %get3A_211] {strides = array<i32>} : memref<128x64xf32, #tpu.memory_space<vmem>>, vector<16xf32>,
      %mul3A_213 = arith.mulf %get3A_209, %get3A_212 : vector<16xf32>
      %add3A_214 = arith.addf %mul3A_206, %mul3A_213 : vector<16xf32>
      %get3A_215 = arith.index_cast %add3A_199 : i32 to index
      %get3A_216 = arith.constant 32 : index
      %get3A_217 = tpu.vector_load %arg8[%get3A_215, %get3A_216] {strides = array<i32>} : memref<128x64xf32, #tpu.memory_space<vmem>>, vector<16xf32>,
      %get3A_218 = arith.index_cast %add3A_199 : i32 to index
      %get3A_219 = arith.constant 32 : index
      %get3A_220 = tpu.vector_load %arg9[%get3A_218, %get3A_219] {strides = array<i32>} : memref<128x64xf32, #tpu.memory_space<vmem>>, vector<16xf32>,
      %mul3A_221 = arith.mulf %get3A_217, %get3A_220 : vector<16xf32>
      %get3A_222 = arith.index_cast %add3A_199 : i32 to index
      %get3A_223 = arith.constant 48 : index
      %get3A_224 = tpu.vector_load %arg8[%get3A_222, %get3A_223] {strides = array<i32>} : memref<128x64xf32, #tpu.memory_space<vmem>>, vector<16xf32>,
      %get3A_225 = arith.index_cast %add3A_199 : i32 to index
      %get3A_226 = arith.constant 48 : index
      %get3A_227 = tpu.vector_load %arg9[%get3A_225, %get3A_226] {strides = array<i32>} : memref<128x64xf32, #tpu.memory_space<vmem>>, vector<16xf32>,
      %mul3A_228 = arith.mulf %get3A_224, %get3A_227 : vector<16xf32>
      %add3A_229 = arith.addf %mul3A_221, %mul3A_228 : vector<16xf32>
      %sub3A_230 = arith.subf %add3A_214, %add3A_229 : vector<16xf32>
      %swap3A_231 = arith.constant 4 : i32
      %swap3A_232 = arith.index_cast %swap3A_231 : i32 to index
      %swap3A_233 = arith.constant 0 : index
      %swap3A_234 = tpu.vector_load %arg13[%swap3A_232, %swap3A_233] {strides = array<i32>} : memref<16x17xf32, #tpu.memory_space<vmem>>, vector<16xf32>,
      tpu.vector_store %arg13[%swap3A_232, %swap3A_233], %sub3A_230 {strides = array<i32>} : memref<16x17xf32, #tpu.memory_space<vmem>>, vector<16xf32>,
      %mul3A_235 = arith.constant 16 : i32
      %mul3A_236 = arith.muli %scan3A_42, %mul3A_235 : i32
      %add3A_237 = arith.constant 5 : i32
      %add3A_238 = arith.addi %mul3A_236, %add3A_237 : i32
      %get3A_239 = arith.index_cast %add3A_238 : i32 to index
      %get3A_240 = arith.constant 0 : index
      %get3A_241 = tpu.vector_load %arg8[%get3A_239, %get3A_240] {strides = array<i32>} : memref<128x64xf32, #tpu.memory_space<vmem>>, vector<16xf32>,
      %get3A_242 = arith.index_cast %add3A_238 : i32 to index
      %get3A_243 = arith.constant 0 : index
      %get3A_244 = tpu.vector_load %arg9[%get3A_242, %get3A_243] {strides = array<i32>} : memref<128x64xf32, #tpu.memory_space<vmem>>, vector<16xf32>,
      %mul3A_245 = arith.mulf %get3A_241, %get3A_244 : vector<16xf32>
      %get3A_246 = arith.index_cast %add3A_238 : i32 to index
      %get3A_247 = arith.constant 16 : index
      %get3A_248 = tpu.vector_load %arg8[%get3A_246, %get3A_247] {strides = array<i32>} : memref<128x64xf32, #tpu.memory_space<vmem>>, vector<16xf32>,
      %get3A_249 = arith.index_cast %add3A_238 : i32 to index
      %get3A_250 = arith.constant 16 : index
      %get3A_251 = tpu.vector_load %arg9[%get3A_249, %get3A_250] {strides = array<i32>} : memref<128x64xf32, #tpu.memory_space<vmem>>, vector<16xf32>,
      %mul3A_252 = arith.mulf %get3A_248, %get3A_251 : vector<16xf32>
      %add3A_253 = arith.addf %mul3A_245, %mul3A_252 : vector<16xf32>
      %get3A_254 = arith.index_cast %add3A_238 : i32 to index
      %get3A_255 = arith.constant 32 : index
      %get3A_256 = tpu.vector_load %arg8[%get3A_254, %get3A_255] {strides = array<i32>} : memref<128x64xf32, #tpu.memory_space<vmem>>, vector<16xf32>,
      %get3A_257 = arith.index_cast %add3A_238 : i32 to index
      %get3A_258 = arith.constant 32 : index
      %get3A_259 = tpu.vector_load %arg9[%get3A_257, %get3A_258] {strides = array<i32>} : memref<128x64xf32, #tpu.memory_space<vmem>>, vector<16xf32>,
      %mul3A_260 = arith.mulf %get3A_256, %get3A_259 : vector<16xf32>
      %get3A_261 = arith.index_cast %add3A_238 : i32 to index
      %get3A_262 = arith.constant 48 : index
      %get3A_263 = tpu.vector_load %arg8[%get3A_261, %get3A_262] {strides = array<i32>} : memref<128x64xf32, #tpu.memory_space<vmem>>, vector<16xf32>,
      %get3A_264 = arith.index_cast %add3A_238 : i32 to index
      %get3A_265 = arith.constant 48 : index
      %get3A_266 = tpu.vector_load %arg9[%get3A_264, %get3A_265] {strides = array<i32>} : memref<128x64xf32, #tpu.memory_space<vmem>>, vector<16xf32>,
      %mul3A_267 = arith.mulf %get3A_263, %get3A_266 : vector<16xf32>
      %add3A_268 = arith.addf %mul3A_260, %mul3A_267 : vector<16xf32>
      %sub3A_269 = arith.subf %add3A_253, %add3A_268 : vector<16xf32>
      %swap3A_270 = arith.constant 5 : i32
      %swap3A_271 = arith.index_cast %swap3A_270 : i32 to index
      %swap3A_272 = arith.constant 0 : index
      %swap3A_273 = tpu.vector_load %arg13[%swap3A_271, %swap3A_272] {strides = array<i32>} : memref<16x17xf32, #tpu.memory_space<vmem>>, vector<16xf32>,
      tpu.vector_store %arg13[%swap3A_271, %swap3A_272], %sub3A_269 {strides = array<i32>} : memref<16x17xf32, #tpu.memory_space<vmem>>, vector<16xf32>,
      %mul3A_274 = arith.constant 16 : i32
      %mul3A_275 = arith.muli %scan3A_42, %mul3A_274 : i32
      %add3A_276 = arith.constant 6 : i32
      %add3A_277 = arith.addi %mul3A_275, %add3A_276 : i32
      %get3A_278 = arith.index_cast %add3A_277 : i32 to index
      %get3A_279 = arith.constant 0 : index
      %get3A_280 = tpu.vector_load %arg8[%get3A_278, %get3A_279] {strides = array<i32>} : memref<128x64xf32, #tpu.memory_space<vmem>>, vector<16xf32>,
      %get3A_281 = arith.index_cast %add3A_277 : i32 to index
      %get3A_282 = arith.constant 0 : index
      %get3A_283 = tpu.vector_load %arg9[%get3A_281, %get3A_282] {strides = array<i32>} : memref<128x64xf32, #tpu.memory_space<vmem>>, vector<16xf32>,
      %mul3A_284 = arith.mulf %get3A_280, %get3A_283 : vector<16xf32>
      %get3A_285 = arith.index_cast %add3A_277 : i32 to index
      %get3A_286 = arith.constant 16 : index
      %get3A_287 = tpu.vector_load %arg8[%get3A_285, %get3A_286] {strides = array<i32>} : memref<128x64xf32, #tpu.memory_space<vmem>>, vector<16xf32>,
      %get3A_288 = arith.index_cast %add3A_277 : i32 to index
      %get3A_289 = arith.constant 16 : index
      %get3A_290 = tpu.vector_load %arg9[%get3A_288, %get3A_289] {strides = array<i32>} : memref<128x64xf32, #tpu.memory_space<vmem>>, vector<16xf32>,
      %mul3A_291 = arith.mulf %get3A_287, %get3A_290 : vector<16xf32>
      %add3A_292 = arith.addf %mul3A_284, %mul3A_291 : vector<16xf32>
      %get3A_293 = arith.index_cast %add3A_277 : i32 to index
      %get3A_294 = arith.constant 32 : index
      %get3A_295 = tpu.vector_load %arg8[%get3A_293, %get3A_294] {strides = array<i32>} : memref<128x64xf32, #tpu.memory_space<vmem>>, vector<16xf32>,
      %get3A_296 = arith.index_cast %add3A_277 : i32 to index
      %get3A_297 = arith.constant 32 : index
      %get3A_298 = tpu.vector_load %arg9[%get3A_296, %get3A_297] {strides = array<i32>} : memref<128x64xf32, #tpu.memory_space<vmem>>, vector<16xf32>,
      %mul3A_299 = arith.mulf %get3A_295, %get3A_298 : vector<16xf32>
      %get3A_300 = arith.index_cast %add3A_277 : i32 to index
      %get3A_301 = arith.constant 48 : index
      %get3A_302 = tpu.vector_load %arg8[%get3A_300, %get3A_301] {strides = array<i32>} : memref<128x64xf32, #tpu.memory_space<vmem>>, vector<16xf32>,
      %get3A_303 = arith.index_cast %add3A_277 : i32 to index
      %get3A_304 = arith.constant 48 : index
      %get3A_305 = tpu.vector_load %arg9[%get3A_303, %get3A_304] {strides = array<i32>} : memref<128x64xf32, #tpu.memory_space<vmem>>, vector<16xf32>,
      %mul3A_306 = arith.mulf %get3A_302, %get3A_305 : vector<16xf32>
      %add3A_307 = arith.addf %mul3A_299, %mul3A_306 : vector<16xf32>
      %sub3A_308 = arith.subf %add3A_292, %add3A_307 : vector<16xf32>
      %swap3A_309 = arith.constant 6 : i32
      %swap3A_310 = arith.index_cast %swap3A_309 : i32 to index
      %swap3A_311 = arith.constant 0 : index
      %swap3A_312 = tpu.vector_load %arg13[%swap3A_310, %swap3A_311] {strides = array<i32>} : memref<16x17xf32, #tpu.memory_space<vmem>>, vector<16xf32>,
      tpu.vector_store %arg13[%swap3A_310, %swap3A_311], %sub3A_308 {strides = array<i32>} : memref<16x17xf32, #tpu.memory_space<vmem>>, vector<16xf32>,
      %mul3A_313 = arith.constant 16 : i32
      %mul3A_314 = arith.muli %scan3A_42, %mul3A_313 : i32
      %add3A_315 = arith.constant 7 : i32
      %add3A_316 = arith.addi %mul3A_314, %add3A_315 : i32
      %get3A_317 = arith.index_cast %add3A_316 : i32 to index
      %get3A_318 = arith.constant 0 : index
      %get3A_319 = tpu.vector_load %arg8[%get3A_317, %get3A_318] {strides = array<i32>} : memref<128x64xf32, #tpu.memory_space<vmem>>, vector<16xf32>,
      %get3A_320 = arith.index_cast %add3A_316 : i32 to index
      %get3A_321 = arith.constant 0 : index
      %get3A_322 = tpu.vector_load %arg9[%get3A_320, %get3A_321] {strides = array<i32>} : memref<128x64xf32, #tpu.memory_space<vmem>>, vector<16xf32>,
      %mul3A_323 = arith.mulf %get3A_319, %get3A_322 : vector<16xf32>
      %get3A_324 = arith.index_cast %add3A_316 : i32 to index
      %get3A_325 = arith.constant 16 : index
      %get3A_326 = tpu.vector_load %arg8[%get3A_324, %get3A_325] {strides = array<i32>} : memref<128x64xf32, #tpu.memory_space<vmem>>, vector<16xf32>,
      %get3A_327 = arith.index_cast %add3A_316 : i32 to index
      %get3A_328 = arith.constant 16 : index
      %get3A_329 = tpu.vector_load %arg9[%get3A_327, %get3A_328] {strides = array<i32>} : memref<128x64xf32, #tpu.memory_space<vmem>>, vector<16xf32>,
      %mul3A_330 = arith.mulf %get3A_326, %get3A_329 : vector<16xf32>
      %add3A_331 = arith.addf %mul3A_323, %mul3A_330 : vector<16xf32>
      %get3A_332 = arith.index_cast %add3A_316 : i32 to index
      %get3A_333 = arith.constant 32 : index
      %get3A_334 = tpu.vector_load %arg8[%get3A_332, %get3A_333] {strides = array<i32>} : memref<128x64xf32, #tpu.memory_space<vmem>>, vector<16xf32>,
      %get3A_335 = arith.index_cast %add3A_316 : i32 to index
      %get3A_336 = arith.constant 32 : index
      %get3A_337 = tpu.vector_load %arg9[%get3A_335, %get3A_336] {strides = array<i32>} : memref<128x64xf32, #tpu.memory_space<vmem>>, vector<16xf32>,
      %mul3A_338 = arith.mulf %get3A_334, %get3A_337 : vector<16xf32>
      %get3A_339 = arith.index_cast %add3A_316 : i32 to index
      %get3A_340 = arith.constant 48 : index
      %get3A_341 = tpu.vector_load %arg8[%get3A_339, %get3A_340] {strides = array<i32>} : memref<128x64xf32, #tpu.memory_space<vmem>>, vector<16xf32>,
      %get3A_342 = arith.index_cast %add3A_316 : i32 to index
      %get3A_343 = arith.constant 48 : index
      %get3A_344 = tpu.vector_load %arg9[%get3A_342, %get3A_343] {strides = array<i32>} : memref<128x64xf32, #tpu.memory_space<vmem>>, vector<16xf32>,
      %mul3A_345 = arith.mulf %get3A_341, %get3A_344 : vector<16xf32>
      %add3A_346 = arith.addf %mul3A_338, %mul3A_345 : vector<16xf32>
      %sub3A_347 = arith.subf %add3A_331, %add3A_346 : vector<16xf32>
      %swap3A_348 = arith.constant 7 : i32
      %swap3A_349 = arith.index_cast %swap3A_348 : i32 to index
      %swap3A_350 = arith.constant 0 : index
      %swap3A_351 = tpu.vector_load %arg13[%swap3A_349, %swap3A_350] {strides = array<i32>} : memref<16x17xf32, #tpu.memory_space<vmem>>, vector<16xf32>,
      tpu.vector_store %arg13[%swap3A_349, %swap3A_350], %sub3A_347 {strides = array<i32>} : memref<16x17xf32, #tpu.memory_space<vmem>>, vector<16xf32>,
      %mul3A_352 = arith.constant 16 : i32
      %mul3A_353 = arith.muli %scan3A_42, %mul3A_352 : i32
      %add3A_354 = arith.constant 8 : i32
      %add3A_355 = arith.addi %mul3A_353, %add3A_354 : i32
      %get3A_356 = arith.index_cast %add3A_355 : i32 to index
      %get3A_357 = arith.constant 0 : index
      %get3A_358 = tpu.vector_load %arg8[%get3A_356, %get3A_357] {strides = array<i32>} : memref<128x64xf32, #tpu.memory_space<vmem>>, vector<16xf32>,
      %get3A_359 = arith.index_cast %add3A_355 : i32 to index
      %get3A_360 = arith.constant 0 : index
      %get3A_361 = tpu.vector_load %arg9[%get3A_359, %get3A_360] {strides = array<i32>} : memref<128x64xf32, #tpu.memory_space<vmem>>, vector<16xf32>,
      %mul3A_362 = arith.mulf %get3A_358, %get3A_361 : vector<16xf32>
      %get3A_363 = arith.index_cast %add3A_355 : i32 to index
      %get3A_364 = arith.constant 16 : index
      %get3A_365 = tpu.vector_load %arg8[%get3A_363, %get3A_364] {strides = array<i32>} : memref<128x64xf32, #tpu.memory_space<vmem>>, vector<16xf32>,
      %get3A_366 = arith.index_cast %add3A_355 : i32 to index
      %get3A_367 = arith.constant 16 : index
      %get3A_368 = tpu.vector_load %arg9[%get3A_366, %get3A_367] {strides = array<i32>} : memref<128x64xf32, #tpu.memory_space<vmem>>, vector<16xf32>,
      %mul3A_369 = arith.mulf %get3A_365, %get3A_368 : vector<16xf32>
      %add3A_370 = arith.addf %mul3A_362, %mul3A_369 : vector<16xf32>
      %get3A_371 = arith.index_cast %add3A_355 : i32 to index
      %get3A_372 = arith.constant 32 : index
      %get3A_373 = tpu.vector_load %arg8[%get3A_371, %get3A_372] {strides = array<i32>} : memref<128x64xf32, #tpu.memory_space<vmem>>, vector<16xf32>,
      %get3A_374 = arith.index_cast %add3A_355 : i32 to index
      %get3A_375 = arith.constant 32 : index
      %get3A_376 = tpu.vector_load %arg9[%get3A_374, %get3A_375] {strides = array<i32>} : memref<128x64xf32, #tpu.memory_space<vmem>>, vector<16xf32>,
      %mul3A_377 = arith.mulf %get3A_373, %get3A_376 : vector<16xf32>
      %get3A_378 = arith.index_cast %add3A_355 : i32 to index
      %get3A_379 = arith.constant 48 : index
      %get3A_380 = tpu.vector_load %arg8[%get3A_378, %get3A_379] {strides = array<i32>} : memref<128x64xf32, #tpu.memory_space<vmem>>, vector<16xf32>,
      %get3A_381 = arith.index_cast %add3A_355 : i32 to index
      %get3A_382 = arith.constant 48 : index
      %get3A_383 = tpu.vector_load %arg9[%get3A_381, %get3A_382] {strides = array<i32>} : memref<128x64xf32, #tpu.memory_space<vmem>>, vector<16xf32>,
      %mul3A_384 = arith.mulf %get3A_380, %get3A_383 : vector<16xf32>
      %add3A_385 = arith.addf %mul3A_377, %mul3A_384 : vector<16xf32>
      %sub3A_386 = arith.subf %add3A_370, %add3A_385 : vector<16xf32>
      %swap3A_387 = arith.constant 8 : i32
      %swap3A_388 = arith.index_cast %swap3A_387 : i32 to index
      %swap3A_389 = arith.constant 0 : index
      %swap3A_390 = tpu.vector_load %arg13[%swap3A_388, %swap3A_389] {strides = array<i32>} : memref<16x17xf32, #tpu.memory_space<vmem>>, vector<16xf32>,
      tpu.vector_store %arg13[%swap3A_388, %swap3A_389], %sub3A_386 {strides = array<i32>} : memref<16x17xf32, #tpu.memory_space<vmem>>, vector<16xf32>,
      %mul3A_391 = arith.constant 16 : i32
      %mul3A_392 = arith.muli %scan3A_42, %mul3A_391 : i32
      %add3A_393 = arith.constant 9 : i32
      %add3A_394 = arith.addi %mul3A_392, %add3A_393 : i32
      %get3A_395 = arith.index_cast %add3A_394 : i32 to index
      %get3A_396 = arith.constant 0 : index
      %get3A_397 = tpu.vector_load %arg8[%get3A_395, %get3A_396] {strides = array<i32>} : memref<128x64xf32, #tpu.memory_space<vmem>>, vector<16xf32>,
      %get3A_398 = arith.index_cast %add3A_394 : i32 to index
      %get3A_399 = arith.constant 0 : index
      %get3A_400 = tpu.vector_load %arg9[%get3A_398, %get3A_399] {strides = array<i32>} : memref<128x64xf32, #tpu.memory_space<vmem>>, vector<16xf32>,
      %mul3A_401 = arith.mulf %get3A_397, %get3A_400 : vector<16xf32>
      %get3A_402 = arith.index_cast %add3A_394 : i32 to index
      %get3A_403 = arith.constant 16 : index
      %get3A_404 = tpu.vector_load %arg8[%get3A_402, %get3A_403] {strides = array<i32>} : memref<128x64xf32, #tpu.memory_space<vmem>>, vector<16xf32>,
      %get3A_405 = arith.index_cast %add3A_394 : i32 to index
      %get3A_406 = arith.constant 16 : index
      %get3A_407 = tpu.vector_load %arg9[%get3A_405, %get3A_406] {strides = array<i32>} : memref<128x64xf32, #tpu.memory_space<vmem>>, vector<16xf32>,
      %mul3A_408 = arith.mulf %get3A_404, %get3A_407 : vector<16xf32>
      %add3A_409 = arith.addf %mul3A_401, %mul3A_408 : vector<16xf32>
      %get3A_410 = arith.index_cast %add3A_394 : i32 to index
      %get3A_411 = arith.constant 32 : index
      %get3A_412 = tpu.vector_load %arg8[%get3A_410, %get3A_411] {strides = array<i32>} : memref<128x64xf32, #tpu.memory_space<vmem>>, vector<16xf32>,
      %get3A_413 = arith.index_cast %add3A_394 : i32 to index
      %get3A_414 = arith.constant 32 : index
      %get3A_415 = tpu.vector_load %arg9[%get3A_413, %get3A_414] {strides = array<i32>} : memref<128x64xf32, #tpu.memory_space<vmem>>, vector<16xf32>,
      %mul3A_416 = arith.mulf %get3A_412, %get3A_415 : vector<16xf32>
      %get3A_417 = arith.index_cast %add3A_394 : i32 to index
      %get3A_418 = arith.constant 48 : index
      %get3A_419 = tpu.vector_load %arg8[%get3A_417, %get3A_418] {strides = array<i32>} : memref<128x64xf32, #tpu.memory_space<vmem>>, vector<16xf32>,
      %get3A_420 = arith.index_cast %add3A_394 : i32 to index
      %get3A_421 = arith.constant 48 : index
      %get3A_422 = tpu.vector_load %arg9[%get3A_420, %get3A_421] {strides = array<i32>} : memref<128x64xf32, #tpu.memory_space<vmem>>, vector<16xf32>,
      %mul3A_423 = arith.mulf %get3A_419, %get3A_422 : vector<16xf32>
      %add3A_424 = arith.addf %mul3A_416, %mul3A_423 : vector<16xf32>
      %sub3A_425 = arith.subf %add3A_409, %add3A_424 : vector<16xf32>
      %swap3A_426 = arith.constant 9 : i32
      %swap3A_427 = arith.index_cast %swap3A_426 : i32 to index
      %swap3A_428 = arith.constant 0 : index
      %swap3A_429 = tpu.vector_load %arg13[%swap3A_427, %swap3A_428] {strides = array<i32>} : memref<16x17xf32, #tpu.memory_space<vmem>>, vector<16xf32>,
      tpu.vector_store %arg13[%swap3A_427, %swap3A_428], %sub3A_425 {strides = array<i32>} : memref<16x17xf32, #tpu.memory_space<vmem>>, vector<16xf32>,
      %mul3A_430 = arith.constant 16 : i32
      %mul3A_431 = arith.muli %scan3A_42, %mul3A_430 : i32
      %add3A_432 = arith.constant 10 : i32
      %add3A_433 = arith.addi %mul3A_431, %add3A_432 : i32
      %get3A_434 = arith.index_cast %add3A_433 : i32 to index
      %get3A_435 = arith.constant 0 : index
      %get3A_436 = tpu.vector_load %arg8[%get3A_434, %get3A_435] {strides = array<i32>} : memref<128x64xf32, #tpu.memory_space<vmem>>, vector<16xf32>,
      %get3A_437 = arith.index_cast %add3A_433 : i32 to index
      %get3A_438 = arith.constant 0 : index
      %get3A_439 = tpu.vector_load %arg9[%get3A_437, %get3A_438] {strides = array<i32>} : memref<128x64xf32, #tpu.memory_space<vmem>>, vector<16xf32>,
      %mul3A_440 = arith.mulf %get3A_436, %get3A_439 : vector<16xf32>
      %get3A_441 = arith.index_cast %add3A_433 : i32 to index
      %get3A_442 = arith.constant 16 : index
      %get3A_443 = tpu.vector_load %arg8[%get3A_441, %get3A_442] {strides = array<i32>} : memref<128x64xf32, #tpu.memory_space<vmem>>, vector<16xf32>,
      %get3A_444 = arith.index_cast %add3A_433 : i32 to index
      %get3A_445 = arith.constant 16 : index
      %get3A_446 = tpu.vector_load %arg9[%get3A_444, %get3A_445] {strides = array<i32>} : memref<128x64xf32, #tpu.memory_space<vmem>>, vector<16xf32>,
      %mul3A_447 = arith.mulf %get3A_443, %get3A_446 : vector<16xf32>
      %add3A_448 = arith.addf %mul3A_440, %mul3A_447 : vector<16xf32>
      %get3A_449 = arith.index_cast %add3A_433 : i32 to index
      %get3A_450 = arith.constant 32 : index
      %get3A_451 = tpu.vector_load %arg8[%get3A_449, %get3A_450] {strides = array<i32>} : memref<128x64xf32, #tpu.memory_space<vmem>>, vector<16xf32>,
      %get3A_452 = arith.index_cast %add3A_433 : i32 to index
      %get3A_453 = arith.constant 32 : index
      %get3A_454 = tpu.vector_load %arg9[%get3A_452, %get3A_453] {strides = array<i32>} : memref<128x64xf32, #tpu.memory_space<vmem>>, vector<16xf32>,
      %mul3A_455 = arith.mulf %get3A_451, %get3A_454 : vector<16xf32>
      %get3A_456 = arith.index_cast %add3A_433 : i32 to index
      %get3A_457 = arith.constant 48 : index
      %get3A_458 = tpu.vector_load %arg8[%get3A_456, %get3A_457] {strides = array<i32>} : memref<128x64xf32, #tpu.memory_space<vmem>>, vector<16xf32>,
      %get3A_459 = arith.index_cast %add3A_433 : i32 to index
      %get3A_460 = arith.constant 48 : index
      %get3A_461 = tpu.vector_load %arg9[%get3A_459, %get3A_460] {strides = array<i32>} : memref<128x64xf32, #tpu.memory_space<vmem>>, vector<16xf32>,
      %mul3A_462 = arith.mulf %get3A_458, %get3A_461 : vector<16xf32>
      %add3A_463 = arith.addf %mul3A_455, %mul3A_462 : vector<16xf32>
      %sub3A_464 = arith.subf %add3A_448, %add3A_463 : vector<16xf32>
      %swap3A_465 = arith.constant 10 : i32
      %swap3A_466 = arith.index_cast %swap3A_465 : i32 to index
      %swap3A_467 = arith.constant 0 : index
      %swap3A_468 = tpu.vector_load %arg13[%swap3A_466, %swap3A_467] {strides = array<i32>} : memref<16x17xf32, #tpu.memory_space<vmem>>, vector<16xf32>,
      tpu.vector_store %arg13[%swap3A_466, %swap3A_467], %sub3A_464 {strides = array<i32>} : memref<16x17xf32, #tpu.memory_space<vmem>>, vector<16xf32>,
      %mul3A_469 = arith.constant 16 : i32
      %mul3A_470 = arith.muli %scan3A_42, %mul3A_469 : i32
      %add3A_471 = arith.constant 11 : i32
      %add3A_472 = arith.addi %mul3A_470, %add3A_471 : i32
      %get3A_473 = arith.index_cast %add3A_472 : i32 to index
      %get3A_474 = arith.constant 0 : index
      %get3A_475 = tpu.vector_load %arg8[%get3A_473, %get3A_474] {strides = array<i32>} : memref<128x64xf32, #tpu.memory_space<vmem>>, vector<16xf32>,
      %get3A_476 = arith.index_cast %add3A_472 : i32 to index
      %get3A_477 = arith.constant 0 : index
      %get3A_478 = tpu.vector_load %arg9[%get3A_476, %get3A_477] {strides = array<i32>} : memref<128x64xf32, #tpu.memory_space<vmem>>, vector<16xf32>,
      %mul3A_479 = arith.mulf %get3A_475, %get3A_478 : vector<16xf32>
      %get3A_480 = arith.index_cast %add3A_472 : i32 to index
      %get3A_481 = arith.constant 16 : index
      %get3A_482 = tpu.vector_load %arg8[%get3A_480, %get3A_481] {strides = array<i32>} : memref<128x64xf32, #tpu.memory_space<vmem>>, vector<16xf32>,
      %get3A_483 = arith.index_cast %add3A_472 : i32 to index
      %get3A_484 = arith.constant 16 : index
      %get3A_485 = tpu.vector_load %arg9[%get3A_483, %get3A_484] {strides = array<i32>} : memref<128x64xf32, #tpu.memory_space<vmem>>, vector<16xf32>,
      %mul3A_486 = arith.mulf %get3A_482, %get3A_485 : vector<16xf32>
      %add3A_487 = arith.addf %mul3A_479, %mul3A_486 : vector<16xf32>
      %get3A_488 = arith.index_cast %add3A_472 : i32 to index
      %get3A_489 = arith.constant 32 : index
      %get3A_490 = tpu.vector_load %arg8[%get3A_488, %get3A_489] {strides = array<i32>} : memref<128x64xf32, #tpu.memory_space<vmem>>, vector<16xf32>,
      %get3A_491 = arith.index_cast %add3A_472 : i32 to index
      %get3A_492 = arith.constant 32 : index
      %get3A_493 = tpu.vector_load %arg9[%get3A_491, %get3A_492] {strides = array<i32>} : memref<128x64xf32, #tpu.memory_space<vmem>>, vector<16xf32>,
      %mul3A_494 = arith.mulf %get3A_490, %get3A_493 : vector<16xf32>
      %get3A_495 = arith.index_cast %add3A_472 : i32 to index
      %get3A_496 = arith.constant 48 : index
      %get3A_497 = tpu.vector_load %arg8[%get3A_495, %get3A_496] {strides = array<i32>} : memref<128x64xf32, #tpu.memory_space<vmem>>, vector<16xf32>,
      %get3A_498 = arith.index_cast %add3A_472 : i32 to index
      %get3A_499 = arith.constant 48 : index
      %get3A_500 = tpu.vector_load %arg9[%get3A_498, %get3A_499] {strides = array<i32>} : memref<128x64xf32, #tpu.memory_space<vmem>>, vector<16xf32>,
      %mul3A_501 = arith.mulf %get3A_497, %get3A_500 : vector<16xf32>
      %add3A_502 = arith.addf %mul3A_494, %mul3A_501 : vector<16xf32>
      %sub3A_503 = arith.subf %add3A_487, %add3A_502 : vector<16xf32>
      %swap3A_504 = arith.constant 11 : i32
      %swap3A_505 = arith.index_cast %swap3A_504 : i32 to index
      %swap3A_506 = arith.constant 0 : index
      %swap3A_507 = tpu.vector_load %arg13[%swap3A_505, %swap3A_506] {strides = array<i32>} : memref<16x17xf32, #tpu.memory_space<vmem>>, vector<16xf32>,
      tpu.vector_store %arg13[%swap3A_505, %swap3A_506], %sub3A_503 {strides = array<i32>} : memref<16x17xf32, #tpu.memory_space<vmem>>, vector<16xf32>,
      %mul3A_508 = arith.constant 16 : i32
      %mul3A_509 = arith.muli %scan3A_42, %mul3A_508 : i32
      %add3A_510 = arith.constant 12 : i32
      %add3A_511 = arith.addi %mul3A_509, %add3A_510 : i32
      %get3A_512 = arith.index_cast %add3A_511 : i32 to index
      %get3A_513 = arith.constant 0 : index
      %get3A_514 = tpu.vector_load %arg8[%get3A_512, %get3A_513] {strides = array<i32>} : memref<128x64xf32, #tpu.memory_space<vmem>>, vector<16xf32>,
      %get3A_515 = arith.index_cast %add3A_511 : i32 to index
      %get3A_516 = arith.constant 0 : index
      %get3A_517 = tpu.vector_load %arg9[%get3A_515, %get3A_516] {strides = array<i32>} : memref<128x64xf32, #tpu.memory_space<vmem>>, vector<16xf32>,
      %mul3A_518 = arith.mulf %get3A_514, %get3A_517 : vector<16xf32>
      %get3A_519 = arith.index_cast %add3A_511 : i32 to index
      %get3A_520 = arith.constant 16 : index
      %get3A_521 = tpu.vector_load %arg8[%get3A_519, %get3A_520] {strides = array<i32>} : memref<128x64xf32, #tpu.memory_space<vmem>>, vector<16xf32>,
      %get3A_522 = arith.index_cast %add3A_511 : i32 to index
      %get3A_523 = arith.constant 16 : index
      %get3A_524 = tpu.vector_load %arg9[%get3A_522, %get3A_523] {strides = array<i32>} : memref<128x64xf32, #tpu.memory_space<vmem>>, vector<16xf32>,
      %mul3A_525 = arith.mulf %get3A_521, %get3A_524 : vector<16xf32>
      %add3A_526 = arith.addf %mul3A_518, %mul3A_525 : vector<16xf32>
      %get3A_527 = arith.index_cast %add3A_511 : i32 to index
      %get3A_528 = arith.constant 32 : index
      %get3A_529 = tpu.vector_load %arg8[%get3A_527, %get3A_528] {strides = array<i32>} : memref<128x64xf32, #tpu.memory_space<vmem>>, vector<16xf32>,
      %get3A_530 = arith.index_cast %add3A_511 : i32 to index
      %get3A_531 = arith.constant 32 : index
      %get3A_532 = tpu.vector_load %arg9[%get3A_530, %get3A_531] {strides = array<i32>} : memref<128x64xf32, #tpu.memory_space<vmem>>, vector<16xf32>,
      %mul3A_533 = arith.mulf %get3A_529, %get3A_532 : vector<16xf32>
      %get3A_534 = arith.index_cast %add3A_511 : i32 to index
      %get3A_535 = arith.constant 48 : index
      %get3A_536 = tpu.vector_load %arg8[%get3A_534, %get3A_535] {strides = array<i32>} : memref<128x64xf32, #tpu.memory_space<vmem>>, vector<16xf32>,
      %get3A_537 = arith.index_cast %add3A_511 : i32 to index
      %get3A_538 = arith.constant 48 : index
      %get3A_539 = tpu.vector_load %arg9[%get3A_537, %get3A_538] {strides = array<i32>} : memref<128x64xf32, #tpu.memory_space<vmem>>, vector<16xf32>,
      %mul3A_540 = arith.mulf %get3A_536, %get3A_539 : vector<16xf32>
      %add3A_541 = arith.addf %mul3A_533, %mul3A_540 : vector<16xf32>
      %sub3A_542 = arith.subf %add3A_526, %add3A_541 : vector<16xf32>
      %swap3A_543 = arith.constant 12 : i32
      %swap3A_544 = arith.index_cast %swap3A_543 : i32 to index
      %swap3A_545 = arith.constant 0 : index
      %swap3A_546 = tpu.vector_load %arg13[%swap3A_544, %swap3A_545] {strides = array<i32>} : memref<16x17xf32, #tpu.memory_space<vmem>>, vector<16xf32>,
      tpu.vector_store %arg13[%swap3A_544, %swap3A_545], %sub3A_542 {strides = array<i32>} : memref<16x17xf32, #tpu.memory_space<vmem>>, vector<16xf32>,
      %mul3A_547 = arith.constant 16 : i32
      %mul3A_548 = arith.muli %scan3A_42, %mul3A_547 : i32
      %add3A_549 = arith.constant 13 : i32
      %add3A_550 = arith.addi %mul3A_548, %add3A_549 : i32
      %get3A_551 = arith.index_cast %add3A_550 : i32 to index
      %get3A_552 = arith.constant 0 : index
      %get3A_553 = tpu.vector_load %arg8[%get3A_551, %get3A_552] {strides = array<i32>} : memref<128x64xf32, #tpu.memory_space<vmem>>, vector<16xf32>,
      %get3A_554 = arith.index_cast %add3A_550 : i32 to index
      %get3A_555 = arith.constant 0 : index
      %get3A_556 = tpu.vector_load %arg9[%get3A_554, %get3A_555] {strides = array<i32>} : memref<128x64xf32, #tpu.memory_space<vmem>>, vector<16xf32>,
      %mul3A_557 = arith.mulf %get3A_553, %get3A_556 : vector<16xf32>
      %get3A_558 = arith.index_cast %add3A_550 : i32 to index
      %get3A_559 = arith.constant 16 : index
      %get3A_560 = tpu.vector_load %arg8[%get3A_558, %get3A_559] {strides = array<i32>} : memref<128x64xf32, #tpu.memory_space<vmem>>, vector<16xf32>,
      %get3A_561 = arith.index_cast %add3A_550 : i32 to index
      %get3A_562 = arith.constant 16 : index
      %get3A_563 = tpu.vector_load %arg9[%get3A_561, %get3A_562] {strides = array<i32>} : memref<128x64xf32, #tpu.memory_space<vmem>>, vector<16xf32>,
      %mul3A_564 = arith.mulf %get3A_560, %get3A_563 : vector<16xf32>
      %add3A_565 = arith.addf %mul3A_557, %mul3A_564 : vector<16xf32>
      %get3A_566 = arith.index_cast %add3A_550 : i32 to index
      %get3A_567 = arith.constant 32 : index
      %get3A_568 = tpu.vector_load %arg8[%get3A_566, %get3A_567] {strides = array<i32>} : memref<128x64xf32, #tpu.memory_space<vmem>>, vector<16xf32>,
      %get3A_569 = arith.index_cast %add3A_550 : i32 to index
      %get3A_570 = arith.constant 32 : index
      %get3A_571 = tpu.vector_load %arg9[%get3A_569, %get3A_570] {strides = array<i32>} : memref<128x64xf32, #tpu.memory_space<vmem>>, vector<16xf32>,
      %mul3A_572 = arith.mulf %get3A_568, %get3A_571 : vector<16xf32>
      %get3A_573 = arith.index_cast %add3A_550 : i32 to index
      %get3A_574 = arith.constant 48 : index
      %get3A_575 = tpu.vector_load %arg8[%get3A_573, %get3A_574] {strides = array<i32>} : memref<128x64xf32, #tpu.memory_space<vmem>>, vector<16xf32>,
      %get3A_576 = arith.index_cast %add3A_550 : i32 to index
      %get3A_577 = arith.constant 48 : index
      %get3A_578 = tpu.vector_load %arg9[%get3A_576, %get3A_577] {strides = array<i32>} : memref<128x64xf32, #tpu.memory_space<vmem>>, vector<16xf32>,
      %mul3A_579 = arith.mulf %get3A_575, %get3A_578 : vector<16xf32>
      %add3A_580 = arith.addf %mul3A_572, %mul3A_579 : vector<16xf32>
      %sub3A_581 = arith.subf %add3A_565, %add3A_580 : vector<16xf32>
      %swap3A_582 = arith.constant 13 : i32
      %swap3A_583 = arith.index_cast %swap3A_582 : i32 to index
      %swap3A_584 = arith.constant 0 : index
      %swap3A_585 = tpu.vector_load %arg13[%swap3A_583, %swap3A_584] {strides = array<i32>} : memref<16x17xf32, #tpu.memory_space<vmem>>, vector<16xf32>,
      tpu.vector_store %arg13[%swap3A_583, %swap3A_584], %sub3A_581 {strides = array<i32>} : memref<16x17xf32, #tpu.memory_space<vmem>>, vector<16xf32>,
      %mul3A_586 = arith.constant 16 : i32
      %mul3A_587 = arith.muli %scan3A_42, %mul3A_586 : i32
      %add3A_588 = arith.constant 14 : i32
      %add3A_589 = arith.addi %mul3A_587, %add3A_588 : i32
      %get3A_590 = arith.index_cast %add3A_589 : i32 to index
      %get3A_591 = arith.constant 0 : index
      %get3A_592 = tpu.vector_load %arg8[%get3A_590, %get3A_591] {strides = array<i32>} : memref<128x64xf32, #tpu.memory_space<vmem>>, vector<16xf32>,
      %get3A_593 = arith.index_cast %add3A_589 : i32 to index
      %get3A_594 = arith.constant 0 : index
      %get3A_595 = tpu.vector_load %arg9[%get3A_593, %get3A_594] {strides = array<i32>} : memref<128x64xf32, #tpu.memory_space<vmem>>, vector<16xf32>,
      %mul3A_596 = arith.mulf %get3A_592, %get3A_595 : vector<16xf32>
      %get3A_597 = arith.index_cast %add3A_589 : i32 to index
      %get3A_598 = arith.constant 16 : index
      %get3A_599 = tpu.vector_load %arg8[%get3A_597, %get3A_598] {strides = array<i32>} : memref<128x64xf32, #tpu.memory_space<vmem>>, vector<16xf32>,
      %get3A_600 = arith.index_cast %add3A_589 : i32 to index
      %get3A_601 = arith.constant 16 : index
      %get3A_602 = tpu.vector_load %arg9[%get3A_600, %get3A_601] {strides = array<i32>} : memref<128x64xf32, #tpu.memory_space<vmem>>, vector<16xf32>,
      %mul3A_603 = arith.mulf %get3A_599, %get3A_602 : vector<16xf32>
      %add3A_604 = arith.addf %mul3A_596, %mul3A_603 : vector<16xf32>
      %get3A_605 = arith.index_cast %add3A_589 : i32 to index
      %get3A_606 = arith.constant 32 : index
      %get3A_607 = tpu.vector_load %arg8[%get3A_605, %get3A_606] {strides = array<i32>} : memref<128x64xf32, #tpu.memory_space<vmem>>, vector<16xf32>,
      %get3A_608 = arith.index_cast %add3A_589 : i32 to index
      %get3A_609 = arith.constant 32 : index
      %get3A_610 = tpu.vector_load %arg9[%get3A_608, %get3A_609] {strides = array<i32>} : memref<128x64xf32, #tpu.memory_space<vmem>>, vector<16xf32>,
      %mul3A_611 = arith.mulf %get3A_607, %get3A_610 : vector<16xf32>
      %get3A_612 = arith.index_cast %add3A_589 : i32 to index
      %get3A_613 = arith.constant 48 : index
      %get3A_614 = tpu.vector_load %arg8[%get3A_612, %get3A_613] {strides = array<i32>} : memref<128x64xf32, #tpu.memory_space<vmem>>, vector<16xf32>,
      %get3A_615 = arith.index_cast %add3A_589 : i32 to index
      %get3A_616 = arith.constant 48 : index
      %get3A_617 = tpu.vector_load %arg9[%get3A_615, %get3A_616] {strides = array<i32>} : memref<128x64xf32, #tpu.memory_space<vmem>>, vector<16xf32>,
      %mul3A_618 = arith.mulf %get3A_614, %get3A_617 : vector<16xf32>
      %add3A_619 = arith.addf %mul3A_611, %mul3A_618 : vector<16xf32>
      %sub3A_620 = arith.subf %add3A_604, %add3A_619 : vector<16xf32>
      %swap3A_621 = arith.constant 14 : i32
      %swap3A_622 = arith.index_cast %swap3A_621 : i32 to index
      %swap3A_623 = arith.constant 0 : index
      %swap3A_624 = tpu.vector_load %arg13[%swap3A_622, %swap3A_623] {strides = array<i32>} : memref<16x17xf32, #tpu.memory_space<vmem>>, vector<16xf32>,
      tpu.vector_store %arg13[%swap3A_622, %swap3A_623], %sub3A_620 {strides = array<i32>} : memref<16x17xf32, #tpu.memory_space<vmem>>, vector<16xf32>,
      %mul3A_625 = arith.constant 16 : i32
      %mul3A_626 = arith.muli %scan3A_42, %mul3A_625 : i32
      %add3A_627 = arith.constant 15 : i32
      %add3A_628 = arith.addi %mul3A_626, %add3A_627 : i32
      %get3A_629 = arith.index_cast %add3A_628 : i32 to index
      %get3A_630 = arith.constant 0 : index
      %get3A_631 = tpu.vector_load %arg8[%get3A_629, %get3A_630] {strides = array<i32>} : memref<128x64xf32, #tpu.memory_space<vmem>>, vector<16xf32>,
      %get3A_632 = arith.index_cast %add3A_628 : i32 to index
      %get3A_633 = arith.constant 0 : index
      %get3A_634 = tpu.vector_load %arg9[%get3A_632, %get3A_633] {strides = array<i32>} : memref<128x64xf32, #tpu.memory_space<vmem>>, vector<16xf32>,
      %mul3A_635 = arith.mulf %get3A_631, %get3A_634 : vector<16xf32>
      %get3A_636 = arith.index_cast %add3A_628 : i32 to index
      %get3A_637 = arith.constant 16 : index
      %get3A_638 = tpu.vector_load %arg8[%get3A_636, %get3A_637] {strides = array<i32>} : memref<128x64xf32, #tpu.memory_space<vmem>>, vector<16xf32>,
      %get3A_639 = arith.index_cast %add3A_628 : i32 to index
      %get3A_640 = arith.constant 16 : index
      %get3A_641 = tpu.vector_load %arg9[%get3A_639, %get3A_640] {strides = array<i32>} : memref<128x64xf32, #tpu.memory_space<vmem>>, vector<16xf32>,
      %mul3A_642 = arith.mulf %get3A_638, %get3A_641 : vector<16xf32>
      %add3A_643 = arith.addf %mul3A_635, %mul3A_642 : vector<16xf32>
      %get3A_644 = arith.index_cast %add3A_628 : i32 to index
      %get3A_645 = arith.constant 32 : index
      %get3A_646 = tpu.vector_load %arg8[%get3A_644, %get3A_645] {strides = array<i32>} : memref<128x64xf32, #tpu.memory_space<vmem>>, vector<16xf32>,
      %get3A_647 = arith.index_cast %add3A_628 : i32 to index
      %get3A_648 = arith.constant 32 : index
      %get3A_649 = tpu.vector_load %arg9[%get3A_647, %get3A_648] {strides = array<i32>} : memref<128x64xf32, #tpu.memory_space<vmem>>, vector<16xf32>,
      %mul3A_650 = arith.mulf %get3A_646, %get3A_649 : vector<16xf32>
      %get3A_651 = arith.index_cast %add3A_628 : i32 to index
      %get3A_652 = arith.constant 48 : index
      %get3A_653 = tpu.vector_load %arg8[%get3A_651, %get3A_652] {strides = array<i32>} : memref<128x64xf32, #tpu.memory_space<vmem>>, vector<16xf32>,
      %get3A_654 = arith.index_cast %add3A_628 : i32 to index
      %get3A_655 = arith.constant 48 : index
      %get3A_656 = tpu.vector_load %arg9[%get3A_654, %get3A_655] {strides = array<i32>} : memref<128x64xf32, #tpu.memory_space<vmem>>, vector<16xf32>,
      %mul3A_657 = arith.mulf %get3A_653, %get3A_656 : vector<16xf32>
      %add3A_658 = arith.addf %mul3A_650, %mul3A_657 : vector<16xf32>
      %sub3A_659 = arith.subf %add3A_643, %add3A_658 : vector<16xf32>
      %swap3A_660 = arith.constant 15 : i32
      %swap3A_661 = arith.index_cast %swap3A_660 : i32 to index
      %swap3A_662 = arith.constant 0 : index
      %swap3A_663 = tpu.vector_load %arg13[%swap3A_661, %swap3A_662] {strides = array<i32>} : memref<16x17xf32, #tpu.memory_space<vmem>>, vector<16xf32>,
      tpu.vector_store %arg13[%swap3A_661, %swap3A_662], %sub3A_659 {strides = array<i32>} : memref<16x17xf32, #tpu.memory_space<vmem>>, vector<16xf32>,
      %broadcast_in_dim3A = arith.constant 0.000000e+00 : f32
      %broadcast_in_dim3A_664 = vector.broadcast %broadcast_in_dim3A : f32 to vector<16xf32>
      %broadcast_in_dim3A_665 = arith.constant 0.000000e+00 : f32
      %broadcast_in_dim3A_666 = vector.broadcast %broadcast_in_dim3A_665 : f32 to vector<16xf32>
      %broadcast_in_dim3A_667 = arith.constant 0 : i32
      %broadcast_in_dim3A_668 = vector.broadcast %broadcast_in_dim3A_667 : i32 to vector<16xi32>
      %gather3A = tpu.vector_load_idx %arg13[%iota3A, %broadcast_in_dim3A_668] : memref<16x17xf32, #tpu.memory_space<vmem>>[vector<16xi32>, vector<16xi32>], vector<16xf32>,
      %add3A_669 = arith.addf %broadcast_in_dim3A_664, %gather3A : vector<16xf32>
      %broadcast_in_dim3A_670 = arith.constant 1 : i32
      %broadcast_in_dim3A_671 = vector.broadcast %broadcast_in_dim3A_670 : i32 to vector<16xi32>
      %gather3A_672 = tpu.vector_load_idx %arg13[%iota3A, %broadcast_in_dim3A_671] : memref<16x17xf32, #tpu.memory_space<vmem>>[vector<16xi32>, vector<16xi32>], vector<16xf32>,
      %add3A_673 = arith.addf %broadcast_in_dim3A_666, %gather3A_672 : vector<16xf32>
      %broadcast_in_dim3A_674 = arith.constant 2 : i32
      %broadcast_in_dim3A_675 = vector.broadcast %broadcast_in_dim3A_674 : i32 to vector<16xi32>
      %gather3A_676 = tpu.vector_load_idx %arg13[%iota3A, %broadcast_in_dim3A_675] : memref<16x17xf32, #tpu.memory_space<vmem>>[vector<16xi32>, vector<16xi32>], vector<16xf32>,
      %add3A_677 = arith.addf %add3A_669, %gather3A_676 : vector<16xf32>
      %broadcast_in_dim3A_678 = arith.constant 3 : i32
      %broadcast_in_dim3A_679 = vector.broadcast %broadcast_in_dim3A_678 : i32 to vector<16xi32>
      %gather3A_680 = tpu.vector_load_idx %arg13[%iota3A, %broadcast_in_dim3A_679] : memref<16x17xf32, #tpu.memory_space<vmem>>[vector<16xi32>, vector<16xi32>], vector<16xf32>,
      %add3A_681 = arith.addf %add3A_673, %gather3A_680 : vector<16xf32>
      %broadcast_in_dim3A_682 = arith.constant 4 : i32
      %broadcast_in_dim3A_683 = vector.broadcast %broadcast_in_dim3A_682 : i32 to vector<16xi32>
      %gather3A_684 = tpu.vector_load_idx %arg13[%iota3A, %broadcast_in_dim3A_683] : memref<16x17xf32, #tpu.memory_space<vmem>>[vector<16xi32>, vector<16xi32>], vector<16xf32>,
      %add3A_685 = arith.addf %add3A_677, %gather3A_684 : vector<16xf32>
      %broadcast_in_dim3A_686 = arith.constant 5 : i32
      %broadcast_in_dim3A_687 = vector.broadcast %broadcast_in_dim3A_686 : i32 to vector<16xi32>
      %gather3A_688 = tpu.vector_load_idx %arg13[%iota3A, %broadcast_in_dim3A_687] : memref<16x17xf32, #tpu.memory_space<vmem>>[vector<16xi32>, vector<16xi32>], vector<16xf32>,
      %add3A_689 = arith.addf %add3A_681, %gather3A_688 : vector<16xf32>
      %broadcast_in_dim3A_690 = arith.constant 6 : i32
      %broadcast_in_dim3A_691 = vector.broadcast %broadcast_in_dim3A_690 : i32 to vector<16xi32>
      %gather3A_692 = tpu.vector_load_idx %arg13[%iota3A, %broadcast_in_dim3A_691] : memref<16x17xf32, #tpu.memory_space<vmem>>[vector<16xi32>, vector<16xi32>], vector<16xf32>,
      %add3A_693 = arith.addf %add3A_685, %gather3A_692 : vector<16xf32>
      %broadcast_in_dim3A_694 = arith.constant 7 : i32
      %broadcast_in_dim3A_695 = vector.broadcast %broadcast_in_dim3A_694 : i32 to vector<16xi32>
      %gather3A_696 = tpu.vector_load_idx %arg13[%iota3A, %broadcast_in_dim3A_695] : memref<16x17xf32, #tpu.memory_space<vmem>>[vector<16xi32>, vector<16xi32>], vector<16xf32>,
      %add3A_697 = arith.addf %add3A_689, %gather3A_696 : vector<16xf32>
      %broadcast_in_dim3A_698 = arith.constant 8 : i32
      %broadcast_in_dim3A_699 = vector.broadcast %broadcast_in_dim3A_698 : i32 to vector<16xi32>
      %gather3A_700 = tpu.vector_load_idx %arg13[%iota3A, %broadcast_in_dim3A_699] : memref<16x17xf32, #tpu.memory_space<vmem>>[vector<16xi32>, vector<16xi32>], vector<16xf32>,
      %add3A_701 = arith.addf %add3A_693, %gather3A_700 : vector<16xf32>
      %broadcast_in_dim3A_702 = arith.constant 9 : i32
      %broadcast_in_dim3A_703 = vector.broadcast %broadcast_in_dim3A_702 : i32 to vector<16xi32>
      %gather3A_704 = tpu.vector_load_idx %arg13[%iota3A, %broadcast_in_dim3A_703] : memref<16x17xf32, #tpu.memory_space<vmem>>[vector<16xi32>, vector<16xi32>], vector<16xf32>,
      %add3A_705 = arith.addf %add3A_697, %gather3A_704 : vector<16xf32>
      %broadcast_in_dim3A_706 = arith.constant 10 : i32
      %broadcast_in_dim3A_707 = vector.broadcast %broadcast_in_dim3A_706 : i32 to vector<16xi32>
      %gather3A_708 = tpu.vector_load_idx %arg13[%iota3A, %broadcast_in_dim3A_707] : memref<16x17xf32, #tpu.memory_space<vmem>>[vector<16xi32>, vector<16xi32>], vector<16xf32>,
      %add3A_709 = arith.addf %add3A_701, %gather3A_708 : vector<16xf32>
      %broadcast_in_dim3A_710 = arith.constant 11 : i32
      %broadcast_in_dim3A_711 = vector.broadcast %broadcast_in_dim3A_710 : i32 to vector<16xi32>
      %gather3A_712 = tpu.vector_load_idx %arg13[%iota3A, %broadcast_in_dim3A_711] : memref<16x17xf32, #tpu.memory_space<vmem>>[vector<16xi32>, vector<16xi32>], vector<16xf32>,
      %add3A_713 = arith.addf %add3A_705, %gather3A_712 : vector<16xf32>
      %broadcast_in_dim3A_714 = arith.constant 12 : i32
      %broadcast_in_dim3A_715 = vector.broadcast %broadcast_in_dim3A_714 : i32 to vector<16xi32>
      %gather3A_716 = tpu.vector_load_idx %arg13[%iota3A, %broadcast_in_dim3A_715] : memref<16x17xf32, #tpu.memory_space<vmem>>[vector<16xi32>, vector<16xi32>], vector<16xf32>,
      %add3A_717 = arith.addf %add3A_709, %gather3A_716 : vector<16xf32>
      %broadcast_in_dim3A_718 = arith.constant 13 : i32
      %broadcast_in_dim3A_719 = vector.broadcast %broadcast_in_dim3A_718 : i32 to vector<16xi32>
      %gather3A_720 = tpu.vector_load_idx %arg13[%iota3A, %broadcast_in_dim3A_719] : memref<16x17xf32, #tpu.memory_space<vmem>>[vector<16xi32>, vector<16xi32>], vector<16xf32>,
      %add3A_721 = arith.addf %add3A_713, %gather3A_720 : vector<16xf32>
      %broadcast_in_dim3A_722 = arith.constant 14 : i32
      %broadcast_in_dim3A_723 = vector.broadcast %broadcast_in_dim3A_722 : i32 to vector<16xi32>
      %gather3A_724 = tpu.vector_load_idx %arg13[%iota3A, %broadcast_in_dim3A_723] : memref<16x17xf32, #tpu.memory_space<vmem>>[vector<16xi32>, vector<16xi32>], vector<16xf32>,
      %add3A_725 = arith.addf %add3A_717, %gather3A_724 : vector<16xf32>
      %broadcast_in_dim3A_726 = arith.constant 15 : i32
      %broadcast_in_dim3A_727 = vector.broadcast %broadcast_in_dim3A_726 : i32 to vector<16xi32>
      %gather3A_728 = tpu.vector_load_idx %arg13[%iota3A, %broadcast_in_dim3A_727] : memref<16x17xf32, #tpu.memory_space<vmem>>[vector<16xi32>, vector<16xi32>], vector<16xf32>,
      %add3A_729 = arith.addf %add3A_721, %gather3A_728 : vector<16xf32>
      %add3A_730 = arith.addf %add3A_725, %add3A_729 : vector<16xf32>
      %mul3A_731 = arith.constant 16 : i32
      %mul3A_732 = arith.muli %scan3A_42, %mul3A_731 : i32
      %multiple_of3A = tpu.assume_multiple %mul3A_732, 16 : i32
      %swap3A_733 = arith.constant 78 : i32
      %swap3A_734 = arith.index_cast %swap3A_733 : i32 to index
      %swap3A_735 = arith.index_cast %multiple_of3A : i32 to index
      %swap3A_736 = tpu.vector_load %arg12[%swap3A_734, %swap3A_735] {strides = array<i32>} : memref<79x128xf32, #tpu.memory_space<vmem>>, vector<16xf32>,
      tpu.vector_store %arg12[%swap3A_734, %swap3A_735], %add3A_730 {strides = array<i32>} : memref<79x128xf32, #tpu.memory_space<vmem>>, vector<16xf32>,
    }
    %scan3A_41 = arith.constant 8 : i32
    "tpu.region"() ({
      %run_scoped3A = tpu.sem_alloc : memref<!tpu.dma_semaphore, #tpu.memory_space<semaphore_mem>>
      %dma_start3A_42 = arith.constant 0 : i32
      %dma_start3A_43 = arith.constant 0 : i32
      %dma_start3A_44 = tpu.memref_slice %arg5[%add3A, %dma_start3A_42, %dma_start3A_43] : memref<32x79x128xf32, #tpu.memory_space<hbm>> -> memref<1x79x128xf32, #tpu.memory_space<hbm>>
      %dma_start3A_45 = tpu.memref_squeeze %dma_start3A_44 : memref<1x79x128xf32, #tpu.memory_space<hbm>> -> memref<79x128xf32, #tpu.memory_space<hbm>>
      %dma_start3A_46 = arith.constant 0 : i32
      %dma_start3A_47 = arith.constant 0 : i32
      %dma_start3A_48 = tpu.memref_slice %arg5[%add3A, %dma_start3A_46, %dma_start3A_47] : memref<32x79x128xf32, #tpu.memory_space<hbm>> -> memref<1x79x128xf32, #tpu.memory_space<hbm>>
      %dma_start3A_49 = tpu.memref_squeeze %dma_start3A_48 : memref<1x79x128xf32, #tpu.memory_space<hbm>> -> memref<79x128xf32, #tpu.memory_space<hbm>>
      tpu.enqueue_dma source(%arg12 : memref<79x128xf32, #tpu.memory_space<vmem>>) target(%dma_start3A_49 : memref<79x128xf32, #tpu.memory_space<hbm>>) target_semaphore(%run_scoped3A : memref<!tpu.dma_semaphore, #tpu.memory_space<semaphore_mem>>)
      %dma_wait3A_50 = arith.constant 0 : i32
      %dma_wait3A_51 = arith.constant 0 : i32
      %dma_wait3A_52 = tpu.memref_slice %arg5[%add3A, %dma_wait3A_50, %dma_wait3A_51] : memref<32x79x128xf32, #tpu.memory_space<hbm>> -> memref<1x79x128xf32, #tpu.memory_space<hbm>>
      %dma_wait3A_53 = tpu.memref_squeeze %dma_wait3A_52 : memref<1x79x128xf32, #tpu.memory_space<hbm>> -> memref<79x128xf32, #tpu.memory_space<hbm>>
      %dma_wait3A_54 = arith.constant 0 : i32
      %dma_wait3A_55 = arith.constant 0 : i32
      %dma_wait3A_56 = tpu.memref_slice %arg5[%add3A, %dma_wait3A_54, %dma_wait3A_55] : memref<32x79x128xf32, #tpu.memory_space<hbm>> -> memref<1x79x128xf32, #tpu.memory_space<hbm>>
      %dma_wait3A_57 = tpu.memref_squeeze %dma_wait3A_56 : memref<1x79x128xf32, #tpu.memory_space<hbm>> -> memref<79x128xf32, #tpu.memory_space<hbm>>
      tpu.wait_dma2 semaphore(%run_scoped3A : memref<!tpu.dma_semaphore, #tpu.memory_space<semaphore_mem>>) src(%arg12 : memref<79x128xf32, #tpu.memory_space<vmem>>) dst(%dma_wait3A_57 : memref<79x128xf32, #tpu.memory_space<hbm>>)
      tpu.yield
    }) : () -> ()
    return
  }
}

module attributes {stable_mosaic.version = 14 : i64} {
  func.func @_mm1_body(%arg0: i32, %arg1: memref<2x640x1xf32, #tpu.memory_space<vmem>>, %arg2: memref<640x128xf32, #tpu.memory_space<vmem>>, %arg3: memref<128x128xf32, #tpu.memory_space<vmem>>, %arg4: memref<640x64xf32, #tpu.memory_space<vmem>>, %arg5: memref<640x64xf32, #tpu.memory_space<vmem>>, %arg6: memref<640x1xf32, #tpu.memory_space<vmem>>) attributes {dimension_semantics = [#tpu.dimension_semantics<arbitrary>], iteration_bounds = array<i64: 16>, scalar_prefetch = 0 : i64, scratch_operands = 0 : i64, tpu.core_type = #tpu.core_type<tc>, window_params = [{transform_indices = @transform_0, window_bounds = array<i64: 2, 640, 1>}, {transform_indices = @transform_1, window_bounds = array<i64: 640, 128>}, {pipeline_mode = #tpu.pipeline_mode<synchronous>, transform_indices = @transform_2, window_bounds = array<i64: 128, 128>}, {transform_indices = @transform_3, window_bounds = array<i64: 640, 64>}, {transform_indices = @transform_4, window_bounds = array<i64: 640, 64>}, {transform_indices = @transform_5, window_bounds = array<i64: 640, 1>}]} {
    %get3A = arith.constant 0 : index
    %get3A_0 = arith.constant 0 : index
    %get3A_1 = arith.constant 0 : index
    %get3A_2 = vector.load %arg1[%get3A, %get3A_0, %get3A_1] : memref<2x640x1xf32, #tpu.memory_space<vmem>>, vector<1x640x1xf32>
    %get3A_3 = vector.shape_cast %get3A_2 : vector<1x640x1xf32> to vector<640x1xf32>
    %get3A_4 = arith.constant 1 : index
    %get3A_5 = arith.constant 0 : index
    %get3A_6 = arith.constant 0 : index
    %get3A_7 = vector.load %arg1[%get3A_4, %get3A_5, %get3A_6] : memref<2x640x1xf32, #tpu.memory_space<vmem>>, vector<1x640x1xf32>
    %get3A_8 = vector.shape_cast %get3A_7 : vector<1x640x1xf32> to vector<640x1xf32>
    %add3A = arith.addf %get3A_3, %get3A_8 : vector<640x1xf32>
    %add3A_9 = arith.constant 1.000000e+00 : f32
    %add3A_10 = vector.broadcast %add3A_9 : f32 to vector<640x1xf32>
    %add3A_11 = arith.addf %add3A, %add3A_10 : vector<640x1xf32>
    %rsqrt3A = math.rsqrt %add3A_11 : vector<640x1xf32>
    %swap3A = arith.constant 0 : index
    %swap3A_12 = arith.constant 0 : index
    %swap3A_13 = vector.load %arg6[%swap3A, %swap3A_12] : memref<640x1xf32, #tpu.memory_space<vmem>>, vector<640x1xf32>
    tpu.vector_store %arg6[%swap3A, %swap3A_12], %rsqrt3A {strides = array<i32>} : memref<640x1xf32, #tpu.memory_space<vmem>>, vector<640x1xf32>,
    %get3A_14 = arith.constant 0 : index
    %get3A_15 = arith.constant 0 : index
    %get3A_16 = vector.load %arg2[%get3A_14, %get3A_15] : memref<640x128xf32, #tpu.memory_space<vmem>>, vector<640x128xf32>
    %get3A_17 = arith.constant 0 : index
    %get3A_18 = arith.constant 0 : index
    %get3A_19 = vector.load %arg3[%get3A_17, %get3A_18] : memref<128x128xf32, #tpu.memory_space<vmem>>, vector<128x128xf32>
    %dot_general3A = arith.constant dense<0.000000e+00> : vector<640x128xf32>
    %dot_general3A_20 = tpu.matmul %get3A_16, %get3A_19, %dot_general3A {dimension_numbers = #tpu.dot_dimension_numbers<[1], [0], [0], [1], [0, 0, 1, 1], [], []>, transpose_lhs_hint = false} : vector<640x128xf32>, vector<128x128xf32>, vector<640x128xf32> -> vector<640x128xf32>
    %slice3A = vector.extract_strided_slice %dot_general3A_20 {offsets = [0, 0], sizes = [640, 64], strides = [1, 1]} : vector<640x128xf32> to vector<640x64xf32>
    %mul3A = vector.broadcast %rsqrt3A : vector<640x1xf32> to vector<640x64xf32>
    %mul3A_21 = arith.mulf %slice3A, %mul3A : vector<640x64xf32>
    %swap3A_22 = arith.constant 0 : index
    %swap3A_23 = arith.constant 0 : index
    %swap3A_24 = vector.load %arg4[%swap3A_22, %swap3A_23] : memref<640x64xf32, #tpu.memory_space<vmem>>, vector<640x64xf32>
    tpu.vector_store %arg4[%swap3A_22, %swap3A_23], %mul3A_21 {strides = array<i32>} : memref<640x64xf32, #tpu.memory_space<vmem>>, vector<640x64xf32>,
    %slice3A_25 = vector.extract_strided_slice %dot_general3A_20 {offsets = [0, 64], sizes = [640, 64], strides = [1, 1]} : vector<640x128xf32> to vector<640x64xf32>
    %mul3A_26 = vector.broadcast %rsqrt3A : vector<640x1xf32> to vector<640x64xf32>
    %mul3A_27 = arith.mulf %slice3A_25, %mul3A_26 : vector<640x64xf32>
    %swap3A_28 = arith.constant 0 : index
    %swap3A_29 = arith.constant 0 : index
    %swap3A_30 = vector.load %arg5[%swap3A_28, %swap3A_29] : memref<640x64xf32, #tpu.memory_space<vmem>>, vector<640x64xf32>
    tpu.vector_store %arg5[%swap3A_28, %swap3A_29], %mul3A_27 {strides = array<i32>} : memref<640x64xf32, #tpu.memory_space<vmem>>, vector<640x64xf32>,
    return
  }
  func.func @transform_0(%arg0: i32) -> (i32, i32, i32) {
    %c0_i32 = arith.constant 0 : i32
    %c0_i32_0 = arith.constant 0 : i32
    %c0_i32_1 = arith.constant 0 : i32
    return %c0_i32, %arg0, %c0_i32_0 : i32, i32, i32
  }
  func.func @transform_1(%arg0: i32) -> (i32, i32) {
    %c0_i32 = arith.constant 0 : i32
    %c0_i32_0 = arith.constant 0 : i32
    return %arg0, %c0_i32 : i32, i32
  }
  func.func @transform_2(%arg0: i32) -> (i32, i32) {
    %c0_i32 = arith.constant 0 : i32
    %c0_i32_0 = arith.constant 0 : i32
    %c0_i32_1 = arith.constant 0 : i32
    return %c0_i32, %c0_i32_0 : i32, i32
  }
  func.func @transform_3(%arg0: i32) -> (i32, i32) {
    %c0_i32 = arith.constant 0 : i32
    %c0_i32_0 = arith.constant 0 : i32
    return %arg0, %c0_i32 : i32, i32
  }
  func.func @transform_4(%arg0: i32) -> (i32, i32) {
    %c0_i32 = arith.constant 0 : i32
    %c0_i32_0 = arith.constant 0 : i32
    return %arg0, %c0_i32 : i32, i32
  }
  func.func @transform_5(%arg0: i32) -> (i32, i32) {
    %c0_i32 = arith.constant 0 : i32
    %c0_i32_0 = arith.constant 0 : i32
    return %arg0, %c0_i32 : i32, i32
  }
}

module attributes {stable_mosaic.version = 14 : i64} {
  func.func @_mm2_body(%arg0: i32, %arg1: memref<2x640x64xf32, #tpu.memory_space<vmem>>, %arg2: memref<2x640x64xf32, #tpu.memory_space<vmem>>, %arg3: memref<640x64xf32, #tpu.memory_space<vmem>>, %arg4: memref<640x64xf32, #tpu.memory_space<vmem>>, %arg5: memref<640x1xf32, #tpu.memory_space<vmem>>, %arg6: memref<1x128xf32, #tpu.memory_space<vmem>>, %arg7: memref<128x64xf32, #tpu.memory_space<vmem>>, %arg8: memref<640x64xf32, #tpu.memory_space<vmem>>) attributes {dimension_semantics = [#tpu.dimension_semantics<arbitrary>], iteration_bounds = array<i64: 16>, scalar_prefetch = 0 : i64, scratch_operands = 0 : i64, tpu.core_type = #tpu.core_type<tc>, window_params = [{transform_indices = @transform_0, window_bounds = array<i64: 2, 640, 64>}, {transform_indices = @transform_1, window_bounds = array<i64: 2, 640, 64>}, {transform_indices = @transform_2, window_bounds = array<i64: 640, 64>}, {transform_indices = @transform_3, window_bounds = array<i64: 640, 64>}, {transform_indices = @transform_4, window_bounds = array<i64: 640, 1>}, {pipeline_mode = #tpu.pipeline_mode<synchronous>, transform_indices = @transform_5, window_bounds = array<i64: 1, 128>}, {pipeline_mode = #tpu.pipeline_mode<synchronous>, transform_indices = @transform_6, window_bounds = array<i64: 128, 64>}, {transform_indices = @transform_7, window_bounds = array<i64: 640, 64>}]} {
    %get3A = arith.constant 0 : index
    %get3A_0 = arith.constant 0 : index
    %get3A_1 = vector.load %arg5[%get3A, %get3A_0] : memref<640x1xf32, #tpu.memory_space<vmem>>, vector<640x1xf32>
    %get3A_2 = arith.constant 0 : index
    %get3A_3 = arith.constant 0 : index
    %get3A_4 = vector.load %arg6[%get3A_2, %get3A_3] : memref<1x128xf32, #tpu.memory_space<vmem>>, vector<1x128xf32>
    %get3A_5 = arith.constant 0 : index
    %get3A_6 = arith.constant 0 : index
    %get3A_7 = vector.load %arg7[%get3A_5, %get3A_6] : memref<128x64xf32, #tpu.memory_space<vmem>>, vector<128x64xf32>
    %get3A_8 = arith.constant 0 : index
    %get3A_9 = arith.constant 0 : index
    %get3A_10 = arith.constant 0 : index
    %get3A_11 = vector.load %arg1[%get3A_8, %get3A_9, %get3A_10] : memref<2x640x64xf32, #tpu.memory_space<vmem>>, vector<1x640x64xf32>
    %get3A_12 = vector.shape_cast %get3A_11 : vector<1x640x64xf32> to vector<640x64xf32>
    %get3A_13 = arith.constant 1 : index
    %get3A_14 = arith.constant 0 : index
    %get3A_15 = arith.constant 0 : index
    %get3A_16 = vector.load %arg1[%get3A_13, %get3A_14, %get3A_15] : memref<2x640x64xf32, #tpu.memory_space<vmem>>, vector<1x640x64xf32>
    %get3A_17 = vector.shape_cast %get3A_16 : vector<1x640x64xf32> to vector<640x64xf32>
    %add3A = arith.addf %get3A_12, %get3A_17 : vector<640x64xf32>
    %get3A_18 = arith.constant 0 : index
    %get3A_19 = arith.constant 0 : index
    %get3A_20 = vector.load %arg3[%get3A_18, %get3A_19] : memref<640x64xf32, #tpu.memory_space<vmem>>, vector<640x64xf32>
    %add3A_21 = arith.addf %add3A, %get3A_20 : vector<640x64xf32>
    %get3A_22 = arith.constant 0 : index
    %get3A_23 = arith.constant 0 : index
    %get3A_24 = arith.constant 0 : index
    %get3A_25 = vector.load %arg2[%get3A_22, %get3A_23, %get3A_24] : memref<2x640x64xf32, #tpu.memory_space<vmem>>, vector<1x640x64xf32>
    %get3A_26 = vector.shape_cast %get3A_25 : vector<1x640x64xf32> to vector<640x64xf32>
    %get3A_27 = arith.constant 1 : index
    %get3A_28 = arith.constant 0 : index
    %get3A_29 = arith.constant 0 : index
    %get3A_30 = vector.load %arg2[%get3A_27, %get3A_28, %get3A_29] : memref<2x640x64xf32, #tpu.memory_space<vmem>>, vector<1x640x64xf32>
    %get3A_31 = vector.shape_cast %get3A_30 : vector<1x640x64xf32> to vector<640x64xf32>
    %add3A_32 = arith.addf %get3A_26, %get3A_31 : vector<640x64xf32>
    %get3A_33 = arith.constant 0 : index
    %get3A_34 = arith.constant 0 : index
    %get3A_35 = vector.load %arg4[%get3A_33, %get3A_34] : memref<640x64xf32, #tpu.memory_space<vmem>>, vector<640x64xf32>
    %add3A_36 = arith.addf %add3A_32, %get3A_35 : vector<640x64xf32>
    %mul3A = vector.broadcast %get3A_1 : vector<640x1xf32> to vector<640x64xf32>
    %mul3A_37 = arith.mulf %add3A_21, %mul3A : vector<640x64xf32>
    %slice3A = vector.extract_strided_slice %get3A_4 {offsets = [0, 0], sizes = [1, 64], strides = [1, 1]} : vector<1x128xf32> to vector<1x64xf32>
    %add3A_38 = vector.broadcast %slice3A : vector<1x64xf32> to vector<640x64xf32>
    %add3A_39 = arith.addf %mul3A_37, %add3A_38 : vector<640x64xf32>
    %max3A = arith.constant 0.000000e+00 : f32
    %max3A_40 = vector.broadcast %max3A : f32 to vector<640x64xf32>
    %max3A_41 = arith.maximumf %add3A_39, %max3A_40 : vector<640x64xf32>
    %mul3A_42 = vector.broadcast %get3A_1 : vector<640x1xf32> to vector<640x64xf32>
    %mul3A_43 = arith.mulf %add3A_36, %mul3A_42 : vector<640x64xf32>
    %slice3A_44 = vector.extract_strided_slice %get3A_4 {offsets = [0, 64], sizes = [1, 64], strides = [1, 1]} : vector<1x128xf32> to vector<1x64xf32>
    %add3A_45 = vector.broadcast %slice3A_44 : vector<1x64xf32> to vector<640x64xf32>
    %add3A_46 = arith.addf %mul3A_43, %add3A_45 : vector<640x64xf32>
    %max3A_47 = arith.constant 0.000000e+00 : f32
    %max3A_48 = vector.broadcast %max3A_47 : f32 to vector<640x64xf32>
    %max3A_49 = arith.maximumf %add3A_46, %max3A_48 : vector<640x64xf32>
    %slice3A_50 = vector.extract_strided_slice %get3A_7 {offsets = [0, 0], sizes = [64, 64], strides = [1, 1]} : vector<128x64xf32> to vector<64x64xf32>
    %dot_general3A = arith.constant dense<0.000000e+00> : vector<640x64xf32>
    %dot_general3A_51 = tpu.matmul %max3A_41, %slice3A_50, %dot_general3A {dimension_numbers = #tpu.dot_dimension_numbers<[1], [0], [0], [1], [0, 0, 1, 1], [], []>, transpose_lhs_hint = false} : vector<640x64xf32>, vector<64x64xf32>, vector<640x64xf32> -> vector<640x64xf32>
    %slice3A_52 = vector.extract_strided_slice %get3A_7 {offsets = [64, 0], sizes = [64, 64], strides = [1, 1]} : vector<128x64xf32> to vector<64x64xf32>
    %dot_general3A_53 = arith.constant dense<0.000000e+00> : vector<640x64xf32>
    %dot_general3A_54 = tpu.matmul %max3A_49, %slice3A_52, %dot_general3A_53 {dimension_numbers = #tpu.dot_dimension_numbers<[1], [0], [0], [1], [0, 0, 1, 1], [], []>, transpose_lhs_hint = false} : vector<640x64xf32>, vector<64x64xf32>, vector<640x64xf32> -> vector<640x64xf32>
    %add3A_55 = arith.addf %dot_general3A_51, %dot_general3A_54 : vector<640x64xf32>
    %mul3A_56 = vector.broadcast %get3A_1 : vector<640x1xf32> to vector<640x64xf32>
    %mul3A_57 = arith.mulf %add3A_55, %mul3A_56 : vector<640x64xf32>
    %swap3A = arith.constant 0 : index
    %swap3A_58 = arith.constant 0 : index
    %swap3A_59 = vector.load %arg8[%swap3A, %swap3A_58] : memref<640x64xf32, #tpu.memory_space<vmem>>, vector<640x64xf32>
    tpu.vector_store %arg8[%swap3A, %swap3A_58], %mul3A_57 {strides = array<i32>} : memref<640x64xf32, #tpu.memory_space<vmem>>, vector<640x64xf32>,
    return
  }
  func.func @transform_0(%arg0: i32) -> (i32, i32, i32) {
    %c0_i32 = arith.constant 0 : i32
    %c0_i32_0 = arith.constant 0 : i32
    %c0_i32_1 = arith.constant 0 : i32
    return %c0_i32, %arg0, %c0_i32_0 : i32, i32, i32
  }
  func.func @transform_1(%arg0: i32) -> (i32, i32, i32) {
    %c0_i32 = arith.constant 0 : i32
    %c0_i32_0 = arith.constant 0 : i32
    %c0_i32_1 = arith.constant 0 : i32
    return %c0_i32, %arg0, %c0_i32_0 : i32, i32, i32
  }
  func.func @transform_2(%arg0: i32) -> (i32, i32) {
    %c0_i32 = arith.constant 0 : i32
    %c0_i32_0 = arith.constant 0 : i32
    return %arg0, %c0_i32 : i32, i32
  }
  func.func @transform_3(%arg0: i32) -> (i32, i32) {
    %c0_i32 = arith.constant 0 : i32
    %c0_i32_0 = arith.constant 0 : i32
    return %arg0, %c0_i32 : i32, i32
  }
  func.func @transform_4(%arg0: i32) -> (i32, i32) {
    %c0_i32 = arith.constant 0 : i32
    %c0_i32_0 = arith.constant 0 : i32
    return %arg0, %c0_i32 : i32, i32
  }
  func.func @transform_5(%arg0: i32) -> (i32, i32) {
    %c0_i32 = arith.constant 0 : i32
    %c0_i32_0 = arith.constant 0 : i32
    %c0_i32_1 = arith.constant 0 : i32
    return %c0_i32, %c0_i32_0 : i32, i32
  }
  func.func @transform_6(%arg0: i32) -> (i32, i32) {
    %c0_i32 = arith.constant 0 : i32
    %c0_i32_0 = arith.constant 0 : i32
    %c0_i32_1 = arith.constant 0 : i32
    return %c0_i32, %c0_i32_0 : i32, i32
  }
  func.func @transform_7(%arg0: i32) -> (i32, i32) {
    %c0_i32 = arith.constant 0 : i32
    %c0_i32_0 = arith.constant 0 : i32
    return %arg0, %c0_i32 : i32, i32
  }
}

module attributes {stable_mosaic.version = 14 : i64} {
  func.func @_mm3_body(%arg0: i32, %arg1: memref<2x640x64xf32, #tpu.memory_space<vmem>>, %arg2: memref<640x64xf32, #tpu.memory_space<vmem>>, %arg3: memref<640x1xf32, #tpu.memory_space<vmem>>, %arg4: memref<1x64xf32, #tpu.memory_space<vmem>>, %arg5: memref<640x64xf32, #tpu.memory_space<vmem>>) attributes {dimension_semantics = [#tpu.dimension_semantics<arbitrary>], iteration_bounds = array<i64: 16>, scalar_prefetch = 0 : i64, scratch_operands = 0 : i64, tpu.core_type = #tpu.core_type<tc>, window_params = [{transform_indices = @transform_0, window_bounds = array<i64: 2, 640, 64>}, {transform_indices = @transform_1, window_bounds = array<i64: 640, 64>}, {transform_indices = @transform_2, window_bounds = array<i64: 640, 1>}, {pipeline_mode = #tpu.pipeline_mode<synchronous>, transform_indices = @transform_3, window_bounds = array<i64: 1, 64>}, {transform_indices = @transform_4, window_bounds = array<i64: 640, 64>}]} {
    %get3A = arith.constant 0 : index
    %get3A_0 = arith.constant 0 : index
    %get3A_1 = arith.constant 0 : index
    %get3A_2 = vector.load %arg1[%get3A, %get3A_0, %get3A_1] : memref<2x640x64xf32, #tpu.memory_space<vmem>>, vector<1x640x64xf32>
    %get3A_3 = vector.shape_cast %get3A_2 : vector<1x640x64xf32> to vector<640x64xf32>
    %get3A_4 = arith.constant 1 : index
    %get3A_5 = arith.constant 0 : index
    %get3A_6 = arith.constant 0 : index
    %get3A_7 = vector.load %arg1[%get3A_4, %get3A_5, %get3A_6] : memref<2x640x64xf32, #tpu.memory_space<vmem>>, vector<1x640x64xf32>
    %get3A_8 = vector.shape_cast %get3A_7 : vector<1x640x64xf32> to vector<640x64xf32>
    %add3A = arith.addf %get3A_3, %get3A_8 : vector<640x64xf32>
    %get3A_9 = arith.constant 0 : index
    %get3A_10 = arith.constant 0 : index
    %get3A_11 = vector.load %arg2[%get3A_9, %get3A_10] : memref<640x64xf32, #tpu.memory_space<vmem>>, vector<640x64xf32>
    %add3A_12 = arith.addf %add3A, %get3A_11 : vector<640x64xf32>
    %get3A_13 = arith.constant 0 : index
    %get3A_14 = arith.constant 0 : index
    %get3A_15 = vector.load %arg3[%get3A_13, %get3A_14] : memref<640x1xf32, #tpu.memory_space<vmem>>, vector<640x1xf32>
    %mul3A = vector.broadcast %get3A_15 : vector<640x1xf32> to vector<640x64xf32>
    %mul3A_16 = arith.mulf %add3A_12, %mul3A : vector<640x64xf32>
    %get3A_17 = arith.constant 0 : index
    %get3A_18 = arith.constant 0 : index
    %get3A_19 = vector.load %arg4[%get3A_17, %get3A_18] : memref<1x64xf32, #tpu.memory_space<vmem>>, vector<1x64xf32>
    %add3A_20 = vector.broadcast %get3A_19 : vector<1x64xf32> to vector<640x64xf32>
    %add3A_21 = arith.addf %mul3A_16, %add3A_20 : vector<640x64xf32>
    %swap3A = arith.constant 0 : index
    %swap3A_22 = arith.constant 0 : index
    %swap3A_23 = vector.load %arg5[%swap3A, %swap3A_22] : memref<640x64xf32, #tpu.memory_space<vmem>>, vector<640x64xf32>
    tpu.vector_store %arg5[%swap3A, %swap3A_22], %add3A_21 {strides = array<i32>} : memref<640x64xf32, #tpu.memory_space<vmem>>, vector<640x64xf32>,
    return
  }
  func.func @transform_0(%arg0: i32) -> (i32, i32, i32) {
    %c0_i32 = arith.constant 0 : i32
    %c0_i32_0 = arith.constant 0 : i32
    %c0_i32_1 = arith.constant 0 : i32
    return %c0_i32, %arg0, %c0_i32_0 : i32, i32, i32
  }
  func.func @transform_1(%arg0: i32) -> (i32, i32) {
    %c0_i32 = arith.constant 0 : i32
    %c0_i32_0 = arith.constant 0 : i32
    return %arg0, %c0_i32 : i32, i32
  }
  func.func @transform_2(%arg0: i32) -> (i32, i32) {
    %c0_i32 = arith.constant 0 : i32
    %c0_i32_0 = arith.constant 0 : i32
    return %arg0, %c0_i32 : i32, i32
  }
  func.func @transform_3(%arg0: i32) -> (i32, i32) {
    %c0_i32 = arith.constant 0 : i32
    %c0_i32_0 = arith.constant 0 : i32
    %c0_i32_1 = arith.constant 0 : i32
    return %c0_i32, %c0_i32_0 : i32, i32
  }
  func.func @transform_4(%arg0: i32) -> (i32, i32) {
    %c0_i32 = arith.constant 0 : i32
    %c0_i32_0 = arith.constant 0 : i32
    return %arg0, %c0_i32 : i32, i32
  }
}

</mosaic_0001>

<sc_bundles>
// kernel: _run.10.cloned.1.call-start
scs
__scs_entry_jumppad:
0x0: {  	(pc) =	sbr.rel $0x88, $3  }
0x1: {  	(tag) =	ssettag $0x0;
	lr =	simm.s32 $0x1  }
0x2: {  	[smem:$0x3F9A] =	sst lr;
	_ =	strace $0xD0000000  }
0x3: {  	_ = 	snop  }
0x4: {  	_ = 	snop  }
0x5: {  	_ = 	snop  }
0x6: {  	_ = 	snop  }
0x7: {  	_ = 	snop  }
__scs_overlays_trampoline_lowered:
0x8: {  	[smem:$0x3FA9] =	sst s0  }
0x9: {  	[smem:$0x3FAA] =	sst s1  }
0xa: {  	[smem:$0x3FAB] =	sst s2  }
0xb: {  	[smem:$0x3FAC] =	sst s3  }
0xc: {  	[smem:$0x3FAD] =	sst s4  }
0xd: {  	[smem:$0x3FAE] =	sst s5  }
0xe: {  	[smem:$0x3FAF] =	sst s6  }
0xf: {  	[smem:$0x3FB0] =	sst s7  }
0x10: {  	[smem:$0x3FB1] =	sst s8  }
0x11: {  	[smem:$0x3FB2] =	sst s9;
	s0 =	simm.s32 @!p0 $0x0  }
0x12: {  	s1 =	sld [smem:$0x3F98];
	s0 =	simm.s32 @p0 $0x1  }
0x13: {  	[smem:$0x3FB3] =	sst s0;
	s0 =	simm.s32 @!p1 $0x0  }
0x14: {  	s2 =	sld [smem:$0x3F97];
	s0 =	simm.s32 @p1 $0x1  }
0x15: {  	[smem:$0x3FB4] =	sst s0;
	s0 =	simm.s32 @!p2 $0x0  }
0x16: {  	s3 =	sld [smem:$0x3FDB];
	s0 =	simm.s32 @p2 $0x1  }
0x17: {  	s4 =	simm.s32 $0x1BF5;
	[smem:$0x3FB6] =	sst s0  }
0x18: {  	s0 =	sld [smem:$0x3F99];
	_ =	swait.ge [sflag:s4], $0x0  }
0x19: {  	s7 =	sld [smem:$0x3F9A]  }
0x1a: {  	s8 =	sadd.s32 $0xFFFFE003, lr  }
0x1b: {  	s9 =	sadd.s32 $0xFFFFFEF7, lr;
	s5 =	simm.s32 $0xFFFFFFFF;
	p2 =	slt.u32 s8, $0xFFFFF086  }
0x1c: {  	p1 =	slt.u32 s9, $0xF7A;
	s5 =	simm.s32 @!p2 $0x0  }
0x1d: {  	s5 =	simm.s32 @p1 $0x1;
	p0 =	seq.s32 s7, s2  }
0x1e: {  	s7 =	smul.u32 @!p0 $0xF7A, s2;
	p2 =	seq.s32 @!p0 s5, $0x0  }
0x1f: {  	s9 =	smul.u32 $0xF7A, s1;
	s8 =	simm.s32 @!p0 $0x1BF5;
	p2 =	por !p2, p0  }
0x20: {  	[sflag:s8] =	ssyncset.s32 @!p0 $0xFFFFF086;
	s6 =	sadd.s32 @!p0 s3, s7;
	s7 =	simm.s32 @!p0 $0x108  }
0x21: {  	s3 =	sadd.s32 s3, s9;
	s6 =	sadd.s32 @!p0 $0x88, s6;
	s7 =	simm.s32 @p2 $0x1082  }
0x22: {  	[simem:s7], [sflag:s8] =	dma.local @!p0 [hbm:s6], $0xF7A  }
0x23: {  	s9 =	sor.u32 $0xD0000000, s2;
	s6 =	simm.s32 $0x108;
	_ =	swait.ge @!p0 [sflag:s8], $0x0  }
0x24: {  	s3 =	sadd.s32 $0x88, s3;
	s6 =	simm.s32 @!p1 $0x1082;
	[sflag:s4] =	ssyncset.s32 $0xFFFFF086  }
0x25: {  	[simem:s6], [sflag:s4] =	dma.local [hbm:s3], $0xF7A  }
0x26: {  	[smem:$0x3F9A] =	sst s1;
	(tag) =	ssettag s2;
	_ =	strace s9  }
0x27: {  	s1 =	sld [smem:$0x3FAA]  }
0x28: {  	s2 =	sld [smem:$0x3FAB]  }
0x29: {  	s4 =	sld [smem:$0x3FAD]  }
0x2a: {  	p0 =	seq.s32 s5, $0x0;
	s5 =	sld [smem:$0x3FAE]  }
0x2b: {  	s6 =	sld [smem:$0x3FAF]  }
0x2c: {  	s7 =	sld [smem:$0x3FB0]  }
0x2d: {  	s3 =	simm.s32 $0x108;
	s8 =	sld [smem:$0x3FB1]  }
0x2e: {  	s3 =	simm.s32 @!p0 $0x1082;
	s9 =	sld [smem:$0x3FB2]  }
0x2f: {  	lr =	sadd.s32 s0, s3;
	s0 =	sld [smem:$0x3FA9]  }
0x30: {  	s3 =	sld [smem:$0x3FAC]  }
0x31: {  	[smem:$0x3FB5] =	sst s10  }
0x32: {  	s10 =	sld [smem:$0x3FB3];
	_ =	sdelay $0x3  }
0x33: {  	p0 =	seq.s32 s10, $0x1;
	s10 =	sld [smem:$0x3FB5];
	_ =	sdelay $0x3  }
0x34: {  	[smem:$0x3FB5] =	sst s10  }
0x35: {  	s10 =	sld [smem:$0x3FB4];
	_ =	sdelay $0x3  }
0x36: {  	p1 =	seq.s32 s10, $0x1;
	s10 =	sld [smem:$0x3FB5];
	_ =	sdelay $0x3  }
0x37: {  	[smem:$0x3FB5] =	sst s10  }
0x38: {  	s10 =	sld [smem:$0x3FB6]  }
0x39: {  	_ = 	snop;
	(pc) =	sbr.ind lr, $3  }
0x3a: {  	_ = 	snop  }
0x3b: {  	_ = 	snop  }
0x3c: {  	p2 =	seq.s32 s10, $0x1;
	s10 =	sld [smem:$0x3FB5]  }
0x3d: {  	_ =	shalt  }
0x3e: {  	_ =	shalt  }
0x3f: {  	_ =	shalt  }
0x40: {  	_ =	shalt  }
0x41: {  	_ =	shalt  }
0x42: {  	_ =	shalt  }
0x43: {  	_ =	shalt  }
0x44: {  	_ =	shalt  }
0x45: {  	_ =	shalt  }
0x46: {  	_ =	shalt  }
0x47: {  	_ =	shalt  }
0x48: {  	_ =	shalt  }
0x49: {  	_ =	shalt  }
0x4a: {  	_ =	shalt  }
0x4b: {  	_ =	shalt  }
0x4c: {  	_ =	shalt  }
0x4d: {  	_ =	shalt  }
0x4e: {  	_ =	shalt  }
0x4f: {  	_ =	shalt  }
0x50: {  	_ =	shalt  }
0x51: {  	_ =	shalt  }
0x52: {  	_ =	shalt  }
0x53: {  	_ =	shalt  }
0x54: {  	_ =	shalt  }
0x55: {  	_ =	shalt  }
0x56: {  	_ =	shalt  }
0x57: {  	_ =	shalt  }
0x58: {  	_ =	shalt  }
0x59: {  	_ =	shalt  }
0x5a: {  	_ =	shalt  }
0x5b: {  	_ =	shalt  }
0x5c: {  	_ =	shalt  }
0x5d: {  	_ =	shalt  }
0x5e: {  	_ =	shalt  }
0x5f: {  	_ =	shalt  }
0x60: {  	_ =	shalt  }
0x61: {  	_ =	shalt  }
0x62: {  	_ =	shalt  }
0x63: {  	_ =	shalt  }
0x64: {  	_ =	shalt  }
0x65: {  	_ =	shalt  }
0x66: {  	_ =	shalt  }
0x67: {  	_ =	shalt  }
0x68: {  	_ =	shalt  }
0x69: {  	_ =	shalt  }
0x6a: {  	_ =	shalt  }
0x6b: {  	_ =	shalt  }
0x6c: {  	_ =	shalt  }
0x6d: {  	_ =	shalt  }
0x6e: {  	_ =	shalt  }
0x6f: {  	_ =	shalt  }
0x70: {  	_ =	shalt  }
0x71: {  	_ =	shalt  }
0x72: {  	_ =	shalt  }
0x73: {  	_ =	shalt  }
0x74: {  	_ =	shalt  }
0x75: {  	_ =	shalt  }
0x76: {  	_ =	shalt  }
0x77: {  	_ =	shalt  }
0x78: {  	_ =	shalt  }
0x79: {  	_ =	shalt  }
0x7a: {  	_ =	shalt  }
0x7b: {  	_ =	shalt  }
0x7c: {  	_ =	shalt  }
0x7d: {  	_ =	shalt  }
0x7e: {  	_ =	shalt  }
0x7f: {  	_ =	shalt  }
0x80: {  	_ =	shalt  }
0x81: {  	_ =	shalt  }
0x82: {  	_ =	shalt  }
0x83: {  	_ =	shalt  }
0x84: {  	_ =	shalt  }
0x85: {  	_ =	shalt  }
0x86: {  	_ =	shalt  }
0x87: {  	_ =	shalt  }
.Lfunc_end0:
.L_simem_size_0:
called_computation_lowered:
.L_overlay_start_0:
0x88: {  	s2 =	sld [smem:$0x3FD9]  }
0x89: {  	s3 =	sld [smem:$0x3FFE];
	_ =	sdelay $0x1  }
0x8a: {  	s1 =	srdreg.scid  }
0x8b: {  	s0 =	sand.u32 $0x1, s1  }
0x8c: {  	s17 =	sshll.u32 s0, $0xA;
	s2 =	sadd.s32 s3, s2  }
0x8d: {  	s2 =	sadd.s32 s2, s17  }
0x8e: {  	[smem:$0x3FC1] =	sst s2  }
0x8f: {  	_ = 	snop  }
0x90: {  	s2 =	sld [smem:$0x3FD0];
	(tm) =	ssettm $0x1  }
0x91: {  	s18 =	sld [smem:$0x3FFB];
	_ =	sdelay $0x3  }
0x92: {  	_ =	strace s18  }
0x93: {  	s3 =	sld [smem:$0x3FFC];
	_ =	sdelay $0x3  }
0x94: {  	_ =	strace s3  }
0x95: {  	s3 =	sld [smem:$0x3FFD];
	_ =	sdelay $0x3  }
0x96: {  	_ =	strace s3  }
0x97: {  	_ =	strace $0x8FFFFFFF  }
0x98: {  	s19 =	sld [smem:$0x3FDB];
	_ =	sdelay $0x1  }
0x99: {  	s4 =	simm.s32 $_scs_section_size  }
0x9a: {  	s5 =	simm.s32 $_size__tile_overlayer_lowered;
	s6 =	simm.s32 $_tile_overlayer_lowered  }
0x9b: {  	s22 =	simm.s32 $0x1BFF;
	s21 =	sshll.u32 s6, $0x1;
	s3 =	sadd.s32 s4, s19  }
0x9c: {  	s7 =	simm.s32 $0x0;
	s20 =	sshll.u32 s5, $0x1;
	s5 =	sadd.s32 s21, s3  }
0x9d: {  	[timem:s7], [sflag:s22] =	dma.local [hbm:s5], s20  }
0x9e: {  	_ =	swait.ge [sflag:s22], s20  }
0x9f: {  	s4 =	ssub.s32 $0x0, s20;
	[sflag:s22] =	ssyncset.done $0x0  }
0xa0: {  	[sflag:s22] =	ssyncadd.s32 s4;
	_ =	sdelay $0x1  }
0xa1: {  	s23 =	simm.s32 $0x1B8B  }
0xa2: {  	_ =	swait.ge [sflag:s23], $0x1  }
0xa3: {  	[sflag:s23] =	ssyncset.done $0x0  }
0xa4: {  	s25 =	simm.s32 $0x1B8E;
	s24 =	sld [smem:$0x3FFE];
	[sflag:s23] =	ssyncadd.s32 $0xFFFFFFFF  }
0xa5: {  	s26 =	simm.s32 $execute0_lowered;
	[smem:$0x3FD2] =	sst s25  }
0xa6: {  	s5 =	sshll.u32 s26, $0x1;
	_ =	strace $0x80000046;
	[dreg:$0x1] =	wrdreg $0xFFFFFFFF  }
0xa7: {  	s28 =	simm.s32 $_size_execute0_lowered;
	s3 =	sadd.s32 s3, s5;
	[dreg:$0x0] =	wrdreg $0x0  }
0xa8: {  	s5 =	sshll.u32 s28, $0x1;
	[dreg:$0x2] =	wrdreg s3  }
0xa9: {  	[dreg:$0x3] =	wrdreg s5  }
0xaa: {  	[dreg:$0x4] =	wrdreg $0xC0  }
0xab: {  	_ =	task [dreg:s7], $0x5FFFF  }
0xac: {  	[dreg:$0x1] =	wrdreg $0xFFFFFFFF  }
0xad: {  	[dreg:$0x0] =	wrdreg $0x60  }
0xae: {  	[dreg:$0x2] =	wrdreg s24  }
0xaf: {  	[dreg:$0x3] =	wrdreg s2  }
0xb0: {  	[dreg:$0x4] =	wrdreg $0x2B000  }
0xb1: {  	[dreg:$0x5] =	wrdreg $0x9  }
0xb2: {  	_ =	task.clear_ibuf [dreg:s7], $0x6FFFF;
	_ =	strace $0x90000046  }
0xb3: {  	s29 =	simm.s32 $0x9;
	_ =	strace $0x80000048  }
0xb4: {  	_ =	swait.ge [sflag:s29], $0x1  }
0xb5: {  	[sflag:s29] =	ssyncadd.s32 $0xFFFFFFFF  }
0xb6: {  	_ =	strace $0x90000048  }
0xb7: {  	_ =	sfence  }
0xb8: {  	s30 =	sld [smem:$0x0];
	_ =	sdelay $0x2  }
0xb9: {  	s31 =	sshll.u32 s1, $0xD;
	s1 =	sshrl.u32 s1, $0x2  }
0xba: {  	s3 =	sand.u32 $0x4000, s31;
	s1 =	sadd.s32 s1, s30  }
0xbb: {  	s0 =	sor.u32 s3, s0;
	s1 =	sshll.u32 s1, $0x11  }
0xbc: {  	s0 =	sor.u32 s1, s0  }
0xbd: {  	s0 =	sadd.s32 $0x8F2B, s0  }
0xbe: {  	[sflag:s0] =	ssyncadd.remote.s32 $0x1  }
0xbf: {  	_ =	sfence.sel $0xFFFF  }
0xc0: {  	[dreg:$0x0] =	wrdreg $0xFFFFFFFF;
	(pc) =	sbr.abs _section_cstart, $3  }
0xc1: {  	[dreg:$0x1] =	wrdreg $0xFFFFFFFF  }
0xc2: {  	_ =	task.clear_ibuf [dreg:s7], $0x2FFFF;
	_ =	strace $0x9FFFFFFF  }
0xc3: {  	(tm) =	ssettm $0x7FFFFFFF  }
tec
execute0_lowered:
.L_overlay_start_1:
0x0: {  	(tag) =	ssettag $0x1  }
0x1: {  	s4 =	rddreg [dreg:$0x0]  }
0x2: {  	s6 =	rddreg [dreg:$0x1]  }
0x3: {  	s0 =	srdreg.scid;
	s2 =	rddreg [dreg:$0x2]  }
0x4: {  	s3 =	simm.s32 $0x0;
	s11 =	simm.s32 $0x2800;
	s14 =	simm.s32 $0x20  }
0x5: {  	s15 =	simm.s32 $0x10;
	s5 =	sand.u32 $0x1, s0;
	s0 =	stileid.u32  }
0x6: {  	s16 =	simm.s32 $0x0;
	[smem:$0x7FF] =	sst s3;
	s8 =	smul.u32 $0xA00, s0  }
0x7: {  	s1 =	sshll.u32 s5, $0x4;
	s9 =	ssub.s32 $0x2, s5;
	s10 =	smul.u32 $0x500, s0  }
0x8: {  	s5 =	sshll.u32 s5, $0x7;
	s12 =	sshll.u32 s0, $0x6;
	s7 =	sor.u32 s0, s1  }
0x9: {  	s1 =	rddreg [dreg:$0x3];
	_ =	strace $0x80000047;
	s29 =	sshrl.u32 s9, $0x1  }
0xa: {  	s12 =	sor.u32 $0x1C01, s12;
	s7 =	smul.u32 $0x500, s7;
	s8 =	sshrl.u32 s8, $0x2  }
0xb: {  	s30 =	sor.u32 s5, s10;
	s10 =	simm.s32 $0x80;
	s5 =	sadd.s32 s8, s2  }
0xc: {  	s31 =	sshrl.u32 s30, $0x3;
	s8 =	simm.s32 $0x1;
	s4 =	sadd.s32 s7, s4  }
0xd: {  	s7 =	ssub.s32 s9, s29;
	s6 =	sadd.s32 s6, s31;
	s9 =	simm.s32 $0x2880  }
0xe: {  	v0 =	vimm.f32 $1.000000000e+00;
	v1 =	vimm.f32 $0.0e+00;
	s13 =	sshrl.u32 s5, $0x3;
	s4 =	sadd.s32 $0x1600, s4;
	s7 =	smax.u32 s7, $0x1  }
.LBB2_1:
0xf: {  	[tilespmem:s3], [sflag:$0x1] =	stream.linear.gather [hbm4b:s4+s3], $0x2780, $0x38;
	[tilespmem:$0x2D80] =	vst v63  }
0x10: {  	_ =	swait.ge [sflag:s8], $0x2780  }
0x11: {  	[sflag:s8] =	ssyncset.done $0x0  }
0x12: {  	[sflag:s8] =	ssyncadd.s32 $0xFFFFD880  }
0x13: {  	[tilespmem:$0x2800] =	vst v0  }
0x14: {  	[tilespmem:$0x2810] =	vst v0  }
0x15: {  	[tilespmem:$0x2820] =	vst v0  }
0x16: {  	[tilespmem:$0x2830] =	vst v0  }
0x17: {  	[tilespmem:$0x2840] =	vst v0  }
0x18: {  	[tilespmem:$0x2850] =	vst v0  }
0x19: {  	[tilespmem:$0x2860] =	vst v0  }
0x1a: {  	[tilespmem:$0x2870] =	vst v0  }
0x1b: {  	[tilespmem:$0x2880] =	vst v1  }
0x1c: {  	[tilespmem:$0x2890] =	vst v1  }
0x1d: {  	[tilespmem:$0x28A0] =	vst v1  }
0x1e: {  	[tilespmem:$0x28B0] =	vst v1  }
0x1f: {  	[tilespmem:$0x28C0] =	vst v1  }
0x20: {  	[tilespmem:$0x28D0] =	vst v1  }
0x21: {  	[tilespmem:$0x28E0] =	vst v1  }
0x22: {  	[tilespmem:$0x28F0] =	vst v1  }
0x23: {  	[tilespmem:$0x2900] =	vst v1  }
0x24: {  	[tilespmem:$0x2910] =	vst v1  }
0x25: {  	[tilespmem:$0x2920] =	vst v1  }
0x26: {  	[tilespmem:$0x2930] =	vst v1  }
0x27: {  	[tilespmem:$0x2940] =	vst v1  }
0x28: {  	[tilespmem:$0x2950] =	vst v1  }
0x29: {  	[tilespmem:$0x2960] =	vst v1  }
0x2a: {  	[tilespmem:$0x2970] =	vst v1  }
0x2b: {  	[tilespmem:$0x2980] =	vst v1  }
0x2c: {  	[tilespmem:$0x2990] =	vst v1  }
0x2d: {  	[tilespmem:$0x29A0] =	vst v1  }
0x2e: {  	[tilespmem:$0x29B0] =	vst v1  }
0x2f: {  	[tilespmem:$0x29C0] =	vst v1  }
0x30: {  	[tilespmem:$0x29D0] =	vst v1  }
0x31: {  	[tilespmem:$0x29E0] =	vst v1  }
0x32: {  	[tilespmem:$0x29F0] =	vst v1  }
0x33: {  	[tilespmem:$0x2A00] =	vst v1  }
0x34: {  	[tilespmem:$0x2A10] =	vst v1  }
0x35: {  	[tilespmem:$0x2A20] =	vst v1  }
0x36: {  	[tilespmem:$0x2A30] =	vst v1  }
0x37: {  	[tilespmem:$0x2A40] =	vst v1  }
0x38: {  	[tilespmem:$0x2A50] =	vst v1  }
0x39: {  	[tilespmem:$0x2A60] =	vst v1  }
0x3a: {  	[tilespmem:$0x2A70] =	vst v1  }
0x3b: {  	[tilespmem:$0x2A80] =	vst v1  }
0x3c: {  	[tilespmem:$0x2A90] =	vst v1  }
0x3d: {  	[tilespmem:$0x2AA0] =	vst v1  }
0x3e: {  	[tilespmem:$0x2AB0] =	vst v1  }
0x3f: {  	[tilespmem:$0x2AC0] =	vst v1  }
0x40: {  	[tilespmem:$0x2AD0] =	vst v1  }
0x41: {  	[tilespmem:$0x2AE0] =	vst v1  }
0x42: {  	[tilespmem:$0x2AF0] =	vst v1  }
0x43: {  	[spmem:s5] =	stream.linear.scatter [tilespmem:s9], [sflag:$0x1], $0x280, $0x38;
	[tilespmem:$0x2D80] =	vst v63  }
0x44: {  	_ =	swait.ge [sflag:s8], $0x280  }
0x45: {  	[sflag:s8] =	ssyncset.done $0x0  }
0x46: {  	[sflag:s8] =	ssyncadd.s32 $0xFFFFFD80  }
0x47: {  	s17 =	simm.s32 $0x0;
	[bflag:$0x0] =	sbarrier.arrive $0xFFFF  }
0x48: {  	[spmem:s2] =	stream.indirect.scatter.add.f32 [tilespmem:s11], [sflag:$0x1], $0x1, s17, s10, $0xb8;
	[tilespmem:$0x2D80] =	vst v63  }
0x49: {  	_ =	swait.ge [sflag:s8], $0x80  }
0x4a: {  	s17 =	simm.s32 $0x200;
	[sflag:s8] =	ssyncset.done $0x0  }
.LBB2_2:
0x4b: {  	s18 =	sshra.s32 s17, $0x2;
	[sflag:s8] =	ssyncadd.s32 $0xFFFFFF80;
	p0 =	sne.s32 s17, $0x9C00  }
0x4c: {  	[spmem:s2] =	stream.indirect.scatter.add.f32 [tilespmem:s11], [sflag:$0x1], $0x1, s18, s10, $0xb8;
	[tilespmem:$0x2D80] =	vst v63  }
.Ltmp0:
0x4d: {  	_ = 	snop;
	(pc) =	sbr.rel @p0 .LBB2_2-.Ltmp0, $4  }
0x4e: {  	_ = 	snop  }
0x4f: {  	s17 =	sadd.s32 $0x200, s17  }
0x50: {  	_ =	swait.ge [sflag:s8], $0x80  }
0x51: {  	[sflag:s8] =	ssyncset.done $0x0  }
0x52: {  	s16 =	sadd.s32 $0x1, s16  }
0x53: {  	[sflag:s8] =	ssyncadd.s32 $0xFFFFFF80;
	p0 =	sne.s32 s16, s7  }
.Ltmp1:
0x54: {  	[bflag:$0x0] =	sbarrier.arrive $0xFFFF;
	(pc) =	sbr.rel @p0 .LBB2_1-.Ltmp1, $4  }
0x55: {  	[hbm:s6@s14], [sflag:s12] =	dma.strided [spmem:s13@s15], $0x50, s8, $0x10   }
0x56: {  	_ =	swait.ge [sflag:s8], $0x50  }
0x57: {  	[sflag:s8] =	ssyncset.done $0x0  }
0x58: {  	[sflag:s8] =	ssyncadd.s32 $0xFFFFFFB0  }
0x59: {  	_ =	sfence.sel $0x180000  }
0x5a: {  	[bflag:$0x0] =	sbarrier.arrive $0xFFFF  }
0x5b: {  	p0 =	sne.s32 s0, $0x0;
	_ =	strace $0x90000047  }
0x5c: {  	s0 =	sadd.s32 @!p0 $0x100000, s1;
	[bflag:$0x2] =	sbarrier.arrive $0xFFFF  }
0x5d: {  	[sflag:s0] =	ssyncadd.tile.s32 @!p0 $0x1;
	_ =	shalt  }
.Lfunc_end2:
_tile_overlayer_lowered:
.L_overlay_start_2:
0x5e: {  	(tag) =	ssettag $0x2  }
0x5f: {  	s0 =	rddreg [dreg:$0x0];
	s2 =	stileid.u32  }
0x60: {  	s1 =	rddreg [dreg:$0x1];
	p0 =	sne.s32 s2, $0x0  }
0x61: {  	s3 =	rddreg [dreg:$0x2];
	[bflag:$0x3] =	sbarrier.arrive $0xFFFF;
	s2 =	simm.s32 @!p0 $0x1C01  }
0x62: {  	[timem:s3], [sflag:s2] =	dma.local @!p0 [hbm:s0], s1  }
0x63: {  	s0 =	simm.s32 @!p0 $0x1  }
0x64: {  	_ =	swait.ge @!p0 [sflag:s0], s1  }
0x65: {  	s1 =	ssub.s32 @!p0 $0x0, s1;
	[sflag:s0] =	ssyncset.done @!p0 $0x0  }
0x66: {  	[sflag:s0] =	ssyncadd.s32 @!p0 s1  }
0x67: {  	[bflag:$0x3] =	sbarrier.arrive $0xFFFF  }
0x68: {  	_ =	shalt  }

// kernel: _run.13.cloned.1.call-start
scs
__scs_entry_jumppad:
0x0: {  	(pc) =	sbr.rel $0x88, $3  }
0x1: {  	(tag) =	ssettag $0x0;
	lr =	simm.s32 $0x1  }
0x2: {  	[smem:$0x3F9A] =	sst lr;
	_ =	strace $0xD0000000  }
0x3: {  	_ = 	snop  }
0x4: {  	_ = 	snop  }
0x5: {  	_ = 	snop  }
0x6: {  	_ = 	snop  }
0x7: {  	_ = 	snop  }
__scs_overlays_trampoline_lowered:
0x8: {  	[smem:$0x3FA9] =	sst s0  }
0x9: {  	[smem:$0x3FAA] =	sst s1  }
0xa: {  	[smem:$0x3FAB] =	sst s2  }
0xb: {  	[smem:$0x3FAC] =	sst s3  }
0xc: {  	[smem:$0x3FAD] =	sst s4  }
0xd: {  	[smem:$0x3FAE] =	sst s5  }
0xe: {  	[smem:$0x3FAF] =	sst s6  }
0xf: {  	[smem:$0x3FB0] =	sst s7  }
0x10: {  	[smem:$0x3FB1] =	sst s8  }
0x11: {  	[smem:$0x3FB2] =	sst s9;
	s0 =	simm.s32 @!p0 $0x0  }
0x12: {  	s1 =	sld [smem:$0x3F98];
	s0 =	simm.s32 @p0 $0x1  }
0x13: {  	[smem:$0x3FB3] =	sst s0;
	s0 =	simm.s32 @!p1 $0x0  }
0x14: {  	s2 =	sld [smem:$0x3F97];
	s0 =	simm.s32 @p1 $0x1  }
0x15: {  	[smem:$0x3FB4] =	sst s0;
	s0 =	simm.s32 @!p2 $0x0  }
0x16: {  	s3 =	sld [smem:$0x3FDB];
	s0 =	simm.s32 @p2 $0x1  }
0x17: {  	s4 =	simm.s32 $0x1BF5;
	[smem:$0x3FB6] =	sst s0  }
0x18: {  	s0 =	sld [smem:$0x3F99];
	_ =	swait.ge [sflag:s4], $0x0  }
0x19: {  	s7 =	sld [smem:$0x3F9A]  }
0x1a: {  	s8 =	sadd.s32 $0xFFFFE003, lr  }
0x1b: {  	s9 =	sadd.s32 $0xFFFFFEF7, lr;
	s5 =	simm.s32 $0xFFFFFFFF;
	p2 =	slt.u32 s8, $0xFFFFF086  }
0x1c: {  	p1 =	slt.u32 s9, $0xF7A;
	s5 =	simm.s32 @!p2 $0x0  }
0x1d: {  	s5 =	simm.s32 @p1 $0x1;
	p0 =	seq.s32 s7, s2  }
0x1e: {  	s7 =	smul.u32 @!p0 $0xF7A, s2;
	p2 =	seq.s32 @!p0 s5, $0x0  }
0x1f: {  	s9 =	smul.u32 $0xF7A, s1;
	s8 =	simm.s32 @!p0 $0x1BF5;
	p2 =	por !p2, p0  }
0x20: {  	[sflag:s8] =	ssyncset.s32 @!p0 $0xFFFFF086;
	s6 =	sadd.s32 @!p0 s3, s7;
	s7 =	simm.s32 @!p0 $0x108  }
0x21: {  	s3 =	sadd.s32 s3, s9;
	s6 =	sadd.s32 @!p0 $0x88, s6;
	s7 =	simm.s32 @p2 $0x1082  }
0x22: {  	[simem:s7], [sflag:s8] =	dma.local @!p0 [hbm:s6], $0xF7A  }
0x23: {  	s9 =	sor.u32 $0xD0000000, s2;
	s6 =	simm.s32 $0x108;
	_ =	swait.ge @!p0 [sflag:s8], $0x0  }
0x24: {  	s3 =	sadd.s32 $0x88, s3;
	s6 =	simm.s32 @!p1 $0x1082;
	[sflag:s4] =	ssyncset.s32 $0xFFFFF086  }
0x25: {  	[simem:s6], [sflag:s4] =	dma.local [hbm:s3], $0xF7A  }
0x26: {  	[smem:$0x3F9A] =	sst s1;
	(tag) =	ssettag s2;
	_ =	strace s9  }
0x27: {  	s1 =	sld [smem:$0x3FAA]  }
0x28: {  	s2 =	sld [smem:$0x3FAB]  }
0x29: {  	s4 =	sld [smem:$0x3FAD]  }
0x2a: {  	p0 =	seq.s32 s5, $0x0;
	s5 =	sld [smem:$0x3FAE]  }
0x2b: {  	s6 =	sld [smem:$0x3FAF]  }
0x2c: {  	s7 =	sld [smem:$0x3FB0]  }
0x2d: {  	s3 =	simm.s32 $0x108;
	s8 =	sld [smem:$0x3FB1]  }
0x2e: {  	s3 =	simm.s32 @!p0 $0x1082;
	s9 =	sld [smem:$0x3FB2]  }
0x2f: {  	lr =	sadd.s32 s0, s3;
	s0 =	sld [smem:$0x3FA9]  }
0x30: {  	s3 =	sld [smem:$0x3FAC]  }
0x31: {  	[smem:$0x3FB5] =	sst s10  }
0x32: {  	s10 =	sld [smem:$0x3FB3];
	_ =	sdelay $0x3  }
0x33: {  	p0 =	seq.s32 s10, $0x1;
	s10 =	sld [smem:$0x3FB5];
	_ =	sdelay $0x3  }
0x34: {  	[smem:$0x3FB5] =	sst s10  }
0x35: {  	s10 =	sld [smem:$0x3FB4];
	_ =	sdelay $0x3  }
0x36: {  	p1 =	seq.s32 s10, $0x1;
	s10 =	sld [smem:$0x3FB5];
	_ =	sdelay $0x3  }
0x37: {  	[smem:$0x3FB5] =	sst s10  }
0x38: {  	s10 =	sld [smem:$0x3FB6]  }
0x39: {  	_ = 	snop;
	(pc) =	sbr.ind lr, $3  }
0x3a: {  	_ = 	snop  }
0x3b: {  	_ = 	snop  }
0x3c: {  	p2 =	seq.s32 s10, $0x1;
	s10 =	sld [smem:$0x3FB5]  }
0x3d: {  	_ =	shalt  }
0x3e: {  	_ =	shalt  }
0x3f: {  	_ =	shalt  }
0x40: {  	_ =	shalt  }
0x41: {  	_ =	shalt  }
0x42: {  	_ =	shalt  }
0x43: {  	_ =	shalt  }
0x44: {  	_ =	shalt  }
0x45: {  	_ =	shalt  }
0x46: {  	_ =	shalt  }
0x47: {  	_ =	shalt  }
0x48: {  	_ =	shalt  }
0x49: {  	_ =	shalt  }
0x4a: {  	_ =	shalt  }
0x4b: {  	_ =	shalt  }
0x4c: {  	_ =	shalt  }
0x4d: {  	_ =	shalt  }
0x4e: {  	_ =	shalt  }
0x4f: {  	_ =	shalt  }
0x50: {  	_ =	shalt  }
0x51: {  	_ =	shalt  }
0x52: {  	_ =	shalt  }
0x53: {  	_ =	shalt  }
0x54: {  	_ =	shalt  }
0x55: {  	_ =	shalt  }
0x56: {  	_ =	shalt  }
0x57: {  	_ =	shalt  }
0x58: {  	_ =	shalt  }
0x59: {  	_ =	shalt  }
0x5a: {  	_ =	shalt  }
0x5b: {  	_ =	shalt  }
0x5c: {  	_ =	shalt  }
0x5d: {  	_ =	shalt  }
0x5e: {  	_ =	shalt  }
0x5f: {  	_ =	shalt  }
0x60: {  	_ =	shalt  }
0x61: {  	_ =	shalt  }
0x62: {  	_ =	shalt  }
0x63: {  	_ =	shalt  }
0x64: {  	_ =	shalt  }
0x65: {  	_ =	shalt  }
0x66: {  	_ =	shalt  }
0x67: {  	_ =	shalt  }
0x68: {  	_ =	shalt  }
0x69: {  	_ =	shalt  }
0x6a: {  	_ =	shalt  }
0x6b: {  	_ =	shalt  }
0x6c: {  	_ =	shalt  }
0x6d: {  	_ =	shalt  }
0x6e: {  	_ =	shalt  }
0x6f: {  	_ =	shalt  }
0x70: {  	_ =	shalt  }
0x71: {  	_ =	shalt  }
0x72: {  	_ =	shalt  }
0x73: {  	_ =	shalt  }
0x74: {  	_ =	shalt  }
0x75: {  	_ =	shalt  }
0x76: {  	_ =	shalt  }
0x77: {  	_ =	shalt  }
0x78: {  	_ =	shalt  }
0x79: {  	_ =	shalt  }
0x7a: {  	_ =	shalt  }
0x7b: {  	_ =	shalt  }
0x7c: {  	_ =	shalt  }
0x7d: {  	_ =	shalt  }
0x7e: {  	_ =	shalt  }
0x7f: {  	_ =	shalt  }
0x80: {  	_ =	shalt  }
0x81: {  	_ =	shalt  }
0x82: {  	_ =	shalt  }
0x83: {  	_ =	shalt  }
0x84: {  	_ =	shalt  }
0x85: {  	_ =	shalt  }
0x86: {  	_ =	shalt  }
0x87: {  	_ =	shalt  }
.Lfunc_end0:
.L_simem_size_0:
called_computation.1_lowered:
.L_overlay_start_0:
0x88: {  	s2 =	sld [smem:$0x3FD9]  }
0x89: {  	s3 =	sld [smem:$0x3FFE];
	_ =	sdelay $0x1  }
0x8a: {  	s1 =	srdreg.scid  }
0x8b: {  	s0 =	sand.u32 $0x1, s1  }
0x8c: {  	s17 =	sshll.u32 s0, $0xA;
	s2 =	sadd.s32 s3, s2  }
0x8d: {  	s2 =	sadd.s32 s2, s17  }
0x8e: {  	[smem:$0x3FC1] =	sst s2  }
0x8f: {  	_ = 	snop  }
0x90: {  	s18 =	sld [smem:$0x3FD0];
	(tm) =	ssettm $0x1  }
0x91: {  	s19 =	sld [smem:$0x3FFB];
	_ =	sdelay $0x3  }
0x92: {  	_ =	strace s19  }
0x93: {  	s2 =	sld [smem:$0x3FFC];
	_ =	sdelay $0x3  }
0x94: {  	_ =	strace s2  }
0x95: {  	s2 =	sld [smem:$0x3FFD];
	_ =	sdelay $0x3  }
0x96: {  	_ =	strace s2  }
0x97: {  	_ =	strace $0x8FFFFFFF  }
0x98: {  	s20 =	sld [smem:$0x3FDB];
	_ =	sdelay $0x1  }
0x99: {  	s4 =	simm.s32 $_scs_section_size  }
0x9a: {  	s5 =	simm.s32 $_size__tile_overlayer_lowered;
	s6 =	simm.s32 $_tile_overlayer_lowered  }
0x9b: {  	s7 =	simm.s32 $0x1BFF;
	s21 =	sshll.u32 s6, $0x1;
	s4 =	sadd.s32 s4, s20  }
0x9c: {  	s22 =	simm.s32 $0x0;
	s5 =	sshll.u32 s5, $0x1;
	s6 =	sadd.s32 s21, s4  }
0x9d: {  	[timem:s22], [sflag:s7] =	dma.local [hbm:s6], s5  }
0x9e: {  	_ =	swait.ge [sflag:s7], s5  }
0x9f: {  	s5 =	ssub.s32 $0x0, s5;
	[sflag:s7] =	ssyncset.done $0x0  }
0xa0: {  	[sflag:s7] =	ssyncadd.s32 s5;
	_ =	sdelay $0x1  }
0xa1: {  	s23 =	simm.s32 $0x1B8B  }
0xa2: {  	_ =	swait.ge [sflag:s23], $0x1  }
0xa3: {  	[sflag:s23] =	ssyncset.done $0x0  }
0xa4: {  	[sflag:s23] =	ssyncadd.s32 $0xFFFFFFFF  }
0xa5: {  	s5 =	sld [smem:$0x0]  }
0xa6: {  	s6 =	sand.u32 $0xFFFFFFFE, s1  }
0xa7: {  	p0 =	sne.s32 s1, s6  }
0xa8: {  	s6 =	sshll.u32 @p0 s6, $0xE  }
0xa9: {  	s6 =	sadd.s32 @p0 $0x11B8D, s6;
	s7 =	sshll.u32 @p0 s5, $0x11  }
0xaa: {  	s6 =	sor.u32 @p0 s7, s6  }
0xab: {  	[sflag:s6] =	ssyncadd.remote.s32 @p0 $0x1;
	_ =	sdelay $0x1  }
0xac: {  	s6 =	simm.s32 @p0 $0x1B8D  }
0xad: {  	_ =	swait.eq @p0 [sflag:s6], $0x1  }
0xae: {  	[sflag:s6] =	ssyncadd.s32 @p0 $0xFFFFFFFF  }
0xaf: {  	s7 =	sshll.u32 @!p0 s1, $0xE  }
0xb0: {  	s7 =	sor.u32 @!p0 $0x4000, s7;
	s6 =	simm.s32 @!p0 $0x1B8D  }
0xb1: {  	s5 =	sshll.u32 @!p0 s5, $0x11;
	s7 =	sadd.s32 @!p0 $0x11B8D, s7;
	_ =	swait.eq @!p0 [sflag:s6], $0x1  }
0xb2: {  	s5 =	sor.u32 @!p0 s5, s7;
	[sflag:s6] =	ssyncadd.s32 @!p0 $0xFFFFFFFF  }
0xb3: {  	s25 =	simm.s32 $0x1B8E;
	s24 =	sld [smem:$0x3FFE];
	[sflag:s5] =	ssyncadd.remote.s32 @!p0 $0x1  }
0xb4: {  	s26 =	simm.s32 $execute0_lowered;
	[smem:$0x3FD2] =	sst s25  }
0xb5: {  	s6 =	sshll.u32 s26, $0x1;
	_ =	strace $0x8000004C;
	[dreg:$0x1] =	wrdreg $0xFFFFFFFF  }
0xb6: {  	s28 =	simm.s32 $_size_execute0_lowered;
	s4 =	sadd.s32 s4, s6;
	[dreg:$0x0] =	wrdreg $0x0  }
0xb7: {  	s6 =	sshll.u32 s28, $0x1;
	[dreg:$0x2] =	wrdreg s4  }
0xb8: {  	[dreg:$0x3] =	wrdreg s6  }
0xb9: {  	[dreg:$0x4] =	wrdreg $0xC0  }
0xba: {  	_ =	task [dreg:s22], $0x5FFFF  }
0xbb: {  	[dreg:$0x1] =	wrdreg $0xFFFFFFFF  }
0xbc: {  	[dreg:$0x0] =	wrdreg $0x60  }
0xbd: {  	[dreg:$0x2] =	wrdreg s24  }
0xbe: {  	[dreg:$0x3] =	wrdreg s18  }
0xbf: {  	[dreg:$0x4] =	wrdreg $0x8F000  }
0xc0: {  	[dreg:$0x5] =	wrdreg $0x12F000  }
0xc1: {  	[dreg:$0x6] =	wrdreg $0x9  }
0xc2: {  	_ =	task.clear_ibuf [dreg:s22], $0x7FFFF;
	_ =	strace $0x9000004C  }
0xc3: {  	s29 =	simm.s32 $0x9;
	_ =	strace $0x8000004E  }
0xc4: {  	_ =	swait.ge [sflag:s29], $0x1  }
0xc5: {  	[sflag:s29] =	ssyncadd.s32 $0xFFFFFFFF  }
0xc6: {  	_ =	strace $0x9000004E  }
0xc7: {  	_ =	sfence  }
0xc8: {  	s30 =	sld [smem:$0x0];
	_ =	sdelay $0x2  }
0xc9: {  	s31 =	sshll.u32 s1, $0xD;
	s1 =	sshrl.u32 s1, $0x2  }
0xca: {  	s4 =	sand.u32 $0x4000, s31;
	s1 =	sadd.s32 s1, s30  }
0xcb: {  	s0 =	sor.u32 s4, s0;
	s1 =	sshll.u32 s1, $0x11  }
0xcc: {  	s0 =	sor.u32 s1, s0  }
0xcd: {  	s0 =	sadd.s32 $0x8F2B, s0  }
0xce: {  	[sflag:s0] =	ssyncadd.remote.s32 $0x1  }
0xcf: {  	_ =	sfence.sel $0xFFFF  }
0xd0: {  	[dreg:$0x0] =	wrdreg $0xFFFFFFFF;
	(pc) =	sbr.abs _section_cstart, $3  }
0xd1: {  	[dreg:$0x1] =	wrdreg $0xFFFFFFFF  }
0xd2: {  	_ =	task.clear_ibuf [dreg:s22], $0x2FFFF;
	_ =	strace $0x9FFFFFFF  }
0xd3: {  	(tm) =	ssettm $0x7FFFFFFF  }
tec
execute0_lowered:
.L_overlay_start_1:
0x0: {  	(tag) =	ssettag $0x1  }
0x1: {  	s6 =	rddreg [dreg:$0x0]  }
0x2: {  	s2 =	rddreg [dreg:$0x1]  }
0x3: {  	s3 =	rddreg [dreg:$0x2]  }
0x4: {  	s4 =	rddreg [dreg:$0x3]  }
0x5: {  	s0 =	rddreg [dreg:$0x4];
	s1 =	stileid.u32  }
0x6: {  	s7 =	srdreg.scid;
	s5 =	simm.s32 $0x0;
	s16 =	simm.s32 $0x80  }
0x7: {  	s17 =	simm.s32 $0x4F00;
	s18 =	simm.s32 $0x1;
	s19 =	simm.s32 $0x6F00  }
0x8: {  	s20 =	simm.s32 $0x2;
	s21 =	simm.s32 $0x4E80;
	s22 =	simm.s32 $0x0  }
0x9: {  	s8 =	smul.u32 $0xA000, s1;
	s7 =	sand.u32 $0x1, s7;
	[smem:$0x7FF] =	sst s5  }
0xa: {  	s13 =	sshll.u32 s1, $0x6;
	s9 =	sshll.u32 s7, $0x4;
	s10 =	smul.u32 $0xA0000, s7  }
0xb: {  	_ =	strace $0x8000004D;
	s7 =	ssub.s32 $0x2, s7;
	s13 =	sor.u32 $0x1C03, s13  }
0xc: {  	s9 =	sor.u32 s1, s9;
	s11 =	sshrl.u32 s8, $0x3;
	s31 =	sshrl.u32 s7, $0x1  }
0xd: {  	s14 =	sadd.s32 s8, s3;
	s15 =	sadd.s32 s8, s4;
	s9 =	smul.u32 $0x4F0, s9  }
0xe: {  	s10 =	sadd.s32 s8, s10;
	s11 =	sadd.s32 s11, s6;
	s12 =	ssub.s32 s7, s31  }
0xf: {  	s14 =	sshrl.u32 s14, $0x3;
	s15 =	sshrl.u32 s15, $0x3;
	s10 =	sshrl.u32 s10, $0x3  }
0x10: {  	s8 =	sadd.s32 $0x5B200, s11;
	s11 =	simm.s32 $0x3;
	s9 =	sadd.s32 s9, s6  }
0x11: {  	s10 =	sadd.s32 s10, s6;
	s6 =	sadd.s32 $0x15400, s9;
	s7 =	sadd.s32 $0xB600, s9  }
0x12: {  	s9 =	sadd.s32 $0x6F200, s10;
	s10 =	smax.u32 s12, $0x1;
	s12 =	simm.s32 $0x2780  }
.LBB2_1:
0x13: {  	[tilespmem:s5], [sflag:$0x3] =	stream.linear.gather [hbm4b:s6+s5], $0x2780, $0x38;
	[tilespmem:$0x1CF00] =	vst v63  }
0x14: {  	_ =	swait.ge [sflag:s11], $0x2780  }
0x15: {  	[sflag:s11] =	ssyncset.done $0x0  }
0x16: {  	[sflag:s11] =	ssyncadd.s32 $0xFFFFD880  }
0x17: {  	[tilespmem:s12], [sflag:$0x3] =	stream.linear.gather [hbm4b:s7+s5], $0x2780, $0x38;
	[tilespmem:$0x1CF00] =	vst v63  }
0x18: {  	_ =	swait.ge [sflag:s11], $0x2780  }
0x19: {  	[sflag:s11] =	ssyncset.done $0x0  }
0x1a: {  	[sflag:s11] =	ssyncadd.s32 $0xFFFFD880  }
0x1b: {  	[spmem:s14], [sflag:s13] =	dma.local [hbm:s2], $0x1400  }
0x1c: {  	_ =	swait.ge [sflag:s11], $0x1400  }
0x1d: {  	[sflag:s11] =	ssyncset.done $0x0  }
0x1e: {  	[sflag:s11] =	ssyncadd.s32 $0xFFFFEC00  }
0x1f: {  	[spmem:s15], [sflag:s13] =	dma.local [hbm:s8], $0x1400  }
0x20: {  	_ =	swait.ge [sflag:s11], $0x1400  }
0x21: {  	[sflag:s11] =	ssyncset.done $0x0  }
0x22: {  	[sflag:s11] =	ssyncadd.s32 $0xFFFFEC00  }
0x23: {  	[bflag:$0x0] =	sbarrier.arrive $0xFFFF  }
0x24: {  	[tilespmem:s17], [sflag:$0x1] =	stream.indirect.gather [spmem:s4], $0x40, s5, s16, $0xb8;
	[tilespmem:$0x1CF00] =	vst v63  }
0x25: {  	_ =	swait.ge [sflag:s18], $0x2000  }
0x26: {  	[sflag:s18] =	ssyncset.done $0x0  }
0x27: {  	s23 =	simm.s32 $0x80;
	[sflag:s18] =	ssyncadd.s32 $0xFFFFE000  }
0x28: {  	[tilespmem:s19], [sflag:$0x2] =	stream.indirect.gather [spmem:s4], $0x40, s23, s16, $0xb8;
	[tilespmem:$0x1CF00] =	vst v63  }
0x29: {  	s29 =	simm.s32 $0x2780  }
0x2a: {  	[spmem:s3] =	stream.indirect.scatter.add.f32 [tilespmem:s17], [sflag:$0x3], $0x40, s29, s16, $0xb8;
	[tilespmem:$0x1CF00] =	vst v63  }
0x2b: {  	_ =	swait.ge [sflag:s11], $0x2000  }
0x2c: {  	[sflag:s11] =	ssyncset.done $0x0  }
0x2d: {  	[sflag:s11] =	ssyncadd.s32 $0xFFFFE000  }
0x2e: {  	_ =	swait.ge [sflag:s20], $0x2000  }
0x2f: {  	[sflag:s20] =	ssyncset.done $0x0  }
0x30: {  	s30 =	simm.s32 $0x100;
	[sflag:s20] =	ssyncadd.s32 $0xFFFFE000  }
0x31: {  	[tilespmem:s17], [sflag:$0x1] =	stream.indirect.gather [spmem:s4], $0x40, s30, s16, $0xb8;
	[tilespmem:$0x1CF00] =	vst v63  }
0x32: {  	s31 =	simm.s32 $0x2800  }
0x33: {  	[spmem:s3] =	stream.indirect.scatter.add.f32 [tilespmem:s19], [sflag:$0x3], $0x40, s31, s16, $0xb8;
	[tilespmem:$0x1CF00] =	vst v63  }
0x34: {  	_ =	swait.ge [sflag:s11], $0x2000  }
0x35: {  	s23 =	simm.s32 $0x400;
	[sflag:s11] =	ssyncset.done $0x0  }
.LBB2_2:
0x36: {  	p0 =	sne.s32 s23, $0x9800  }
0x37: {  	[sflag:s11] =	ssyncadd.s32 $0xFFFFE000;
	s24 =	smov.u32 s23;
	s23 =	sadd.s32 $0x400, s23  }
0x38: {  	_ = 	snop  }
0x39: {  	_ =	swait.ge [sflag:s18], $0x2000  }
0x3a: {  	s24 =	sshra.s32 s24, $0x2;
	[sflag:s18] =	ssyncset.done $0x0  }
0x3b: {  	s25 =	sadd.s32 $0x80, s24;
	[sflag:s18] =	ssyncadd.s32 $0xFFFFE000  }
0x3c: {  	[tilespmem:s19], [sflag:$0x2] =	stream.indirect.gather [spmem:s4], $0x40, s25, s16, $0xb8;
	[tilespmem:$0x1CF00] =	vst v63  }
0x3d: {  	s25 =	sadd.s32 $0x2780, s24  }
0x3e: {  	[spmem:s3] =	stream.indirect.scatter.add.f32 [tilespmem:s17], [sflag:$0x3], $0x40, s25, s16, $0xb8;
	[tilespmem:$0x1CF00] =	vst v63  }
0x3f: {  	_ =	swait.ge [sflag:s11], $0x2000  }
0x40: {  	[sflag:s11] =	ssyncset.done $0x0  }
0x41: {  	[sflag:s11] =	ssyncadd.s32 $0xFFFFE000  }
0x42: {  	_ =	swait.ge [sflag:s20], $0x2000  }
0x43: {  	[sflag:s20] =	ssyncset.done $0x0  }
0x44: {  	s25 =	sadd.s32 $0x100, s24;
	[sflag:s20] =	ssyncadd.s32 $0xFFFFE000  }
0x45: {  	[tilespmem:s17], [sflag:$0x1] =	stream.indirect.gather [spmem:s4], $0x40, s25, s16, $0xb8;
	[tilespmem:$0x1CF00] =	vst v63  }
.Ltmp0:
0x46: {  	_ = 	snop;
	(pc) =	sbr.rel @p0 .LBB2_2-.Ltmp0, $4  }
0x47: {  	s24 =	sadd.s32 $0x2800, s24  }
0x48: {  	[spmem:s3] =	stream.indirect.scatter.add.f32 [tilespmem:s19], [sflag:$0x3], $0x40, s24, s16, $0xb8;
	[tilespmem:$0x1CF00] =	vst v63  }
0x49: {  	_ =	swait.ge [sflag:s11], $0x2000  }
0x4a: {  	[sflag:s11] =	ssyncset.done $0x0  }
0x4b: {  	[sflag:s11] =	ssyncadd.s32 $0xFFFFE000  }
0x4c: {  	_ =	swait.ge [sflag:s18], $0x2000  }
0x4d: {  	[sflag:s18] =	ssyncset.done $0x0  }
0x4e: {  	[sflag:s18] =	ssyncadd.s32 $0xFFFFE000  }
0x4f: {  	[spmem:s3] =	stream.indirect.scatter.add.f32 [tilespmem:s17], [sflag:$0x3], $0x40, s21, s16, $0xb8;
	[tilespmem:$0x1CF00] =	vst v63  }
0x50: {  	_ =	swait.ge [sflag:s11], $0x2000  }
0x51: {  	s22 =	sadd.s32 $0x1, s22;
	[sflag:s11] =	ssyncset.done $0x0  }
0x52: {  	p0 =	sne.s32 s22, s10;
	[sflag:s11] =	ssyncadd.s32 $0xFFFFE000  }
.Ltmp1:
0x53: {  	[bflag:$0x0] =	sbarrier.arrive $0xFFFF;
	(pc) =	sbr.rel @p0 .LBB2_1-.Ltmp1, $4  }
0x54: {  	[hbm:s9], [sflag:s13] =	dma.local [spmem:s14], $0x1400  }
0x55: {  	_ =	swait.ge [sflag:s11], $0x1400  }
0x56: {  	[sflag:s11] =	ssyncset.done $0x0  }
0x57: {  	[sflag:s11] =	ssyncadd.s32 $0xFFFFEC00  }
0x58: {  	_ =	sfence.sel $0x180000  }
0x59: {  	[bflag:$0x0] =	sbarrier.arrive $0xFFFF  }
0x5a: {  	p0 =	sne.s32 s1, $0x0;
	_ =	strace $0x9000004D  }
0x5b: {  	s0 =	sadd.s32 @!p0 $0x100000, s0;
	[bflag:$0x2] =	sbarrier.arrive $0xFFFF  }
0x5c: {  	[sflag:s0] =	ssyncadd.tile.s32 @!p0 $0x1;
	_ =	shalt  }
.Lfunc_end2:
_tile_overlayer_lowered:
.L_overlay_start_2:
0x5d: {  	(tag) =	ssettag $0x2  }
0x5e: {  	s0 =	rddreg [dreg:$0x0];
	s2 =	stileid.u32  }
0x5f: {  	s1 =	rddreg [dreg:$0x1];
	p0 =	sne.s32 s2, $0x0  }
0x60: {  	s3 =	rddreg [dreg:$0x2];
	[bflag:$0x3] =	sbarrier.arrive $0xFFFF;
	s2 =	simm.s32 @!p0 $0x1C03  }
0x61: {  	[timem:s3], [sflag:s2] =	dma.local @!p0 [hbm:s0], s1  }
0x62: {  	s0 =	simm.s32 @!p0 $0x3  }
0x63: {  	_ =	swait.ge @!p0 [sflag:s0], s1  }
0x64: {  	s1 =	ssub.s32 @!p0 $0x0, s1;
	[sflag:s0] =	ssyncset.done @!p0 $0x0  }
0x65: {  	[sflag:s0] =	ssyncadd.s32 @!p0 s1  }
0x66: {  	[bflag:$0x3] =	sbarrier.arrive $0xFFFF  }
0x67: {  	_ =	shalt  }

// kernel: _run.16.cloned.1.call-start
scs
__scs_entry_jumppad:
0x0: {  	(pc) =	sbr.rel $0x88, $3  }
0x1: {  	(tag) =	ssettag $0x0;
	lr =	simm.s32 $0x1  }
0x2: {  	[smem:$0x3F9A] =	sst lr;
	_ =	strace $0xD0000000  }
0x3: {  	_ = 	snop  }
0x4: {  	_ = 	snop  }
0x5: {  	_ = 	snop  }
0x6: {  	_ = 	snop  }
0x7: {  	_ = 	snop  }
__scs_overlays_trampoline_lowered:
0x8: {  	[smem:$0x3FA9] =	sst s0  }
0x9: {  	[smem:$0x3FAA] =	sst s1  }
0xa: {  	[smem:$0x3FAB] =	sst s2  }
0xb: {  	[smem:$0x3FAC] =	sst s3  }
0xc: {  	[smem:$0x3FAD] =	sst s4  }
0xd: {  	[smem:$0x3FAE] =	sst s5  }
0xe: {  	[smem:$0x3FAF] =	sst s6  }
0xf: {  	[smem:$0x3FB0] =	sst s7  }
0x10: {  	[smem:$0x3FB1] =	sst s8  }
0x11: {  	[smem:$0x3FB2] =	sst s9;
	s0 =	simm.s32 @!p0 $0x0  }
0x12: {  	s1 =	sld [smem:$0x3F98];
	s0 =	simm.s32 @p0 $0x1  }
0x13: {  	[smem:$0x3FB3] =	sst s0;
	s0 =	simm.s32 @!p1 $0x0  }
0x14: {  	s2 =	sld [smem:$0x3F97];
	s0 =	simm.s32 @p1 $0x1  }
0x15: {  	[smem:$0x3FB4] =	sst s0;
	s0 =	simm.s32 @!p2 $0x0  }
0x16: {  	s3 =	sld [smem:$0x3FDB];
	s0 =	simm.s32 @p2 $0x1  }
0x17: {  	s4 =	simm.s32 $0x1BF5;
	[smem:$0x3FB6] =	sst s0  }
0x18: {  	s0 =	sld [smem:$0x3F99];
	_ =	swait.ge [sflag:s4], $0x0  }
0x19: {  	s7 =	sld [smem:$0x3F9A]  }
0x1a: {  	s8 =	sadd.s32 $0xFFFFE003, lr  }
0x1b: {  	s9 =	sadd.s32 $0xFFFFFEF7, lr;
	s5 =	simm.s32 $0xFFFFFFFF;
	p2 =	slt.u32 s8, $0xFFFFF086  }
0x1c: {  	p1 =	slt.u32 s9, $0xF7A;
	s5 =	simm.s32 @!p2 $0x0  }
0x1d: {  	s5 =	simm.s32 @p1 $0x1;
	p0 =	seq.s32 s7, s2  }
0x1e: {  	s7 =	smul.u32 @!p0 $0xF7A, s2;
	p2 =	seq.s32 @!p0 s5, $0x0  }
0x1f: {  	s9 =	smul.u32 $0xF7A, s1;
	s8 =	simm.s32 @!p0 $0x1BF5;
	p2 =	por !p2, p0  }
0x20: {  	[sflag:s8] =	ssyncset.s32 @!p0 $0xFFFFF086;
	s6 =	sadd.s32 @!p0 s3, s7;
	s7 =	simm.s32 @!p0 $0x108  }
0x21: {  	s3 =	sadd.s32 s3, s9;
	s6 =	sadd.s32 @!p0 $0x88, s6;
	s7 =	simm.s32 @p2 $0x1082  }
0x22: {  	[simem:s7], [sflag:s8] =	dma.local @!p0 [hbm:s6], $0xF7A  }
0x23: {  	s9 =	sor.u32 $0xD0000000, s2;
	s6 =	simm.s32 $0x108;
	_ =	swait.ge @!p0 [sflag:s8], $0x0  }
0x24: {  	s3 =	sadd.s32 $0x88, s3;
	s6 =	simm.s32 @!p1 $0x1082;
	[sflag:s4] =	ssyncset.s32 $0xFFFFF086  }
0x25: {  	[simem:s6], [sflag:s4] =	dma.local [hbm:s3], $0xF7A  }
0x26: {  	[smem:$0x3F9A] =	sst s1;
	(tag) =	ssettag s2;
	_ =	strace s9  }
0x27: {  	s1 =	sld [smem:$0x3FAA]  }
0x28: {  	s2 =	sld [smem:$0x3FAB]  }
0x29: {  	s4 =	sld [smem:$0x3FAD]  }
0x2a: {  	p0 =	seq.s32 s5, $0x0;
	s5 =	sld [smem:$0x3FAE]  }
0x2b: {  	s6 =	sld [smem:$0x3FAF]  }
0x2c: {  	s7 =	sld [smem:$0x3FB0]  }
0x2d: {  	s3 =	simm.s32 $0x108;
	s8 =	sld [smem:$0x3FB1]  }
0x2e: {  	s3 =	simm.s32 @!p0 $0x1082;
	s9 =	sld [smem:$0x3FB2]  }
0x2f: {  	lr =	sadd.s32 s0, s3;
	s0 =	sld [smem:$0x3FA9]  }
0x30: {  	s3 =	sld [smem:$0x3FAC]  }
0x31: {  	[smem:$0x3FB5] =	sst s10  }
0x32: {  	s10 =	sld [smem:$0x3FB3];
	_ =	sdelay $0x3  }
0x33: {  	p0 =	seq.s32 s10, $0x1;
	s10 =	sld [smem:$0x3FB5];
	_ =	sdelay $0x3  }
0x34: {  	[smem:$0x3FB5] =	sst s10  }
0x35: {  	s10 =	sld [smem:$0x3FB4];
	_ =	sdelay $0x3  }
0x36: {  	p1 =	seq.s32 s10, $0x1;
	s10 =	sld [smem:$0x3FB5];
	_ =	sdelay $0x3  }
0x37: {  	[smem:$0x3FB5] =	sst s10  }
0x38: {  	s10 =	sld [smem:$0x3FB6]  }
0x39: {  	_ = 	snop;
	(pc) =	sbr.ind lr, $3  }
0x3a: {  	_ = 	snop  }
0x3b: {  	_ = 	snop  }
0x3c: {  	p2 =	seq.s32 s10, $0x1;
	s10 =	sld [smem:$0x3FB5]  }
0x3d: {  	_ =	shalt  }
0x3e: {  	_ =	shalt  }
0x3f: {  	_ =	shalt  }
0x40: {  	_ =	shalt  }
0x41: {  	_ =	shalt  }
0x42: {  	_ =	shalt  }
0x43: {  	_ =	shalt  }
0x44: {  	_ =	shalt  }
0x45: {  	_ =	shalt  }
0x46: {  	_ =	shalt  }
0x47: {  	_ =	shalt  }
0x48: {  	_ =	shalt  }
0x49: {  	_ =	shalt  }
0x4a: {  	_ =	shalt  }
0x4b: {  	_ =	shalt  }
0x4c: {  	_ =	shalt  }
0x4d: {  	_ =	shalt  }
0x4e: {  	_ =	shalt  }
0x4f: {  	_ =	shalt  }
0x50: {  	_ =	shalt  }
0x51: {  	_ =	shalt  }
0x52: {  	_ =	shalt  }
0x53: {  	_ =	shalt  }
0x54: {  	_ =	shalt  }
0x55: {  	_ =	shalt  }
0x56: {  	_ =	shalt  }
0x57: {  	_ =	shalt  }
0x58: {  	_ =	shalt  }
0x59: {  	_ =	shalt  }
0x5a: {  	_ =	shalt  }
0x5b: {  	_ =	shalt  }
0x5c: {  	_ =	shalt  }
0x5d: {  	_ =	shalt  }
0x5e: {  	_ =	shalt  }
0x5f: {  	_ =	shalt  }
0x60: {  	_ =	shalt  }
0x61: {  	_ =	shalt  }
0x62: {  	_ =	shalt  }
0x63: {  	_ =	shalt  }
0x64: {  	_ =	shalt  }
0x65: {  	_ =	shalt  }
0x66: {  	_ =	shalt  }
0x67: {  	_ =	shalt  }
0x68: {  	_ =	shalt  }
0x69: {  	_ =	shalt  }
0x6a: {  	_ =	shalt  }
0x6b: {  	_ =	shalt  }
0x6c: {  	_ =	shalt  }
0x6d: {  	_ =	shalt  }
0x6e: {  	_ =	shalt  }
0x6f: {  	_ =	shalt  }
0x70: {  	_ =	shalt  }
0x71: {  	_ =	shalt  }
0x72: {  	_ =	shalt  }
0x73: {  	_ =	shalt  }
0x74: {  	_ =	shalt  }
0x75: {  	_ =	shalt  }
0x76: {  	_ =	shalt  }
0x77: {  	_ =	shalt  }
0x78: {  	_ =	shalt  }
0x79: {  	_ =	shalt  }
0x7a: {  	_ =	shalt  }
0x7b: {  	_ =	shalt  }
0x7c: {  	_ =	shalt  }
0x7d: {  	_ =	shalt  }
0x7e: {  	_ =	shalt  }
0x7f: {  	_ =	shalt  }
0x80: {  	_ =	shalt  }
0x81: {  	_ =	shalt  }
0x82: {  	_ =	shalt  }
0x83: {  	_ =	shalt  }
0x84: {  	_ =	shalt  }
0x85: {  	_ =	shalt  }
0x86: {  	_ =	shalt  }
0x87: {  	_ =	shalt  }
.Lfunc_end0:
.L_simem_size_0:
called_computation.2_lowered:
.L_overlay_start_0:
0x88: {  	s2 =	sld [smem:$0x3FD9]  }
0x89: {  	s3 =	sld [smem:$0x3FFE];
	_ =	sdelay $0x1  }
0x8a: {  	s1 =	srdreg.scid  }
0x8b: {  	s0 =	sand.u32 $0x1, s1  }
0x8c: {  	s17 =	sshll.u32 s0, $0xA;
	s2 =	sadd.s32 s3, s2  }
0x8d: {  	s2 =	sadd.s32 s2, s17  }
0x8e: {  	[smem:$0x3FC1] =	sst s2  }
0x8f: {  	_ = 	snop  }
0x90: {  	s2 =	sld [smem:$0x3FD0];
	(tm) =	ssettm $0x1  }
0x91: {  	s18 =	sld [smem:$0x3FFB];
	_ =	sdelay $0x3  }
0x92: {  	_ =	strace s18  }
0x93: {  	s3 =	sld [smem:$0x3FFC];
	_ =	sdelay $0x3  }
0x94: {  	_ =	strace s3  }
0x95: {  	s3 =	sld [smem:$0x3FFD];
	_ =	sdelay $0x3  }
0x96: {  	_ =	strace s3  }
0x97: {  	_ =	strace $0x8FFFFFFF  }
0x98: {  	s19 =	sld [smem:$0x3FDB];
	_ =	sdelay $0x1  }
0x99: {  	s4 =	simm.s32 $_scs_section_size  }
0x9a: {  	s5 =	simm.s32 $_size__tile_overlayer_lowered;
	s6 =	simm.s32 $_tile_overlayer_lowered  }
0x9b: {  	s22 =	simm.s32 $0x1BFF;
	s21 =	sshll.u32 s6, $0x1;
	s3 =	sadd.s32 s4, s19  }
0x9c: {  	s7 =	simm.s32 $0x0;
	s20 =	sshll.u32 s5, $0x1;
	s5 =	sadd.s32 s21, s3  }
0x9d: {  	[timem:s7], [sflag:s22] =	dma.local [hbm:s5], s20  }
0x9e: {  	_ =	swait.ge [sflag:s22], s20  }
0x9f: {  	s4 =	ssub.s32 $0x0, s20;
	[sflag:s22] =	ssyncset.done $0x0  }
0xa0: {  	[sflag:s22] =	ssyncadd.s32 s4;
	_ =	sdelay $0x1  }
0xa1: {  	s23 =	simm.s32 $0x1B8B  }
0xa2: {  	_ =	swait.ge [sflag:s23], $0x1  }
0xa3: {  	[sflag:s23] =	ssyncset.done $0x0  }
0xa4: {  	s25 =	simm.s32 $0x1B8E;
	s24 =	sld [smem:$0x3FFE];
	[sflag:s23] =	ssyncadd.s32 $0xFFFFFFFF  }
0xa5: {  	s26 =	simm.s32 $execute0_lowered;
	[smem:$0x3FD2] =	sst s25  }
0xa6: {  	s5 =	sshll.u32 s26, $0x1;
	_ =	strace $0x80000049;
	[dreg:$0x1] =	wrdreg $0xFFFFFFFF  }
0xa7: {  	s28 =	simm.s32 $_size_execute0_lowered;
	s3 =	sadd.s32 s3, s5;
	[dreg:$0x0] =	wrdreg $0x0  }
0xa8: {  	s5 =	sshll.u32 s28, $0x1;
	[dreg:$0x2] =	wrdreg s3  }
0xa9: {  	[dreg:$0x3] =	wrdreg s5  }
0xaa: {  	[dreg:$0x4] =	wrdreg $0xC0  }
0xab: {  	_ =	task [dreg:s7], $0x5FFFF  }
0xac: {  	[dreg:$0x1] =	wrdreg $0xFFFFFFFF  }
0xad: {  	[dreg:$0x0] =	wrdreg $0x60  }
0xae: {  	[dreg:$0x2] =	wrdreg s24  }
0xaf: {  	[dreg:$0x3] =	wrdreg s2  }
0xb0: {  	[dreg:$0x4] =	wrdreg $0x8F000  }
0xb1: {  	[dreg:$0x5] =	wrdreg $0x12F000  }
0xb2: {  	[dreg:$0x6] =	wrdreg $0xA  }
0xb3: {  	_ =	task.clear_ibuf [dreg:s7], $0x7FFFF;
	_ =	strace $0x90000049  }
0xb4: {  	s29 =	simm.s32 $0xA;
	_ =	strace $0x8000004B  }
0xb5: {  	_ =	swait.ge [sflag:s29], $0x1  }
0xb6: {  	[sflag:s29] =	ssyncadd.s32 $0xFFFFFFFF  }
0xb7: {  	_ =	strace $0x9000004B  }
0xb8: {  	_ =	sfence  }
0xb9: {  	s30 =	sld [smem:$0x0];
	_ =	sdelay $0x2  }
0xba: {  	s31 =	sshll.u32 s1, $0xD;
	s1 =	sshrl.u32 s1, $0x2  }
0xbb: {  	s3 =	sand.u32 $0x4000, s31;
	s1 =	sadd.s32 s1, s30  }
0xbc: {  	s0 =	sor.u32 s3, s0;
	s1 =	sshll.u32 s1, $0x11  }
0xbd: {  	s0 =	sor.u32 s1, s0  }
0xbe: {  	s0 =	sadd.s32 $0x8F2B, s0  }
0xbf: {  	[sflag:s0] =	ssyncadd.remote.s32 $0x1  }
0xc0: {  	_ =	sfence.sel $0xFFFF  }
0xc1: {  	[dreg:$0x0] =	wrdreg $0xFFFFFFFF;
	(pc) =	sbr.abs _section_cstart, $3  }
0xc2: {  	[dreg:$0x1] =	wrdreg $0xFFFFFFFF  }
0xc3: {  	_ =	task.clear_ibuf [dreg:s7], $0x2FFFF;
	_ =	strace $0x9FFFFFFF  }
0xc4: {  	(tm) =	ssettm $0x7FFFFFFF  }
0xc5: {  	_ =	shalt  }
tec
execute0_lowered:
.L_overlay_start_1:
0x0: {  	(tag) =	ssettag $0x1  }
0x1: {  	s6 =	rddreg [dreg:$0x0]  }
0x2: {  	s2 =	rddreg [dreg:$0x1]  }
0x3: {  	s3 =	rddreg [dreg:$0x2]  }
0x4: {  	s4 =	rddreg [dreg:$0x3]  }
0x5: {  	s0 =	rddreg [dreg:$0x4];
	s1 =	stileid.u32  }
0x6: {  	s7 =	srdreg.scid;
	s5 =	simm.s32 $0x0;
	s16 =	simm.s32 $0x80  }
0x7: {  	s17 =	simm.s32 $0x4F00;
	s18 =	simm.s32 $0x1;
	s19 =	simm.s32 $0x6F00  }
0x8: {  	s20 =	simm.s32 $0x2;
	s21 =	simm.s32 $0x4E80;
	s22 =	simm.s32 $0x0  }
0x9: {  	s8 =	smul.u32 $0xA000, s1;
	s7 =	sand.u32 $0x1, s7;
	[smem:$0x7FF] =	sst s5  }
0xa: {  	s13 =	sshll.u32 s1, $0x6;
	s9 =	sshll.u32 s7, $0x4;
	s10 =	smul.u32 $0xA0000, s7  }
0xb: {  	_ =	strace $0x8000004A;
	s7 =	ssub.s32 $0x2, s7;
	s13 =	sor.u32 $0x1C03, s13  }
0xc: {  	s9 =	sor.u32 s1, s9;
	s11 =	sshrl.u32 s8, $0x3;
	s31 =	sshrl.u32 s7, $0x1  }
0xd: {  	s14 =	sadd.s32 s8, s3;
	s15 =	sadd.s32 s8, s4;
	s9 =	smul.u32 $0x4F0, s9  }
0xe: {  	s10 =	sadd.s32 s8, s10;
	s11 =	sadd.s32 s11, s6;
	s12 =	ssub.s32 s7, s31  }
0xf: {  	s14 =	sshrl.u32 s14, $0x3;
	s15 =	sshrl.u32 s15, $0x3;
	s10 =	sshrl.u32 s10, $0x3  }
0x10: {  	s8 =	sadd.s32 $0x1F200, s11;
	s11 =	simm.s32 $0x3;
	s9 =	sadd.s32 s9, s6  }
0x11: {  	s10 =	sadd.s32 s10, s6;
	s6 =	sadd.s32 $0x15400, s9;
	s7 =	sadd.s32 $0xB600, s9  }
0x12: {  	s9 =	sadd.s32 $0x33200, s10;
	s10 =	smax.u32 s12, $0x1;
	s12 =	simm.s32 $0x2780  }
.LBB2_1:
0x13: {  	[tilespmem:s5], [sflag:$0x3] =	stream.linear.gather [hbm4b:s6+s5], $0x2780, $0x38;
	[tilespmem:$0x1CF00] =	vst v63  }
0x14: {  	_ =	swait.ge [sflag:s11], $0x2780  }
0x15: {  	[sflag:s11] =	ssyncset.done $0x0  }
0x16: {  	[sflag:s11] =	ssyncadd.s32 $0xFFFFD880  }
0x17: {  	[tilespmem:s12], [sflag:$0x3] =	stream.linear.gather [hbm4b:s7+s5], $0x2780, $0x38;
	[tilespmem:$0x1CF00] =	vst v63  }
0x18: {  	_ =	swait.ge [sflag:s11], $0x2780  }
0x19: {  	[sflag:s11] =	ssyncset.done $0x0  }
0x1a: {  	[sflag:s11] =	ssyncadd.s32 $0xFFFFD880  }
0x1b: {  	[spmem:s14], [sflag:s13] =	dma.local [hbm:s2], $0x1400  }
0x1c: {  	_ =	swait.ge [sflag:s11], $0x1400  }
0x1d: {  	[sflag:s11] =	ssyncset.done $0x0  }
0x1e: {  	[sflag:s11] =	ssyncadd.s32 $0xFFFFEC00  }
0x1f: {  	[spmem:s15], [sflag:s13] =	dma.local [hbm:s8], $0x1400  }
0x20: {  	_ =	swait.ge [sflag:s11], $0x1400  }
0x21: {  	[sflag:s11] =	ssyncset.done $0x0  }
0x22: {  	[sflag:s11] =	ssyncadd.s32 $0xFFFFEC00  }
0x23: {  	[bflag:$0x0] =	sbarrier.arrive $0xFFFF  }
0x24: {  	[tilespmem:s17], [sflag:$0x1] =	stream.indirect.gather [spmem:s4], $0x40, s5, s16, $0xb8;
	[tilespmem:$0x1CF00] =	vst v63  }
0x25: {  	_ =	swait.ge [sflag:s18], $0x2000  }
0x26: {  	[sflag:s18] =	ssyncset.done $0x0  }
0x27: {  	s23 =	simm.s32 $0x80;
	[sflag:s18] =	ssyncadd.s32 $0xFFFFE000  }
0x28: {  	[tilespmem:s19], [sflag:$0x2] =	stream.indirect.gather [spmem:s4], $0x40, s23, s16, $0xb8;
	[tilespmem:$0x1CF00] =	vst v63  }
0x29: {  	s29 =	simm.s32 $0x2780  }
0x2a: {  	[spmem:s3] =	stream.indirect.scatter.add.f32 [tilespmem:s17], [sflag:$0x3], $0x40, s29, s16, $0xb8;
	[tilespmem:$0x1CF00] =	vst v63  }
0x2b: {  	_ =	swait.ge [sflag:s11], $0x2000  }
0x2c: {  	[sflag:s11] =	ssyncset.done $0x0  }
0x2d: {  	[sflag:s11] =	ssyncadd.s32 $0xFFFFE000  }
0x2e: {  	_ =	swait.ge [sflag:s20], $0x2000  }
0x2f: {  	[sflag:s20] =	ssyncset.done $0x0  }
0x30: {  	s30 =	simm.s32 $0x100;
	[sflag:s20] =	ssyncadd.s32 $0xFFFFE000  }
0x31: {  	[tilespmem:s17], [sflag:$0x1] =	stream.indirect.gather [spmem:s4], $0x40, s30, s16, $0xb8;
	[tilespmem:$0x1CF00] =	vst v63  }
0x32: {  	s31 =	simm.s32 $0x2800  }
0x33: {  	[spmem:s3] =	stream.indirect.scatter.add.f32 [tilespmem:s19], [sflag:$0x3], $0x40, s31, s16, $0xb8;
	[tilespmem:$0x1CF00] =	vst v63  }
0x34: {  	_ =	swait.ge [sflag:s11], $0x2000  }
0x35: {  	s23 =	simm.s32 $0x400;
	[sflag:s11] =	ssyncset.done $0x0  }
.LBB2_2:
0x36: {  	p0 =	sne.s32 s23, $0x9800  }
0x37: {  	[sflag:s11] =	ssyncadd.s32 $0xFFFFE000;
	s24 =	smov.u32 s23;
	s23 =	sadd.s32 $0x400, s23  }
0x38: {  	_ = 	snop  }
0x39: {  	_ =	swait.ge [sflag:s18], $0x2000  }
0x3a: {  	s24 =	sshra.s32 s24, $0x2;
	[sflag:s18] =	ssyncset.done $0x0  }
0x3b: {  	s25 =	sadd.s32 $0x80, s24;
	[sflag:s18] =	ssyncadd.s32 $0xFFFFE000  }
0x3c: {  	[tilespmem:s19], [sflag:$0x2] =	stream.indirect.gather [spmem:s4], $0x40, s25, s16, $0xb8;
	[tilespmem:$0x1CF00] =	vst v63  }
0x3d: {  	s25 =	sadd.s32 $0x2780, s24  }
0x3e: {  	[spmem:s3] =	stream.indirect.scatter.add.f32 [tilespmem:s17], [sflag:$0x3], $0x40, s25, s16, $0xb8;
	[tilespmem:$0x1CF00] =	vst v63  }
0x3f: {  	_ =	swait.ge [sflag:s11], $0x2000  }
0x40: {  	[sflag:s11] =	ssyncset.done $0x0  }
0x41: {  	[sflag:s11] =	ssyncadd.s32 $0xFFFFE000  }
0x42: {  	_ =	swait.ge [sflag:s20], $0x2000  }
0x43: {  	[sflag:s20] =	ssyncset.done $0x0  }
0x44: {  	s25 =	sadd.s32 $0x100, s24;
	[sflag:s20] =	ssyncadd.s32 $0xFFFFE000  }
0x45: {  	[tilespmem:s17], [sflag:$0x1] =	stream.indirect.gather [spmem:s4], $0x40, s25, s16, $0xb8;
	[tilespmem:$0x1CF00] =	vst v63  }
.Ltmp0:
0x46: {  	_ = 	snop;
	(pc) =	sbr.rel @p0 .LBB2_2-.Ltmp0, $4  }
0x47: {  	s24 =	sadd.s32 $0x2800, s24  }
0x48: {  	[spmem:s3] =	stream.indirect.scatter.add.f32 [tilespmem:s19], [sflag:$0x3], $0x40, s24, s16, $0xb8;
	[tilespmem:$0x1CF00] =	vst v63  }
0x49: {  	_ =	swait.ge [sflag:s11], $0x2000  }
0x4a: {  	[sflag:s11] =	ssyncset.done $0x0  }
0x4b: {  	[sflag:s11] =	ssyncadd.s32 $0xFFFFE000  }
0x4c: {  	_ =	swait.ge [sflag:s18], $0x2000  }
0x4d: {  	[sflag:s18] =	ssyncset.done $0x0  }
0x4e: {  	[sflag:s18] =	ssyncadd.s32 $0xFFFFE000  }
0x4f: {  	[spmem:s3] =	stream.indirect.scatter.add.f32 [tilespmem:s17], [sflag:$0x3], $0x40, s21, s16, $0xb8;
	[tilespmem:$0x1CF00] =	vst v63  }
0x50: {  	_ =	swait.ge [sflag:s11], $0x2000  }
0x51: {  	s22 =	sadd.s32 $0x1, s22;
	[sflag:s11] =	ssyncset.done $0x0  }
0x52: {  	p0 =	sne.s32 s22, s10;
	[sflag:s11] =	ssyncadd.s32 $0xFFFFE000  }
.Ltmp1:
0x53: {  	[bflag:$0x0] =	sbarrier.arrive $0xFFFF;
	(pc) =	sbr.rel @p0 .LBB2_1-.Ltmp1, $4  }
0x54: {  	[hbm:s9], [sflag:s13] =	dma.local [spmem:s14], $0x1400  }
0x55: {  	_ =	swait.ge [sflag:s11], $0x1400  }
0x56: {  	[sflag:s11] =	ssyncset.done $0x0  }
0x57: {  	[sflag:s11] =	ssyncadd.s32 $0xFFFFEC00  }
0x58: {  	_ =	sfence.sel $0x180000  }
0x59: {  	[bflag:$0x0] =	sbarrier.arrive $0xFFFF  }
0x5a: {  	p0 =	sne.s32 s1, $0x0;
	_ =	strace $0x9000004A  }
0x5b: {  	s0 =	sadd.s32 @!p0 $0x100000, s0;
	[bflag:$0x2] =	sbarrier.arrive $0xFFFF  }
0x5c: {  	[sflag:s0] =	ssyncadd.tile.s32 @!p0 $0x1;
	_ =	shalt  }
.Lfunc_end2:
_tile_overlayer_lowered:
.L_overlay_start_2:
0x5d: {  	(tag) =	ssettag $0x2  }
0x5e: {  	s0 =	rddreg [dreg:$0x0];
	s2 =	stileid.u32  }
0x5f: {  	s1 =	rddreg [dreg:$0x1];
	p0 =	sne.s32 s2, $0x0  }
0x60: {  	s3 =	rddreg [dreg:$0x2];
	[bflag:$0x3] =	sbarrier.arrive $0xFFFF;
	s2 =	simm.s32 @!p0 $0x1C03  }
0x61: {  	[timem:s3], [sflag:s2] =	dma.local @!p0 [hbm:s0], s1  }
0x62: {  	s0 =	simm.s32 @!p0 $0x3  }
0x63: {  	_ =	swait.ge @!p0 [sflag:s0], s1  }
0x64: {  	s1 =	ssub.s32 @!p0 $0x0, s1;
	[sflag:s0] =	ssyncset.done @!p0 $0x0  }
0x65: {  	[sflag:s0] =	ssyncadd.s32 @!p0 s1  }
0x66: {  	[bflag:$0x3] =	sbarrier.arrive $0xFFFF  }
0x67: {  	_ =	shalt  }

// kernel: _run.19.cloned.1.call-start
scs
__scs_entry_jumppad:
0x0: {  	(pc) =	sbr.rel $0x88, $3  }
0x1: {  	(tag) =	ssettag $0x0;
	lr =	simm.s32 $0x1  }
0x2: {  	[smem:$0x3F9A] =	sst lr;
	_ =	strace $0xD0000000  }
0x3: {  	_ = 	snop  }
0x4: {  	_ = 	snop  }
0x5: {  	_ = 	snop  }
0x6: {  	_ = 	snop  }
0x7: {  	_ = 	snop  }
__scs_overlays_trampoline_lowered:
0x8: {  	[smem:$0x3FA9] =	sst s0  }
0x9: {  	[smem:$0x3FAA] =	sst s1  }
0xa: {  	[smem:$0x3FAB] =	sst s2  }
0xb: {  	[smem:$0x3FAC] =	sst s3  }
0xc: {  	[smem:$0x3FAD] =	sst s4  }
0xd: {  	[smem:$0x3FAE] =	sst s5  }
0xe: {  	[smem:$0x3FAF] =	sst s6  }
0xf: {  	[smem:$0x3FB0] =	sst s7  }
0x10: {  	[smem:$0x3FB1] =	sst s8  }
0x11: {  	[smem:$0x3FB2] =	sst s9;
	s0 =	simm.s32 @!p0 $0x0  }
0x12: {  	s1 =	sld [smem:$0x3F98];
	s0 =	simm.s32 @p0 $0x1  }
0x13: {  	[smem:$0x3FB3] =	sst s0;
	s0 =	simm.s32 @!p1 $0x0  }
0x14: {  	s2 =	sld [smem:$0x3F97];
	s0 =	simm.s32 @p1 $0x1  }
0x15: {  	[smem:$0x3FB4] =	sst s0;
	s0 =	simm.s32 @!p2 $0x0  }
0x16: {  	s3 =	sld [smem:$0x3FDB];
	s0 =	simm.s32 @p2 $0x1  }
0x17: {  	s4 =	simm.s32 $0x1BF5;
	[smem:$0x3FB6] =	sst s0  }
0x18: {  	s0 =	sld [smem:$0x3F99];
	_ =	swait.ge [sflag:s4], $0x0  }
0x19: {  	s7 =	sld [smem:$0x3F9A]  }
0x1a: {  	s8 =	sadd.s32 $0xFFFFE003, lr  }
0x1b: {  	s9 =	sadd.s32 $0xFFFFFEF7, lr;
	s5 =	simm.s32 $0xFFFFFFFF;
	p2 =	slt.u32 s8, $0xFFFFF086  }
0x1c: {  	p1 =	slt.u32 s9, $0xF7A;
	s5 =	simm.s32 @!p2 $0x0  }
0x1d: {  	s5 =	simm.s32 @p1 $0x1;
	p0 =	seq.s32 s7, s2  }
0x1e: {  	s7 =	smul.u32 @!p0 $0xF7A, s2;
	p2 =	seq.s32 @!p0 s5, $0x0  }
0x1f: {  	s9 =	smul.u32 $0xF7A, s1;
	s8 =	simm.s32 @!p0 $0x1BF5;
	p2 =	por !p2, p0  }
0x20: {  	[sflag:s8] =	ssyncset.s32 @!p0 $0xFFFFF086;
	s6 =	sadd.s32 @!p0 s3, s7;
	s7 =	simm.s32 @!p0 $0x108  }
0x21: {  	s3 =	sadd.s32 s3, s9;
	s6 =	sadd.s32 @!p0 $0x88, s6;
	s7 =	simm.s32 @p2 $0x1082  }
0x22: {  	[simem:s7], [sflag:s8] =	dma.local @!p0 [hbm:s6], $0xF7A  }
0x23: {  	s9 =	sor.u32 $0xD0000000, s2;
	s6 =	simm.s32 $0x108;
	_ =	swait.ge @!p0 [sflag:s8], $0x0  }
0x24: {  	s3 =	sadd.s32 $0x88, s3;
	s6 =	simm.s32 @!p1 $0x1082;
	[sflag:s4] =	ssyncset.s32 $0xFFFFF086  }
0x25: {  	[simem:s6], [sflag:s4] =	dma.local [hbm:s3], $0xF7A  }
0x26: {  	[smem:$0x3F9A] =	sst s1;
	(tag) =	ssettag s2;
	_ =	strace s9  }
0x27: {  	s1 =	sld [smem:$0x3FAA]  }
0x28: {  	s2 =	sld [smem:$0x3FAB]  }
0x29: {  	s4 =	sld [smem:$0x3FAD]  }
0x2a: {  	p0 =	seq.s32 s5, $0x0;
	s5 =	sld [smem:$0x3FAE]  }
0x2b: {  	s6 =	sld [smem:$0x3FAF]  }
0x2c: {  	s7 =	sld [smem:$0x3FB0]  }
0x2d: {  	s3 =	simm.s32 $0x108;
	s8 =	sld [smem:$0x3FB1]  }
0x2e: {  	s3 =	simm.s32 @!p0 $0x1082;
	s9 =	sld [smem:$0x3FB2]  }
0x2f: {  	lr =	sadd.s32 s0, s3;
	s0 =	sld [smem:$0x3FA9]  }
0x30: {  	s3 =	sld [smem:$0x3FAC]  }
0x31: {  	[smem:$0x3FB5] =	sst s10  }
0x32: {  	s10 =	sld [smem:$0x3FB3];
	_ =	sdelay $0x3  }
0x33: {  	p0 =	seq.s32 s10, $0x1;
	s10 =	sld [smem:$0x3FB5];
	_ =	sdelay $0x3  }
0x34: {  	[smem:$0x3FB5] =	sst s10  }
0x35: {  	s10 =	sld [smem:$0x3FB4];
	_ =	sdelay $0x3  }
0x36: {  	p1 =	seq.s32 s10, $0x1;
	s10 =	sld [smem:$0x3FB5];
	_ =	sdelay $0x3  }
0x37: {  	[smem:$0x3FB5] =	sst s10  }
0x38: {  	s10 =	sld [smem:$0x3FB6]  }
0x39: {  	_ = 	snop;
	(pc) =	sbr.ind lr, $3  }
0x3a: {  	_ = 	snop  }
0x3b: {  	_ = 	snop  }
0x3c: {  	p2 =	seq.s32 s10, $0x1;
	s10 =	sld [smem:$0x3FB5]  }
0x3d: {  	_ =	shalt  }
0x3e: {  	_ =	shalt  }
0x3f: {  	_ =	shalt  }
0x40: {  	_ =	shalt  }
0x41: {  	_ =	shalt  }
0x42: {  	_ =	shalt  }
0x43: {  	_ =	shalt  }
0x44: {  	_ =	shalt  }
0x45: {  	_ =	shalt  }
0x46: {  	_ =	shalt  }
0x47: {  	_ =	shalt  }
0x48: {  	_ =	shalt  }
0x49: {  	_ =	shalt  }
0x4a: {  	_ =	shalt  }
0x4b: {  	_ =	shalt  }
0x4c: {  	_ =	shalt  }
0x4d: {  	_ =	shalt  }
0x4e: {  	_ =	shalt  }
0x4f: {  	_ =	shalt  }
0x50: {  	_ =	shalt  }
0x51: {  	_ =	shalt  }
0x52: {  	_ =	shalt  }
0x53: {  	_ =	shalt  }
0x54: {  	_ =	shalt  }
0x55: {  	_ =	shalt  }
0x56: {  	_ =	shalt  }
0x57: {  	_ =	shalt  }
0x58: {  	_ =	shalt  }
0x59: {  	_ =	shalt  }
0x5a: {  	_ =	shalt  }
0x5b: {  	_ =	shalt  }
0x5c: {  	_ =	shalt  }
0x5d: {  	_ =	shalt  }
0x5e: {  	_ =	shalt  }
0x5f: {  	_ =	shalt  }
0x60: {  	_ =	shalt  }
0x61: {  	_ =	shalt  }
0x62: {  	_ =	shalt  }
0x63: {  	_ =	shalt  }
0x64: {  	_ =	shalt  }
0x65: {  	_ =	shalt  }
0x66: {  	_ =	shalt  }
0x67: {  	_ =	shalt  }
0x68: {  	_ =	shalt  }
0x69: {  	_ =	shalt  }
0x6a: {  	_ =	shalt  }
0x6b: {  	_ =	shalt  }
0x6c: {  	_ =	shalt  }
0x6d: {  	_ =	shalt  }
0x6e: {  	_ =	shalt  }
0x6f: {  	_ =	shalt  }
0x70: {  	_ =	shalt  }
0x71: {  	_ =	shalt  }
0x72: {  	_ =	shalt  }
0x73: {  	_ =	shalt  }
0x74: {  	_ =	shalt  }
0x75: {  	_ =	shalt  }
0x76: {  	_ =	shalt  }
0x77: {  	_ =	shalt  }
0x78: {  	_ =	shalt  }
0x79: {  	_ =	shalt  }
0x7a: {  	_ =	shalt  }
0x7b: {  	_ =	shalt  }
0x7c: {  	_ =	shalt  }
0x7d: {  	_ =	shalt  }
0x7e: {  	_ =	shalt  }
0x7f: {  	_ =	shalt  }
0x80: {  	_ =	shalt  }
0x81: {  	_ =	shalt  }
0x82: {  	_ =	shalt  }
0x83: {  	_ =	shalt  }
0x84: {  	_ =	shalt  }
0x85: {  	_ =	shalt  }
0x86: {  	_ =	shalt  }
0x87: {  	_ =	shalt  }
.Lfunc_end0:
.L_simem_size_0:
called_computation.3_lowered:
.L_overlay_start_0:
0x88: {  	s2 =	sld [smem:$0x3FD9]  }
0x89: {  	s3 =	sld [smem:$0x3FFE];
	_ =	sdelay $0x1  }
0x8a: {  	s1 =	srdreg.scid  }
0x8b: {  	s0 =	sand.u32 $0x1, s1  }
0x8c: {  	s17 =	sshll.u32 s0, $0xA;
	s2 =	sadd.s32 s3, s2  }
0x8d: {  	s2 =	sadd.s32 s2, s17  }
0x8e: {  	[smem:$0x3FC1] =	sst s2  }
0x8f: {  	_ = 	snop  }
0x90: {  	s2 =	sld [smem:$0x3FD0];
	(tm) =	ssettm $0x1  }
0x91: {  	s18 =	sld [smem:$0x3FFB];
	_ =	sdelay $0x3  }
0x92: {  	_ =	strace s18  }
0x93: {  	s3 =	sld [smem:$0x3FFC];
	_ =	sdelay $0x3  }
0x94: {  	_ =	strace s3  }
0x95: {  	s3 =	sld [smem:$0x3FFD];
	_ =	sdelay $0x3  }
0x96: {  	_ =	strace s3  }
0x97: {  	_ =	strace $0x8FFFFFFF  }
0x98: {  	s19 =	sld [smem:$0x3FDB];
	_ =	sdelay $0x1  }
0x99: {  	s4 =	simm.s32 $_scs_section_size  }
0x9a: {  	s5 =	simm.s32 $_size__tile_overlayer_lowered;
	s6 =	simm.s32 $_tile_overlayer_lowered  }
0x9b: {  	s22 =	simm.s32 $0x1BFF;
	s21 =	sshll.u32 s6, $0x1;
	s3 =	sadd.s32 s4, s19  }
0x9c: {  	s7 =	simm.s32 $0x0;
	s20 =	sshll.u32 s5, $0x1;
	s5 =	sadd.s32 s21, s3  }
0x9d: {  	[timem:s7], [sflag:s22] =	dma.local [hbm:s5], s20  }
0x9e: {  	_ =	swait.ge [sflag:s22], s20  }
0x9f: {  	s4 =	ssub.s32 $0x0, s20;
	[sflag:s22] =	ssyncset.done $0x0  }
0xa0: {  	[sflag:s22] =	ssyncadd.s32 s4;
	_ =	sdelay $0x1  }
0xa1: {  	s23 =	simm.s32 $0x1B8B  }
0xa2: {  	_ =	swait.ge [sflag:s23], $0x1  }
0xa3: {  	[sflag:s23] =	ssyncset.done $0x0  }
0xa4: {  	s25 =	simm.s32 $0x1B8E;
	s24 =	sld [smem:$0x3FFE];
	[sflag:s23] =	ssyncadd.s32 $0xFFFFFFFF  }
0xa5: {  	s26 =	simm.s32 $execute0_lowered;
	[smem:$0x3FD2] =	sst s25  }
0xa6: {  	s5 =	sshll.u32 s26, $0x1;
	_ =	strace $0x8000004F;
	[dreg:$0x1] =	wrdreg $0xFFFFFFFF  }
0xa7: {  	s28 =	simm.s32 $_size_execute0_lowered;
	s3 =	sadd.s32 s3, s5;
	[dreg:$0x0] =	wrdreg $0x0  }
0xa8: {  	s5 =	sshll.u32 s28, $0x1;
	[dreg:$0x2] =	wrdreg s3  }
0xa9: {  	[dreg:$0x3] =	wrdreg s5  }
0xaa: {  	[dreg:$0x4] =	wrdreg $0xC0  }
0xab: {  	_ =	task [dreg:s7], $0x5FFFF  }
0xac: {  	[dreg:$0x1] =	wrdreg $0xFFFFFFFF  }
0xad: {  	[dreg:$0x0] =	wrdreg $0x60  }
0xae: {  	[dreg:$0x2] =	wrdreg s24  }
0xaf: {  	[dreg:$0x3] =	wrdreg s2  }
0xb0: {  	[dreg:$0x4] =	wrdreg $0x8F000  }
0xb1: {  	[dreg:$0x5] =	wrdreg $0x12F000  }
0xb2: {  	[dreg:$0x6] =	wrdreg $0x9  }
0xb3: {  	_ =	task.clear_ibuf [dreg:s7], $0x7FFFF;
	_ =	strace $0x9000004F  }
0xb4: {  	s29 =	simm.s32 $0x9;
	_ =	strace $0x80000051  }
0xb5: {  	_ =	swait.ge [sflag:s29], $0x1  }
0xb6: {  	[sflag:s29] =	ssyncadd.s32 $0xFFFFFFFF  }
0xb7: {  	_ =	strace $0x90000051  }
0xb8: {  	_ =	sfence  }
0xb9: {  	s30 =	sld [smem:$0x0];
	_ =	sdelay $0x2  }
0xba: {  	s31 =	sshll.u32 s1, $0xD;
	s1 =	sshrl.u32 s1, $0x2  }
0xbb: {  	s3 =	sand.u32 $0x4000, s31;
	s1 =	sadd.s32 s1, s30  }
0xbc: {  	s0 =	sor.u32 s3, s0;
	s1 =	sshll.u32 s1, $0x11  }
0xbd: {  	s0 =	sor.u32 s1, s0  }
0xbe: {  	s0 =	sadd.s32 $0x8F2B, s0  }
0xbf: {  	[sflag:s0] =	ssyncadd.remote.s32 $0x1  }
0xc0: {  	_ =	sfence.sel $0xFFFF  }
0xc1: {  	[dreg:$0x0] =	wrdreg $0xFFFFFFFF;
	(pc) =	sbr.abs _section_cstart, $3  }
0xc2: {  	[dreg:$0x1] =	wrdreg $0xFFFFFFFF  }
0xc3: {  	_ =	task.clear_ibuf [dreg:s7], $0x2FFFF;
	_ =	strace $0x9FFFFFFF  }
0xc4: {  	(tm) =	ssettm $0x7FFFFFFF  }
0xc5: {  	_ =	shalt  }
tec
execute0_lowered:
.L_overlay_start_1:
0x0: {  	(tag) =	ssettag $0x1  }
0x1: {  	s6 =	rddreg [dreg:$0x0]  }
0x2: {  	s2 =	rddreg [dreg:$0x1]  }
0x3: {  	s3 =	rddreg [dreg:$0x2]  }
0x4: {  	s4 =	rddreg [dreg:$0x3]  }
0x5: {  	s0 =	rddreg [dreg:$0x4];
	s1 =	stileid.u32  }
0x6: {  	s7 =	srdreg.scid;
	s5 =	simm.s32 $0x0;
	s16 =	simm.s32 $0x80  }
0x7: {  	s17 =	simm.s32 $0x4F00;
	s18 =	simm.s32 $0x1;
	s19 =	simm.s32 $0x6F00  }
0x8: {  	s20 =	simm.s32 $0x2;
	s21 =	simm.s32 $0x4E80;
	s22 =	simm.s32 $0x0  }
0x9: {  	s8 =	smul.u32 $0xA000, s1;
	s7 =	sand.u32 $0x1, s7;
	[smem:$0x7FF] =	sst s5  }
0xa: {  	s13 =	sshll.u32 s1, $0x6;
	s9 =	sshll.u32 s7, $0x4;
	s10 =	smul.u32 $0xA0000, s7  }
0xb: {  	_ =	strace $0x80000050;
	s7 =	ssub.s32 $0x2, s7;
	s13 =	sor.u32 $0x1C03, s13  }
0xc: {  	s9 =	sor.u32 s1, s9;
	s11 =	sshrl.u32 s8, $0x3;
	s31 =	sshrl.u32 s7, $0x1  }
0xd: {  	s14 =	sadd.s32 s8, s3;
	s15 =	sadd.s32 s8, s4;
	s9 =	smul.u32 $0x4F0, s9  }
0xe: {  	s10 =	sadd.s32 s8, s10;
	s11 =	sadd.s32 s11, s6;
	s12 =	ssub.s32 s7, s31  }
0xf: {  	s14 =	sshrl.u32 s14, $0x3;
	s15 =	sshrl.u32 s15, $0x3;
	s10 =	sshrl.u32 s10, $0x3  }
0x10: {  	s8 =	sadd.s32 $0x1F200, s11;
	s11 =	simm.s32 $0x3;
	s9 =	sadd.s32 s9, s6  }
0x11: {  	s10 =	sadd.s32 s10, s6;
	s6 =	sadd.s32 $0x15400, s9;
	s7 =	sadd.s32 $0xB600, s9  }
0x12: {  	s9 =	sadd.s32 $0x33200, s10;
	s10 =	smax.u32 s12, $0x1;
	s12 =	simm.s32 $0x2780  }
.LBB2_1:
0x13: {  	[tilespmem:s5], [sflag:$0x3] =	stream.linear.gather [hbm4b:s6+s5], $0x2780, $0x38;
	[tilespmem:$0x1CF00] =	vst v63  }
0x14: {  	_ =	swait.ge [sflag:s11], $0x2780  }
0x15: {  	[sflag:s11] =	ssyncset.done $0x0  }
0x16: {  	[sflag:s11] =	ssyncadd.s32 $0xFFFFD880  }
0x17: {  	[tilespmem:s12], [sflag:$0x3] =	stream.linear.gather [hbm4b:s7+s5], $0x2780, $0x38;
	[tilespmem:$0x1CF00] =	vst v63  }
0x18: {  	_ =	swait.ge [sflag:s11], $0x2780  }
0x19: {  	[sflag:s11] =	ssyncset.done $0x0  }
0x1a: {  	[sflag:s11] =	ssyncadd.s32 $0xFFFFD880  }
0x1b: {  	[spmem:s14], [sflag:s13] =	dma.local [hbm:s2], $0x1400  }
0x1c: {  	_ =	swait.ge [sflag:s11], $0x1400  }
0x1d: {  	[sflag:s11] =	ssyncset.done $0x0  }
0x1e: {  	[sflag:s11] =	ssyncadd.s32 $0xFFFFEC00  }
0x1f: {  	[spmem:s15], [sflag:s13] =	dma.local [hbm:s8], $0x1400  }
0x20: {  	_ =	swait.ge [sflag:s11], $0x1400  }
0x21: {  	[sflag:s11] =	ssyncset.done $0x0  }
0x22: {  	[sflag:s11] =	ssyncadd.s32 $0xFFFFEC00  }
0x23: {  	[bflag:$0x0] =	sbarrier.arrive $0xFFFF  }
0x24: {  	[tilespmem:s17], [sflag:$0x1] =	stream.indirect.gather [spmem:s4], $0x40, s5, s16, $0xb8;
	[tilespmem:$0x1CF00] =	vst v63  }
0x25: {  	_ =	swait.ge [sflag:s18], $0x2000  }
0x26: {  	[sflag:s18] =	ssyncset.done $0x0  }
0x27: {  	s23 =	simm.s32 $0x80;
	[sflag:s18] =	ssyncadd.s32 $0xFFFFE000  }
0x28: {  	[tilespmem:s19], [sflag:$0x2] =	stream.indirect.gather [spmem:s4], $0x40, s23, s16, $0xb8;
	[tilespmem:$0x1CF00] =	vst v63  }
0x29: {  	s29 =	simm.s32 $0x2780  }
0x2a: {  	[spmem:s3] =	stream.indirect.scatter.add.f32 [tilespmem:s17], [sflag:$0x3], $0x40, s29, s16, $0xb8;
	[tilespmem:$0x1CF00] =	vst v63  }
0x2b: {  	_ =	swait.ge [sflag:s11], $0x2000  }
0x2c: {  	[sflag:s11] =	ssyncset.done $0x0  }
0x2d: {  	[sflag:s11] =	ssyncadd.s32 $0xFFFFE000  }
0x2e: {  	_ =	swait.ge [sflag:s20], $0x2000  }
0x2f: {  	[sflag:s20] =	ssyncset.done $0x0  }
0x30: {  	s30 =	simm.s32 $0x100;
	[sflag:s20] =	ssyncadd.s32 $0xFFFFE000  }
0x31: {  	[tilespmem:s17], [sflag:$0x1] =	stream.indirect.gather [spmem:s4], $0x40, s30, s16, $0xb8;
	[tilespmem:$0x1CF00] =	vst v63  }
0x32: {  	s31 =	simm.s32 $0x2800  }
0x33: {  	[spmem:s3] =	stream.indirect.scatter.add.f32 [tilespmem:s19], [sflag:$0x3], $0x40, s31, s16, $0xb8;
	[tilespmem:$0x1CF00] =	vst v63  }
0x34: {  	_ =	swait.ge [sflag:s11], $0x2000  }
0x35: {  	s23 =	simm.s32 $0x400;
	[sflag:s11] =	ssyncset.done $0x0  }
.LBB2_2:
0x36: {  	p0 =	sne.s32 s23, $0x9800  }
0x37: {  	[sflag:s11] =	ssyncadd.s32 $0xFFFFE000;
	s24 =	smov.u32 s23;
	s23 =	sadd.s32 $0x400, s23  }
0x38: {  	_ = 	snop  }
0x39: {  	_ =	swait.ge [sflag:s18], $0x2000  }
0x3a: {  	s24 =	sshra.s32 s24, $0x2;
	[sflag:s18] =	ssyncset.done $0x0  }
0x3b: {  	s25 =	sadd.s32 $0x80, s24;
	[sflag:s18] =	ssyncadd.s32 $0xFFFFE000  }
0x3c: {  	[tilespmem:s19], [sflag:$0x2] =	stream.indirect.gather [spmem:s4], $0x40, s25, s16, $0xb8;
	[tilespmem:$0x1CF00] =	vst v63  }
0x3d: {  	s25 =	sadd.s32 $0x2780, s24  }
0x3e: {  	[spmem:s3] =	stream.indirect.scatter.add.f32 [tilespmem:s17], [sflag:$0x3], $0x40, s25, s16, $0xb8;
	[tilespmem:$0x1CF00] =	vst v63  }
0x3f: {  	_ =	swait.ge [sflag:s11], $0x2000  }
0x40: {  	[sflag:s11] =	ssyncset.done $0x0  }
0x41: {  	[sflag:s11] =	ssyncadd.s32 $0xFFFFE000  }
0x42: {  	_ =	swait.ge [sflag:s20], $0x2000  }
0x43: {  	[sflag:s20] =	ssyncset.done $0x0  }
0x44: {  	s25 =	sadd.s32 $0x100, s24;
	[sflag:s20] =	ssyncadd.s32 $0xFFFFE000  }
0x45: {  	[tilespmem:s17], [sflag:$0x1] =	stream.indirect.gather [spmem:s4], $0x40, s25, s16, $0xb8;
	[tilespmem:$0x1CF00] =	vst v63  }
.Ltmp0:
0x46: {  	_ = 	snop;
	(pc) =	sbr.rel @p0 .LBB2_2-.Ltmp0, $4  }
0x47: {  	s24 =	sadd.s32 $0x2800, s24  }
0x48: {  	[spmem:s3] =	stream.indirect.scatter.add.f32 [tilespmem:s19], [sflag:$0x3], $0x40, s24, s16, $0xb8;
	[tilespmem:$0x1CF00] =	vst v63  }
0x49: {  	_ =	swait.ge [sflag:s11], $0x2000  }
0x4a: {  	[sflag:s11] =	ssyncset.done $0x0  }
0x4b: {  	[sflag:s11] =	ssyncadd.s32 $0xFFFFE000  }
0x4c: {  	_ =	swait.ge [sflag:s18], $0x2000  }
0x4d: {  	[sflag:s18] =	ssyncset.done $0x0  }
0x4e: {  	[sflag:s18] =	ssyncadd.s32 $0xFFFFE000  }
0x4f: {  	[spmem:s3] =	stream.indirect.scatter.add.f32 [tilespmem:s17], [sflag:$0x3], $0x40, s21, s16, $0xb8;
	[tilespmem:$0x1CF00] =	vst v63  }
0x50: {  	_ =	swait.ge [sflag:s11], $0x2000  }
0x51: {  	s22 =	sadd.s32 $0x1, s22;
	[sflag:s11] =	ssyncset.done $0x0  }
0x52: {  	p0 =	sne.s32 s22, s10;
	[sflag:s11] =	ssyncadd.s32 $0xFFFFE000  }
.Ltmp1:
0x53: {  	[bflag:$0x0] =	sbarrier.arrive $0xFFFF;
	(pc) =	sbr.rel @p0 .LBB2_1-.Ltmp1, $4  }
0x54: {  	[hbm:s9], [sflag:s13] =	dma.local [spmem:s14], $0x1400  }
0x55: {  	_ =	swait.ge [sflag:s11], $0x1400  }
0x56: {  	[sflag:s11] =	ssyncset.done $0x0  }
0x57: {  	[sflag:s11] =	ssyncadd.s32 $0xFFFFEC00  }
0x58: {  	_ =	sfence.sel $0x180000  }
0x59: {  	[bflag:$0x0] =	sbarrier.arrive $0xFFFF  }
0x5a: {  	p0 =	sne.s32 s1, $0x0;
	_ =	strace $0x90000050  }
0x5b: {  	s0 =	sadd.s32 @!p0 $0x100000, s0;
	[bflag:$0x2] =	sbarrier.arrive $0xFFFF  }
0x5c: {  	[sflag:s0] =	ssyncadd.tile.s32 @!p0 $0x1;
	_ =	shalt  }
.Lfunc_end2:
_tile_overlayer_lowered:
.L_overlay_start_2:
0x5d: {  	(tag) =	ssettag $0x2  }
0x5e: {  	s0 =	rddreg [dreg:$0x0];
	s2 =	stileid.u32  }
0x5f: {  	s1 =	rddreg [dreg:$0x1];
	p0 =	sne.s32 s2, $0x0  }
0x60: {  	s3 =	rddreg [dreg:$0x2];
	[bflag:$0x3] =	sbarrier.arrive $0xFFFF;
	s2 =	simm.s32 @!p0 $0x1C03  }
0x61: {  	[timem:s3], [sflag:s2] =	dma.local @!p0 [hbm:s0], s1  }
0x62: {  	s0 =	simm.s32 @!p0 $0x3  }
0x63: {  	_ =	swait.ge @!p0 [sflag:s0], s1  }
0x64: {  	s1 =	ssub.s32 @!p0 $0x0, s1;
	[sflag:s0] =	ssyncset.done @!p0 $0x0  }
0x65: {  	[sflag:s0] =	ssyncadd.s32 @!p0 s1  }
0x66: {  	[bflag:$0x3] =	sbarrier.arrive $0xFFFF  }
0x67: {  	_ =	shalt  }

// kernel: _run.22.cloned.1.call-start
scs
__scs_entry_jumppad:
0x0: {  	(pc) =	sbr.rel $0x88, $3  }
0x1: {  	(tag) =	ssettag $0x0;
	lr =	simm.s32 $0x1  }
0x2: {  	[smem:$0x3F9A] =	sst lr;
	_ =	strace $0xD0000000  }
0x3: {  	_ = 	snop  }
0x4: {  	_ = 	snop  }
0x5: {  	_ = 	snop  }
0x6: {  	_ = 	snop  }
0x7: {  	_ = 	snop  }
__scs_overlays_trampoline_lowered:
0x8: {  	[smem:$0x3FA9] =	sst s0  }
0x9: {  	[smem:$0x3FAA] =	sst s1  }
0xa: {  	[smem:$0x3FAB] =	sst s2  }
0xb: {  	[smem:$0x3FAC] =	sst s3  }
0xc: {  	[smem:$0x3FAD] =	sst s4  }
0xd: {  	[smem:$0x3FAE] =	sst s5  }
0xe: {  	[smem:$0x3FAF] =	sst s6  }
0xf: {  	[smem:$0x3FB0] =	sst s7  }
0x10: {  	[smem:$0x3FB1] =	sst s8  }
0x11: {  	[smem:$0x3FB2] =	sst s9;
	s0 =	simm.s32 @!p0 $0x0  }
0x12: {  	s1 =	sld [smem:$0x3F98];
	s0 =	simm.s32 @p0 $0x1  }
0x13: {  	[smem:$0x3FB3] =	sst s0;
	s0 =	simm.s32 @!p1 $0x0  }
0x14: {  	s2 =	sld [smem:$0x3F97];
	s0 =	simm.s32 @p1 $0x1  }
0x15: {  	[smem:$0x3FB4] =	sst s0;
	s0 =	simm.s32 @!p2 $0x0  }
0x16: {  	s3 =	sld [smem:$0x3FDB];
	s0 =	simm.s32 @p2 $0x1  }
0x17: {  	s4 =	simm.s32 $0x1BF5;
	[smem:$0x3FB6] =	sst s0  }
0x18: {  	s0 =	sld [smem:$0x3F99];
	_ =	swait.ge [sflag:s4], $0x0  }
0x19: {  	s7 =	sld [smem:$0x3F9A]  }
0x1a: {  	s8 =	sadd.s32 $0xFFFFE003, lr  }
0x1b: {  	s9 =	sadd.s32 $0xFFFFFEF7, lr;
	s5 =	simm.s32 $0xFFFFFFFF;
	p2 =	slt.u32 s8, $0xFFFFF086  }
0x1c: {  	p1 =	slt.u32 s9, $0xF7A;
	s5 =	simm.s32 @!p2 $0x0  }
0x1d: {  	s5 =	simm.s32 @p1 $0x1;
	p0 =	seq.s32 s7, s2  }
0x1e: {  	s7 =	smul.u32 @!p0 $0xF7A, s2;
	p2 =	seq.s32 @!p0 s5, $0x0  }
0x1f: {  	s9 =	smul.u32 $0xF7A, s1;
	s8 =	simm.s32 @!p0 $0x1BF5;
	p2 =	por !p2, p0  }
0x20: {  	[sflag:s8] =	ssyncset.s32 @!p0 $0xFFFFF086;
	s6 =	sadd.s32 @!p0 s3, s7;
	s7 =	simm.s32 @!p0 $0x108  }
0x21: {  	s3 =	sadd.s32 s3, s9;
	s6 =	sadd.s32 @!p0 $0x88, s6;
	s7 =	simm.s32 @p2 $0x1082  }
0x22: {  	[simem:s7], [sflag:s8] =	dma.local @!p0 [hbm:s6], $0xF7A  }
0x23: {  	s9 =	sor.u32 $0xD0000000, s2;
	s6 =	simm.s32 $0x108;
	_ =	swait.ge @!p0 [sflag:s8], $0x0  }
0x24: {  	s3 =	sadd.s32 $0x88, s3;
	s6 =	simm.s32 @!p1 $0x1082;
	[sflag:s4] =	ssyncset.s32 $0xFFFFF086  }
0x25: {  	[simem:s6], [sflag:s4] =	dma.local [hbm:s3], $0xF7A  }
0x26: {  	[smem:$0x3F9A] =	sst s1;
	(tag) =	ssettag s2;
	_ =	strace s9  }
0x27: {  	s1 =	sld [smem:$0x3FAA]  }
0x28: {  	s2 =	sld [smem:$0x3FAB]  }
0x29: {  	s4 =	sld [smem:$0x3FAD]  }
0x2a: {  	p0 =	seq.s32 s5, $0x0;
	s5 =	sld [smem:$0x3FAE]  }
0x2b: {  	s6 =	sld [smem:$0x3FAF]  }
0x2c: {  	s7 =	sld [smem:$0x3FB0]  }
0x2d: {  	s3 =	simm.s32 $0x108;
	s8 =	sld [smem:$0x3FB1]  }
0x2e: {  	s3 =	simm.s32 @!p0 $0x1082;
	s9 =	sld [smem:$0x3FB2]  }
0x2f: {  	lr =	sadd.s32 s0, s3;
	s0 =	sld [smem:$0x3FA9]  }
0x30: {  	s3 =	sld [smem:$0x3FAC]  }
0x31: {  	[smem:$0x3FB5] =	sst s10  }
0x32: {  	s10 =	sld [smem:$0x3FB3];
	_ =	sdelay $0x3  }
0x33: {  	p0 =	seq.s32 s10, $0x1;
	s10 =	sld [smem:$0x3FB5];
	_ =	sdelay $0x3  }
0x34: {  	[smem:$0x3FB5] =	sst s10  }
0x35: {  	s10 =	sld [smem:$0x3FB4];
	_ =	sdelay $0x3  }
0x36: {  	p1 =	seq.s32 s10, $0x1;
	s10 =	sld [smem:$0x3FB5];
	_ =	sdelay $0x3  }
0x37: {  	[smem:$0x3FB5] =	sst s10  }
0x38: {  	s10 =	sld [smem:$0x3FB6]  }
0x39: {  	_ = 	snop;
	(pc) =	sbr.ind lr, $3  }
0x3a: {  	_ = 	snop  }
0x3b: {  	_ = 	snop  }
0x3c: {  	p2 =	seq.s32 s10, $0x1;
	s10 =	sld [smem:$0x3FB5]  }
0x3d: {  	_ =	shalt  }
0x3e: {  	_ =	shalt  }
0x3f: {  	_ =	shalt  }
0x40: {  	_ =	shalt  }
0x41: {  	_ =	shalt  }
0x42: {  	_ =	shalt  }
0x43: {  	_ =	shalt  }
0x44: {  	_ =	shalt  }
0x45: {  	_ =	shalt  }
0x46: {  	_ =	shalt  }
0x47: {  	_ =	shalt  }
0x48: {  	_ =	shalt  }
0x49: {  	_ =	shalt  }
0x4a: {  	_ =	shalt  }
0x4b: {  	_ =	shalt  }
0x4c: {  	_ =	shalt  }
0x4d: {  	_ =	shalt  }
0x4e: {  	_ =	shalt  }
0x4f: {  	_ =	shalt  }
0x50: {  	_ =	shalt  }
0x51: {  	_ =	shalt  }
0x52: {  	_ =	shalt  }
0x53: {  	_ =	shalt  }
0x54: {  	_ =	shalt  }
0x55: {  	_ =	shalt  }
0x56: {  	_ =	shalt  }
0x57: {  	_ =	shalt  }
0x58: {  	_ =	shalt  }
0x59: {  	_ =	shalt  }
0x5a: {  	_ =	shalt  }
0x5b: {  	_ =	shalt  }
0x5c: {  	_ =	shalt  }
0x5d: {  	_ =	shalt  }
0x5e: {  	_ =	shalt  }
0x5f: {  	_ =	shalt  }
0x60: {  	_ =	shalt  }
0x61: {  	_ =	shalt  }
0x62: {  	_ =	shalt  }
0x63: {  	_ =	shalt  }
0x64: {  	_ =	shalt  }
0x65: {  	_ =	shalt  }
0x66: {  	_ =	shalt  }
0x67: {  	_ =	shalt  }
0x68: {  	_ =	shalt  }
0x69: {  	_ =	shalt  }
0x6a: {  	_ =	shalt  }
0x6b: {  	_ =	shalt  }
0x6c: {  	_ =	shalt  }
0x6d: {  	_ =	shalt  }
0x6e: {  	_ =	shalt  }
0x6f: {  	_ =	shalt  }
0x70: {  	_ =	shalt  }
0x71: {  	_ =	shalt  }
0x72: {  	_ =	shalt  }
0x73: {  	_ =	shalt  }
0x74: {  	_ =	shalt  }
0x75: {  	_ =	shalt  }
0x76: {  	_ =	shalt  }
0x77: {  	_ =	shalt  }
0x78: {  	_ =	shalt  }
0x79: {  	_ =	shalt  }
0x7a: {  	_ =	shalt  }
0x7b: {  	_ =	shalt  }
0x7c: {  	_ =	shalt  }
0x7d: {  	_ =	shalt  }
0x7e: {  	_ =	shalt  }
0x7f: {  	_ =	shalt  }
0x80: {  	_ =	shalt  }
0x81: {  	_ =	shalt  }
0x82: {  	_ =	shalt  }
0x83: {  	_ =	shalt  }
0x84: {  	_ =	shalt  }
0x85: {  	_ =	shalt  }
0x86: {  	_ =	shalt  }
0x87: {  	_ =	shalt  }
.Lfunc_end0:
.L_simem_size_0:
called_computation.4_lowered:
.L_overlay_start_0:
0x88: {  	s2 =	sld [smem:$0x3FD9]  }
0x89: {  	s3 =	sld [smem:$0x3FFE];
	_ =	sdelay $0x1  }
0x8a: {  	s1 =	srdreg.scid  }
0x8b: {  	s0 =	sand.u32 $0x1, s1  }
0x8c: {  	s16 =	sshll.u32 s0, $0xA;
	s2 =	sadd.s32 s3, s2  }
0x8d: {  	s2 =	sadd.s32 s2, s16  }
0x8e: {  	[smem:$0x3FC1] =	sst s2  }
0x8f: {  	_ = 	snop  }
0x90: {  	(tm) =	ssettm $0x1  }
0x91: {  	s17 =	sld [smem:$0x3FFB];
	_ =	sdelay $0x3  }
0x92: {  	_ =	strace s17  }
0x93: {  	s2 =	sld [smem:$0x3FFC];
	_ =	sdelay $0x3  }
0x94: {  	_ =	strace s2  }
0x95: {  	s2 =	sld [smem:$0x3FFD];
	_ =	sdelay $0x3  }
0x96: {  	_ =	strace s2  }
0x97: {  	_ =	strace $0x8FFFFFFF  }
0x98: {  	s18 =	sld [smem:$0x3FDB];
	_ =	sdelay $0x1  }
0x99: {  	s19 =	simm.s32 $_scs_section_size  }
0x9a: {  	s4 =	simm.s32 $_size__tile_overlayer_lowered;
	s5 =	simm.s32 $_tile_overlayer_lowered  }
0x9b: {  	s22 =	simm.s32 $0x1BFF;
	s21 =	sshll.u32 s5, $0x1;
	s2 =	sadd.s32 s19, s18  }
0x9c: {  	s6 =	simm.s32 $0x0;
	s20 =	sshll.u32 s4, $0x1;
	s4 =	sadd.s32 s21, s2  }
0x9d: {  	[timem:s6], [sflag:s22] =	dma.local [hbm:s4], s20  }
0x9e: {  	_ =	swait.ge [sflag:s22], s20  }
0x9f: {  	s3 =	ssub.s32 $0x0, s20;
	[sflag:s22] =	ssyncset.done $0x0  }
0xa0: {  	[sflag:s22] =	ssyncadd.s32 s3;
	_ =	sdelay $0x1  }
0xa1: {  	s23 =	simm.s32 $0x1B8B  }
0xa2: {  	_ =	swait.ge [sflag:s23], $0x1  }
0xa3: {  	[sflag:s23] =	ssyncset.done $0x0  }
0xa4: {  	s25 =	simm.s32 $0x1B8E;
	s24 =	sld [smem:$0x3FFE];
	[sflag:s23] =	ssyncadd.s32 $0xFFFFFFFF  }
0xa5: {  	s26 =	simm.s32 $execute0_lowered;
	[smem:$0x3FD2] =	sst s25  }
0xa6: {  	s4 =	sshll.u32 s26, $0x1;
	_ =	strace $0x80000052;
	[dreg:$0x1] =	wrdreg $0xFFFFFFFF  }
0xa7: {  	s28 =	simm.s32 $_size_execute0_lowered;
	s2 =	sadd.s32 s2, s4;
	[dreg:$0x0] =	wrdreg $0x0  }
0xa8: {  	s4 =	sshll.u32 s28, $0x1;
	[dreg:$0x2] =	wrdreg s2  }
0xa9: {  	[dreg:$0x3] =	wrdreg s4  }
0xaa: {  	[dreg:$0x4] =	wrdreg $0xC0  }
0xab: {  	_ =	task [dreg:s6], $0x5FFFF  }
0xac: {  	[dreg:$0x1] =	wrdreg $0xFFFFFFFF  }
0xad: {  	[dreg:$0x0] =	wrdreg $0x60  }
0xae: {  	[dreg:$0x2] =	wrdreg s24  }
0xaf: {  	[dreg:$0x3] =	wrdreg $0xF8000  }
0xb0: {  	[dreg:$0x4] =	wrdreg $0x9  }
0xb1: {  	_ =	task.clear_ibuf [dreg:s6], $0x5FFFF;
	_ =	strace $0x90000052  }
0xb2: {  	s29 =	simm.s32 $0x9;
	_ =	strace $0x80000054  }
0xb3: {  	_ =	swait.ge [sflag:s29], $0x1  }
0xb4: {  	[sflag:s29] =	ssyncadd.s32 $0xFFFFFFFF  }
0xb5: {  	_ =	strace $0x90000054  }
0xb6: {  	_ =	sfence  }
0xb7: {  	s30 =	sld [smem:$0x0];
	_ =	sdelay $0x2  }
0xb8: {  	s31 =	sshll.u32 s1, $0xD;
	s1 =	sshrl.u32 s1, $0x2  }
0xb9: {  	s3 =	sand.u32 $0x4000, s31;
	s1 =	sadd.s32 s1, s30  }
0xba: {  	s0 =	sor.u32 s3, s0;
	s1 =	sshll.u32 s1, $0x11  }
0xbb: {  	s0 =	sor.u32 s1, s0  }
0xbc: {  	s0 =	sadd.s32 $0x8F2B, s0  }
0xbd: {  	[sflag:s0] =	ssyncadd.remote.s32 $0x1  }
0xbe: {  	_ =	sfence.sel $0xFFFF  }
0xbf: {  	[dreg:$0x0] =	wrdreg $0xFFFFFFFF;
	(pc) =	sbr.abs _section_cstart, $3  }
0xc0: {  	[dreg:$0x1] =	wrdreg $0xFFFFFFFF  }
0xc1: {  	_ =	task.clear_ibuf [dreg:s6], $0x2FFFF;
	_ =	strace $0x9FFFFFFF  }
0xc2: {  	(tm) =	ssettm $0x7FFFFFFF  }
0xc3: {  	_ =	shalt  }
tec
execute0_lowered:
.L_overlay_start_1:
0x0: {  	(tag) =	ssettag $0x1  }
0x1: {  	s4 =	rddreg [dreg:$0x0];
	s0 =	srdreg.scid  }
0x2: {  	s2 =	rddreg [dreg:$0x1];
	s1 =	stileid.u32  }
0x3: {  	s3 =	simm.s32 $0x0;
	s13 =	simm.s32 $0x80;
	s14 =	simm.s32 $0x4F00  }
0x4: {  	s15 =	simm.s32 $0x6F00;
	s16 =	simm.s32 $0x1;
	s17 =	simm.s32 $0x8F00  }
0x5: {  	s18 =	simm.s32 $0xAF00;
	s19 =	simm.s32 $0xF680;
	s20 =	simm.s32 $0x2  }
0x6: {  	s21 =	simm.s32 $0xCF00;
	s5 =	sand.u32 $0x1, s0;
	s0 =	rddreg [dreg:$0x2]  }
0x7: {  	v0 =	vlaneseq.u32;
	s22 =	simm.s32 $0x0;
	s7 =	smul.u32 $0xA000, s1;
	[smem:$0x7FF] =	sst s3  }
0x8: {  	v0 =	vmul.u32 $0x18, v0;
	s11 =	sshll.u32 s1, $0x6;
	s6 =	sshll.u32 s5, $0x4;
	s5 =	ssub.s32 $0x2, s5  }
0x9: {  	_ =	strace $0x80000053;
	s11 =	sor.u32 $0x1C03, s11;
	s6 =	sor.u32 s1, s6  }
0xa: {  	s8 =	sshrl.u32 s7, $0x3;
	s9 =	sshrl.u32 s5, $0x1;
	v1 =	vor.u32 $0x1, v0;
	v2 =	vor.u32 $0x2, v0;
	v3 =	vor.u32 $0x3, v0;
	s6 =	smul.u32 $0x4F0, s6  }
0xb: {  	s12 =	sadd.s32 s7, s2;
	v4 =	vor.u32 $0x4, v0;
	v5 =	vor.u32 $0x5, v0;
	v6 =	vor.u32 $0x6, v0;
	s8 =	sadd.s32 s8, s4;
	s9 =	ssub.s32 s5, s9  }
0xc: {  	v7 =	vor.u32 $0x7, v0;
	v8 =	vadd.s32 $0x8, v0;
	v9 =	vadd.s32 $0x9, v0;
	s12 =	sshrl.u32 s12, $0x3;
	s10 =	sadd.s32 s6, s4;
	s6 =	sadd.s32 $0xB400, s8  }
0xd: {  	v10 =	vadd.s32 $0xA, v0;
	v11 =	vadd.s32 $0xB, v0;
	v12 =	vadd.s32 $0xC, v0;
	s8 =	smax.u32 s9, $0x1;
	s9 =	simm.s32 $0x3;
	s4 =	sadd.s32 $0x5B200, s10  }
0xe: {  	v13 =	vadd.s32 $0xD, v0;
	v14 =	vadd.s32 $0xE, v0;
	v15 =	vadd.s32 $0xF, v0;
	s5 =	sadd.s32 $0x1600, s10;
	s7 =	sadd.s32 $0x1F400, s10;
	s10 =	simm.s32 $0x2780  }
.LBB2_1:
0xf: {  	[tilespmem:s3], [sflag:$0x3] =	stream.linear.gather [hbm4b:s4+s3], $0x2780, $0x38;
	[tilespmem:$0x19800] =	vst v63  }
0x10: {  	_ =	swait.ge [sflag:s9], $0x2780  }
0x11: {  	[sflag:s9] =	ssyncset.done $0x0  }
0x12: {  	[sflag:s9] =	ssyncadd.s32 $0xFFFFD880  }
0x13: {  	[tilespmem:s10], [sflag:$0x3] =	stream.linear.gather [hbm4b:s5+s3], $0x2780, $0x38;
	[tilespmem:$0x19800] =	vst v63  }
0x14: {  	_ =	swait.ge [sflag:s9], $0x2780  }
0x15: {  	[sflag:s9] =	ssyncset.done $0x0  }
0x16: {  	[sflag:s9] =	ssyncadd.s32 $0xFFFFD880  }
0x17: {  	[spmem:s12], [sflag:s11] =	dma.local [hbm:s6], $0x1400  }
0x18: {  	_ =	swait.ge [sflag:s9], $0x1400  }
0x19: {  	[sflag:s9] =	ssyncset.done $0x0  }
0x1a: {  	[sflag:s9] =	ssyncadd.s32 $0xFFFFEC00  }
0x1b: {  	[bflag:$0x0] =	sbarrier.arrive $0xFFFF  }
0x1c: {  	[tilespmem:s14], [sflag:$0x1] =	stream.indirect.gather [spmem:s2], $0x40, s3, s13, $0xb8;
	[tilespmem:$0x19800] =	vst v63  }
0x1d: {  	s23 =	simm.s32 $0xCF80;
	s24 =	simm.s32 $0xCF00;
	s25 =	simm.s32 $0x0  }
0x1e: {  	[tilespmem:s15], [sflag:$0x1] =	stream.indirect.gather [spmem:s2], $0x40, s10, s13, $0xb8;
	[tilespmem:$0x19800] =	vst v63  }
.LBB2_2:
0x1f: {  	_ =	swait.ge [sflag:s16], $0x2000  }
0x20: {  	[sflag:s16] =	ssyncset.done $0x0  }
0x21: {  	[sflag:s16] =	ssyncadd.s32 $0xFFFFE000  }
0x22: {  	_ =	swait.ge [sflag:s16], $0x2000  }
0x23: {  	s26 =	sshll.u32 s25, $0x8;
	[sflag:s16] =	ssyncset.done $0x0  }
0x24: {  	s28 =	sor.u32 $0x80, s26;
	[sflag:s16] =	ssyncadd.s32 $0xFFFFE000  }
0x25: {  	[tilespmem:s17], [sflag:$0x2] =	stream.indirect.gather [spmem:s2], $0x40, s28, s13, $0xb8;
	[tilespmem:$0x19800] =	vst v63  }
0x26: {  	s28 =	sadd.s32 $0x2800, s26  }
0x27: {  	[tilespmem:s18], [sflag:$0x2] =	stream.indirect.gather [spmem:s2], $0x40, s28, s13, $0xb8;
	[tilespmem:$0x19800] =	vst v63  }
0x28: {  	s29 =	smov.u32 s24;
	s28 =	simm.s32 $0x0  }
.LBB2_3:
0x29: {  	s30 =	sshra.s32 s28, $0x2  }
0x2a: {  	v16 =	vld [tilespmem:s30+$0x4F00]  }
0x2b: {  	v17 =	vld [tilespmem:s30+$0x6F00]  }
0x2c: {  	v18 =	vld [tilespmem:s30+$0x4F10]  }
0x2d: {  	v19 =	vld [tilespmem:s30+$0x6F10]  }
0x2e: {  	v20 =	vld [tilespmem:s30+$0x4F20]  }
0x2f: {  	v21 =	vld [tilespmem:s30+$0x6F20]  }
0x30: {  	v22 =	vld [tilespmem:s30+$0x4F30]  }
0x31: {  	v23 =	vld [tilespmem:s30+$0x6F30];
	_ =	sdelay $0x3  }
0x32: {  	v16 =	vmul.f32 v17, v16;
	v17 =	vmul.f32 v19, v18  }
0x33: {  	v48 =	vmul.f32 v21, v20;
	v49 =	vmul.f32 v23, v22;
	_ =	sdelay $0x1  }
0x34: {  	v16 =	vadd.f32 v17, v16;
	v17 =	vadd.f32 v49, v48;
	_ =	sdelay $0x1  }
0x35: {  	v16 =	vsub.f32 v16, v17;
	_ =	sdelay $0x1  }
0x36: {  	[tilespmem:$0xF680] =	vst v16  }
0x37: {  	v16 =	vld [tilespmem:s30+$0x4F40]  }
0x38: {  	v17 =	vld [tilespmem:s30+$0x6F40]  }
0x39: {  	v50 =	vld [tilespmem:s30+$0x4F50]  }
0x3a: {  	v51 =	vld [tilespmem:s30+$0x6F50]  }
0x3b: {  	v52 =	vld [tilespmem:s30+$0x4F60]  }
0x3c: {  	v53 =	vld [tilespmem:s30+$0x6F60]  }
0x3d: {  	v54 =	vld [tilespmem:s30+$0x4F70]  }
0x3e: {  	v55 =	vld [tilespmem:s30+$0x6F70];
	_ =	sdelay $0x3  }
0x3f: {  	v16 =	vmul.f32 v17, v16;
	v17 =	vmul.f32 v51, v50  }
0x40: {  	v56 =	vmul.f32 v53, v52;
	v57 =	vmul.f32 v55, v54;
	_ =	sdelay $0x1  }
0x41: {  	v16 =	vadd.f32 v17, v16;
	v17 =	vadd.f32 v57, v56;
	_ =	sdelay $0x1  }
0x42: {  	v16 =	vsub.f32 v16, v17;
	_ =	sdelay $0x1  }
0x43: {  	[tilespmem:$0xF698] =	vst v16  }
0x44: {  	v16 =	vld [tilespmem:s30+$0x4F80]  }
0x45: {  	v17 =	vld [tilespmem:s30+$0x6F80]  }
0x46: {  	v58 =	vld [tilespmem:s30+$0x4F90]  }
0x47: {  	v59 =	vld [tilespmem:s30+$0x6F90]  }
0x48: {  	v60 =	vld [tilespmem:s30+$0x4FA0]  }
0x49: {  	v61 =	vld [tilespmem:s30+$0x6FA0]  }
0x4a: {  	v62 =	vld [tilespmem:s30+$0x4FB0]  }
0x4b: {  	v63 =	vld [tilespmem:s30+$0x6FB0];
	_ =	sdelay $0x3  }
0x4c: {  	v16 =	vmul.f32 v17, v16;
	v17 =	vmul.f32 v59, v58  }
0x4d: {  	v24 =	vmul.f32 v61, v60;
	v25 =	vmul.f32 v63, v62;
	_ =	sdelay $0x1  }
0x4e: {  	v16 =	vadd.f32 v17, v16;
	v17 =	vadd.f32 v25, v24;
	_ =	sdelay $0x1  }
0x4f: {  	v16 =	vsub.f32 v16, v17;
	_ =	sdelay $0x1  }
0x50: {  	[tilespmem:$0xF6B0] =	vst v16  }
0x51: {  	v16 =	vld [tilespmem:s30+$0x4FC0]  }
0x52: {  	v17 =	vld [tilespmem:s30+$0x6FC0]  }
0x53: {  	v26 =	vld [tilespmem:s30+$0x4FD0]  }
0x54: {  	v27 =	vld [tilespmem:s30+$0x6FD0]  }
0x55: {  	v28 =	vld [tilespmem:s30+$0x4FE0]  }
0x56: {  	v29 =	vld [tilespmem:s30+$0x6FE0]  }
0x57: {  	v30 =	vld [tilespmem:s30+$0x4FF0]  }
0x58: {  	v31 =	vld [tilespmem:s30+$0x6FF0];
	_ =	sdelay $0x3  }
0x59: {  	v16 =	vmul.f32 v17, v16;
	v17 =	vmul.f32 v27, v26  }
0x5a: {  	v32 =	vmul.f32 v29, v28;
	v33 =	vmul.f32 v31, v30;
	_ =	sdelay $0x1  }
0x5b: {  	v16 =	vadd.f32 v17, v16;
	v17 =	vadd.f32 v33, v32;
	_ =	sdelay $0x1  }
0x5c: {  	v16 =	vsub.f32 v16, v17;
	_ =	sdelay $0x1  }
0x5d: {  	[tilespmem:$0xF6C8] =	vst v16  }
0x5e: {  	v16 =	vld [tilespmem:s30+$0x5000]  }
0x5f: {  	v17 =	vld [tilespmem:s30+$0x7000]  }
0x60: {  	v34 =	vld [tilespmem:s30+$0x5010]  }
0x61: {  	v35 =	vld [tilespmem:s30+$0x7010]  }
0x62: {  	v36 =	vld [tilespmem:s30+$0x5020]  }
0x63: {  	v37 =	vld [tilespmem:s30+$0x7020]  }
0x64: {  	v38 =	vld [tilespmem:s30+$0x5030]  }
0x65: {  	v39 =	vld [tilespmem:s30+$0x7030];
	_ =	sdelay $0x3  }
0x66: {  	v16 =	vmul.f32 v17, v16;
	v17 =	vmul.f32 v35, v34  }
0x67: {  	v40 =	vmul.f32 v37, v36;
	v41 =	vmul.f32 v39, v38;
	_ =	sdelay $0x1  }
0x68: {  	v16 =	vadd.f32 v17, v16;
	v17 =	vadd.f32 v41, v40;
	_ =	sdelay $0x1  }
0x69: {  	v16 =	vsub.f32 v16, v17;
	_ =	sdelay $0x1  }
0x6a: {  	[tilespmem:$0xF6E0] =	vst v16  }
0x6b: {  	v16 =	vld [tilespmem:s30+$0x5040]  }
0x6c: {  	v17 =	vld [tilespmem:s30+$0x7040]  }
0x6d: {  	v42 =	vld [tilespmem:s30+$0x5050]  }
0x6e: {  	v43 =	vld [tilespmem:s30+$0x7050]  }
0x6f: {  	v44 =	vld [tilespmem:s30+$0x5060]  }
0x70: {  	v45 =	vld [tilespmem:s30+$0x7060]  }
0x71: {  	v46 =	vld [tilespmem:s30+$0x5070]  }
0x72: {  	v47 =	vld [tilespmem:s30+$0x7070];
	_ =	sdelay $0x3  }
0x73: {  	v16 =	vmul.f32 v17, v16;
	v17 =	vmul.f32 v43, v42  }
0x74: {  	v48 =	vmul.f32 v45, v44;
	v49 =	vmul.f32 v47, v46;
	_ =	sdelay $0x1  }
0x75: {  	v16 =	vadd.f32 v17, v16;
	v17 =	vadd.f32 v49, v48;
	_ =	sdelay $0x1  }
0x76: {  	v16 =	vsub.f32 v16, v17;
	_ =	sdelay $0x1  }
0x77: {  	[tilespmem:$0xF6F8] =	vst v16  }
0x78: {  	v16 =	vld [tilespmem:s30+$0x5080]  }
0x79: {  	v17 =	vld [tilespmem:s30+$0x7080]  }
0x7a: {  	v50 =	vld [tilespmem:s30+$0x5090]  }
0x7b: {  	v51 =	vld [tilespmem:s30+$0x7090]  }
0x7c: {  	v52 =	vld [tilespmem:s30+$0x50A0]  }
0x7d: {  	v53 =	vld [tilespmem:s30+$0x70A0]  }
0x7e: {  	v54 =	vld [tilespmem:s30+$0x50B0]  }
0x7f: {  	v55 =	vld [tilespmem:s30+$0x70B0];
	_ =	sdelay $0x3  }
0x80: {  	v16 =	vmul.f32 v17, v16;
	v17 =	vmul.f32 v51, v50  }
0x81: {  	v56 =	vmul.f32 v53, v52;
	v57 =	vmul.f32 v55, v54;
	_ =	sdelay $0x1  }
0x82: {  	v16 =	vadd.f32 v17, v16;
	v17 =	vadd.f32 v57, v56;
	_ =	sdelay $0x1  }
0x83: {  	v16 =	vsub.f32 v16, v17;
	_ =	sdelay $0x1  }
0x84: {  	[tilespmem:$0xF710] =	vst v16  }
0x85: {  	v16 =	vld [tilespmem:s30+$0x50C0]  }
0x86: {  	v17 =	vld [tilespmem:s30+$0x70C0]  }
0x87: {  	v58 =	vld [tilespmem:s30+$0x50D0]  }
0x88: {  	v59 =	vld [tilespmem:s30+$0x70D0]  }
0x89: {  	v60 =	vld [tilespmem:s30+$0x50E0]  }
0x8a: {  	v61 =	vld [tilespmem:s30+$0x70E0]  }
0x8b: {  	v62 =	vld [tilespmem:s30+$0x50F0]  }
0x8c: {  	v63 =	vld [tilespmem:s30+$0x70F0];
	_ =	sdelay $0x3  }
0x8d: {  	v16 =	vmul.f32 v17, v16;
	v17 =	vmul.f32 v59, v58  }
0x8e: {  	v24 =	vmul.f32 v61, v60;
	v25 =	vmul.f32 v63, v62;
	_ =	sdelay $0x1  }
0x8f: {  	v16 =	vadd.f32 v17, v16;
	v17 =	vadd.f32 v25, v24;
	_ =	sdelay $0x1  }
0x90: {  	v16 =	vsub.f32 v16, v17;
	_ =	sdelay $0x1  }
0x91: {  	[tilespmem:$0xF728] =	vst v16  }
0x92: {  	v16 =	vld [tilespmem:s30+$0x5100]  }
0x93: {  	v17 =	vld [tilespmem:s30+$0x7100]  }
0x94: {  	v26 =	vld [tilespmem:s30+$0x5110]  }
0x95: {  	v27 =	vld [tilespmem:s30+$0x7110]  }
0x96: {  	v28 =	vld [tilespmem:s30+$0x5120]  }
0x97: {  	v29 =	vld [tilespmem:s30+$0x7120]  }
0x98: {  	v30 =	vld [tilespmem:s30+$0x5130]  }
0x99: {  	v31 =	vld [tilespmem:s30+$0x7130];
	_ =	sdelay $0x3  }
0x9a: {  	v16 =	vmul.f32 v17, v16;
	v17 =	vmul.f32 v27, v26  }
0x9b: {  	v32 =	vmul.f32 v29, v28;
	v33 =	vmul.f32 v31, v30;
	_ =	sdelay $0x1  }
0x9c: {  	v16 =	vadd.f32 v17, v16;
	v17 =	vadd.f32 v33, v32;
	_ =	sdelay $0x1  }
0x9d: {  	v16 =	vsub.f32 v16, v17;
	_ =	sdelay $0x1  }
0x9e: {  	[tilespmem:$0xF740] =	vst v16  }
0x9f: {  	v16 =	vld [tilespmem:s30+$0x5140]  }
0xa0: {  	v17 =	vld [tilespmem:s30+$0x7140]  }
0xa1: {  	v34 =	vld [tilespmem:s30+$0x5150]  }
0xa2: {  	v35 =	vld [tilespmem:s30+$0x7150]  }
0xa3: {  	v36 =	vld [tilespmem:s30+$0x5160]  }
0xa4: {  	v37 =	vld [tilespmem:s30+$0x7160]  }
0xa5: {  	v38 =	vld [tilespmem:s30+$0x5170]  }
0xa6: {  	v39 =	vld [tilespmem:s30+$0x7170];
	_ =	sdelay $0x3  }
0xa7: {  	v16 =	vmul.f32 v17, v16;
	v17 =	vmul.f32 v35, v34  }
0xa8: {  	v40 =	vmul.f32 v37, v36;
	v41 =	vmul.f32 v39, v38;
	_ =	sdelay $0x1  }
0xa9: {  	v16 =	vadd.f32 v17, v16;
	v17 =	vadd.f32 v41, v40;
	_ =	sdelay $0x1  }
0xaa: {  	v16 =	vsub.f32 v16, v17;
	_ =	sdelay $0x1  }
0xab: {  	[tilespmem:$0xF758] =	vst v16  }
0xac: {  	v16 =	vld [tilespmem:s30+$0x5180]  }
0xad: {  	v17 =	vld [tilespmem:s30+$0x7180]  }
0xae: {  	v42 =	vld [tilespmem:s30+$0x5190]  }
0xaf: {  	v43 =	vld [tilespmem:s30+$0x7190]  }
0xb0: {  	v44 =	vld [tilespmem:s30+$0x51A0]  }
0xb1: {  	v45 =	vld [tilespmem:s30+$0x71A0]  }
0xb2: {  	v46 =	vld [tilespmem:s30+$0x51B0]  }
0xb3: {  	v47 =	vld [tilespmem:s30+$0x71B0];
	_ =	sdelay $0x3  }
0xb4: {  	v16 =	vmul.f32 v17, v16;
	v17 =	vmul.f32 v43, v42  }
0xb5: {  	v48 =	vmul.f32 v45, v44;
	v49 =	vmul.f32 v47, v46;
	_ =	sdelay $0x1  }
0xb6: {  	v16 =	vadd.f32 v17, v16;
	v17 =	vadd.f32 v49, v48;
	_ =	sdelay $0x1  }
0xb7: {  	v16 =	vsub.f32 v16, v17;
	_ =	sdelay $0x1  }
0xb8: {  	[tilespmem:$0xF770] =	vst v16  }
0xb9: {  	v16 =	vld [tilespmem:s30+$0x51C0]  }
0xba: {  	v17 =	vld [tilespmem:s30+$0x71C0]  }
0xbb: {  	v50 =	vld [tilespmem:s30+$0x51D0]  }
0xbc: {  	v51 =	vld [tilespmem:s30+$0x71D0]  }
0xbd: {  	v52 =	vld [tilespmem:s30+$0x51E0]  }
0xbe: {  	v53 =	vld [tilespmem:s30+$0x71E0]  }
0xbf: {  	v54 =	vld [tilespmem:s30+$0x51F0]  }
0xc0: {  	v55 =	vld [tilespmem:s30+$0x71F0];
	_ =	sdelay $0x3  }
0xc1: {  	v16 =	vmul.f32 v17, v16;
	v17 =	vmul.f32 v51, v50  }
0xc2: {  	v56 =	vmul.f32 v53, v52;
	v57 =	vmul.f32 v55, v54;
	_ =	sdelay $0x1  }
0xc3: {  	v16 =	vadd.f32 v17, v16;
	v17 =	vadd.f32 v57, v56;
	_ =	sdelay $0x1  }
0xc4: {  	v16 =	vsub.f32 v16, v17;
	_ =	sdelay $0x1  }
0xc5: {  	[tilespmem:$0xF788] =	vst v16  }
0xc6: {  	v16 =	vld [tilespmem:s30+$0x5200]  }
0xc7: {  	v17 =	vld [tilespmem:s30+$0x7200]  }
0xc8: {  	v58 =	vld [tilespmem:s30+$0x5210]  }
0xc9: {  	v59 =	vld [tilespmem:s30+$0x7210]  }
0xca: {  	v60 =	vld [tilespmem:s30+$0x5220]  }
0xcb: {  	v61 =	vld [tilespmem:s30+$0x7220]  }
0xcc: {  	v62 =	vld [tilespmem:s30+$0x5230]  }
0xcd: {  	v63 =	vld [tilespmem:s30+$0x7230];
	_ =	sdelay $0x3  }
0xce: {  	v16 =	vmul.f32 v17, v16;
	v17 =	vmul.f32 v59, v58  }
0xcf: {  	v24 =	vmul.f32 v61, v60;
	v25 =	vmul.f32 v63, v62;
	_ =	sdelay $0x1  }
0xd0: {  	v16 =	vadd.f32 v17, v16;
	v17 =	vadd.f32 v25, v24;
	_ =	sdelay $0x1  }
0xd1: {  	v16 =	vsub.f32 v16, v17;
	_ =	sdelay $0x1  }
0xd2: {  	[tilespmem:$0xF7A0] =	vst v16  }
0xd3: {  	v16 =	vld [tilespmem:s30+$0x5240]  }
0xd4: {  	v17 =	vld [tilespmem:s30+$0x7240]  }
0xd5: {  	v26 =	vld [tilespmem:s30+$0x5250]  }
0xd6: {  	v27 =	vld [tilespmem:s30+$0x7250]  }
0xd7: {  	v28 =	vld [tilespmem:s30+$0x5260]  }
0xd8: {  	v29 =	vld [tilespmem:s30+$0x7260]  }
0xd9: {  	v30 =	vld [tilespmem:s30+$0x5270]  }
0xda: {  	v31 =	vld [tilespmem:s30+$0x7270];
	_ =	sdelay $0x3  }
0xdb: {  	v16 =	vmul.f32 v17, v16;
	v17 =	vmul.f32 v27, v26  }
0xdc: {  	v32 =	vmul.f32 v29, v28;
	v33 =	vmul.f32 v31, v30;
	_ =	sdelay $0x1  }
0xdd: {  	v16 =	vadd.f32 v17, v16;
	v17 =	vadd.f32 v33, v32;
	_ =	sdelay $0x1  }
0xde: {  	v16 =	vsub.f32 v16, v17;
	_ =	sdelay $0x1  }
0xdf: {  	[tilespmem:$0xF7B8] =	vst v16  }
0xe0: {  	v16 =	vld [tilespmem:s30+$0x5280]  }
0xe1: {  	v17 =	vld [tilespmem:s30+$0x7280]  }
0xe2: {  	v34 =	vld [tilespmem:s30+$0x5290]  }
0xe3: {  	v35 =	vld [tilespmem:s30+$0x7290]  }
0xe4: {  	v36 =	vld [tilespmem:s30+$0x52A0]  }
0xe5: {  	v37 =	vld [tilespmem:s30+$0x72A0]  }
0xe6: {  	v38 =	vld [tilespmem:s30+$0x52B0]  }
0xe7: {  	v39 =	vld [tilespmem:s30+$0x72B0];
	_ =	sdelay $0x3  }
0xe8: {  	v16 =	vmul.f32 v17, v16;
	v17 =	vmul.f32 v35, v34  }
0xe9: {  	v40 =	vmul.f32 v37, v36;
	v41 =	vmul.f32 v39, v38;
	_ =	sdelay $0x1  }
0xea: {  	v16 =	vadd.f32 v17, v16;
	v17 =	vadd.f32 v41, v40;
	_ =	sdelay $0x1  }
0xeb: {  	v16 =	vsub.f32 v16, v17;
	_ =	sdelay $0x1  }
0xec: {  	[tilespmem:$0xF7D0] =	vst v16  }
0xed: {  	v16 =	vld [tilespmem:s30+$0x52C0]  }
0xee: {  	v17 =	vld [tilespmem:s30+$0x72C0]  }
0xef: {  	v42 =	vld [tilespmem:s30+$0x52D0]  }
0xf0: {  	v43 =	vld [tilespmem:s30+$0x72D0]  }
0xf1: {  	v44 =	vld [tilespmem:s30+$0x52E0]  }
0xf2: {  	v45 =	vld [tilespmem:s30+$0x72E0]  }
0xf3: {  	v46 =	vld [tilespmem:s30+$0x52F0]  }
0xf4: {  	v47 =	vld [tilespmem:s30+$0x72F0];
	_ =	sdelay $0x3  }
0xf5: {  	v16 =	vmul.f32 v17, v16;
	v17 =	vmul.f32 v43, v42  }
0xf6: {  	v48 =	vmul.f32 v45, v44;
	v49 =	vmul.f32 v47, v46;
	_ =	sdelay $0x1  }
0xf7: {  	v16 =	vadd.f32 v17, v16;
	v17 =	vadd.f32 v49, v48;
	_ =	sdelay $0x1  }
0xf8: {  	v16 =	vsub.f32 v16, v17;
	_ =	sdelay $0x1  }
0xf9: {  	[tilespmem:$0xF7E8] =	vst v16  }
0xfa: {  	v16 =	vld.idx.msk [tilespmem:v0+s19+$0x0], $0xffff  }
0xfb: {  	v17 =	vld.idx.msk [tilespmem:v1+s19+$0x0], $0xffff  }
0xfc: {  	v50 =	vld.idx.msk [tilespmem:v2+s19+$0x0], $0xffff  }
0xfd: {  	v51 =	vld.idx.msk [tilespmem:v3+s19+$0x0], $0xffff  }
0xfe: {  	v52 =	vld.idx.msk [tilespmem:v4+s19+$0x0], $0xffff  }
0xff: {  	v53 =	vld.idx.msk [tilespmem:v5+s19+$0x0], $0xffff  }
0x100: {  	v54 =	vld.idx.msk [tilespmem:v6+s19+$0x0], $0xffff;
	v16 =	vadd.f32 $0.0e+00, v16;
	v17 =	vadd.f32 $0.0e+00, v17  }
0x101: {  	v55 =	vld.idx.msk [tilespmem:v7+s19+$0x0], $0xffff  }
0x102: {  	v56 =	vld.idx.msk [tilespmem:v8+s19+$0x0], $0xffff;
	v16 =	vadd.f32 v50, v16;
	v17 =	vadd.f32 v51, v17  }
0x103: {  	v57 =	vld.idx.msk [tilespmem:v9+s19+$0x0], $0xffff  }
0x104: {  	v58 =	vld.idx.msk [tilespmem:v10+s19+$0x0], $0xffff;
	v16 =	vadd.f32 v52, v16;
	v17 =	vadd.f32 v53, v17  }
0x105: {  	v59 =	vld.idx.msk [tilespmem:v11+s19+$0x0], $0xffff  }
0x106: {  	v60 =	vld.idx.msk [tilespmem:v12+s19+$0x0], $0xffff;
	v16 =	vadd.f32 v54, v16;
	v17 =	vadd.f32 v55, v17  }
0x107: {  	v61 =	vld.idx.msk [tilespmem:v13+s19+$0x0], $0xffff  }
0x108: {  	v62 =	vld.idx.msk [tilespmem:v14+s19+$0x0], $0xffff;
	v16 =	vadd.f32 v56, v16;
	v17 =	vadd.f32 v57, v17  }
0x109: {  	v63 =	vld.idx.msk [tilespmem:v15+s19+$0x0], $0xffff  }
0x10a: {  	v16 =	vadd.f32 v58, v16;
	v17 =	vadd.f32 v59, v17;
	_ =	sdelay $0x1  }
0x10b: {  	v16 =	vadd.f32 v60, v16;
	v17 =	vadd.f32 v61, v17  }
0x10c: {  	p0 =	sne.s32 s28, $0x7000  }
.Ltmp0:
0x10d: {  	v16 =	vadd.f32 v62, v16;
	v17 =	vadd.f32 v63, v17;
	(pc) =	sbr.rel @p0 .LBB2_3-.Ltmp0, $3  }
0x10e: {  	_ = 	snop  }
0x10f: {  	v16 =	vadd.f32 v17, v16;
	_ =	sdelay $0x1  }
0x110: {  	s28 =	sadd.s32 $0x1000, s28;
	[tilespmem:s29+$0x0] =	vst v16;
	s29 =	sadd.s32 $0x10, s29  }
0x111: {  	_ =	swait.ge [sflag:s20], $0x2000  }
0x112: {  	[sflag:s20] =	ssyncset.done $0x0  }
0x113: {  	[sflag:s20] =	ssyncadd.s32 $0xFFFFE000  }
0x114: {  	_ =	swait.ge [sflag:s20], $0x2000  }
0x115: {  	[sflag:s20] =	ssyncset.done $0x0  }
0x116: {  	s28 =	sadd.s32 $0x100, s26;
	[sflag:s20] =	ssyncadd.s32 $0xFFFFE000  }
0x117: {  	[tilespmem:s14], [sflag:$0x1] =	stream.indirect.gather [spmem:s2], $0x40, s28, s13, $0xb8;
	[tilespmem:$0x19800] =	vst v63  }
0x118: {  	s31 =	sadd.s32 $0x2880, s26;
	s26 =	simm.s32 $0x0;
	s28 =	smov.u32 s23  }
0x119: {  	[tilespmem:s15], [sflag:$0x1] =	stream.indirect.gather [spmem:s2], $0x40, s31, s13, $0xb8;
	[tilespmem:$0x19800] =	vst v63  }
.LBB2_5:
0x11a: {  	s29 =	sshra.s32 s26, $0x2  }
0x11b: {  	v16 =	vld [tilespmem:s29+$0x8F00]  }
0x11c: {  	v17 =	vld [tilespmem:s29+$0xAF00]  }
0x11d: {  	v18 =	vld [tilespmem:s29+$0x8F10]  }
0x11e: {  	v19 =	vld [tilespmem:s29+$0xAF10]  }
0x11f: {  	v20 =	vld [tilespmem:s29+$0x8F20]  }
0x120: {  	v21 =	vld [tilespmem:s29+$0xAF20]  }
0x121: {  	v22 =	vld [tilespmem:s29+$0x8F30]  }
0x122: {  	v23 =	vld [tilespmem:s29+$0xAF30];
	_ =	sdelay $0x3  }
0x123: {  	v16 =	vmul.f32 v17, v16;
	v17 =	vmul.f32 v19, v18  }
0x124: {  	v48 =	vmul.f32 v21, v20;
	v49 =	vmul.f32 v23, v22;
	_ =	sdelay $0x1  }
0x125: {  	v16 =	vadd.f32 v17, v16;
	v17 =	vadd.f32 v49, v48;
	_ =	sdelay $0x1  }
0x126: {  	v16 =	vsub.f32 v16, v17;
	_ =	sdelay $0x1  }
0x127: {  	[tilespmem:$0xF680] =	vst v16  }
0x128: {  	v16 =	vld [tilespmem:s29+$0x8F40]  }
0x129: {  	v17 =	vld [tilespmem:s29+$0xAF40]  }
0x12a: {  	v50 =	vld [tilespmem:s29+$0x8F50]  }
0x12b: {  	v51 =	vld [tilespmem:s29+$0xAF50]  }
0x12c: {  	v52 =	vld [tilespmem:s29+$0x8F60]  }
0x12d: {  	v53 =	vld [tilespmem:s29+$0xAF60]  }
0x12e: {  	v54 =	vld [tilespmem:s29+$0x8F70]  }
0x12f: {  	v55 =	vld [tilespmem:s29+$0xAF70];
	_ =	sdelay $0x3  }
0x130: {  	v16 =	vmul.f32 v17, v16;
	v17 =	vmul.f32 v51, v50  }
0x131: {  	v56 =	vmul.f32 v53, v52;
	v57 =	vmul.f32 v55, v54;
	_ =	sdelay $0x1  }
0x132: {  	v16 =	vadd.f32 v17, v16;
	v17 =	vadd.f32 v57, v56;
	_ =	sdelay $0x1  }
0x133: {  	v16 =	vsub.f32 v16, v17;
	_ =	sdelay $0x1  }
0x134: {  	[tilespmem:$0xF698] =	vst v16  }
0x135: {  	v16 =	vld [tilespmem:s29+$0x8F80]  }
0x136: {  	v17 =	vld [tilespmem:s29+$0xAF80]  }
0x137: {  	v58 =	vld [tilespmem:s29+$0x8F90]  }
0x138: {  	v59 =	vld [tilespmem:s29+$0xAF90]  }
0x139: {  	v60 =	vld [tilespmem:s29+$0x8FA0]  }
0x13a: {  	v61 =	vld [tilespmem:s29+$0xAFA0]  }
0x13b: {  	v62 =	vld [tilespmem:s29+$0x8FB0]  }
0x13c: {  	v63 =	vld [tilespmem:s29+$0xAFB0];
	_ =	sdelay $0x3  }
0x13d: {  	v16 =	vmul.f32 v17, v16;
	v17 =	vmul.f32 v59, v58  }
0x13e: {  	v24 =	vmul.f32 v61, v60;
	v25 =	vmul.f32 v63, v62;
	_ =	sdelay $0x1  }
0x13f: {  	v16 =	vadd.f32 v17, v16;
	v17 =	vadd.f32 v25, v24;
	_ =	sdelay $0x1  }
0x140: {  	v16 =	vsub.f32 v16, v17;
	_ =	sdelay $0x1  }
0x141: {  	[tilespmem:$0xF6B0] =	vst v16  }
0x142: {  	v16 =	vld [tilespmem:s29+$0x8FC0]  }
0x143: {  	v17 =	vld [tilespmem:s29+$0xAFC0]  }
0x144: {  	v26 =	vld [tilespmem:s29+$0x8FD0]  }
0x145: {  	v27 =	vld [tilespmem:s29+$0xAFD0]  }
0x146: {  	v28 =	vld [tilespmem:s29+$0x8FE0]  }
0x147: {  	v29 =	vld [tilespmem:s29+$0xAFE0]  }
0x148: {  	v30 =	vld [tilespmem:s29+$0x8FF0]  }
0x149: {  	v31 =	vld [tilespmem:s29+$0xAFF0];
	_ =	sdelay $0x3  }
0x14a: {  	v16 =	vmul.f32 v17, v16;
	v17 =	vmul.f32 v27, v26  }
0x14b: {  	v32 =	vmul.f32 v29, v28;
	v33 =	vmul.f32 v31, v30;
	_ =	sdelay $0x1  }
0x14c: {  	v16 =	vadd.f32 v17, v16;
	v17 =	vadd.f32 v33, v32;
	_ =	sdelay $0x1  }
0x14d: {  	v16 =	vsub.f32 v16, v17;
	_ =	sdelay $0x1  }
0x14e: {  	[tilespmem:$0xF6C8] =	vst v16  }
0x14f: {  	v16 =	vld [tilespmem:s29+$0x9000]  }
0x150: {  	v17 =	vld [tilespmem:s29+$0xB000]  }
0x151: {  	v34 =	vld [tilespmem:s29+$0x9010]  }
0x152: {  	v35 =	vld [tilespmem:s29+$0xB010]  }
0x153: {  	v36 =	vld [tilespmem:s29+$0x9020]  }
0x154: {  	v37 =	vld [tilespmem:s29+$0xB020]  }
0x155: {  	v38 =	vld [tilespmem:s29+$0x9030]  }
0x156: {  	v39 =	vld [tilespmem:s29+$0xB030];
	_ =	sdelay $0x3  }
0x157: {  	v16 =	vmul.f32 v17, v16;
	v17 =	vmul.f32 v35, v34  }
0x158: {  	v40 =	vmul.f32 v37, v36;
	v41 =	vmul.f32 v39, v38;
	_ =	sdelay $0x1  }
0x159: {  	v16 =	vadd.f32 v17, v16;
	v17 =	vadd.f32 v41, v40;
	_ =	sdelay $0x1  }
0x15a: {  	v16 =	vsub.f32 v16, v17;
	_ =	sdelay $0x1  }
0x15b: {  	[tilespmem:$0xF6E0] =	vst v16  }
0x15c: {  	v16 =	vld [tilespmem:s29+$0x9040]  }
0x15d: {  	v17 =	vld [tilespmem:s29+$0xB040]  }
0x15e: {  	v42 =	vld [tilespmem:s29+$0x9050]  }
0x15f: {  	v43 =	vld [tilespmem:s29+$0xB050]  }
0x160: {  	v44 =	vld [tilespmem:s29+$0x9060]  }
0x161: {  	v45 =	vld [tilespmem:s29+$0xB060]  }
0x162: {  	v46 =	vld [tilespmem:s29+$0x9070]  }
0x163: {  	v47 =	vld [tilespmem:s29+$0xB070];
	_ =	sdelay $0x3  }
0x164: {  	v16 =	vmul.f32 v17, v16;
	v17 =	vmul.f32 v43, v42  }
0x165: {  	v48 =	vmul.f32 v45, v44;
	v49 =	vmul.f32 v47, v46;
	_ =	sdelay $0x1  }
0x166: {  	v16 =	vadd.f32 v17, v16;
	v17 =	vadd.f32 v49, v48;
	_ =	sdelay $0x1  }
0x167: {  	v16 =	vsub.f32 v16, v17;
	_ =	sdelay $0x1  }
0x168: {  	[tilespmem:$0xF6F8] =	vst v16  }
0x169: {  	v16 =	vld [tilespmem:s29+$0x9080]  }
0x16a: {  	v17 =	vld [tilespmem:s29+$0xB080]  }
0x16b: {  	v50 =	vld [tilespmem:s29+$0x9090]  }
0x16c: {  	v51 =	vld [tilespmem:s29+$0xB090]  }
0x16d: {  	v52 =	vld [tilespmem:s29+$0x90A0]  }
0x16e: {  	v53 =	vld [tilespmem:s29+$0xB0A0]  }
0x16f: {  	v54 =	vld [tilespmem:s29+$0x90B0]  }
0x170: {  	v55 =	vld [tilespmem:s29+$0xB0B0];
	_ =	sdelay $0x3  }
0x171: {  	v16 =	vmul.f32 v17, v16;
	v17 =	vmul.f32 v51, v50  }
0x172: {  	v56 =	vmul.f32 v53, v52;
	v57 =	vmul.f32 v55, v54;
	_ =	sdelay $0x1  }
0x173: {  	v16 =	vadd.f32 v17, v16;
	v17 =	vadd.f32 v57, v56;
	_ =	sdelay $0x1  }
0x174: {  	v16 =	vsub.f32 v16, v17;
	_ =	sdelay $0x1  }
0x175: {  	[tilespmem:$0xF710] =	vst v16  }
0x176: {  	v16 =	vld [tilespmem:s29+$0x90C0]  }
0x177: {  	v17 =	vld [tilespmem:s29+$0xB0C0]  }
0x178: {  	v58 =	vld [tilespmem:s29+$0x90D0]  }
0x179: {  	v59 =	vld [tilespmem:s29+$0xB0D0]  }
0x17a: {  	v60 =	vld [tilespmem:s29+$0x90E0]  }
0x17b: {  	v61 =	vld [tilespmem:s29+$0xB0E0]  }
0x17c: {  	v62 =	vld [tilespmem:s29+$0x90F0]  }
0x17d: {  	v63 =	vld [tilespmem:s29+$0xB0F0];
	_ =	sdelay $0x3  }
0x17e: {  	v16 =	vmul.f32 v17, v16;
	v17 =	vmul.f32 v59, v58  }
0x17f: {  	v24 =	vmul.f32 v61, v60;
	v25 =	vmul.f32 v63, v62;
	_ =	sdelay $0x1  }
0x180: {  	v16 =	vadd.f32 v17, v16;
	v17 =	vadd.f32 v25, v24;
	_ =	sdelay $0x1  }
0x181: {  	v16 =	vsub.f32 v16, v17;
	_ =	sdelay $0x1  }
0x182: {  	[tilespmem:$0xF728] =	vst v16  }
0x183: {  	v16 =	vld [tilespmem:s29+$0x9100]  }
0x184: {  	v17 =	vld [tilespmem:s29+$0xB100]  }
0x185: {  	v26 =	vld [tilespmem:s29+$0x9110]  }
0x186: {  	v27 =	vld [tilespmem:s29+$0xB110]  }
0x187: {  	v28 =	vld [tilespmem:s29+$0x9120]  }
0x188: {  	v29 =	vld [tilespmem:s29+$0xB120]  }
0x189: {  	v30 =	vld [tilespmem:s29+$0x9130]  }
0x18a: {  	v31 =	vld [tilespmem:s29+$0xB130];
	_ =	sdelay $0x3  }
0x18b: {  	v16 =	vmul.f32 v17, v16;
	v17 =	vmul.f32 v27, v26  }
0x18c: {  	v32 =	vmul.f32 v29, v28;
	v33 =	vmul.f32 v31, v30;
	_ =	sdelay $0x1  }
0x18d: {  	v16 =	vadd.f32 v17, v16;
	v17 =	vadd.f32 v33, v32;
	_ =	sdelay $0x1  }
0x18e: {  	v16 =	vsub.f32 v16, v17;
	_ =	sdelay $0x1  }
0x18f: {  	[tilespmem:$0xF740] =	vst v16  }
0x190: {  	v16 =	vld [tilespmem:s29+$0x9140]  }
0x191: {  	v17 =	vld [tilespmem:s29+$0xB140]  }
0x192: {  	v34 =	vld [tilespmem:s29+$0x9150]  }
0x193: {  	v35 =	vld [tilespmem:s29+$0xB150]  }
0x194: {  	v36 =	vld [tilespmem:s29+$0x9160]  }
0x195: {  	v37 =	vld [tilespmem:s29+$0xB160]  }
0x196: {  	v38 =	vld [tilespmem:s29+$0x9170]  }
0x197: {  	v39 =	vld [tilespmem:s29+$0xB170];
	_ =	sdelay $0x3  }
0x198: {  	v16 =	vmul.f32 v17, v16;
	v17 =	vmul.f32 v35, v34  }
0x199: {  	v40 =	vmul.f32 v37, v36;
	v41 =	vmul.f32 v39, v38;
	_ =	sdelay $0x1  }
0x19a: {  	v16 =	vadd.f32 v17, v16;
	v17 =	vadd.f32 v41, v40;
	_ =	sdelay $0x1  }
0x19b: {  	v16 =	vsub.f32 v16, v17;
	_ =	sdelay $0x1  }
0x19c: {  	[tilespmem:$0xF758] =	vst v16  }
0x19d: {  	v16 =	vld [tilespmem:s29+$0x9180]  }
0x19e: {  	v17 =	vld [tilespmem:s29+$0xB180]  }
0x19f: {  	v42 =	vld [tilespmem:s29+$0x9190]  }
0x1a0: {  	v43 =	vld [tilespmem:s29+$0xB190]  }
0x1a1: {  	v44 =	vld [tilespmem:s29+$0x91A0]  }
0x1a2: {  	v45 =	vld [tilespmem:s29+$0xB1A0]  }
0x1a3: {  	v46 =	vld [tilespmem:s29+$0x91B0]  }
0x1a4: {  	v47 =	vld [tilespmem:s29+$0xB1B0];
	_ =	sdelay $0x3  }
0x1a5: {  	v16 =	vmul.f32 v17, v16;
	v17 =	vmul.f32 v43, v42  }
0x1a6: {  	v48 =	vmul.f32 v45, v44;
	v49 =	vmul.f32 v47, v46;
	_ =	sdelay $0x1  }
0x1a7: {  	v16 =	vadd.f32 v17, v16;
	v17 =	vadd.f32 v49, v48;
	_ =	sdelay $0x1  }
0x1a8: {  	v16 =	vsub.f32 v16, v17;
	_ =	sdelay $0x1  }
0x1a9: {  	[tilespmem:$0xF770] =	vst v16  }
0x1aa: {  	v16 =	vld [tilespmem:s29+$0x91C0]  }
0x1ab: {  	v17 =	vld [tilespmem:s29+$0xB1C0]  }
0x1ac: {  	v50 =	vld [tilespmem:s29+$0x91D0]  }
0x1ad: {  	v51 =	vld [tilespmem:s29+$0xB1D0]  }
0x1ae: {  	v52 =	vld [tilespmem:s29+$0x91E0]  }
0x1af: {  	v53 =	vld [tilespmem:s29+$0xB1E0]  }
0x1b0: {  	v54 =	vld [tilespmem:s29+$0x91F0]  }
0x1b1: {  	v55 =	vld [tilespmem:s29+$0xB1F0];
	_ =	sdelay $0x3  }
0x1b2: {  	v16 =	vmul.f32 v17, v16;
	v17 =	vmul.f32 v51, v50  }
0x1b3: {  	v56 =	vmul.f32 v53, v52;
	v57 =	vmul.f32 v55, v54;
	_ =	sdelay $0x1  }
0x1b4: {  	v16 =	vadd.f32 v17, v16;
	v17 =	vadd.f32 v57, v56;
	_ =	sdelay $0x1  }
0x1b5: {  	v16 =	vsub.f32 v16, v17;
	_ =	sdelay $0x1  }
0x1b6: {  	[tilespmem:$0xF788] =	vst v16  }
0x1b7: {  	v16 =	vld [tilespmem:s29+$0x9200]  }
0x1b8: {  	v17 =	vld [tilespmem:s29+$0xB200]  }
0x1b9: {  	v58 =	vld [tilespmem:s29+$0x9210]  }
0x1ba: {  	v59 =	vld [tilespmem:s29+$0xB210]  }
0x1bb: {  	v60 =	vld [tilespmem:s29+$0x9220]  }
0x1bc: {  	v61 =	vld [tilespmem:s29+$0xB220]  }
0x1bd: {  	v62 =	vld [tilespmem:s29+$0x9230]  }
0x1be: {  	v63 =	vld [tilespmem:s29+$0xB230];
	_ =	sdelay $0x3  }
0x1bf: {  	v16 =	vmul.f32 v17, v16;
	v17 =	vmul.f32 v59, v58  }
0x1c0: {  	v24 =	vmul.f32 v61, v60;
	v25 =	vmul.f32 v63, v62;
	_ =	sdelay $0x1  }
0x1c1: {  	v16 =	vadd.f32 v17, v16;
	v17 =	vadd.f32 v25, v24;
	_ =	sdelay $0x1  }
0x1c2: {  	v16 =	vsub.f32 v16, v17;
	_ =	sdelay $0x1  }
0x1c3: {  	[tilespmem:$0xF7A0] =	vst v16  }
0x1c4: {  	v16 =	vld [tilespmem:s29+$0x9240]  }
0x1c5: {  	v17 =	vld [tilespmem:s29+$0xB240]  }
0x1c6: {  	v26 =	vld [tilespmem:s29+$0x9250]  }
0x1c7: {  	v27 =	vld [tilespmem:s29+$0xB250]  }
0x1c8: {  	v28 =	vld [tilespmem:s29+$0x9260]  }
0x1c9: {  	v29 =	vld [tilespmem:s29+$0xB260]  }
0x1ca: {  	v30 =	vld [tilespmem:s29+$0x9270]  }
0x1cb: {  	v31 =	vld [tilespmem:s29+$0xB270];
	_ =	sdelay $0x3  }
0x1cc: {  	v16 =	vmul.f32 v17, v16;
	v17 =	vmul.f32 v27, v26  }
0x1cd: {  	v32 =	vmul.f32 v29, v28;
	v33 =	vmul.f32 v31, v30;
	_ =	sdelay $0x1  }
0x1ce: {  	v16 =	vadd.f32 v17, v16;
	v17 =	vadd.f32 v33, v32;
	_ =	sdelay $0x1  }
0x1cf: {  	v16 =	vsub.f32 v16, v17;
	_ =	sdelay $0x1  }
0x1d0: {  	[tilespmem:$0xF7B8] =	vst v16  }
0x1d1: {  	v16 =	vld [tilespmem:s29+$0x9280]  }
0x1d2: {  	v17 =	vld [tilespmem:s29+$0xB280]  }
0x1d3: {  	v34 =	vld [tilespmem:s29+$0x9290]  }
0x1d4: {  	v35 =	vld [tilespmem:s29+$0xB290]  }
0x1d5: {  	v36 =	vld [tilespmem:s29+$0x92A0]  }
0x1d6: {  	v37 =	vld [tilespmem:s29+$0xB2A0]  }
0x1d7: {  	v38 =	vld [tilespmem:s29+$0x92B0]  }
0x1d8: {  	v39 =	vld [tilespmem:s29+$0xB2B0];
	_ =	sdelay $0x3  }
0x1d9: {  	v16 =	vmul.f32 v17, v16;
	v17 =	vmul.f32 v35, v34  }
0x1da: {  	v40 =	vmul.f32 v37, v36;
	v41 =	vmul.f32 v39, v38;
	_ =	sdelay $0x1  }
0x1db: {  	v16 =	vadd.f32 v17, v16;
	v17 =	vadd.f32 v41, v40;
	_ =	sdelay $0x1  }
0x1dc: {  	v16 =	vsub.f32 v16, v17;
	_ =	sdelay $0x1  }
0x1dd: {  	[tilespmem:$0xF7D0] =	vst v16  }
0x1de: {  	v16 =	vld [tilespmem:s29+$0x92C0]  }
0x1df: {  	v17 =	vld [tilespmem:s29+$0xB2C0]  }
0x1e0: {  	v42 =	vld [tilespmem:s29+$0x92D0]  }
0x1e1: {  	v43 =	vld [tilespmem:s29+$0xB2D0]  }
0x1e2: {  	v44 =	vld [tilespmem:s29+$0x92E0]  }
0x1e3: {  	v45 =	vld [tilespmem:s29+$0xB2E0]  }
0x1e4: {  	v46 =	vld [tilespmem:s29+$0x92F0]  }
0x1e5: {  	v47 =	vld [tilespmem:s29+$0xB2F0];
	_ =	sdelay $0x3  }
0x1e6: {  	v16 =	vmul.f32 v17, v16;
	v17 =	vmul.f32 v43, v42  }
0x1e7: {  	v48 =	vmul.f32 v45, v44;
	v49 =	vmul.f32 v47, v46;
	_ =	sdelay $0x1  }
0x1e8: {  	v16 =	vadd.f32 v17, v16;
	v17 =	vadd.f32 v49, v48;
	_ =	sdelay $0x1  }
0x1e9: {  	v16 =	vsub.f32 v16, v17;
	_ =	sdelay $0x1  }
0x1ea: {  	[tilespmem:$0xF7E8] =	vst v16  }
0x1eb: {  	v16 =	vld.idx.msk [tilespmem:v0+s19+$0x0], $0xffff  }
0x1ec: {  	v17 =	vld.idx.msk [tilespmem:v1+s19+$0x0], $0xffff  }
0x1ed: {  	v50 =	vld.idx.msk [tilespmem:v2+s19+$0x0], $0xffff  }
0x1ee: {  	v51 =	vld.idx.msk [tilespmem:v3+s19+$0x0], $0xffff  }
0x1ef: {  	v52 =	vld.idx.msk [tilespmem:v4+s19+$0x0], $0xffff  }
0x1f0: {  	v53 =	vld.idx.msk [tilespmem:v5+s19+$0x0], $0xffff  }
0x1f1: {  	v54 =	vld.idx.msk [tilespmem:v6+s19+$0x0], $0xffff;
	v16 =	vadd.f32 $0.0e+00, v16;
	v17 =	vadd.f32 $0.0e+00, v17  }
0x1f2: {  	v55 =	vld.idx.msk [tilespmem:v7+s19+$0x0], $0xffff  }
0x1f3: {  	v56 =	vld.idx.msk [tilespmem:v8+s19+$0x0], $0xffff;
	v16 =	vadd.f32 v50, v16;
	v17 =	vadd.f32 v51, v17  }
0x1f4: {  	v57 =	vld.idx.msk [tilespmem:v9+s19+$0x0], $0xffff  }
0x1f5: {  	v58 =	vld.idx.msk [tilespmem:v10+s19+$0x0], $0xffff;
	v16 =	vadd.f32 v52, v16;
	v17 =	vadd.f32 v53, v17  }
0x1f6: {  	v59 =	vld.idx.msk [tilespmem:v11+s19+$0x0], $0xffff  }
0x1f7: {  	v60 =	vld.idx.msk [tilespmem:v12+s19+$0x0], $0xffff;
	v16 =	vadd.f32 v54, v16;
	v17 =	vadd.f32 v55, v17  }
0x1f8: {  	v61 =	vld.idx.msk [tilespmem:v13+s19+$0x0], $0xffff  }
0x1f9: {  	v62 =	vld.idx.msk [tilespmem:v14+s19+$0x0], $0xffff;
	v16 =	vadd.f32 v56, v16;
	v17 =	vadd.f32 v57, v17  }
0x1fa: {  	v63 =	vld.idx.msk [tilespmem:v15+s19+$0x0], $0xffff  }
0x1fb: {  	v16 =	vadd.f32 v58, v16;
	v17 =	vadd.f32 v59, v17;
	_ =	sdelay $0x1  }
0x1fc: {  	v16 =	vadd.f32 v60, v16;
	v17 =	vadd.f32 v61, v17  }
0x1fd: {  	p0 =	sne.s32 s26, $0x7000  }
.Ltmp1:
0x1fe: {  	v16 =	vadd.f32 v62, v16;
	v17 =	vadd.f32 v63, v17;
	(pc) =	sbr.rel @p0 .LBB2_5-.Ltmp1, $3  }
0x1ff: {  	_ = 	snop  }
0x200: {  	v16 =	vadd.f32 v17, v16;
	_ =	sdelay $0x1  }
0x201: {  	s26 =	sadd.s32 $0x1000, s26;
	[tilespmem:s28+$0x0] =	vst v16;
	s28 =	sadd.s32 $0x10, s28  }
0x202: {  	s25 =	sadd.s32 $0x1, s25  }
0x203: {  	p0 =	sne.s32 s25, $0x27  }
.Ltmp2:
0x204: {  	_ = 	snop;
	(pc) =	sbr.rel @p0 .LBB2_2-.Ltmp2, $2  }
0x205: {  	_ =	sdelay $0x2  }
0x206: {  	s24 =	sadd.s32 $0x100, s24;
	s23 =	sadd.s32 $0x100, s23  }
0x207: {  	_ =	swait.ge [sflag:s16], $0x2000  }
0x208: {  	[sflag:s16] =	ssyncset.done $0x0  }
0x209: {  	[sflag:s16] =	ssyncadd.s32 $0xFFFFE000  }
0x20a: {  	_ =	swait.ge [sflag:s16], $0x2000  }
0x20b: {  	[sflag:s16] =	ssyncset.done $0x0  }
0x20c: {  	s23 =	simm.s32 $0x0;
	s24 =	simm.s32 $0xF600;
	[sflag:s16] =	ssyncadd.s32 $0xFFFFE000  }
.LBB2_8:
0x20d: {  	s25 =	sshra.s32 s23, $0x2  }
0x20e: {  	v16 =	vld [tilespmem:s25+$0x4F00]  }
0x20f: {  	v17 =	vld [tilespmem:s25+$0x6F00]  }
0x210: {  	v18 =	vld [tilespmem:s25+$0x4F10]  }
0x211: {  	v19 =	vld [tilespmem:s25+$0x6F10]  }
0x212: {  	v20 =	vld [tilespmem:s25+$0x4F20]  }
0x213: {  	v21 =	vld [tilespmem:s25+$0x6F20]  }
0x214: {  	v22 =	vld [tilespmem:s25+$0x4F30]  }
0x215: {  	v23 =	vld [tilespmem:s25+$0x6F30];
	_ =	sdelay $0x3  }
0x216: {  	v16 =	vmul.f32 v17, v16;
	v17 =	vmul.f32 v19, v18  }
0x217: {  	v48 =	vmul.f32 v21, v20;
	v49 =	vmul.f32 v23, v22;
	_ =	sdelay $0x1  }
0x218: {  	v16 =	vadd.f32 v17, v16;
	v17 =	vadd.f32 v49, v48;
	_ =	sdelay $0x1  }
0x219: {  	v16 =	vsub.f32 v16, v17;
	_ =	sdelay $0x1  }
0x21a: {  	[tilespmem:$0xF680] =	vst v16  }
0x21b: {  	v16 =	vld [tilespmem:s25+$0x4F40]  }
0x21c: {  	v17 =	vld [tilespmem:s25+$0x6F40]  }
0x21d: {  	v50 =	vld [tilespmem:s25+$0x4F50]  }
0x21e: {  	v51 =	vld [tilespmem:s25+$0x6F50]  }
0x21f: {  	v52 =	vld [tilespmem:s25+$0x4F60]  }
0x220: {  	v53 =	vld [tilespmem:s25+$0x6F60]  }
0x221: {  	v54 =	vld [tilespmem:s25+$0x4F70]  }
0x222: {  	v55 =	vld [tilespmem:s25+$0x6F70];
	_ =	sdelay $0x3  }
0x223: {  	v16 =	vmul.f32 v17, v16;
	v17 =	vmul.f32 v51, v50  }
0x224: {  	v56 =	vmul.f32 v53, v52;
	v57 =	vmul.f32 v55, v54;
	_ =	sdelay $0x1  }
0x225: {  	v16 =	vadd.f32 v17, v16;
	v17 =	vadd.f32 v57, v56;
	_ =	sdelay $0x1  }
0x226: {  	v16 =	vsub.f32 v16, v17;
	_ =	sdelay $0x1  }
0x227: {  	[tilespmem:$0xF698] =	vst v16  }
0x228: {  	v16 =	vld [tilespmem:s25+$0x4F80]  }
0x229: {  	v17 =	vld [tilespmem:s25+$0x6F80]  }
0x22a: {  	v58 =	vld [tilespmem:s25+$0x4F90]  }
0x22b: {  	v59 =	vld [tilespmem:s25+$0x6F90]  }
0x22c: {  	v60 =	vld [tilespmem:s25+$0x4FA0]  }
0x22d: {  	v61 =	vld [tilespmem:s25+$0x6FA0]  }
0x22e: {  	v62 =	vld [tilespmem:s25+$0x4FB0]  }
0x22f: {  	v63 =	vld [tilespmem:s25+$0x6FB0];
	_ =	sdelay $0x3  }
0x230: {  	v16 =	vmul.f32 v17, v16;
	v17 =	vmul.f32 v59, v58  }
0x231: {  	v24 =	vmul.f32 v61, v60;
	v25 =	vmul.f32 v63, v62;
	_ =	sdelay $0x1  }
0x232: {  	v16 =	vadd.f32 v17, v16;
	v17 =	vadd.f32 v25, v24;
	_ =	sdelay $0x1  }
0x233: {  	v16 =	vsub.f32 v16, v17;
	_ =	sdelay $0x1  }
0x234: {  	[tilespmem:$0xF6B0] =	vst v16  }
0x235: {  	v16 =	vld [tilespmem:s25+$0x4FC0]  }
0x236: {  	v17 =	vld [tilespmem:s25+$0x6FC0]  }
0x237: {  	v26 =	vld [tilespmem:s25+$0x4FD0]  }
0x238: {  	v27 =	vld [tilespmem:s25+$0x6FD0]  }
0x239: {  	v28 =	vld [tilespmem:s25+$0x4FE0]  }
0x23a: {  	v29 =	vld [tilespmem:s25+$0x6FE0]  }
0x23b: {  	v30 =	vld [tilespmem:s25+$0x4FF0]  }
0x23c: {  	v31 =	vld [tilespmem:s25+$0x6FF0];
	_ =	sdelay $0x3  }
0x23d: {  	v16 =	vmul.f32 v17, v16;
	v17 =	vmul.f32 v27, v26  }
0x23e: {  	v32 =	vmul.f32 v29, v28;
	v33 =	vmul.f32 v31, v30;
	_ =	sdelay $0x1  }
0x23f: {  	v16 =	vadd.f32 v17, v16;
	v17 =	vadd.f32 v33, v32;
	_ =	sdelay $0x1  }
0x240: {  	v16 =	vsub.f32 v16, v17;
	_ =	sdelay $0x1  }
0x241: {  	[tilespmem:$0xF6C8] =	vst v16  }
0x242: {  	v16 =	vld [tilespmem:s25+$0x5000]  }
0x243: {  	v17 =	vld [tilespmem:s25+$0x7000]  }
0x244: {  	v34 =	vld [tilespmem:s25+$0x5010]  }
0x245: {  	v35 =	vld [tilespmem:s25+$0x7010]  }
0x246: {  	v36 =	vld [tilespmem:s25+$0x5020]  }
0x247: {  	v37 =	vld [tilespmem:s25+$0x7020]  }
0x248: {  	v38 =	vld [tilespmem:s25+$0x5030]  }
0x249: {  	v39 =	vld [tilespmem:s25+$0x7030];
	_ =	sdelay $0x3  }
0x24a: {  	v16 =	vmul.f32 v17, v16;
	v17 =	vmul.f32 v35, v34  }
0x24b: {  	v40 =	vmul.f32 v37, v36;
	v41 =	vmul.f32 v39, v38;
	_ =	sdelay $0x1  }
0x24c: {  	v16 =	vadd.f32 v17, v16;
	v17 =	vadd.f32 v41, v40;
	_ =	sdelay $0x1  }
0x24d: {  	v16 =	vsub.f32 v16, v17;
	_ =	sdelay $0x1  }
0x24e: {  	[tilespmem:$0xF6E0] =	vst v16  }
0x24f: {  	v16 =	vld [tilespmem:s25+$0x5040]  }
0x250: {  	v17 =	vld [tilespmem:s25+$0x7040]  }
0x251: {  	v42 =	vld [tilespmem:s25+$0x5050]  }
0x252: {  	v43 =	vld [tilespmem:s25+$0x7050]  }
0x253: {  	v44 =	vld [tilespmem:s25+$0x5060]  }
0x254: {  	v45 =	vld [tilespmem:s25+$0x7060]  }
0x255: {  	v46 =	vld [tilespmem:s25+$0x5070]  }
0x256: {  	v47 =	vld [tilespmem:s25+$0x7070];
	_ =	sdelay $0x3  }
0x257: {  	v16 =	vmul.f32 v17, v16;
	v17 =	vmul.f32 v43, v42  }
0x258: {  	v48 =	vmul.f32 v45, v44;
	v49 =	vmul.f32 v47, v46;
	_ =	sdelay $0x1  }
0x259: {  	v16 =	vadd.f32 v17, v16;
	v17 =	vadd.f32 v49, v48;
	_ =	sdelay $0x1  }
0x25a: {  	v16 =	vsub.f32 v16, v17;
	_ =	sdelay $0x1  }
0x25b: {  	[tilespmem:$0xF6F8] =	vst v16  }
0x25c: {  	v16 =	vld [tilespmem:s25+$0x5080]  }
0x25d: {  	v17 =	vld [tilespmem:s25+$0x7080]  }
0x25e: {  	v50 =	vld [tilespmem:s25+$0x5090]  }
0x25f: {  	v51 =	vld [tilespmem:s25+$0x7090]  }
0x260: {  	v52 =	vld [tilespmem:s25+$0x50A0]  }
0x261: {  	v53 =	vld [tilespmem:s25+$0x70A0]  }
0x262: {  	v54 =	vld [tilespmem:s25+$0x50B0]  }
0x263: {  	v55 =	vld [tilespmem:s25+$0x70B0];
	_ =	sdelay $0x3  }
0x264: {  	v16 =	vmul.f32 v17, v16;
	v17 =	vmul.f32 v51, v50  }
0x265: {  	v56 =	vmul.f32 v53, v52;
	v57 =	vmul.f32 v55, v54;
	_ =	sdelay $0x1  }
0x266: {  	v16 =	vadd.f32 v17, v16;
	v17 =	vadd.f32 v57, v56;
	_ =	sdelay $0x1  }
0x267: {  	v16 =	vsub.f32 v16, v17;
	_ =	sdelay $0x1  }
0x268: {  	[tilespmem:$0xF710] =	vst v16  }
0x269: {  	v16 =	vld [tilespmem:s25+$0x50C0]  }
0x26a: {  	v17 =	vld [tilespmem:s25+$0x70C0]  }
0x26b: {  	v58 =	vld [tilespmem:s25+$0x50D0]  }
0x26c: {  	v59 =	vld [tilespmem:s25+$0x70D0]  }
0x26d: {  	v60 =	vld [tilespmem:s25+$0x50E0]  }
0x26e: {  	v61 =	vld [tilespmem:s25+$0x70E0]  }
0x26f: {  	v62 =	vld [tilespmem:s25+$0x50F0]  }
0x270: {  	v63 =	vld [tilespmem:s25+$0x70F0];
	_ =	sdelay $0x3  }
0x271: {  	v16 =	vmul.f32 v17, v16;
	v17 =	vmul.f32 v59, v58  }
0x272: {  	v24 =	vmul.f32 v61, v60;
	v25 =	vmul.f32 v63, v62;
	_ =	sdelay $0x1  }
0x273: {  	v16 =	vadd.f32 v17, v16;
	v17 =	vadd.f32 v25, v24;
	_ =	sdelay $0x1  }
0x274: {  	v16 =	vsub.f32 v16, v17;
	_ =	sdelay $0x1  }
0x275: {  	[tilespmem:$0xF728] =	vst v16  }
0x276: {  	v16 =	vld [tilespmem:s25+$0x5100]  }
0x277: {  	v17 =	vld [tilespmem:s25+$0x7100]  }
0x278: {  	v26 =	vld [tilespmem:s25+$0x5110]  }
0x279: {  	v27 =	vld [tilespmem:s25+$0x7110]  }
0x27a: {  	v28 =	vld [tilespmem:s25+$0x5120]  }
0x27b: {  	v29 =	vld [tilespmem:s25+$0x7120]  }
0x27c: {  	v30 =	vld [tilespmem:s25+$0x5130]  }
0x27d: {  	v31 =	vld [tilespmem:s25+$0x7130];
	_ =	sdelay $0x3  }
0x27e: {  	v16 =	vmul.f32 v17, v16;
	v17 =	vmul.f32 v27, v26  }
0x27f: {  	v32 =	vmul.f32 v29, v28;
	v33 =	vmul.f32 v31, v30;
	_ =	sdelay $0x1  }
0x280: {  	v16 =	vadd.f32 v17, v16;
	v17 =	vadd.f32 v33, v32;
	_ =	sdelay $0x1  }
0x281: {  	v16 =	vsub.f32 v16, v17;
	_ =	sdelay $0x1  }
0x282: {  	[tilespmem:$0xF740] =	vst v16  }
0x283: {  	v16 =	vld [tilespmem:s25+$0x5140]  }
0x284: {  	v17 =	vld [tilespmem:s25+$0x7140]  }
0x285: {  	v34 =	vld [tilespmem:s25+$0x5150]  }
0x286: {  	v35 =	vld [tilespmem:s25+$0x7150]  }
0x287: {  	v36 =	vld [tilespmem:s25+$0x5160]  }
0x288: {  	v37 =	vld [tilespmem:s25+$0x7160]  }
0x289: {  	v38 =	vld [tilespmem:s25+$0x5170]  }
0x28a: {  	v39 =	vld [tilespmem:s25+$0x7170];
	_ =	sdelay $0x3  }
0x28b: {  	v16 =	vmul.f32 v17, v16;
	v17 =	vmul.f32 v35, v34  }
0x28c: {  	v40 =	vmul.f32 v37, v36;
	v41 =	vmul.f32 v39, v38;
	_ =	sdelay $0x1  }
0x28d: {  	v16 =	vadd.f32 v17, v16;
	v17 =	vadd.f32 v41, v40;
	_ =	sdelay $0x1  }
0x28e: {  	v16 =	vsub.f32 v16, v17;
	_ =	sdelay $0x1  }
0x28f: {  	[tilespmem:$0xF758] =	vst v16  }
0x290: {  	v16 =	vld [tilespmem:s25+$0x5180]  }
0x291: {  	v17 =	vld [tilespmem:s25+$0x7180]  }
0x292: {  	v42 =	vld [tilespmem:s25+$0x5190]  }
0x293: {  	v43 =	vld [tilespmem:s25+$0x7190]  }
0x294: {  	v44 =	vld [tilespmem:s25+$0x51A0]  }
0x295: {  	v45 =	vld [tilespmem:s25+$0x71A0]  }
0x296: {  	v46 =	vld [tilespmem:s25+$0x51B0]  }
0x297: {  	v47 =	vld [tilespmem:s25+$0x71B0];
	_ =	sdelay $0x3  }
0x298: {  	v16 =	vmul.f32 v17, v16;
	v17 =	vmul.f32 v43, v42  }
0x299: {  	v48 =	vmul.f32 v45, v44;
	v49 =	vmul.f32 v47, v46;
	_ =	sdelay $0x1  }
0x29a: {  	v16 =	vadd.f32 v17, v16;
	v17 =	vadd.f32 v49, v48;
	_ =	sdelay $0x1  }
0x29b: {  	v16 =	vsub.f32 v16, v17;
	_ =	sdelay $0x1  }
0x29c: {  	[tilespmem:$0xF770] =	vst v16  }
0x29d: {  	v16 =	vld [tilespmem:s25+$0x51C0]  }
0x29e: {  	v17 =	vld [tilespmem:s25+$0x71C0]  }
0x29f: {  	v50 =	vld [tilespmem:s25+$0x51D0]  }
0x2a0: {  	v51 =	vld [tilespmem:s25+$0x71D0]  }
0x2a1: {  	v52 =	vld [tilespmem:s25+$0x51E0]  }
0x2a2: {  	v53 =	vld [tilespmem:s25+$0x71E0]  }
0x2a3: {  	v54 =	vld [tilespmem:s25+$0x51F0]  }
0x2a4: {  	v55 =	vld [tilespmem:s25+$0x71F0];
	_ =	sdelay $0x3  }
0x2a5: {  	v16 =	vmul.f32 v17, v16;
	v17 =	vmul.f32 v51, v50  }
0x2a6: {  	v56 =	vmul.f32 v53, v52;
	v57 =	vmul.f32 v55, v54;
	_ =	sdelay $0x1  }
0x2a7: {  	v16 =	vadd.f32 v17, v16;
	v17 =	vadd.f32 v57, v56;
	_ =	sdelay $0x1  }
0x2a8: {  	v16 =	vsub.f32 v16, v17;
	_ =	sdelay $0x1  }
0x2a9: {  	[tilespmem:$0xF788] =	vst v16  }
0x2aa: {  	v16 =	vld [tilespmem:s25+$0x5200]  }
0x2ab: {  	v17 =	vld [tilespmem:s25+$0x7200]  }
0x2ac: {  	v58 =	vld [tilespmem:s25+$0x5210]  }
0x2ad: {  	v59 =	vld [tilespmem:s25+$0x7210]  }
0x2ae: {  	v60 =	vld [tilespmem:s25+$0x5220]  }
0x2af: {  	v61 =	vld [tilespmem:s25+$0x7220]  }
0x2b0: {  	v62 =	vld [tilespmem:s25+$0x5230]  }
0x2b1: {  	v63 =	vld [tilespmem:s25+$0x7230];
	_ =	sdelay $0x3  }
0x2b2: {  	v16 =	vmul.f32 v17, v16;
	v17 =	vmul.f32 v59, v58  }
0x2b3: {  	v24 =	vmul.f32 v61, v60;
	v25 =	vmul.f32 v63, v62;
	_ =	sdelay $0x1  }
0x2b4: {  	v16 =	vadd.f32 v17, v16;
	v17 =	vadd.f32 v25, v24;
	_ =	sdelay $0x1  }
0x2b5: {  	v16 =	vsub.f32 v16, v17;
	_ =	sdelay $0x1  }
0x2b6: {  	[tilespmem:$0xF7A0] =	vst v16  }
0x2b7: {  	v16 =	vld [tilespmem:s25+$0x5240]  }
0x2b8: {  	v17 =	vld [tilespmem:s25+$0x7240]  }
0x2b9: {  	v26 =	vld [tilespmem:s25+$0x5250]  }
0x2ba: {  	v27 =	vld [tilespmem:s25+$0x7250]  }
0x2bb: {  	v28 =	vld [tilespmem:s25+$0x5260]  }
0x2bc: {  	v29 =	vld [tilespmem:s25+$0x7260]  }
0x2bd: {  	v30 =	vld [tilespmem:s25+$0x5270]  }
0x2be: {  	v31 =	vld [tilespmem:s25+$0x7270];
	_ =	sdelay $0x3  }
0x2bf: {  	v16 =	vmul.f32 v17, v16;
	v17 =	vmul.f32 v27, v26  }
0x2c0: {  	v32 =	vmul.f32 v29, v28;
	v33 =	vmul.f32 v31, v30;
	_ =	sdelay $0x1  }
0x2c1: {  	v16 =	vadd.f32 v17, v16;
	v17 =	vadd.f32 v33, v32;
	_ =	sdelay $0x1  }
0x2c2: {  	v16 =	vsub.f32 v16, v17;
	_ =	sdelay $0x1  }
0x2c3: {  	[tilespmem:$0xF7B8] =	vst v16  }
0x2c4: {  	v16 =	vld [tilespmem:s25+$0x5280]  }
0x2c5: {  	v17 =	vld [tilespmem:s25+$0x7280]  }
0x2c6: {  	v34 =	vld [tilespmem:s25+$0x5290]  }
0x2c7: {  	v35 =	vld [tilespmem:s25+$0x7290]  }
0x2c8: {  	v36 =	vld [tilespmem:s25+$0x52A0]  }
0x2c9: {  	v37 =	vld [tilespmem:s25+$0x72A0]  }
0x2ca: {  	v38 =	vld [tilespmem:s25+$0x52B0]  }
0x2cb: {  	v39 =	vld [tilespmem:s25+$0x72B0];
	_ =	sdelay $0x3  }
0x2cc: {  	v16 =	vmul.f32 v17, v16;
	v17 =	vmul.f32 v35, v34  }
0x2cd: {  	v40 =	vmul.f32 v37, v36;
	v41 =	vmul.f32 v39, v38;
	_ =	sdelay $0x1  }
0x2ce: {  	v16 =	vadd.f32 v17, v16;
	v17 =	vadd.f32 v41, v40;
	_ =	sdelay $0x1  }
0x2cf: {  	v16 =	vsub.f32 v16, v17;
	_ =	sdelay $0x1  }
0x2d0: {  	[tilespmem:$0xF7D0] =	vst v16  }
0x2d1: {  	v16 =	vld [tilespmem:s25+$0x52C0]  }
0x2d2: {  	v17 =	vld [tilespmem:s25+$0x72C0]  }
0x2d3: {  	v42 =	vld [tilespmem:s25+$0x52D0]  }
0x2d4: {  	v43 =	vld [tilespmem:s25+$0x72D0]  }
0x2d5: {  	v44 =	vld [tilespmem:s25+$0x52E0]  }
0x2d6: {  	v45 =	vld [tilespmem:s25+$0x72E0]  }
0x2d7: {  	v46 =	vld [tilespmem:s25+$0x52F0]  }
0x2d8: {  	v47 =	vld [tilespmem:s25+$0x72F0];
	_ =	sdelay $0x3  }
0x2d9: {  	v16 =	vmul.f32 v17, v16;
	v17 =	vmul.f32 v43, v42  }
0x2da: {  	v48 =	vmul.f32 v45, v44;
	v49 =	vmul.f32 v47, v46;
	_ =	sdelay $0x1  }
0x2db: {  	v16 =	vadd.f32 v17, v16;
	v17 =	vadd.f32 v49, v48;
	_ =	sdelay $0x1  }
0x2dc: {  	v16 =	vsub.f32 v16, v17;
	_ =	sdelay $0x1  }
0x2dd: {  	[tilespmem:$0xF7E8] =	vst v16  }
0x2de: {  	v16 =	vld.idx.msk [tilespmem:v0+s19+$0x0], $0xffff  }
0x2df: {  	v17 =	vld.idx.msk [tilespmem:v1+s19+$0x0], $0xffff  }
0x2e0: {  	v50 =	vld.idx.msk [tilespmem:v2+s19+$0x0], $0xffff  }
0x2e1: {  	v51 =	vld.idx.msk [tilespmem:v3+s19+$0x0], $0xffff  }
0x2e2: {  	v52 =	vld.idx.msk [tilespmem:v4+s19+$0x0], $0xffff  }
0x2e3: {  	v53 =	vld.idx.msk [tilespmem:v5+s19+$0x0], $0xffff  }
0x2e4: {  	v54 =	vld.idx.msk [tilespmem:v6+s19+$0x0], $0xffff;
	v16 =	vadd.f32 $0.0e+00, v16;
	v17 =	vadd.f32 $0.0e+00, v17  }
0x2e5: {  	v55 =	vld.idx.msk [tilespmem:v7+s19+$0x0], $0xffff  }
0x2e6: {  	v56 =	vld.idx.msk [tilespmem:v8+s19+$0x0], $0xffff;
	v16 =	vadd.f32 v50, v16;
	v17 =	vadd.f32 v51, v17  }
0x2e7: {  	v57 =	vld.idx.msk [tilespmem:v9+s19+$0x0], $0xffff  }
0x2e8: {  	v58 =	vld.idx.msk [tilespmem:v10+s19+$0x0], $0xffff;
	v16 =	vadd.f32 v52, v16;
	v17 =	vadd.f32 v53, v17  }
0x2e9: {  	v59 =	vld.idx.msk [tilespmem:v11+s19+$0x0], $0xffff  }
0x2ea: {  	v60 =	vld.idx.msk [tilespmem:v12+s19+$0x0], $0xffff;
	v16 =	vadd.f32 v54, v16;
	v17 =	vadd.f32 v55, v17  }
0x2eb: {  	v61 =	vld.idx.msk [tilespmem:v13+s19+$0x0], $0xffff  }
0x2ec: {  	v62 =	vld.idx.msk [tilespmem:v14+s19+$0x0], $0xffff;
	v16 =	vadd.f32 v56, v16;
	v17 =	vadd.f32 v57, v17  }
0x2ed: {  	v63 =	vld.idx.msk [tilespmem:v15+s19+$0x0], $0xffff  }
0x2ee: {  	v16 =	vadd.f32 v58, v16;
	v17 =	vadd.f32 v59, v17;
	_ =	sdelay $0x1  }
0x2ef: {  	v16 =	vadd.f32 v60, v16;
	v17 =	vadd.f32 v61, v17  }
0x2f0: {  	p0 =	sne.s32 s23, $0x7000  }
.Ltmp3:
0x2f1: {  	v16 =	vadd.f32 v62, v16;
	v17 =	vadd.f32 v63, v17;
	(pc) =	sbr.rel @p0 .LBB2_8-.Ltmp3, $3  }
0x2f2: {  	_ = 	snop  }
0x2f3: {  	v16 =	vadd.f32 v17, v16;
	_ =	sdelay $0x1  }
0x2f4: {  	s23 =	sadd.s32 $0x1000, s23;
	[tilespmem:s24+$0x0] =	vst v16;
	s24 =	sadd.s32 $0x10, s24  }
0x2f5: {  	s22 =	sadd.s32 $0x1, s22  }
0x2f6: {  	p0 =	sne.s32 s22, s8  }
.Ltmp4:
0x2f7: {  	_ = 	snop;
	(pc) =	sbr.rel @p0 .LBB2_1-.Ltmp4, $4  }
0x2f8: {  	[hbm4b:s7+s3] =	stream.linear.scatter [tilespmem:s21], [sflag:$0x3], $0x2780, $0x38;
	[tilespmem:$0x19800] =	vst v63  }
0x2f9: {  	_ =	swait.ge [sflag:s9], $0x2780  }
0x2fa: {  	[sflag:s9] =	ssyncset.done $0x0  }
0x2fb: {  	[sflag:s9] =	ssyncadd.s32 $0xFFFFD880  }
0x2fc: {  	_ =	sfence.sel $0x180000  }
0x2fd: {  	[bflag:$0x0] =	sbarrier.arrive $0xFFFF  }
0x2fe: {  	p0 =	sne.s32 s1, $0x0;
	_ =	strace $0x90000053  }
0x2ff: {  	s0 =	sadd.s32 @!p0 $0x100000, s0;
	[bflag:$0x2] =	sbarrier.arrive $0xFFFF  }
0x300: {  	[sflag:s0] =	ssyncadd.tile.s32 @!p0 $0x1;
	_ =	shalt  }
.Lfunc_end2:
_tile_overlayer_lowered:
.L_overlay_start_2:
0x301: {  	(tag) =	ssettag $0x2  }
0x302: {  	s0 =	rddreg [dreg:$0x0];
	s2 =	stileid.u32  }
0x303: {  	s1 =	rddreg [dreg:$0x1];
	p0 =	sne.s32 s2, $0x0  }
0x304: {  	s3 =	rddreg [dreg:$0x2];
	[bflag:$0x3] =	sbarrier.arrive $0xFFFF;
	s2 =	simm.s32 @!p0 $0x1C03  }
0x305: {  	[timem:s3], [sflag:s2] =	dma.local @!p0 [hbm:s0], s1  }
0x306: {  	s0 =	simm.s32 @!p0 $0x3  }
0x307: {  	_ =	swait.ge @!p0 [sflag:s0], s1  }
0x308: {  	s1 =	ssub.s32 @!p0 $0x0, s1;
	[sflag:s0] =	ssyncset.done @!p0 $0x0  }
0x309: {  	[sflag:s0] =	ssyncadd.s32 @!p0 s1  }
0x30a: {  	[bflag:$0x3] =	sbarrier.arrive $0xFFFF  }
0x30b: {  	_ =	shalt  }

</sc_bundles>
